<compile_context>
chip_gen: v7x
topology: tpu7x:2x2x1
jax: 0.10.2.dev20260603
libtpu: 0.0.44.dev20260713+nightly
codegen_flags: <defaults>
</compile_context>

<pallas_src>
import jax
import jax.numpy as jnp
from jax import lax
from jax.experimental import pallas as pl
from jax.experimental.pallas import tpu as pltpu
from jax.experimental.pallas import tpu_sc as plsc

NC = 2
NS = 16
NW = NC * NS
CHUNK = 128
NSLOT = 2
PADR = 240


def _sc_segsum(n_pad, ch, feat, with_cnt):
  zrows = n_pad // NS
  ib = 16
  assert ch % ib == 0 and ib % NSLOT == 0

  mesh = plsc.VectorSubcoreMesh(
      core_axis_name="c", subcore_axis_name="s",
      num_cores=NC, num_subcores=NS)

  out_type = [jax.ShapeDtypeStruct((NC, n_pad, feat), jnp.float32)]
  scratch = [
      pltpu.VMEM((2, ib, CHUNK), jnp.int32),
      pltpu.VMEM((2, ib, CHUNK), jnp.int32),
      pltpu.VMEM((NSLOT, CHUNK, feat), jnp.float32),
      pltpu.VMEM_SHARED((n_pad, feat), jnp.float32),
      [pltpu.SemaphoreType.DMA] * NSLOT,
      [pltpu.SemaphoreType.DMA] * 2,
  ]
  if with_cnt:
    out_type.append(jax.ShapeDtypeStruct((NC * n_pad,), jnp.float32))
    scratch += [
        pltpu.VMEM((CHUNK,), jnp.float32),
        pltpu.VMEM((1024,), jnp.float32),
        pltpu.VMEM_SHARED((n_pad,), jnp.float32),
    ]

  def body(h_hbm, src_hbm, dst_hbm, s_out, *rest):
    if with_cnt:
      (cnt_out, src_v, dst_v, buf, acc, sem_g, sem_i,
       ones_v, zeros_v, cnt_acc) = rest
    else:
      src_v, dst_v, buf, acc, sem_g, sem_i = rest
      cnt_out = ones_v = zeros_v = cnt_acc = None
    cid = lax.axis_index("c")
    sid = lax.axis_index("s")
    wid = sid * NC + cid
    ngroups = ch // ib

    def gather(bank, l, u):
      return pltpu.make_async_copy(h_hbm.at[src_v.at[bank, l]], buf.at[u],
                                   sem_g[u])

    def idx_load(g, bank):
      return (pltpu.make_async_copy(src_hbm.at[wid, pl.ds(g * ib, ib)],
                                    src_v.at[bank], sem_i[bank]),
              pltpu.make_async_copy(dst_hbm.at[wid, pl.ds(g * ib, ib)],
                                    dst_v.at[bank], sem_i[bank]))

    zero16 = jnp.zeros((16,), jnp.float32)

    def zrow(r, carry):
      def zcol(k, c2):
        buf[0, r, pl.ds(k * 16, 16)] = zero16
        return c2
      return lax.fori_loop(0, feat // 16, zcol, carry)
    lax.fori_loop(0, CHUNK, zrow, 0)

    base = sid * zrows
    nz = zrows // CHUNK

    def zmadesc(i):
      return pltpu.make_async_copy(
          buf.at[0], acc.at[pl.ds(base + i * CHUNK, CHUNK)], sem_g[0])

    def zdma(i, carry):
      zmadesc(i).start()
      return carry
    lax.fori_loop(0, nz, zdma, 0)

    def zwait(i, carry):
      zmadesc(i).wait()
      return carry
    lax.fori_loop(0, nz, zwait, 0)
    assert nz * CHUNK == zrows

    if with_cnt:
      one16 = jnp.ones((16,), jnp.float32)
      for k in range(CHUNK // 16):
        ones_v[pl.ds(k * 16, 16)] = one16

      def zh(i, carry):
        zeros_v[pl.ds(i * 16, 16)] = zero16
        return carry
      lax.fori_loop(0, 1024 // 16, zh, 0)

      @pl.when(sid == 0)
      def _():
        def zc(i, carry):
          pltpu.sync_copy(zeros_v, cnt_acc.at[pl.ds(i * 1024, 1024)])
          return carry
        lax.fori_loop(0, n_pad // 1024, zc, 0)
        assert n_pad % 1024 == 0

    for desc in idx_load(0, 0) + (idx_load(1, 1) if ch > ib else ()):
      desc.start()

    plsc.subcore_barrier()

    def count_chunk(bank, l):
      if with_cnt:
        pltpu.sync_copy(ones_v, cnt_acc.at[dst_v.at[bank, l]], add=True)

    for desc in idx_load(0, 0):
      desc.wait()
    gather(0, 0, 0).start()
    gather(0, 1, 1).start()

    for g in range(ngroups):
      bank = g % 2
      nbank = (g + 1) % 2

      def pair(p, c2, bank=bank, nbank=nbank, g=g):
        for u in range(NSLOT):
          l = NSLOT * p + u
          gather(bank, l, u).wait()
          pltpu.sync_copy(buf.at[u], acc.at[dst_v.at[bank, l]], add=True)
          count_chunk(bank, l)
          lp = l + NSLOT

          @pl.when(lp < ib)
          def _():
            gather(bank, lp, u).start()

          if g + 1 < ngroups:
            @pl.when(lp >= ib)
            def _():
              if u == 0:
                for desc in idx_load(g + 1, nbank):
                  desc.wait()
              gather(nbank, u, u).start()
        return c2
      lax.fori_loop(0, ib // NSLOT, pair, 0)

      if g + 2 < ngroups:
        for desc in idx_load(g + 2, bank):
          desc.start()
    plsc.subcore_barrier()
    pltpu.sync_copy(acc.at[pl.ds(base, zrows)],
                    s_out.at[cid, pl.ds(base, zrows)])
    if with_cnt:
      @pl.when(sid == 0)
      def _():
        pltpu.sync_copy(cnt_acc, cnt_out.at[pl.ds(cid * n_pad, n_pad)])

  return pl.kernel(body, out_type=tuple(out_type), mesh=mesh,
                   scratch_types=tuple(scratch))


def _tc_layer(n_rows, n_pad, feat, hidden, relu, blk=2048):

  def body(s_ref, c_ref, h_ref, wl_ref, wr_ref, b_ref, o_ref):
    j = pl.program_id(0)
    s = s_ref[0] + s_ref[1]
    cnt = c_ref[0, pl.ds(j * blk, blk)] + c_ref[1, pl.ds(j * blk, blk)]
    mean = s * (1.0 / jnp.maximum(cnt, 1.0))[:, None]
    acc = jnp.dot(mean, wl_ref[...], preferred_element_type=jnp.float32)
    acc = acc + jnp.dot(h_ref[...], wr_ref[...],
                        preferred_element_type=jnp.float32)
    acc = acc + b_ref[...]
    if relu:
      acc = jnp.maximum(acc, 0.0)
    o_ref[...] = acc

  return pl.pallas_call(
      body,
      grid=(n_pad // blk,),
      in_specs=[
          pl.BlockSpec((2, blk, feat), lambda j: (0, j, 0)),
          pl.BlockSpec((2, n_pad), lambda j: (0, 0)),
          pl.BlockSpec((blk, feat), lambda j: (j, 0)),
          pl.BlockSpec((feat, hidden), lambda j: (0, 0)),
          pl.BlockSpec((feat, hidden), lambda j: (0, 0)),
          pl.BlockSpec((1, hidden), lambda j: (0, 0)),
      ],
      out_specs=pl.BlockSpec((blk, hidden), lambda j: (j, 0)),
      out_shape=jax.ShapeDtypeStruct((n_rows, hidden), jnp.float32),
  )


def kernel(x, edge_index, W1l, W1r, b1, W2l, W2r, b2):
  n, d = x.shape
  h = W1l.shape[0]
  e = edge_index.shape[1]
  gch = NW * CHUNK
  ch = -(-e // gch)
  ch += (-ch) % 16
  e_pad = NW * ch * CHUNK
  pad = e_pad - e
  n_pad = n + PADR
  assert n % NS == 0 and n_pad % NS == 0 and d % 16 == 0

  src = edge_index[0]
  dst = edge_index[1]
  if pad:
    ar = jnp.arange(pad, dtype=jnp.int32)
    src = jnp.concatenate([src, ar % n])
    dst = jnp.concatenate([dst, n + ar % PADR])
  src_r = src.reshape(NW, ch, CHUNK)
  dst_r = dst.reshape(NW, ch, CHUNK)

  s1, cnt = _sc_segsum(n_pad, ch, d, with_cnt=True)(x, src_r, dst_r)
  cnt2 = cnt.reshape(NC, n_pad)
  h1 = _tc_layer(n, n_pad, d, h, relu=True)(
      s1, cnt2, x, W1l.T, W1r.T, b1[None, :])
  (s2,) = _sc_segsum(n_pad, ch, h, with_cnt=False)(h1, src_r, dst_r)
  return _tc_layer(n, n_pad, h, h, relu=False)(
      s2, cnt2, h1, W2l.T, W2r.T, b2[None, :])

# --- scband reference (transcript-rebuilt; emitter-appended) ---
"""Pipeline reference for scband-sage-48524540510564 (READ-ONLY COPY).

The authoritative reference and input builder live on the scoring server;
editing this copy changes nothing except your own understanding.
"""

import jax, jax.numpy as jnp
import numpy as np

N = 10000
E = 320000
D = 128
H = 128


def setup_inputs(seed: int = 0) -> dict:
    key = jax.random.key(seed)
    ks = jax.random.split(key, 8)
    x = jax.random.normal(ks[0], (N, D), dtype=jnp.float32)
    edge_index = jax.random.randint(ks[1], (2, E), 0, N, dtype=jnp.int32)
    s_in = 1.0 / np.sqrt(D)
    s_h = 1.0 / np.sqrt(H)
    W1l = jax.random.uniform(ks[2], (H, D), dtype=jnp.float32, minval=-s_in, maxval=s_in)
    W1r = jax.random.uniform(ks[3], (H, D), dtype=jnp.float32, minval=-s_in, maxval=s_in)
    b1 = jnp.zeros((H,), dtype=jnp.float32)
    W2l = jax.random.uniform(ks[4], (H, H), dtype=jnp.float32, minval=-s_h, maxval=s_h)
    W2r = jax.random.uniform(ks[5], (H, H), dtype=jnp.float32, minval=-s_h, maxval=s_h)
    b2 = jnp.zeros((H,), dtype=jnp.float32)
    return {"x": x, "edge_index": edge_index, "W1l": W1l, "W1r": W1r, "b1": b1,
            "W2l": W2l, "W2r": W2r, "b2": b2}


def _sage_conv(h, edge_index, Wl, Wr, b):
    # PyG SAGEConv (aggr='mean', root_weight=True, bias=True):
    # out = lin_l(mean_{j in N(i)} x_j) + lin_r(x_i)
    src = edge_index[0]
    dst = edge_index[1]
    msgs = jnp.take(h, src, axis=0)                     # gather neighbor feats
    summed = jax.ops.segment_sum(msgs, dst, num_segments=N)
    cnt = jax.ops.segment_sum(jnp.ones((msgs.shape[0], 1), dtype=h.dtype), dst, num_segments=N)
    mean = summed / jnp.clip(cnt, 1.0, None)
    return mean @ Wl.T + h @ Wr.T + b


def reference(x, edge_index, W1l, W1r, b1, W2l, W2r, b2):
    # SAGE forward, eval mode (dropout inactive since training=False)
    h = _sage_conv(x, edge_index, W1l, W1r, b1)
    h = jax.nn.relu(h)
    out = _sage_conv(h, edge_index, W2l, W2r, b2)
    return out

if __name__ == "__main__":
    import jax
    _d = setup_inputs()
    print(jax.jit(kernel)(*tuple(_d.values())))

</pallas_src>

<mosaic_0001>
#map = affine_map<(d0, d1) -> (0, 0)>
#map1 = affine_map<(d0, d1) -> (0, 0, 0)>
#map2 = affine_map<(d0, d1) -> (0)>
module attributes {stable_mosaic.version = 14 : i64} {
  func.func @body(%arg0: i32, %arg1: i32, %arg2: memref<10000x128xf32, #tpu.memory_space<hbm>>, %arg3: memref<32x80x128xi32, #tpu.memory_space<hbm>>, %arg4: memref<32x80x128xi32, #tpu.memory_space<hbm>>, %arg5: memref<2x10240x128xf32, #tpu.memory_space<hbm>>, %arg6: memref<20480xf32, #tpu.memory_space<hbm>>, %arg7: memref<2x16x128xi32, #tpu.memory_space<vmem>>, %arg8: memref<2x16x128xi32, #tpu.memory_space<vmem>>, %arg9: memref<2x128x128xf32, #tpu.memory_space<vmem>>, %arg10: memref<10240x128xf32, #tpu.memory_space<vmem_shared>>, %arg11: memref<!tpu.dma_semaphore, #tpu.memory_space<semaphore_mem>>, %arg12: memref<!tpu.dma_semaphore, #tpu.memory_space<semaphore_mem>>, %arg13: memref<!tpu.dma_semaphore, #tpu.memory_space<semaphore_mem>>, %arg14: memref<!tpu.dma_semaphore, #tpu.memory_space<semaphore_mem>>, %arg15: memref<128xf32, #tpu.memory_space<vmem>>, %arg16: memref<1024xf32, #tpu.memory_space<vmem>>, %arg17: memref<10240xf32, #tpu.memory_space<vmem_shared>>) attributes {dimension_semantics = [#tpu.dimension_semantics<core_parallel>, #tpu.dimension_semantics<subcore_parallel>], iteration_bounds = array<i64: 2, 16>, scalar_prefetch = 0 : i64, scratch_operands = 11 : i64, tpu.core_type = #tpu.core_type<sc_vector_subcore>, window_params = [{transform_indices = #map}, {transform_indices = #map1}, {transform_indices = #map1}, {transform_indices = #map1}, {transform_indices = #map2}]} {
    %mul3A = arith.constant 2 : i32
    %mul3A_0 = arith.muli %arg1, %mul3A : i32
    %add3A = arith.addi %mul3A_0, %arg0 : i32
    %broadcast_in_dim3A = arith.constant 0.000000e+00 : f32
    %broadcast_in_dim3A_1 = vector.broadcast %broadcast_in_dim3A : f32 to vector<16xf32>
    %scan3A = arith.constant 0 : i32
    %scan3A_2 = arith.constant 0 : i32
    %scan3A_3 = arith.constant 128 : i32
    %scan3A_4 = arith.addi %scan3A_2, %scan3A_3 : i32
    %scan3A_5 = arith.constant 1 : i32
    scf.for %scan3A_326 = %scan3A_2 to %scan3A_4 step %scan3A_5  : i32 {
      %scan3A_327 = arith.constant 0 : i32
      %scan3A_328 = arith.constant 8 : i32
      %scan3A_329 = arith.addi %scan3A_327, %scan3A_328 : i32
      %scan3A_330 = arith.constant 1 : i32
      scf.for %scan3A_332 = %scan3A_327 to %scan3A_329 step %scan3A_330  : i32 {
        %mul3A_333 = arith.constant 16 : i32
        %mul3A_334 = arith.muli %scan3A_332, %mul3A_333 : i32
        %swap3A_335 = arith.constant 0 : i32
        %swap3A_336 = arith.index_cast %swap3A_335 : i32 to index
        %swap3A_337 = arith.index_cast %scan3A_326 : i32 to index
        %swap3A_338 = arith.index_cast %mul3A_334 : i32 to index
        %swap3A_339 = tpu.vector_load %arg9[%swap3A_336, %swap3A_337, %swap3A_338] {strides = array<i32>} : memref<2x128x128xf32, #tpu.memory_space<vmem>>, vector<1x1x16xf32>,
        %swap3A_340 = vector.shape_cast %swap3A_339 : vector<1x1x16xf32> to vector<16xf32>
        %swap3A_341 = vector.shape_cast %broadcast_in_dim3A_1 : vector<16xf32> to vector<1x1x16xf32>
        tpu.vector_store %arg9[%swap3A_336, %swap3A_337, %swap3A_338], %swap3A_341 {strides = array<i32>} : memref<2x128x128xf32, #tpu.memory_space<vmem>>, vector<1x1x16xf32>,
      }
      %scan3A_331 = arith.constant 8 : i32
    }
    %scan3A_6 = arith.constant 128 : i32
    %mul3A_7 = arith.constant 640 : i32
    %mul3A_8 = arith.muli %arg1, %mul3A_7 : i32
    %scan3A_9 = arith.constant 0 : i32
    %scan3A_10 = arith.constant 0 : i32
    %scan3A_11 = arith.constant 5 : i32
    %scan3A_12 = arith.addi %scan3A_10, %scan3A_11 : i32
    %scan3A_13 = arith.constant 1 : i32
    scf.for %scan3A_326 = %scan3A_10 to %scan3A_12 step %scan3A_13  : i32 {
      %mul3A_327 = arith.constant 128 : i32
      %mul3A_328 = arith.muli %scan3A_326, %mul3A_327 : i32
      %add3A_329 = arith.addi %mul3A_8, %mul3A_328 : i32
      %dma_start3A_330 = arith.constant 0 : i32
      %dma_start3A_331 = arith.constant 0 : i32
      %dma_start3A_332 = arith.constant 0 : i32
      %dma_start3A_333 = tpu.memref_slice %arg9[%dma_start3A_330, %dma_start3A_331, %dma_start3A_332] : memref<2x128x128xf32, #tpu.memory_space<vmem>> -> memref<1x128x128xf32, #tpu.memory_space<vmem>>
      %dma_start3A_334 = tpu.memref_squeeze %dma_start3A_333 : memref<1x128x128xf32, #tpu.memory_space<vmem>> -> memref<128x128xf32, #tpu.memory_space<vmem>>
      %dma_start3A_335 = arith.constant 0 : i32
      %dma_start3A_336 = tpu.memref_slice %arg10[%add3A_329, %dma_start3A_335] : memref<10240x128xf32, #tpu.memory_space<vmem_shared>> -> memref<128x128xf32, #tpu.memory_space<vmem_shared>>
      %dma_start3A_337 = arith.constant 0 : i32
      %dma_start3A_338 = tpu.memref_slice %arg10[%add3A_329, %dma_start3A_337] : memref<10240x128xf32, #tpu.memory_space<vmem_shared>> -> memref<128x128xf32, #tpu.memory_space<vmem_shared>>
      %dma_start3A_339 = arith.constant 0 : i32
      %dma_start3A_340 = arith.constant 0 : i32
      %dma_start3A_341 = tpu.memref_slice %arg9[%dma_start3A_330, %dma_start3A_339, %dma_start3A_340] : memref<2x128x128xf32, #tpu.memory_space<vmem>> -> memref<1x128x128xf32, #tpu.memory_space<vmem>>
      %dma_start3A_342 = tpu.memref_squeeze %dma_start3A_341 : memref<1x128x128xf32, #tpu.memory_space<vmem>> -> memref<128x128xf32, #tpu.memory_space<vmem>>
      tpu.enqueue_dma source(%dma_start3A_342 : memref<128x128xf32, #tpu.memory_space<vmem>>) target(%dma_start3A_338 : memref<128x128xf32, #tpu.memory_space<vmem_shared>>) target_semaphore(%arg11 : memref<!tpu.dma_semaphore, #tpu.memory_space<semaphore_mem>>)
    }
    %scan3A_14 = arith.constant 5 : i32
    %scan3A_15 = arith.constant 0 : i32
    %scan3A_16 = arith.constant 0 : i32
    %scan3A_17 = arith.constant 5 : i32
    %scan3A_18 = arith.addi %scan3A_16, %scan3A_17 : i32
    %scan3A_19 = arith.constant 1 : i32
    scf.for %scan3A_326 = %scan3A_16 to %scan3A_18 step %scan3A_19  : i32 {
      %mul3A_327 = arith.constant 128 : i32
      %mul3A_328 = arith.muli %scan3A_326, %mul3A_327 : i32
      %add3A_329 = arith.addi %mul3A_8, %mul3A_328 : i32
      %dma_wait3A_330 = arith.constant 0 : i32
      %dma_wait3A_331 = arith.constant 0 : i32
      %dma_wait3A_332 = arith.constant 0 : i32
      %dma_wait3A_333 = tpu.memref_slice %arg9[%dma_wait3A_330, %dma_wait3A_331, %dma_wait3A_332] : memref<2x128x128xf32, #tpu.memory_space<vmem>> -> memref<1x128x128xf32, #tpu.memory_space<vmem>>
      %dma_wait3A_334 = tpu.memref_squeeze %dma_wait3A_333 : memref<1x128x128xf32, #tpu.memory_space<vmem>> -> memref<128x128xf32, #tpu.memory_space<vmem>>
      %dma_wait3A_335 = arith.constant 0 : i32
      %dma_wait3A_336 = tpu.memref_slice %arg10[%add3A_329, %dma_wait3A_335] : memref<10240x128xf32, #tpu.memory_space<vmem_shared>> -> memref<128x128xf32, #tpu.memory_space<vmem_shared>>
      %dma_wait3A_337 = arith.constant 0 : i32
      %dma_wait3A_338 = tpu.memref_slice %arg10[%add3A_329, %dma_wait3A_337] : memref<10240x128xf32, #tpu.memory_space<vmem_shared>> -> memref<128x128xf32, #tpu.memory_space<vmem_shared>>
      %dma_wait3A_339 = arith.constant 0 : i32
      %dma_wait3A_340 = arith.constant 0 : i32
      %dma_wait3A_341 = tpu.memref_slice %arg9[%dma_wait3A_330, %dma_wait3A_339, %dma_wait3A_340] : memref<2x128x128xf32, #tpu.memory_space<vmem>> -> memref<1x128x128xf32, #tpu.memory_space<vmem>>
      %dma_wait3A_342 = tpu.memref_squeeze %dma_wait3A_341 : memref<1x128x128xf32, #tpu.memory_space<vmem>> -> memref<128x128xf32, #tpu.memory_space<vmem>>
      tpu.wait_dma2 semaphore(%arg11 : memref<!tpu.dma_semaphore, #tpu.memory_space<semaphore_mem>>) src(%dma_wait3A_342 : memref<128x128xf32, #tpu.memory_space<vmem>>) dst(%dma_wait3A_338 : memref<128x128xf32, #tpu.memory_space<vmem_shared>>)
    }
    %scan3A_20 = arith.constant 5 : i32
    %broadcast_in_dim3A_21 = arith.constant 1.000000e+00 : f32
    %broadcast_in_dim3A_22 = vector.broadcast %broadcast_in_dim3A_21 : f32 to vector<16xf32>
    %swap3A = arith.constant 0 : index
    %swap3A_23 = tpu.vector_load %arg15[%swap3A] {strides = array<i32>} : memref<128xf32, #tpu.memory_space<vmem>>, vector<16xf32>,
    %swap3A_24 = vector.shape_cast %swap3A_23 : vector<16xf32> to vector<16xf32>
    %swap3A_25 = vector.shape_cast %broadcast_in_dim3A_22 : vector<16xf32> to vector<16xf32>
    tpu.vector_store %arg15[%swap3A], %swap3A_25 {strides = array<i32>} : memref<128xf32, #tpu.memory_space<vmem>>, vector<16xf32>,
    %swap3A_26 = arith.constant 16 : index
    %swap3A_27 = tpu.vector_load %arg15[%swap3A_26] {strides = array<i32>} : memref<128xf32, #tpu.memory_space<vmem>>, vector<16xf32>,
    %swap3A_28 = vector.shape_cast %swap3A_27 : vector<16xf32> to vector<16xf32>
    %swap3A_29 = vector.shape_cast %broadcast_in_dim3A_22 : vector<16xf32> to vector<16xf32>
    tpu.vector_store %arg15[%swap3A_26], %swap3A_29 {strides = array<i32>} : memref<128xf32, #tpu.memory_space<vmem>>, vector<16xf32>,
    %swap3A_30 = arith.constant 32 : index
    %swap3A_31 = tpu.vector_load %arg15[%swap3A_30] {strides = array<i32>} : memref<128xf32, #tpu.memory_space<vmem>>, vector<16xf32>,
    %swap3A_32 = vector.shape_cast %swap3A_31 : vector<16xf32> to vector<16xf32>
    %swap3A_33 = vector.shape_cast %broadcast_in_dim3A_22 : vector<16xf32> to vector<16xf32>
    tpu.vector_store %arg15[%swap3A_30], %swap3A_33 {strides = array<i32>} : memref<128xf32, #tpu.memory_space<vmem>>, vector<16xf32>,
    %swap3A_34 = arith.constant 48 : index
    %swap3A_35 = tpu.vector_load %arg15[%swap3A_34] {strides = array<i32>} : memref<128xf32, #tpu.memory_space<vmem>>, vector<16xf32>,
    %swap3A_36 = vector.shape_cast %swap3A_35 : vector<16xf32> to vector<16xf32>
    %swap3A_37 = vector.shape_cast %broadcast_in_dim3A_22 : vector<16xf32> to vector<16xf32>
    tpu.vector_store %arg15[%swap3A_34], %swap3A_37 {strides = array<i32>} : memref<128xf32, #tpu.memory_space<vmem>>, vector<16xf32>,
    %swap3A_38 = arith.constant 64 : index
    %swap3A_39 = tpu.vector_load %arg15[%swap3A_38] {strides = array<i32>} : memref<128xf32, #tpu.memory_space<vmem>>, vector<16xf32>,
    %swap3A_40 = vector.shape_cast %swap3A_39 : vector<16xf32> to vector<16xf32>
    %swap3A_41 = vector.shape_cast %broadcast_in_dim3A_22 : vector<16xf32> to vector<16xf32>
    tpu.vector_store %arg15[%swap3A_38], %swap3A_41 {strides = array<i32>} : memref<128xf32, #tpu.memory_space<vmem>>, vector<16xf32>,
    %swap3A_42 = arith.constant 80 : index
    %swap3A_43 = tpu.vector_load %arg15[%swap3A_42] {strides = array<i32>} : memref<128xf32, #tpu.memory_space<vmem>>, vector<16xf32>,
    %swap3A_44 = vector.shape_cast %swap3A_43 : vector<16xf32> to vector<16xf32>
    %swap3A_45 = vector.shape_cast %broadcast_in_dim3A_22 : vector<16xf32> to vector<16xf32>
    tpu.vector_store %arg15[%swap3A_42], %swap3A_45 {strides = array<i32>} : memref<128xf32, #tpu.memory_space<vmem>>, vector<16xf32>,
    %swap3A_46 = arith.constant 96 : index
    %swap3A_47 = tpu.vector_load %arg15[%swap3A_46] {strides = array<i32>} : memref<128xf32, #tpu.memory_space<vmem>>, vector<16xf32>,
    %swap3A_48 = vector.shape_cast %swap3A_47 : vector<16xf32> to vector<16xf32>
    %swap3A_49 = vector.shape_cast %broadcast_in_dim3A_22 : vector<16xf32> to vector<16xf32>
    tpu.vector_store %arg15[%swap3A_46], %swap3A_49 {strides = array<i32>} : memref<128xf32, #tpu.memory_space<vmem>>, vector<16xf32>,
    %swap3A_50 = arith.constant 112 : index
    %swap3A_51 = tpu.vector_load %arg15[%swap3A_50] {strides = array<i32>} : memref<128xf32, #tpu.memory_space<vmem>>, vector<16xf32>,
    %swap3A_52 = vector.shape_cast %swap3A_51 : vector<16xf32> to vector<16xf32>
    %swap3A_53 = vector.shape_cast %broadcast_in_dim3A_22 : vector<16xf32> to vector<16xf32>
    tpu.vector_store %arg15[%swap3A_50], %swap3A_53 {strides = array<i32>} : memref<128xf32, #tpu.memory_space<vmem>>, vector<16xf32>,
    %scan3A_54 = arith.constant 0 : i32
    %scan3A_55 = arith.constant 0 : i32
    %scan3A_56 = arith.constant 64 : i32
    %scan3A_57 = arith.addi %scan3A_55, %scan3A_56 : i32
    %scan3A_58 = arith.constant 1 : i32
    scf.for %scan3A_326 = %scan3A_55 to %scan3A_57 step %scan3A_58  : i32 {
      %mul3A_327 = arith.constant 16 : i32
      %mul3A_328 = arith.muli %scan3A_326, %mul3A_327 : i32
      %swap3A_329 = arith.index_cast %mul3A_328 : i32 to index
      %swap3A_330 = tpu.vector_load %arg16[%swap3A_329] {strides = array<i32>} : memref<1024xf32, #tpu.memory_space<vmem>>, vector<16xf32>,
      %swap3A_331 = vector.shape_cast %swap3A_330 : vector<16xf32> to vector<16xf32>
      %swap3A_332 = vector.shape_cast %broadcast_in_dim3A_1 : vector<16xf32> to vector<16xf32>
      tpu.vector_store %arg16[%swap3A_329], %swap3A_332 {strides = array<i32>} : memref<1024xf32, #tpu.memory_space<vmem>>, vector<16xf32>,
    }
    %scan3A_59 = arith.constant 64 : i32
    %eq3A = arith.constant 0 : i32
    %eq3A_60 = arith.cmpi eq, %arg1, %eq3A : i32
    %convert_element_type3A = arith.extui %eq3A_60 : i1 to i32
    %cond3A = arith.constant 0 : i32
    %cond3A_61 = arith.cmpi ne, %convert_element_type3A, %cond3A : i32
    scf.if %cond3A_61 {
      %scan3A_326 = arith.constant 0 : i32
      %scan3A_327 = arith.constant 0 : i32
      %scan3A_328 = arith.constant 10 : i32
      %scan3A_329 = arith.addi %scan3A_327, %scan3A_328 : i32
      %scan3A_330 = arith.constant 1 : i32
      scf.for %scan3A_332 = %scan3A_327 to %scan3A_329 step %scan3A_330  : i32 {
        %mul3A_333 = arith.constant 1024 : i32
        %mul3A_334 = arith.muli %scan3A_332, %mul3A_333 : i32
        "tpu.region"() ({
          %run_scoped3A = tpu.sem_alloc : memref<!tpu.dma_semaphore, #tpu.memory_space<semaphore_mem>>
          %dma_start3A_335 = tpu.memref_slice %arg17[%mul3A_334] : memref<10240xf32, #tpu.memory_space<vmem_shared>> -> memref<1024xf32, #tpu.memory_space<vmem_shared>>
          %dma_start3A_336 = tpu.memref_slice %arg17[%mul3A_334] : memref<10240xf32, #tpu.memory_space<vmem_shared>> -> memref<1024xf32, #tpu.memory_space<vmem_shared>>
          tpu.enqueue_dma source(%arg16 : memref<1024xf32, #tpu.memory_space<vmem>>) target(%dma_start3A_336 : memref<1024xf32, #tpu.memory_space<vmem_shared>>) target_semaphore(%run_scoped3A : memref<!tpu.dma_semaphore, #tpu.memory_space<semaphore_mem>>)
          %dma_wait3A_337 = tpu.memref_slice %arg17[%mul3A_334] : memref<10240xf32, #tpu.memory_space<vmem_shared>> -> memref<1024xf32, #tpu.memory_space<vmem_shared>>
          %dma_wait3A_338 = tpu.memref_slice %arg17[%mul3A_334] : memref<10240xf32, #tpu.memory_space<vmem_shared>> -> memref<1024xf32, #tpu.memory_space<vmem_shared>>
          tpu.wait_dma2 semaphore(%run_scoped3A : memref<!tpu.dma_semaphore, #tpu.memory_space<semaphore_mem>>) src(%arg16 : memref<1024xf32, #tpu.memory_space<vmem>>) dst(%dma_wait3A_338 : memref<1024xf32, #tpu.memory_space<vmem_shared>>)
          tpu.yield
        }) : () -> ()
      }
      %scan3A_331 = arith.constant 10 : i32
    } else {
    }
    %dma_start3A = arith.constant 0 : i32
    %dma_start3A_62 = arith.constant 0 : i32
    %dma_start3A_63 = arith.constant 0 : i32
    %dma_start3A_64 = tpu.memref_slice %arg7[%dma_start3A, %dma_start3A_62, %dma_start3A_63] : memref<2x16x128xi32, #tpu.memory_space<vmem>> -> memref<1x16x128xi32, #tpu.memory_space<vmem>>
    %dma_start3A_65 = tpu.memref_squeeze %dma_start3A_64 : memref<1x16x128xi32, #tpu.memory_space<vmem>> -> memref<16x128xi32, #tpu.memory_space<vmem>>
    %dma_start3A_66 = arith.constant 0 : i32
    %dma_start3A_67 = arith.constant 0 : i32
    %dma_start3A_68 = tpu.memref_slice %arg3[%add3A, %dma_start3A_66, %dma_start3A_67] : memref<32x80x128xi32, #tpu.memory_space<hbm>> -> memref<1x16x128xi32, #tpu.memory_space<hbm>>
    %dma_start3A_69 = tpu.memref_squeeze %dma_start3A_68 : memref<1x16x128xi32, #tpu.memory_space<hbm>> -> memref<16x128xi32, #tpu.memory_space<hbm>>
    %dma_start3A_70 = arith.constant 0 : i32
    %dma_start3A_71 = arith.constant 0 : i32
    %dma_start3A_72 = tpu.memref_slice %arg7[%dma_start3A, %dma_start3A_70, %dma_start3A_71] : memref<2x16x128xi32, #tpu.memory_space<vmem>> -> memref<1x16x128xi32, #tpu.memory_space<vmem>>
    %dma_start3A_73 = tpu.memref_squeeze %dma_start3A_72 : memref<1x16x128xi32, #tpu.memory_space<vmem>> -> memref<16x128xi32, #tpu.memory_space<vmem>>
    %dma_start3A_74 = arith.constant 0 : i32
    %dma_start3A_75 = arith.constant 0 : i32
    %dma_start3A_76 = tpu.memref_slice %arg3[%add3A, %dma_start3A_74, %dma_start3A_75] : memref<32x80x128xi32, #tpu.memory_space<hbm>> -> memref<1x16x128xi32, #tpu.memory_space<hbm>>
    %dma_start3A_77 = tpu.memref_squeeze %dma_start3A_76 : memref<1x16x128xi32, #tpu.memory_space<hbm>> -> memref<16x128xi32, #tpu.memory_space<hbm>>
    tpu.enqueue_dma source(%dma_start3A_77 : memref<16x128xi32, #tpu.memory_space<hbm>>) target(%dma_start3A_73 : memref<16x128xi32, #tpu.memory_space<vmem>>) target_semaphore(%arg13 : memref<!tpu.dma_semaphore, #tpu.memory_space<semaphore_mem>>)
    %dma_start3A_78 = arith.constant 0 : i32
    %dma_start3A_79 = arith.constant 0 : i32
    %dma_start3A_80 = arith.constant 0 : i32
    %dma_start3A_81 = tpu.memref_slice %arg8[%dma_start3A_78, %dma_start3A_79, %dma_start3A_80] : memref<2x16x128xi32, #tpu.memory_space<vmem>> -> memref<1x16x128xi32, #tpu.memory_space<vmem>>
    %dma_start3A_82 = tpu.memref_squeeze %dma_start3A_81 : memref<1x16x128xi32, #tpu.memory_space<vmem>> -> memref<16x128xi32, #tpu.memory_space<vmem>>
    %dma_start3A_83 = arith.constant 0 : i32
    %dma_start3A_84 = arith.constant 0 : i32
    %dma_start3A_85 = tpu.memref_slice %arg4[%add3A, %dma_start3A_83, %dma_start3A_84] : memref<32x80x128xi32, #tpu.memory_space<hbm>> -> memref<1x16x128xi32, #tpu.memory_space<hbm>>
    %dma_start3A_86 = tpu.memref_squeeze %dma_start3A_85 : memref<1x16x128xi32, #tpu.memory_space<hbm>> -> memref<16x128xi32, #tpu.memory_space<hbm>>
    %dma_start3A_87 = arith.constant 0 : i32
    %dma_start3A_88 = arith.constant 0 : i32
    %dma_start3A_89 = tpu.memref_slice %arg8[%dma_start3A_78, %dma_start3A_87, %dma_start3A_88] : memref<2x16x128xi32, #tpu.memory_space<vmem>> -> memref<1x16x128xi32, #tpu.memory_space<vmem>>
    %dma_start3A_90 = tpu.memref_squeeze %dma_start3A_89 : memref<1x16x128xi32, #tpu.memory_space<vmem>> -> memref<16x128xi32, #tpu.memory_space<vmem>>
    %dma_start3A_91 = arith.constant 0 : i32
    %dma_start3A_92 = arith.constant 0 : i32
    %dma_start3A_93 = tpu.memref_slice %arg4[%add3A, %dma_start3A_91, %dma_start3A_92] : memref<32x80x128xi32, #tpu.memory_space<hbm>> -> memref<1x16x128xi32, #tpu.memory_space<hbm>>
    %dma_start3A_94 = tpu.memref_squeeze %dma_start3A_93 : memref<1x16x128xi32, #tpu.memory_space<hbm>> -> memref<16x128xi32, #tpu.memory_space<hbm>>
    tpu.enqueue_dma source(%dma_start3A_94 : memref<16x128xi32, #tpu.memory_space<hbm>>) target(%dma_start3A_90 : memref<16x128xi32, #tpu.memory_space<vmem>>) target_semaphore(%arg13 : memref<!tpu.dma_semaphore, #tpu.memory_space<semaphore_mem>>)
    %dma_start3A_95 = arith.constant 1 : i32
    %dma_start3A_96 = arith.constant 0 : i32
    %dma_start3A_97 = arith.constant 0 : i32
    %dma_start3A_98 = tpu.memref_slice %arg7[%dma_start3A_95, %dma_start3A_96, %dma_start3A_97] : memref<2x16x128xi32, #tpu.memory_space<vmem>> -> memref<1x16x128xi32, #tpu.memory_space<vmem>>
    %dma_start3A_99 = tpu.memref_squeeze %dma_start3A_98 : memref<1x16x128xi32, #tpu.memory_space<vmem>> -> memref<16x128xi32, #tpu.memory_space<vmem>>
    %dma_start3A_100 = arith.constant 16 : i32
    %dma_start3A_101 = arith.constant 0 : i32
    %dma_start3A_102 = tpu.memref_slice %arg3[%add3A, %dma_start3A_100, %dma_start3A_101] : memref<32x80x128xi32, #tpu.memory_space<hbm>> -> memref<1x16x128xi32, #tpu.memory_space<hbm>>
    %dma_start3A_103 = tpu.memref_squeeze %dma_start3A_102 : memref<1x16x128xi32, #tpu.memory_space<hbm>> -> memref<16x128xi32, #tpu.memory_space<hbm>>
    %dma_start3A_104 = arith.constant 0 : i32
    %dma_start3A_105 = arith.constant 0 : i32
    %dma_start3A_106 = tpu.memref_slice %arg7[%dma_start3A_95, %dma_start3A_104, %dma_start3A_105] : memref<2x16x128xi32, #tpu.memory_space<vmem>> -> memref<1x16x128xi32, #tpu.memory_space<vmem>>
    %dma_start3A_107 = tpu.memref_squeeze %dma_start3A_106 : memref<1x16x128xi32, #tpu.memory_space<vmem>> -> memref<16x128xi32, #tpu.memory_space<vmem>>
    %dma_start3A_108 = arith.constant 16 : i32
    %dma_start3A_109 = arith.constant 0 : i32
    %dma_start3A_110 = tpu.memref_slice %arg3[%add3A, %dma_start3A_108, %dma_start3A_109] : memref<32x80x128xi32, #tpu.memory_space<hbm>> -> memref<1x16x128xi32, #tpu.memory_space<hbm>>
    %dma_start3A_111 = tpu.memref_squeeze %dma_start3A_110 : memref<1x16x128xi32, #tpu.memory_space<hbm>> -> memref<16x128xi32, #tpu.memory_space<hbm>>
    tpu.enqueue_dma source(%dma_start3A_111 : memref<16x128xi32, #tpu.memory_space<hbm>>) target(%dma_start3A_107 : memref<16x128xi32, #tpu.memory_space<vmem>>) target_semaphore(%arg14 : memref<!tpu.dma_semaphore, #tpu.memory_space<semaphore_mem>>)
    %dma_start3A_112 = arith.constant 1 : i32
    %dma_start3A_113 = arith.constant 0 : i32
    %dma_start3A_114 = arith.constant 0 : i32
    %dma_start3A_115 = tpu.memref_slice %arg8[%dma_start3A_112, %dma_start3A_113, %dma_start3A_114] : memref<2x16x128xi32, #tpu.memory_space<vmem>> -> memref<1x16x128xi32, #tpu.memory_space<vmem>>
    %dma_start3A_116 = tpu.memref_squeeze %dma_start3A_115 : memref<1x16x128xi32, #tpu.memory_space<vmem>> -> memref<16x128xi32, #tpu.memory_space<vmem>>
    %dma_start3A_117 = arith.constant 16 : i32
    %dma_start3A_118 = arith.constant 0 : i32
    %dma_start3A_119 = tpu.memref_slice %arg4[%add3A, %dma_start3A_117, %dma_start3A_118] : memref<32x80x128xi32, #tpu.memory_space<hbm>> -> memref<1x16x128xi32, #tpu.memory_space<hbm>>
    %dma_start3A_120 = tpu.memref_squeeze %dma_start3A_119 : memref<1x16x128xi32, #tpu.memory_space<hbm>> -> memref<16x128xi32, #tpu.memory_space<hbm>>
    %dma_start3A_121 = arith.constant 0 : i32
    %dma_start3A_122 = arith.constant 0 : i32
    %dma_start3A_123 = tpu.memref_slice %arg8[%dma_start3A_112, %dma_start3A_121, %dma_start3A_122] : memref<2x16x128xi32, #tpu.memory_space<vmem>> -> memref<1x16x128xi32, #tpu.memory_space<vmem>>
    %dma_start3A_124 = tpu.memref_squeeze %dma_start3A_123 : memref<1x16x128xi32, #tpu.memory_space<vmem>> -> memref<16x128xi32, #tpu.memory_space<vmem>>
    %dma_start3A_125 = arith.constant 16 : i32
    %dma_start3A_126 = arith.constant 0 : i32
    %dma_start3A_127 = tpu.memref_slice %arg4[%add3A, %dma_start3A_125, %dma_start3A_126] : memref<32x80x128xi32, #tpu.memory_space<hbm>> -> memref<1x16x128xi32, #tpu.memory_space<hbm>>
    %dma_start3A_128 = tpu.memref_squeeze %dma_start3A_127 : memref<1x16x128xi32, #tpu.memory_space<hbm>> -> memref<16x128xi32, #tpu.memory_space<hbm>>
    tpu.enqueue_dma source(%dma_start3A_128 : memref<16x128xi32, #tpu.memory_space<hbm>>) target(%dma_start3A_124 : memref<16x128xi32, #tpu.memory_space<vmem>>) target_semaphore(%arg14 : memref<!tpu.dma_semaphore, #tpu.memory_space<semaphore_mem>>)
    %barrier3A = arith.constant 0 : index
    tpu.barrier barrier_id(%barrier3A)
    %dma_wait3A = arith.constant 0 : i32
    %dma_wait3A_129 = arith.constant 0 : i32
    %dma_wait3A_130 = arith.constant 0 : i32
    %dma_wait3A_131 = tpu.memref_slice %arg7[%dma_wait3A, %dma_wait3A_129, %dma_wait3A_130] : memref<2x16x128xi32, #tpu.memory_space<vmem>> -> memref<1x16x128xi32, #tpu.memory_space<vmem>>
    %dma_wait3A_132 = tpu.memref_squeeze %dma_wait3A_131 : memref<1x16x128xi32, #tpu.memory_space<vmem>> -> memref<16x128xi32, #tpu.memory_space<vmem>>
    %dma_wait3A_133 = arith.constant 0 : i32
    %dma_wait3A_134 = arith.constant 0 : i32
    %dma_wait3A_135 = tpu.memref_slice %arg3[%add3A, %dma_wait3A_133, %dma_wait3A_134] : memref<32x80x128xi32, #tpu.memory_space<hbm>> -> memref<1x16x128xi32, #tpu.memory_space<hbm>>
    %dma_wait3A_136 = tpu.memref_squeeze %dma_wait3A_135 : memref<1x16x128xi32, #tpu.memory_space<hbm>> -> memref<16x128xi32, #tpu.memory_space<hbm>>
    %dma_wait3A_137 = arith.constant 0 : i32
    %dma_wait3A_138 = arith.constant 0 : i32
    %dma_wait3A_139 = tpu.memref_slice %arg7[%dma_wait3A, %dma_wait3A_137, %dma_wait3A_138] : memref<2x16x128xi32, #tpu.memory_space<vmem>> -> memref<1x16x128xi32, #tpu.memory_space<vmem>>
    %dma_wait3A_140 = tpu.memref_squeeze %dma_wait3A_139 : memref<1x16x128xi32, #tpu.memory_space<vmem>> -> memref<16x128xi32, #tpu.memory_space<vmem>>
    %dma_wait3A_141 = arith.constant 0 : i32
    %dma_wait3A_142 = arith.constant 0 : i32
    %dma_wait3A_143 = tpu.memref_slice %arg3[%add3A, %dma_wait3A_141, %dma_wait3A_142] : memref<32x80x128xi32, #tpu.memory_space<hbm>> -> memref<1x16x128xi32, #tpu.memory_space<hbm>>
    %dma_wait3A_144 = tpu.memref_squeeze %dma_wait3A_143 : memref<1x16x128xi32, #tpu.memory_space<hbm>> -> memref<16x128xi32, #tpu.memory_space<hbm>>
    tpu.wait_dma2 semaphore(%arg13 : memref<!tpu.dma_semaphore, #tpu.memory_space<semaphore_mem>>) src(%dma_wait3A_144 : memref<16x128xi32, #tpu.memory_space<hbm>>) dst(%dma_wait3A_140 : memref<16x128xi32, #tpu.memory_space<vmem>>)
    %dma_wait3A_145 = arith.constant 0 : i32
    %dma_wait3A_146 = arith.constant 0 : i32
    %dma_wait3A_147 = arith.constant 0 : i32
    %dma_wait3A_148 = tpu.memref_slice %arg8[%dma_wait3A_145, %dma_wait3A_146, %dma_wait3A_147] : memref<2x16x128xi32, #tpu.memory_space<vmem>> -> memref<1x16x128xi32, #tpu.memory_space<vmem>>
    %dma_wait3A_149 = tpu.memref_squeeze %dma_wait3A_148 : memref<1x16x128xi32, #tpu.memory_space<vmem>> -> memref<16x128xi32, #tpu.memory_space<vmem>>
    %dma_wait3A_150 = arith.constant 0 : i32
    %dma_wait3A_151 = arith.constant 0 : i32
    %dma_wait3A_152 = tpu.memref_slice %arg4[%add3A, %dma_wait3A_150, %dma_wait3A_151] : memref<32x80x128xi32, #tpu.memory_space<hbm>> -> memref<1x16x128xi32, #tpu.memory_space<hbm>>
    %dma_wait3A_153 = tpu.memref_squeeze %dma_wait3A_152 : memref<1x16x128xi32, #tpu.memory_space<hbm>> -> memref<16x128xi32, #tpu.memory_space<hbm>>
    %dma_wait3A_154 = arith.constant 0 : i32
    %dma_wait3A_155 = arith.constant 0 : i32
    %dma_wait3A_156 = tpu.memref_slice %arg8[%dma_wait3A_145, %dma_wait3A_154, %dma_wait3A_155] : memref<2x16x128xi32, #tpu.memory_space<vmem>> -> memref<1x16x128xi32, #tpu.memory_space<vmem>>
    %dma_wait3A_157 = tpu.memref_squeeze %dma_wait3A_156 : memref<1x16x128xi32, #tpu.memory_space<vmem>> -> memref<16x128xi32, #tpu.memory_space<vmem>>
    %dma_wait3A_158 = arith.constant 0 : i32
    %dma_wait3A_159 = arith.constant 0 : i32
    %dma_wait3A_160 = tpu.memref_slice %arg4[%add3A, %dma_wait3A_158, %dma_wait3A_159] : memref<32x80x128xi32, #tpu.memory_space<hbm>> -> memref<1x16x128xi32, #tpu.memory_space<hbm>>
    %dma_wait3A_161 = tpu.memref_squeeze %dma_wait3A_160 : memref<1x16x128xi32, #tpu.memory_space<hbm>> -> memref<16x128xi32, #tpu.memory_space<hbm>>
    tpu.wait_dma2 semaphore(%arg13 : memref<!tpu.dma_semaphore, #tpu.memory_space<semaphore_mem>>) src(%dma_wait3A_161 : memref<16x128xi32, #tpu.memory_space<hbm>>) dst(%dma_wait3A_157 : memref<16x128xi32, #tpu.memory_space<vmem>>)
    %dma_start3A_162 = arith.constant 0 : i32
    %dma_start3A_163 = arith.constant 0 : i32
    %dma_start3A_164 = arith.constant 0 : i32
    %dma_start3A_165 = arith.constant 0 : i32
    %dma_start3A_166 = arith.constant 0 : i32
    %dma_start3A_167 = tpu.memref_slice %arg9[%dma_start3A_164, %dma_start3A_165, %dma_start3A_166] : memref<2x128x128xf32, #tpu.memory_space<vmem>> -> memref<1x128x128xf32, #tpu.memory_space<vmem>>
    %dma_start3A_168 = tpu.memref_squeeze %dma_start3A_167 : memref<1x128x128xf32, #tpu.memory_space<vmem>> -> memref<128x128xf32, #tpu.memory_space<vmem>>
    %dma_start3A_169 = arith.constant 0 : i32
    %dma_start3A_170 = tpu.memref_slice %arg7[%dma_start3A_162, %dma_start3A_163, %dma_start3A_169] : memref<2x16x128xi32, #tpu.memory_space<vmem>> -> memref<1x1x128xi32, #tpu.memory_space<vmem>>
    %dma_start3A_171 = tpu.memref_squeeze %dma_start3A_170 : memref<1x1x128xi32, #tpu.memory_space<vmem>> -> memref<128xi32, #tpu.memory_space<vmem>>
    %dma_start3A_172 = arith.constant 0 : i32
    %dma_start3A_173 = arith.constant 0 : i32
    %dma_start3A_174 = tpu.memref_slice %arg2[%dma_start3A_172, %dma_start3A_173] : memref<10000x128xf32, #tpu.memory_space<hbm>> -> memref<10000x128xf32, #tpu.memory_space<hbm>>
    tpu.enqueue_indirect_dma source(%dma_start3A_174 : memref<10000x128xf32, #tpu.memory_space<hbm>>) target(%dma_start3A_168 : memref<128x128xf32, #tpu.memory_space<vmem>>) offsets(%dma_start3A_171 : memref<128xi32, #tpu.memory_space<vmem>>) semaphore(%arg11 : memref<!tpu.dma_semaphore, #tpu.memory_space<semaphore_mem>>)
    %dma_start3A_175 = arith.constant 0 : i32
    %dma_start3A_176 = arith.constant 1 : i32
    %dma_start3A_177 = arith.constant 1 : i32
    %dma_start3A_178 = arith.constant 0 : i32
    %dma_start3A_179 = arith.constant 0 : i32
    %dma_start3A_180 = tpu.memref_slice %arg9[%dma_start3A_177, %dma_start3A_178, %dma_start3A_179] : memref<2x128x128xf32, #tpu.memory_space<vmem>> -> memref<1x128x128xf32, #tpu.memory_space<vmem>>
    %dma_start3A_181 = tpu.memref_squeeze %dma_start3A_180 : memref<1x128x128xf32, #tpu.memory_space<vmem>> -> memref<128x128xf32, #tpu.memory_space<vmem>>
    %dma_start3A_182 = arith.constant 0 : i32
    %dma_start3A_183 = tpu.memref_slice %arg7[%dma_start3A_175, %dma_start3A_176, %dma_start3A_182] : memref<2x16x128xi32, #tpu.memory_space<vmem>> -> memref<1x1x128xi32, #tpu.memory_space<vmem>>
    %dma_start3A_184 = tpu.memref_squeeze %dma_start3A_183 : memref<1x1x128xi32, #tpu.memory_space<vmem>> -> memref<128xi32, #tpu.memory_space<vmem>>
    %dma_start3A_185 = arith.constant 0 : i32
    %dma_start3A_186 = arith.constant 0 : i32
    %dma_start3A_187 = tpu.memref_slice %arg2[%dma_start3A_185, %dma_start3A_186] : memref<10000x128xf32, #tpu.memory_space<hbm>> -> memref<10000x128xf32, #tpu.memory_space<hbm>>
    tpu.enqueue_indirect_dma source(%dma_start3A_187 : memref<10000x128xf32, #tpu.memory_space<hbm>>) target(%dma_start3A_181 : memref<128x128xf32, #tpu.memory_space<vmem>>) offsets(%dma_start3A_184 : memref<128xi32, #tpu.memory_space<vmem>>) semaphore(%arg12 : memref<!tpu.dma_semaphore, #tpu.memory_space<semaphore_mem>>)
    %scan3A_188 = arith.constant 0 : i32
    %scan3A_189 = arith.constant 0 : i32
    %scan3A_190 = arith.constant 8 : i32
    %scan3A_191 = arith.addi %scan3A_189, %scan3A_190 : i32
    %scan3A_192 = arith.constant 1 : i32
    scf.for %scan3A_326 = %scan3A_189 to %scan3A_191 step %scan3A_192  : i32 {
      %mul3A_327 = arith.constant 2 : i32
      %mul3A_328 = arith.muli %mul3A_327, %scan3A_326 : i32
      %add3A_329 = arith.constant 0 : i32
      %add3A_330 = arith.addi %mul3A_328, %add3A_329 : i32
      %dma_wait3A_331 = arith.constant 0 : i32
      %dma_wait3A_332 = arith.constant 0 : i32
      %dma_wait3A_333 = arith.constant 0 : i32
      %dma_wait3A_334 = arith.constant 0 : i32
      %dma_wait3A_335 = tpu.memref_slice %arg9[%dma_wait3A_332, %dma_wait3A_333, %dma_wait3A_334] : memref<2x128x128xf32, #tpu.memory_space<vmem>> -> memref<1x128x128xf32, #tpu.memory_space<vmem>>
      %dma_wait3A_336 = tpu.memref_squeeze %dma_wait3A_335 : memref<1x128x128xf32, #tpu.memory_space<vmem>> -> memref<128x128xf32, #tpu.memory_space<vmem>>
      %dma_wait3A_337 = arith.constant 0 : i32
      %dma_wait3A_338 = tpu.memref_slice %arg7[%dma_wait3A_331, %add3A_330, %dma_wait3A_337] : memref<2x16x128xi32, #tpu.memory_space<vmem>> -> memref<1x1x128xi32, #tpu.memory_space<vmem>>
      %dma_wait3A_339 = tpu.memref_squeeze %dma_wait3A_338 : memref<1x1x128xi32, #tpu.memory_space<vmem>> -> memref<128xi32, #tpu.memory_space<vmem>>
      %dma_wait3A_340 = arith.constant 0 : i32
      %dma_wait3A_341 = arith.constant 0 : i32
      %dma_wait3A_342 = tpu.memref_slice %arg2[%dma_wait3A_340, %dma_wait3A_341] : memref<10000x128xf32, #tpu.memory_space<hbm>> -> memref<10000x128xf32, #tpu.memory_space<hbm>>
      tpu.wait_indirect_dma semaphore(%arg11 : memref<!tpu.dma_semaphore, #tpu.memory_space<semaphore_mem>>) src(%dma_wait3A_342 : memref<10000x128xf32, #tpu.memory_space<hbm>>) dst(%dma_wait3A_336 : memref<128x128xf32, #tpu.memory_space<vmem>>)
      %run_scoped3A = arith.constant 0 : i32
      %run_scoped3A_343 = arith.constant 0 : i32
      "tpu.region"() ({
        %run_scoped3A_386 = tpu.sem_alloc : memref<!tpu.dma_semaphore, #tpu.memory_space<semaphore_mem>>
        %dma_start3A_387 = arith.constant 0 : i32
        %dma_start3A_388 = arith.constant 0 : i32
        %dma_start3A_389 = tpu.memref_slice %arg9[%run_scoped3A, %dma_start3A_387, %dma_start3A_388] : memref<2x128x128xf32, #tpu.memory_space<vmem>> -> memref<1x128x128xf32, #tpu.memory_space<vmem>>
        %dma_start3A_390 = tpu.memref_squeeze %dma_start3A_389 : memref<1x128x128xf32, #tpu.memory_space<vmem>> -> memref<128x128xf32, #tpu.memory_space<vmem>>
        %dma_start3A_391 = arith.constant 0 : i32
        %dma_start3A_392 = tpu.memref_slice %arg8[%run_scoped3A_343, %add3A_330, %dma_start3A_391] : memref<2x16x128xi32, #tpu.memory_space<vmem>> -> memref<1x1x128xi32, #tpu.memory_space<vmem>>
        %dma_start3A_393 = tpu.memref_squeeze %dma_start3A_392 : memref<1x1x128xi32, #tpu.memory_space<vmem>> -> memref<128xi32, #tpu.memory_space<vmem>>
        %dma_start3A_394 = arith.constant 0 : i32
        %dma_start3A_395 = arith.constant 0 : i32
        %dma_start3A_396 = tpu.memref_slice %arg10[%dma_start3A_394, %dma_start3A_395] : memref<10240x128xf32, #tpu.memory_space<vmem_shared>> -> memref<10240x128xf32, #tpu.memory_space<vmem_shared>>
        tpu.enqueue_indirect_dma source(%dma_start3A_390 : memref<128x128xf32, #tpu.memory_space<vmem>>) target(%dma_start3A_396 : memref<10240x128xf32, #tpu.memory_space<vmem_shared>>) offsets(%dma_start3A_393 : memref<128xi32, #tpu.memory_space<vmem>>) semaphore(%run_scoped3A_386 : memref<!tpu.dma_semaphore, #tpu.memory_space<semaphore_mem>>) {add = true}
        %dma_wait3A_397 = arith.constant 0 : i32
        %dma_wait3A_398 = arith.constant 0 : i32
        %dma_wait3A_399 = tpu.memref_slice %arg9[%run_scoped3A, %dma_wait3A_397, %dma_wait3A_398] : memref<2x128x128xf32, #tpu.memory_space<vmem>> -> memref<1x128x128xf32, #tpu.memory_space<vmem>>
        %dma_wait3A_400 = tpu.memref_squeeze %dma_wait3A_399 : memref<1x128x128xf32, #tpu.memory_space<vmem>> -> memref<128x128xf32, #tpu.memory_space<vmem>>
        %dma_wait3A_401 = arith.constant 0 : i32
        %dma_wait3A_402 = tpu.memref_slice %arg8[%run_scoped3A_343, %add3A_330, %dma_wait3A_401] : memref<2x16x128xi32, #tpu.memory_space<vmem>> -> memref<1x1x128xi32, #tpu.memory_space<vmem>>
        %dma_wait3A_403 = tpu.memref_squeeze %dma_wait3A_402 : memref<1x1x128xi32, #tpu.memory_space<vmem>> -> memref<128xi32, #tpu.memory_space<vmem>>
        %dma_wait3A_404 = arith.constant 0 : i32
        %dma_wait3A_405 = arith.constant 0 : i32
        %dma_wait3A_406 = tpu.memref_slice %arg10[%dma_wait3A_404, %dma_wait3A_405] : memref<10240x128xf32, #tpu.memory_space<vmem_shared>> -> memref<10240x128xf32, #tpu.memory_space<vmem_shared>>
        tpu.wait_indirect_dma semaphore(%run_scoped3A_386 : memref<!tpu.dma_semaphore, #tpu.memory_space<semaphore_mem>>) src(%dma_wait3A_400 : memref<128x128xf32, #tpu.memory_space<vmem>>) dst(%dma_wait3A_406 : memref<10240x128xf32, #tpu.memory_space<vmem_shared>>)
        tpu.yield
      }) : () -> ()
      %run_scoped3A_344 = arith.constant 0 : i32
      "tpu.region"() ({
        %run_scoped3A_386 = tpu.sem_alloc : memref<!tpu.dma_semaphore, #tpu.memory_space<semaphore_mem>>
        %dma_start3A_387 = arith.constant 0 : i32
        %dma_start3A_388 = tpu.memref_slice %arg8[%run_scoped3A_344, %add3A_330, %dma_start3A_387] : memref<2x16x128xi32, #tpu.memory_space<vmem>> -> memref<1x1x128xi32, #tpu.memory_space<vmem>>
        %dma_start3A_389 = tpu.memref_squeeze %dma_start3A_388 : memref<1x1x128xi32, #tpu.memory_space<vmem>> -> memref<128xi32, #tpu.memory_space<vmem>>
        %dma_start3A_390 = arith.constant 0 : i32
        %dma_start3A_391 = tpu.memref_slice %arg17[%dma_start3A_390] : memref<10240xf32, #tpu.memory_space<vmem_shared>> -> memref<10240xf32, #tpu.memory_space<vmem_shared>>
        tpu.enqueue_indirect_dma source(%arg15 : memref<128xf32, #tpu.memory_space<vmem>>) target(%dma_start3A_391 : memref<10240xf32, #tpu.memory_space<vmem_shared>>) offsets(%dma_start3A_389 : memref<128xi32, #tpu.memory_space<vmem>>) semaphore(%run_scoped3A_386 : memref<!tpu.dma_semaphore, #tpu.memory_space<semaphore_mem>>) {add = true}
        %dma_wait3A_392 = arith.constant 0 : i32
        %dma_wait3A_393 = tpu.memref_slice %arg8[%run_scoped3A_344, %add3A_330, %dma_wait3A_392] : memref<2x16x128xi32, #tpu.memory_space<vmem>> -> memref<1x1x128xi32, #tpu.memory_space<vmem>>
        %dma_wait3A_394 = tpu.memref_squeeze %dma_wait3A_393 : memref<1x1x128xi32, #tpu.memory_space<vmem>> -> memref<128xi32, #tpu.memory_space<vmem>>
        %dma_wait3A_395 = arith.constant 0 : i32
        %dma_wait3A_396 = tpu.memref_slice %arg17[%dma_wait3A_395] : memref<10240xf32, #tpu.memory_space<vmem_shared>> -> memref<10240xf32, #tpu.memory_space<vmem_shared>>
        tpu.wait_indirect_dma semaphore(%run_scoped3A_386 : memref<!tpu.dma_semaphore, #tpu.memory_space<semaphore_mem>>) src(%arg15 : memref<128xf32, #tpu.memory_space<vmem>>) dst(%dma_wait3A_396 : memref<10240xf32, #tpu.memory_space<vmem_shared>>)
        tpu.yield
      }) : () -> ()
      %add3A_345 = arith.constant 2 : i32
      %add3A_346 = arith.addi %add3A_330, %add3A_345 : i32
      %lt3A = arith.constant 16 : i32
      %lt3A_347 = arith.cmpi slt, %add3A_346, %lt3A : i32
      %convert_element_type3A_348 = arith.extui %lt3A_347 : i1 to i32
      %cond3A_349 = arith.constant 0 : i32
      %cond3A_350 = arith.cmpi ne, %convert_element_type3A_348, %cond3A_349 : i32
      scf.if %cond3A_350 {
        %dma_start3A_386 = arith.constant 0 : i32
        %dma_start3A_387 = arith.constant 0 : i32
        %dma_start3A_388 = arith.constant 0 : i32
        %dma_start3A_389 = arith.constant 0 : i32
        %dma_start3A_390 = tpu.memref_slice %arg9[%dma_start3A_387, %dma_start3A_388, %dma_start3A_389] : memref<2x128x128xf32, #tpu.memory_space<vmem>> -> memref<1x128x128xf32, #tpu.memory_space<vmem>>
        %dma_start3A_391 = tpu.memref_squeeze %dma_start3A_390 : memref<1x128x128xf32, #tpu.memory_space<vmem>> -> memref<128x128xf32, #tpu.memory_space<vmem>>
        %dma_start3A_392 = arith.constant 0 : i32
        %dma_start3A_393 = tpu.memref_slice %arg7[%dma_start3A_386, %add3A_346, %dma_start3A_392] : memref<2x16x128xi32, #tpu.memory_space<vmem>> -> memref<1x1x128xi32, #tpu.memory_space<vmem>>
        %dma_start3A_394 = tpu.memref_squeeze %dma_start3A_393 : memref<1x1x128xi32, #tpu.memory_space<vmem>> -> memref<128xi32, #tpu.memory_space<vmem>>
        %dma_start3A_395 = arith.constant 0 : i32
        %dma_start3A_396 = arith.constant 0 : i32
        %dma_start3A_397 = tpu.memref_slice %arg2[%dma_start3A_395, %dma_start3A_396] : memref<10000x128xf32, #tpu.memory_space<hbm>> -> memref<10000x128xf32, #tpu.memory_space<hbm>>
        tpu.enqueue_indirect_dma source(%dma_start3A_397 : memref<10000x128xf32, #tpu.memory_space<hbm>>) target(%dma_start3A_391 : memref<128x128xf32, #tpu.memory_space<vmem>>) offsets(%dma_start3A_394 : memref<128xi32, #tpu.memory_space<vmem>>) semaphore(%arg11 : memref<!tpu.dma_semaphore, #tpu.memory_space<semaphore_mem>>)
      } else {
      }
      %ge3A = arith.constant 16 : i32
      %ge3A_351 = arith.cmpi sge, %add3A_346, %ge3A : i32
      %convert_element_type3A_352 = arith.extui %ge3A_351 : i1 to i32
      %cond3A_353 = arith.constant 0 : i32
      %cond3A_354 = arith.cmpi ne, %convert_element_type3A_352, %cond3A_353 : i32
      scf.if %cond3A_354 {
        %dma_wait3A_386 = arith.constant 1 : i32
        %dma_wait3A_387 = arith.constant 0 : i32
        %dma_wait3A_388 = arith.constant 0 : i32
        %dma_wait3A_389 = tpu.memref_slice %arg7[%dma_wait3A_386, %dma_wait3A_387, %dma_wait3A_388] : memref<2x16x128xi32, #tpu.memory_space<vmem>> -> memref<1x16x128xi32, #tpu.memory_space<vmem>>
        %dma_wait3A_390 = tpu.memref_squeeze %dma_wait3A_389 : memref<1x16x128xi32, #tpu.memory_space<vmem>> -> memref<16x128xi32, #tpu.memory_space<vmem>>
        %dma_wait3A_391 = arith.constant 16 : i32
        %dma_wait3A_392 = arith.constant 0 : i32
        %dma_wait3A_393 = tpu.memref_slice %arg3[%add3A, %dma_wait3A_391, %dma_wait3A_392] : memref<32x80x128xi32, #tpu.memory_space<hbm>> -> memref<1x16x128xi32, #tpu.memory_space<hbm>>
        %dma_wait3A_394 = tpu.memref_squeeze %dma_wait3A_393 : memref<1x16x128xi32, #tpu.memory_space<hbm>> -> memref<16x128xi32, #tpu.memory_space<hbm>>
        %dma_wait3A_395 = arith.constant 0 : i32
        %dma_wait3A_396 = arith.constant 0 : i32
        %dma_wait3A_397 = tpu.memref_slice %arg7[%dma_wait3A_386, %dma_wait3A_395, %dma_wait3A_396] : memref<2x16x128xi32, #tpu.memory_space<vmem>> -> memref<1x16x128xi32, #tpu.memory_space<vmem>>
        %dma_wait3A_398 = tpu.memref_squeeze %dma_wait3A_397 : memref<1x16x128xi32, #tpu.memory_space<vmem>> -> memref<16x128xi32, #tpu.memory_space<vmem>>
        %dma_wait3A_399 = arith.constant 16 : i32
        %dma_wait3A_400 = arith.constant 0 : i32
        %dma_wait3A_401 = tpu.memref_slice %arg3[%add3A, %dma_wait3A_399, %dma_wait3A_400] : memref<32x80x128xi32, #tpu.memory_space<hbm>> -> memref<1x16x128xi32, #tpu.memory_space<hbm>>
        %dma_wait3A_402 = tpu.memref_squeeze %dma_wait3A_401 : memref<1x16x128xi32, #tpu.memory_space<hbm>> -> memref<16x128xi32, #tpu.memory_space<hbm>>
        tpu.wait_dma2 semaphore(%arg14 : memref<!tpu.dma_semaphore, #tpu.memory_space<semaphore_mem>>) src(%dma_wait3A_402 : memref<16x128xi32, #tpu.memory_space<hbm>>) dst(%dma_wait3A_398 : memref<16x128xi32, #tpu.memory_space<vmem>>)
        %dma_wait3A_403 = arith.constant 1 : i32
        %dma_wait3A_404 = arith.constant 0 : i32
        %dma_wait3A_405 = arith.constant 0 : i32
        %dma_wait3A_406 = tpu.memref_slice %arg8[%dma_wait3A_403, %dma_wait3A_404, %dma_wait3A_405] : memref<2x16x128xi32, #tpu.memory_space<vmem>> -> memref<1x16x128xi32, #tpu.memory_space<vmem>>
        %dma_wait3A_407 = tpu.memref_squeeze %dma_wait3A_406 : memref<1x16x128xi32, #tpu.memory_space<vmem>> -> memref<16x128xi32, #tpu.memory_space<vmem>>
        %dma_wait3A_408 = arith.constant 16 : i32
        %dma_wait3A_409 = arith.constant 0 : i32
        %dma_wait3A_410 = tpu.memref_slice %arg4[%add3A, %dma_wait3A_408, %dma_wait3A_409] : memref<32x80x128xi32, #tpu.memory_space<hbm>> -> memref<1x16x128xi32, #tpu.memory_space<hbm>>
        %dma_wait3A_411 = tpu.memref_squeeze %dma_wait3A_410 : memref<1x16x128xi32, #tpu.memory_space<hbm>> -> memref<16x128xi32, #tpu.memory_space<hbm>>
        %dma_wait3A_412 = arith.constant 0 : i32
        %dma_wait3A_413 = arith.constant 0 : i32
        %dma_wait3A_414 = tpu.memref_slice %arg8[%dma_wait3A_403, %dma_wait3A_412, %dma_wait3A_413] : memref<2x16x128xi32, #tpu.memory_space<vmem>> -> memref<1x16x128xi32, #tpu.memory_space<vmem>>
        %dma_wait3A_415 = tpu.memref_squeeze %dma_wait3A_414 : memref<1x16x128xi32, #tpu.memory_space<vmem>> -> memref<16x128xi32, #tpu.memory_space<vmem>>
        %dma_wait3A_416 = arith.constant 16 : i32
        %dma_wait3A_417 = arith.constant 0 : i32
        %dma_wait3A_418 = tpu.memref_slice %arg4[%add3A, %dma_wait3A_416, %dma_wait3A_417] : memref<32x80x128xi32, #tpu.memory_space<hbm>> -> memref<1x16x128xi32, #tpu.memory_space<hbm>>
        %dma_wait3A_419 = tpu.memref_squeeze %dma_wait3A_418 : memref<1x16x128xi32, #tpu.memory_space<hbm>> -> memref<16x128xi32, #tpu.memory_space<hbm>>
        tpu.wait_dma2 semaphore(%arg14 : memref<!tpu.dma_semaphore, #tpu.memory_space<semaphore_mem>>) src(%dma_wait3A_419 : memref<16x128xi32, #tpu.memory_space<hbm>>) dst(%dma_wait3A_415 : memref<16x128xi32, #tpu.memory_space<vmem>>)
        %dma_start3A_420 = arith.constant 1 : i32
        %dma_start3A_421 = arith.constant 0 : i32
        %dma_start3A_422 = arith.constant 0 : i32
        %dma_start3A_423 = arith.constant 0 : i32
        %dma_start3A_424 = arith.constant 0 : i32
        %dma_start3A_425 = tpu.memref_slice %arg9[%dma_start3A_422, %dma_start3A_423, %dma_start3A_424] : memref<2x128x128xf32, #tpu.memory_space<vmem>> -> memref<1x128x128xf32, #tpu.memory_space<vmem>>
        %dma_start3A_426 = tpu.memref_squeeze %dma_start3A_425 : memref<1x128x128xf32, #tpu.memory_space<vmem>> -> memref<128x128xf32, #tpu.memory_space<vmem>>
        %dma_start3A_427 = arith.constant 0 : i32
        %dma_start3A_428 = tpu.memref_slice %arg7[%dma_start3A_420, %dma_start3A_421, %dma_start3A_427] : memref<2x16x128xi32, #tpu.memory_space<vmem>> -> memref<1x1x128xi32, #tpu.memory_space<vmem>>
        %dma_start3A_429 = tpu.memref_squeeze %dma_start3A_428 : memref<1x1x128xi32, #tpu.memory_space<vmem>> -> memref<128xi32, #tpu.memory_space<vmem>>
        %dma_start3A_430 = arith.constant 0 : i32
        %dma_start3A_431 = arith.constant 0 : i32
        %dma_start3A_432 = tpu.memref_slice %arg2[%dma_start3A_430, %dma_start3A_431] : memref<10000x128xf32, #tpu.memory_space<hbm>> -> memref<10000x128xf32, #tpu.memory_space<hbm>>
        tpu.enqueue_indirect_dma source(%dma_start3A_432 : memref<10000x128xf32, #tpu.memory_space<hbm>>) target(%dma_start3A_426 : memref<128x128xf32, #tpu.memory_space<vmem>>) offsets(%dma_start3A_429 : memref<128xi32, #tpu.memory_space<vmem>>) semaphore(%arg11 : memref<!tpu.dma_semaphore, #tpu.memory_space<semaphore_mem>>)
      } else {
      }
      %mul3A_355 = arith.constant 2 : i32
      %mul3A_356 = arith.muli %mul3A_355, %scan3A_326 : i32
      %add3A_357 = arith.constant 1 : i32
      %add3A_358 = arith.addi %mul3A_356, %add3A_357 : i32
      %dma_wait3A_359 = arith.constant 0 : i32
      %dma_wait3A_360 = arith.constant 1 : i32
      %dma_wait3A_361 = arith.constant 0 : i32
      %dma_wait3A_362 = arith.constant 0 : i32
      %dma_wait3A_363 = tpu.memref_slice %arg9[%dma_wait3A_360, %dma_wait3A_361, %dma_wait3A_362] : memref<2x128x128xf32, #tpu.memory_space<vmem>> -> memref<1x128x128xf32, #tpu.memory_space<vmem>>
      %dma_wait3A_364 = tpu.memref_squeeze %dma_wait3A_363 : memref<1x128x128xf32, #tpu.memory_space<vmem>> -> memref<128x128xf32, #tpu.memory_space<vmem>>
      %dma_wait3A_365 = arith.constant 0 : i32
      %dma_wait3A_366 = tpu.memref_slice %arg7[%dma_wait3A_359, %add3A_358, %dma_wait3A_365] : memref<2x16x128xi32, #tpu.memory_space<vmem>> -> memref<1x1x128xi32, #tpu.memory_space<vmem>>
      %dma_wait3A_367 = tpu.memref_squeeze %dma_wait3A_366 : memref<1x1x128xi32, #tpu.memory_space<vmem>> -> memref<128xi32, #tpu.memory_space<vmem>>
      %dma_wait3A_368 = arith.constant 0 : i32
      %dma_wait3A_369 = arith.constant 0 : i32
      %dma_wait3A_370 = tpu.memref_slice %arg2[%dma_wait3A_368, %dma_wait3A_369] : memref<10000x128xf32, #tpu.memory_space<hbm>> -> memref<10000x128xf32, #tpu.memory_space<hbm>>
      tpu.wait_indirect_dma semaphore(%arg12 : memref<!tpu.dma_semaphore, #tpu.memory_space<semaphore_mem>>) src(%dma_wait3A_370 : memref<10000x128xf32, #tpu.memory_space<hbm>>) dst(%dma_wait3A_364 : memref<128x128xf32, #tpu.memory_space<vmem>>)
      %run_scoped3A_371 = arith.constant 1 : i32
      %run_scoped3A_372 = arith.constant 0 : i32
      "tpu.region"() ({
        %run_scoped3A_386 = tpu.sem_alloc : memref<!tpu.dma_semaphore, #tpu.memory_space<semaphore_mem>>
        %dma_start3A_387 = arith.constant 0 : i32
        %dma_start3A_388 = arith.constant 0 : i32
        %dma_start3A_389 = tpu.memref_slice %arg9[%run_scoped3A_371, %dma_start3A_387, %dma_start3A_388] : memref<2x128x128xf32, #tpu.memory_space<vmem>> -> memref<1x128x128xf32, #tpu.memory_space<vmem>>
        %dma_start3A_390 = tpu.memref_squeeze %dma_start3A_389 : memref<1x128x128xf32, #tpu.memory_space<vmem>> -> memref<128x128xf32, #tpu.memory_space<vmem>>
        %dma_start3A_391 = arith.constant 0 : i32
        %dma_start3A_392 = tpu.memref_slice %arg8[%run_scoped3A_372, %add3A_358, %dma_start3A_391] : memref<2x16x128xi32, #tpu.memory_space<vmem>> -> memref<1x1x128xi32, #tpu.memory_space<vmem>>
        %dma_start3A_393 = tpu.memref_squeeze %dma_start3A_392 : memref<1x1x128xi32, #tpu.memory_space<vmem>> -> memref<128xi32, #tpu.memory_space<vmem>>
        %dma_start3A_394 = arith.constant 0 : i32
        %dma_start3A_395 = arith.constant 0 : i32
        %dma_start3A_396 = tpu.memref_slice %arg10[%dma_start3A_394, %dma_start3A_395] : memref<10240x128xf32, #tpu.memory_space<vmem_shared>> -> memref<10240x128xf32, #tpu.memory_space<vmem_shared>>
        tpu.enqueue_indirect_dma source(%dma_start3A_390 : memref<128x128xf32, #tpu.memory_space<vmem>>) target(%dma_start3A_396 : memref<10240x128xf32, #tpu.memory_space<vmem_shared>>) offsets(%dma_start3A_393 : memref<128xi32, #tpu.memory_space<vmem>>) semaphore(%run_scoped3A_386 : memref<!tpu.dma_semaphore, #tpu.memory_space<semaphore_mem>>) {add = true}
        %dma_wait3A_397 = arith.constant 0 : i32
        %dma_wait3A_398 = arith.constant 0 : i32
        %dma_wait3A_399 = tpu.memref_slice %arg9[%run_scoped3A_371, %dma_wait3A_397, %dma_wait3A_398] : memref<2x128x128xf32, #tpu.memory_space<vmem>> -> memref<1x128x128xf32, #tpu.memory_space<vmem>>
        %dma_wait3A_400 = tpu.memref_squeeze %dma_wait3A_399 : memref<1x128x128xf32, #tpu.memory_space<vmem>> -> memref<128x128xf32, #tpu.memory_space<vmem>>
        %dma_wait3A_401 = arith.constant 0 : i32
        %dma_wait3A_402 = tpu.memref_slice %arg8[%run_scoped3A_372, %add3A_358, %dma_wait3A_401] : memref<2x16x128xi32, #tpu.memory_space<vmem>> -> memref<1x1x128xi32, #tpu.memory_space<vmem>>
        %dma_wait3A_403 = tpu.memref_squeeze %dma_wait3A_402 : memref<1x1x128xi32, #tpu.memory_space<vmem>> -> memref<128xi32, #tpu.memory_space<vmem>>
        %dma_wait3A_404 = arith.constant 0 : i32
        %dma_wait3A_405 = arith.constant 0 : i32
        %dma_wait3A_406 = tpu.memref_slice %arg10[%dma_wait3A_404, %dma_wait3A_405] : memref<10240x128xf32, #tpu.memory_space<vmem_shared>> -> memref<10240x128xf32, #tpu.memory_space<vmem_shared>>
        tpu.wait_indirect_dma semaphore(%run_scoped3A_386 : memref<!tpu.dma_semaphore, #tpu.memory_space<semaphore_mem>>) src(%dma_wait3A_400 : memref<128x128xf32, #tpu.memory_space<vmem>>) dst(%dma_wait3A_406 : memref<10240x128xf32, #tpu.memory_space<vmem_shared>>)
        tpu.yield
      }) : () -> ()
      %run_scoped3A_373 = arith.constant 0 : i32
      "tpu.region"() ({
        %run_scoped3A_386 = tpu.sem_alloc : memref<!tpu.dma_semaphore, #tpu.memory_space<semaphore_mem>>
        %dma_start3A_387 = arith.constant 0 : i32
        %dma_start3A_388 = tpu.memref_slice %arg8[%run_scoped3A_373, %add3A_358, %dma_start3A_387] : memref<2x16x128xi32, #tpu.memory_space<vmem>> -> memref<1x1x128xi32, #tpu.memory_space<vmem>>
        %dma_start3A_389 = tpu.memref_squeeze %dma_start3A_388 : memref<1x1x128xi32, #tpu.memory_space<vmem>> -> memref<128xi32, #tpu.memory_space<vmem>>
        %dma_start3A_390 = arith.constant 0 : i32
        %dma_start3A_391 = tpu.memref_slice %arg17[%dma_start3A_390] : memref<10240xf32, #tpu.memory_space<vmem_shared>> -> memref<10240xf32, #tpu.memory_space<vmem_shared>>
        tpu.enqueue_indirect_dma source(%arg15 : memref<128xf32, #tpu.memory_space<vmem>>) target(%dma_start3A_391 : memref<10240xf32, #tpu.memory_space<vmem_shared>>) offsets(%dma_start3A_389 : memref<128xi32, #tpu.memory_space<vmem>>) semaphore(%run_scoped3A_386 : memref<!tpu.dma_semaphore, #tpu.memory_space<semaphore_mem>>) {add = true}
        %dma_wait3A_392 = arith.constant 0 : i32
        %dma_wait3A_393 = tpu.memref_slice %arg8[%run_scoped3A_373, %add3A_358, %dma_wait3A_392] : memref<2x16x128xi32, #tpu.memory_space<vmem>> -> memref<1x1x128xi32, #tpu.memory_space<vmem>>
        %dma_wait3A_394 = tpu.memref_squeeze %dma_wait3A_393 : memref<1x1x128xi32, #tpu.memory_space<vmem>> -> memref<128xi32, #tpu.memory_space<vmem>>
        %dma_wait3A_395 = arith.constant 0 : i32
        %dma_wait3A_396 = tpu.memref_slice %arg17[%dma_wait3A_395] : memref<10240xf32, #tpu.memory_space<vmem_shared>> -> memref<10240xf32, #tpu.memory_space<vmem_shared>>
        tpu.wait_indirect_dma semaphore(%run_scoped3A_386 : memref<!tpu.dma_semaphore, #tpu.memory_space<semaphore_mem>>) src(%arg15 : memref<128xf32, #tpu.memory_space<vmem>>) dst(%dma_wait3A_396 : memref<10240xf32, #tpu.memory_space<vmem_shared>>)
        tpu.yield
      }) : () -> ()
      %add3A_374 = arith.constant 2 : i32
      %add3A_375 = arith.addi %add3A_358, %add3A_374 : i32
      %lt3A_376 = arith.constant 16 : i32
      %lt3A_377 = arith.cmpi slt, %add3A_375, %lt3A_376 : i32
      %convert_element_type3A_378 = arith.extui %lt3A_377 : i1 to i32
      %cond3A_379 = arith.constant 0 : i32
      %cond3A_380 = arith.cmpi ne, %convert_element_type3A_378, %cond3A_379 : i32
      scf.if %cond3A_380 {
        %dma_start3A_386 = arith.constant 0 : i32
        %dma_start3A_387 = arith.constant 1 : i32
        %dma_start3A_388 = arith.constant 0 : i32
        %dma_start3A_389 = arith.constant 0 : i32
        %dma_start3A_390 = tpu.memref_slice %arg9[%dma_start3A_387, %dma_start3A_388, %dma_start3A_389] : memref<2x128x128xf32, #tpu.memory_space<vmem>> -> memref<1x128x128xf32, #tpu.memory_space<vmem>>
        %dma_start3A_391 = tpu.memref_squeeze %dma_start3A_390 : memref<1x128x128xf32, #tpu.memory_space<vmem>> -> memref<128x128xf32, #tpu.memory_space<vmem>>
        %dma_start3A_392 = arith.constant 0 : i32
        %dma_start3A_393 = tpu.memref_slice %arg7[%dma_start3A_386, %add3A_375, %dma_start3A_392] : memref<2x16x128xi32, #tpu.memory_space<vmem>> -> memref<1x1x128xi32, #tpu.memory_space<vmem>>
        %dma_start3A_394 = tpu.memref_squeeze %dma_start3A_393 : memref<1x1x128xi32, #tpu.memory_space<vmem>> -> memref<128xi32, #tpu.memory_space<vmem>>
        %dma_start3A_395 = arith.constant 0 : i32
        %dma_start3A_396 = arith.constant 0 : i32
        %dma_start3A_397 = tpu.memref_slice %arg2[%dma_start3A_395, %dma_start3A_396] : memref<10000x128xf32, #tpu.memory_space<hbm>> -> memref<10000x128xf32, #tpu.memory_space<hbm>>
        tpu.enqueue_indirect_dma source(%dma_start3A_397 : memref<10000x128xf32, #tpu.memory_space<hbm>>) target(%dma_start3A_391 : memref<128x128xf32, #tpu.memory_space<vmem>>) offsets(%dma_start3A_394 : memref<128xi32, #tpu.memory_space<vmem>>) semaphore(%arg12 : memref<!tpu.dma_semaphore, #tpu.memory_space<semaphore_mem>>)
      } else {
      }
      %ge3A_381 = arith.constant 16 : i32
      %ge3A_382 = arith.cmpi sge, %add3A_375, %ge3A_381 : i32
      %convert_element_type3A_383 = arith.extui %ge3A_382 : i1 to i32
      %cond3A_384 = arith.constant 0 : i32
      %cond3A_385 = arith.cmpi ne, %convert_element_type3A_383, %cond3A_384 : i32
      scf.if %cond3A_385 {
        %dma_start3A_386 = arith.constant 1 : i32
        %dma_start3A_387 = arith.constant 1 : i32
        %dma_start3A_388 = arith.constant 1 : i32
        %dma_start3A_389 = arith.constant 0 : i32
        %dma_start3A_390 = arith.constant 0 : i32
        %dma_start3A_391 = tpu.memref_slice %arg9[%dma_start3A_388, %dma_start3A_389, %dma_start3A_390] : memref<2x128x128xf32, #tpu.memory_space<vmem>> -> memref<1x128x128xf32, #tpu.memory_space<vmem>>
        %dma_start3A_392 = tpu.memref_squeeze %dma_start3A_391 : memref<1x128x128xf32, #tpu.memory_space<vmem>> -> memref<128x128xf32, #tpu.memory_space<vmem>>
        %dma_start3A_393 = arith.constant 0 : i32
        %dma_start3A_394 = tpu.memref_slice %arg7[%dma_start3A_386, %dma_start3A_387, %dma_start3A_393] : memref<2x16x128xi32, #tpu.memory_space<vmem>> -> memref<1x1x128xi32, #tpu.memory_space<vmem>>
        %dma_start3A_395 = tpu.memref_squeeze %dma_start3A_394 : memref<1x1x128xi32, #tpu.memory_space<vmem>> -> memref<128xi32, #tpu.memory_space<vmem>>
        %dma_start3A_396 = arith.constant 0 : i32
        %dma_start3A_397 = arith.constant 0 : i32
        %dma_start3A_398 = tpu.memref_slice %arg2[%dma_start3A_396, %dma_start3A_397] : memref<10000x128xf32, #tpu.memory_space<hbm>> -> memref<10000x128xf32, #tpu.memory_space<hbm>>
        tpu.enqueue_indirect_dma source(%dma_start3A_398 : memref<10000x128xf32, #tpu.memory_space<hbm>>) target(%dma_start3A_392 : memref<128x128xf32, #tpu.memory_space<vmem>>) offsets(%dma_start3A_395 : memref<128xi32, #tpu.memory_space<vmem>>) semaphore(%arg12 : memref<!tpu.dma_semaphore, #tpu.memory_space<semaphore_mem>>)
      } else {
      }
    }
    %scan3A_193 = arith.constant 8 : i32
    %dma_start3A_194 = arith.constant 0 : i32
    %dma_start3A_195 = arith.constant 0 : i32
    %dma_start3A_196 = arith.constant 0 : i32
    %dma_start3A_197 = tpu.memref_slice %arg7[%dma_start3A_194, %dma_start3A_195, %dma_start3A_196] : memref<2x16x128xi32, #tpu.memory_space<vmem>> -> memref<1x16x128xi32, #tpu.memory_space<vmem>>
    %dma_start3A_198 = tpu.memref_squeeze %dma_start3A_197 : memref<1x16x128xi32, #tpu.memory_space<vmem>> -> memref<16x128xi32, #tpu.memory_space<vmem>>
    %dma_start3A_199 = arith.constant 32 : i32
    %dma_start3A_200 = arith.constant 0 : i32
    %dma_start3A_201 = tpu.memref_slice %arg3[%add3A, %dma_start3A_199, %dma_start3A_200] : memref<32x80x128xi32, #tpu.memory_space<hbm>> -> memref<1x16x128xi32, #tpu.memory_space<hbm>>
    %dma_start3A_202 = tpu.memref_squeeze %dma_start3A_201 : memref<1x16x128xi32, #tpu.memory_space<hbm>> -> memref<16x128xi32, #tpu.memory_space<hbm>>
    %dma_start3A_203 = arith.constant 0 : i32
    %dma_start3A_204 = arith.constant 0 : i32
    %dma_start3A_205 = tpu.memref_slice %arg7[%dma_start3A_194, %dma_start3A_203, %dma_start3A_204] : memref<2x16x128xi32, #tpu.memory_space<vmem>> -> memref<1x16x128xi32, #tpu.memory_space<vmem>>
    %dma_start3A_206 = tpu.memref_squeeze %dma_start3A_205 : memref<1x16x128xi32, #tpu.memory_space<vmem>> -> memref<16x128xi32, #tpu.memory_space<vmem>>
    %dma_start3A_207 = arith.constant 32 : i32
    %dma_start3A_208 = arith.constant 0 : i32
    %dma_start3A_209 = tpu.memref_slice %arg3[%add3A, %dma_start3A_207, %dma_start3A_208] : memref<32x80x128xi32, #tpu.memory_space<hbm>> -> memref<1x16x128xi32, #tpu.memory_space<hbm>>
    %dma_start3A_210 = tpu.memref_squeeze %dma_start3A_209 : memref<1x16x128xi32, #tpu.memory_space<hbm>> -> memref<16x128xi32, #tpu.memory_space<hbm>>
    tpu.enqueue_dma source(%dma_start3A_210 : memref<16x128xi32, #tpu.memory_space<hbm>>) target(%dma_start3A_206 : memref<16x128xi32, #tpu.memory_space<vmem>>) target_semaphore(%arg13 : memref<!tpu.dma_semaphore, #tpu.memory_space<semaphore_mem>>)
    %dma_start3A_211 = arith.constant 0 : i32
    %dma_start3A_212 = arith.constant 0 : i32
    %dma_start3A_213 = arith.constant 0 : i32
    %dma_start3A_214 = tpu.memref_slice %arg8[%dma_start3A_211, %dma_start3A_212, %dma_start3A_213] : memref<2x16x128xi32, #tpu.memory_space<vmem>> -> memref<1x16x128xi32, #tpu.memory_space<vmem>>
    %dma_start3A_215 = tpu.memref_squeeze %dma_start3A_214 : memref<1x16x128xi32, #tpu.memory_space<vmem>> -> memref<16x128xi32, #tpu.memory_space<vmem>>
    %dma_start3A_216 = arith.constant 32 : i32
    %dma_start3A_217 = arith.constant 0 : i32
    %dma_start3A_218 = tpu.memref_slice %arg4[%add3A, %dma_start3A_216, %dma_start3A_217] : memref<32x80x128xi32, #tpu.memory_space<hbm>> -> memref<1x16x128xi32, #tpu.memory_space<hbm>>
    %dma_start3A_219 = tpu.memref_squeeze %dma_start3A_218 : memref<1x16x128xi32, #tpu.memory_space<hbm>> -> memref<16x128xi32, #tpu.memory_space<hbm>>
    %dma_start3A_220 = arith.constant 0 : i32
    %dma_start3A_221 = arith.constant 0 : i32
    %dma_start3A_222 = tpu.memref_slice %arg8[%dma_start3A_211, %dma_start3A_220, %dma_start3A_221] : memref<2x16x128xi32, #tpu.memory_space<vmem>> -> memref<1x16x128xi32, #tpu.memory_space<vmem>>
    %dma_start3A_223 = tpu.memref_squeeze %dma_start3A_222 : memref<1x16x128xi32, #tpu.memory_space<vmem>> -> memref<16x128xi32, #tpu.memory_space<vmem>>
    %dma_start3A_224 = arith.constant 32 : i32
    %dma_start3A_225 = arith.constant 0 : i32
    %dma_start3A_226 = tpu.memref_slice %arg4[%add3A, %dma_start3A_224, %dma_start3A_225] : memref<32x80x128xi32, #tpu.memory_space<hbm>> -> memref<1x16x128xi32, #tpu.memory_space<hbm>>
    %dma_start3A_227 = tpu.memref_squeeze %dma_start3A_226 : memref<1x16x128xi32, #tpu.memory_space<hbm>> -> memref<16x128xi32, #tpu.memory_space<hbm>>
    tpu.enqueue_dma source(%dma_start3A_227 : memref<16x128xi32, #tpu.memory_space<hbm>>) target(%dma_start3A_223 : memref<16x128xi32, #tpu.memory_space<vmem>>) target_semaphore(%arg13 : memref<!tpu.dma_semaphore, #tpu.memory_space<semaphore_mem>>)
    %scan3A_228 = arith.constant 0 : i32
    %scan3A_229 = arith.constant 0 : i32
    %scan3A_230 = arith.constant 8 : i32
    %scan3A_231 = arith.addi %scan3A_229, %scan3A_230 : i32
    %scan3A_232 = arith.constant 1 : i32
    scf.for %scan3A_326 = %scan3A_229 to %scan3A_231 step %scan3A_232  : i32 {
      %mul3A_327 = arith.constant 2 : i32
      %mul3A_328 = arith.muli %mul3A_327, %scan3A_326 : i32
      %add3A_329 = arith.constant 0 : i32
      %add3A_330 = arith.addi %mul3A_328, %add3A_329 : i32
      %dma_wait3A_331 = arith.constant 1 : i32
      %dma_wait3A_332 = arith.constant 0 : i32
      %dma_wait3A_333 = arith.constant 0 : i32
      %dma_wait3A_334 = arith.constant 0 : i32
      %dma_wait3A_335 = tpu.memref_slice %arg9[%dma_wait3A_332, %dma_wait3A_333, %dma_wait3A_334] : memref<2x128x128xf32, #tpu.memory_space<vmem>> -> memref<1x128x128xf32, #tpu.memory_space<vmem>>
      %dma_wait3A_336 = tpu.memref_squeeze %dma_wait3A_335 : memref<1x128x128xf32, #tpu.memory_space<vmem>> -> memref<128x128xf32, #tpu.memory_space<vmem>>
      %dma_wait3A_337 = arith.constant 0 : i32
      %dma_wait3A_338 = tpu.memref_slice %arg7[%dma_wait3A_331, %add3A_330, %dma_wait3A_337] : memref<2x16x128xi32, #tpu.memory_space<vmem>> -> memref<1x1x128xi32, #tpu.memory_space<vmem>>
      %dma_wait3A_339 = tpu.memref_squeeze %dma_wait3A_338 : memref<1x1x128xi32, #tpu.memory_space<vmem>> -> memref<128xi32, #tpu.memory_space<vmem>>
      %dma_wait3A_340 = arith.constant 0 : i32
      %dma_wait3A_341 = arith.constant 0 : i32
      %dma_wait3A_342 = tpu.memref_slice %arg2[%dma_wait3A_340, %dma_wait3A_341] : memref<10000x128xf32, #tpu.memory_space<hbm>> -> memref<10000x128xf32, #tpu.memory_space<hbm>>
      tpu.wait_indirect_dma semaphore(%arg11 : memref<!tpu.dma_semaphore, #tpu.memory_space<semaphore_mem>>) src(%dma_wait3A_342 : memref<10000x128xf32, #tpu.memory_space<hbm>>) dst(%dma_wait3A_336 : memref<128x128xf32, #tpu.memory_space<vmem>>)
      %run_scoped3A = arith.constant 0 : i32
      %run_scoped3A_343 = arith.constant 1 : i32
      "tpu.region"() ({
        %run_scoped3A_386 = tpu.sem_alloc : memref<!tpu.dma_semaphore, #tpu.memory_space<semaphore_mem>>
        %dma_start3A_387 = arith.constant 0 : i32
        %dma_start3A_388 = arith.constant 0 : i32
        %dma_start3A_389 = tpu.memref_slice %arg9[%run_scoped3A, %dma_start3A_387, %dma_start3A_388] : memref<2x128x128xf32, #tpu.memory_space<vmem>> -> memref<1x128x128xf32, #tpu.memory_space<vmem>>
        %dma_start3A_390 = tpu.memref_squeeze %dma_start3A_389 : memref<1x128x128xf32, #tpu.memory_space<vmem>> -> memref<128x128xf32, #tpu.memory_space<vmem>>
        %dma_start3A_391 = arith.constant 0 : i32
        %dma_start3A_392 = tpu.memref_slice %arg8[%run_scoped3A_343, %add3A_330, %dma_start3A_391] : memref<2x16x128xi32, #tpu.memory_space<vmem>> -> memref<1x1x128xi32, #tpu.memory_space<vmem>>
        %dma_start3A_393 = tpu.memref_squeeze %dma_start3A_392 : memref<1x1x128xi32, #tpu.memory_space<vmem>> -> memref<128xi32, #tpu.memory_space<vmem>>
        %dma_start3A_394 = arith.constant 0 : i32
        %dma_start3A_395 = arith.constant 0 : i32
        %dma_start3A_396 = tpu.memref_slice %arg10[%dma_start3A_394, %dma_start3A_395] : memref<10240x128xf32, #tpu.memory_space<vmem_shared>> -> memref<10240x128xf32, #tpu.memory_space<vmem_shared>>
        tpu.enqueue_indirect_dma source(%dma_start3A_390 : memref<128x128xf32, #tpu.memory_space<vmem>>) target(%dma_start3A_396 : memref<10240x128xf32, #tpu.memory_space<vmem_shared>>) offsets(%dma_start3A_393 : memref<128xi32, #tpu.memory_space<vmem>>) semaphore(%run_scoped3A_386 : memref<!tpu.dma_semaphore, #tpu.memory_space<semaphore_mem>>) {add = true}
        %dma_wait3A_397 = arith.constant 0 : i32
        %dma_wait3A_398 = arith.constant 0 : i32
        %dma_wait3A_399 = tpu.memref_slice %arg9[%run_scoped3A, %dma_wait3A_397, %dma_wait3A_398] : memref<2x128x128xf32, #tpu.memory_space<vmem>> -> memref<1x128x128xf32, #tpu.memory_space<vmem>>
        %dma_wait3A_400 = tpu.memref_squeeze %dma_wait3A_399 : memref<1x128x128xf32, #tpu.memory_space<vmem>> -> memref<128x128xf32, #tpu.memory_space<vmem>>
        %dma_wait3A_401 = arith.constant 0 : i32
        %dma_wait3A_402 = tpu.memref_slice %arg8[%run_scoped3A_343, %add3A_330, %dma_wait3A_401] : memref<2x16x128xi32, #tpu.memory_space<vmem>> -> memref<1x1x128xi32, #tpu.memory_space<vmem>>
        %dma_wait3A_403 = tpu.memref_squeeze %dma_wait3A_402 : memref<1x1x128xi32, #tpu.memory_space<vmem>> -> memref<128xi32, #tpu.memory_space<vmem>>
        %dma_wait3A_404 = arith.constant 0 : i32
        %dma_wait3A_405 = arith.constant 0 : i32
        %dma_wait3A_406 = tpu.memref_slice %arg10[%dma_wait3A_404, %dma_wait3A_405] : memref<10240x128xf32, #tpu.memory_space<vmem_shared>> -> memref<10240x128xf32, #tpu.memory_space<vmem_shared>>
        tpu.wait_indirect_dma semaphore(%run_scoped3A_386 : memref<!tpu.dma_semaphore, #tpu.memory_space<semaphore_mem>>) src(%dma_wait3A_400 : memref<128x128xf32, #tpu.memory_space<vmem>>) dst(%dma_wait3A_406 : memref<10240x128xf32, #tpu.memory_space<vmem_shared>>)
        tpu.yield
      }) : () -> ()
      %run_scoped3A_344 = arith.constant 1 : i32
      "tpu.region"() ({
        %run_scoped3A_386 = tpu.sem_alloc : memref<!tpu.dma_semaphore, #tpu.memory_space<semaphore_mem>>
        %dma_start3A_387 = arith.constant 0 : i32
        %dma_start3A_388 = tpu.memref_slice %arg8[%run_scoped3A_344, %add3A_330, %dma_start3A_387] : memref<2x16x128xi32, #tpu.memory_space<vmem>> -> memref<1x1x128xi32, #tpu.memory_space<vmem>>
        %dma_start3A_389 = tpu.memref_squeeze %dma_start3A_388 : memref<1x1x128xi32, #tpu.memory_space<vmem>> -> memref<128xi32, #tpu.memory_space<vmem>>
        %dma_start3A_390 = arith.constant 0 : i32
        %dma_start3A_391 = tpu.memref_slice %arg17[%dma_start3A_390] : memref<10240xf32, #tpu.memory_space<vmem_shared>> -> memref<10240xf32, #tpu.memory_space<vmem_shared>>
        tpu.enqueue_indirect_dma source(%arg15 : memref<128xf32, #tpu.memory_space<vmem>>) target(%dma_start3A_391 : memref<10240xf32, #tpu.memory_space<vmem_shared>>) offsets(%dma_start3A_389 : memref<128xi32, #tpu.memory_space<vmem>>) semaphore(%run_scoped3A_386 : memref<!tpu.dma_semaphore, #tpu.memory_space<semaphore_mem>>) {add = true}
        %dma_wait3A_392 = arith.constant 0 : i32
        %dma_wait3A_393 = tpu.memref_slice %arg8[%run_scoped3A_344, %add3A_330, %dma_wait3A_392] : memref<2x16x128xi32, #tpu.memory_space<vmem>> -> memref<1x1x128xi32, #tpu.memory_space<vmem>>
        %dma_wait3A_394 = tpu.memref_squeeze %dma_wait3A_393 : memref<1x1x128xi32, #tpu.memory_space<vmem>> -> memref<128xi32, #tpu.memory_space<vmem>>
        %dma_wait3A_395 = arith.constant 0 : i32
        %dma_wait3A_396 = tpu.memref_slice %arg17[%dma_wait3A_395] : memref<10240xf32, #tpu.memory_space<vmem_shared>> -> memref<10240xf32, #tpu.memory_space<vmem_shared>>
        tpu.wait_indirect_dma semaphore(%run_scoped3A_386 : memref<!tpu.dma_semaphore, #tpu.memory_space<semaphore_mem>>) src(%arg15 : memref<128xf32, #tpu.memory_space<vmem>>) dst(%dma_wait3A_396 : memref<10240xf32, #tpu.memory_space<vmem_shared>>)
        tpu.yield
      }) : () -> ()
      %add3A_345 = arith.constant 2 : i32
      %add3A_346 = arith.addi %add3A_330, %add3A_345 : i32
      %lt3A = arith.constant 16 : i32
      %lt3A_347 = arith.cmpi slt, %add3A_346, %lt3A : i32
      %convert_element_type3A_348 = arith.extui %lt3A_347 : i1 to i32
      %cond3A_349 = arith.constant 0 : i32
      %cond3A_350 = arith.cmpi ne, %convert_element_type3A_348, %cond3A_349 : i32
      scf.if %cond3A_350 {
        %dma_start3A_386 = arith.constant 1 : i32
        %dma_start3A_387 = arith.constant 0 : i32
        %dma_start3A_388 = arith.constant 0 : i32
        %dma_start3A_389 = arith.constant 0 : i32
        %dma_start3A_390 = tpu.memref_slice %arg9[%dma_start3A_387, %dma_start3A_388, %dma_start3A_389] : memref<2x128x128xf32, #tpu.memory_space<vmem>> -> memref<1x128x128xf32, #tpu.memory_space<vmem>>
        %dma_start3A_391 = tpu.memref_squeeze %dma_start3A_390 : memref<1x128x128xf32, #tpu.memory_space<vmem>> -> memref<128x128xf32, #tpu.memory_space<vmem>>
        %dma_start3A_392 = arith.constant 0 : i32
        %dma_start3A_393 = tpu.memref_slice %arg7[%dma_start3A_386, %add3A_346, %dma_start3A_392] : memref<2x16x128xi32, #tpu.memory_space<vmem>> -> memref<1x1x128xi32, #tpu.memory_space<vmem>>
        %dma_start3A_394 = tpu.memref_squeeze %dma_start3A_393 : memref<1x1x128xi32, #tpu.memory_space<vmem>> -> memref<128xi32, #tpu.memory_space<vmem>>
        %dma_start3A_395 = arith.constant 0 : i32
        %dma_start3A_396 = arith.constant 0 : i32
        %dma_start3A_397 = tpu.memref_slice %arg2[%dma_start3A_395, %dma_start3A_396] : memref<10000x128xf32, #tpu.memory_space<hbm>> -> memref<10000x128xf32, #tpu.memory_space<hbm>>
        tpu.enqueue_indirect_dma source(%dma_start3A_397 : memref<10000x128xf32, #tpu.memory_space<hbm>>) target(%dma_start3A_391 : memref<128x128xf32, #tpu.memory_space<vmem>>) offsets(%dma_start3A_394 : memref<128xi32, #tpu.memory_space<vmem>>) semaphore(%arg11 : memref<!tpu.dma_semaphore, #tpu.memory_space<semaphore_mem>>)
      } else {
      }
      %ge3A = arith.constant 16 : i32
      %ge3A_351 = arith.cmpi sge, %add3A_346, %ge3A : i32
      %convert_element_type3A_352 = arith.extui %ge3A_351 : i1 to i32
      %cond3A_353 = arith.constant 0 : i32
      %cond3A_354 = arith.cmpi ne, %convert_element_type3A_352, %cond3A_353 : i32
      scf.if %cond3A_354 {
        %dma_wait3A_386 = arith.constant 0 : i32
        %dma_wait3A_387 = arith.constant 0 : i32
        %dma_wait3A_388 = arith.constant 0 : i32
        %dma_wait3A_389 = tpu.memref_slice %arg7[%dma_wait3A_386, %dma_wait3A_387, %dma_wait3A_388] : memref<2x16x128xi32, #tpu.memory_space<vmem>> -> memref<1x16x128xi32, #tpu.memory_space<vmem>>
        %dma_wait3A_390 = tpu.memref_squeeze %dma_wait3A_389 : memref<1x16x128xi32, #tpu.memory_space<vmem>> -> memref<16x128xi32, #tpu.memory_space<vmem>>
        %dma_wait3A_391 = arith.constant 32 : i32
        %dma_wait3A_392 = arith.constant 0 : i32
        %dma_wait3A_393 = tpu.memref_slice %arg3[%add3A, %dma_wait3A_391, %dma_wait3A_392] : memref<32x80x128xi32, #tpu.memory_space<hbm>> -> memref<1x16x128xi32, #tpu.memory_space<hbm>>
        %dma_wait3A_394 = tpu.memref_squeeze %dma_wait3A_393 : memref<1x16x128xi32, #tpu.memory_space<hbm>> -> memref<16x128xi32, #tpu.memory_space<hbm>>
        %dma_wait3A_395 = arith.constant 0 : i32
        %dma_wait3A_396 = arith.constant 0 : i32
        %dma_wait3A_397 = tpu.memref_slice %arg7[%dma_wait3A_386, %dma_wait3A_395, %dma_wait3A_396] : memref<2x16x128xi32, #tpu.memory_space<vmem>> -> memref<1x16x128xi32, #tpu.memory_space<vmem>>
        %dma_wait3A_398 = tpu.memref_squeeze %dma_wait3A_397 : memref<1x16x128xi32, #tpu.memory_space<vmem>> -> memref<16x128xi32, #tpu.memory_space<vmem>>
        %dma_wait3A_399 = arith.constant 32 : i32
        %dma_wait3A_400 = arith.constant 0 : i32
        %dma_wait3A_401 = tpu.memref_slice %arg3[%add3A, %dma_wait3A_399, %dma_wait3A_400] : memref<32x80x128xi32, #tpu.memory_space<hbm>> -> memref<1x16x128xi32, #tpu.memory_space<hbm>>
        %dma_wait3A_402 = tpu.memref_squeeze %dma_wait3A_401 : memref<1x16x128xi32, #tpu.memory_space<hbm>> -> memref<16x128xi32, #tpu.memory_space<hbm>>
        tpu.wait_dma2 semaphore(%arg13 : memref<!tpu.dma_semaphore, #tpu.memory_space<semaphore_mem>>) src(%dma_wait3A_402 : memref<16x128xi32, #tpu.memory_space<hbm>>) dst(%dma_wait3A_398 : memref<16x128xi32, #tpu.memory_space<vmem>>)
        %dma_wait3A_403 = arith.constant 0 : i32
        %dma_wait3A_404 = arith.constant 0 : i32
        %dma_wait3A_405 = arith.constant 0 : i32
        %dma_wait3A_406 = tpu.memref_slice %arg8[%dma_wait3A_403, %dma_wait3A_404, %dma_wait3A_405] : memref<2x16x128xi32, #tpu.memory_space<vmem>> -> memref<1x16x128xi32, #tpu.memory_space<vmem>>
        %dma_wait3A_407 = tpu.memref_squeeze %dma_wait3A_406 : memref<1x16x128xi32, #tpu.memory_space<vmem>> -> memref<16x128xi32, #tpu.memory_space<vmem>>
        %dma_wait3A_408 = arith.constant 32 : i32
        %dma_wait3A_409 = arith.constant 0 : i32
        %dma_wait3A_410 = tpu.memref_slice %arg4[%add3A, %dma_wait3A_408, %dma_wait3A_409] : memref<32x80x128xi32, #tpu.memory_space<hbm>> -> memref<1x16x128xi32, #tpu.memory_space<hbm>>
        %dma_wait3A_411 = tpu.memref_squeeze %dma_wait3A_410 : memref<1x16x128xi32, #tpu.memory_space<hbm>> -> memref<16x128xi32, #tpu.memory_space<hbm>>
        %dma_wait3A_412 = arith.constant 0 : i32
        %dma_wait3A_413 = arith.constant 0 : i32
        %dma_wait3A_414 = tpu.memref_slice %arg8[%dma_wait3A_403, %dma_wait3A_412, %dma_wait3A_413] : memref<2x16x128xi32, #tpu.memory_space<vmem>> -> memref<1x16x128xi32, #tpu.memory_space<vmem>>
        %dma_wait3A_415 = tpu.memref_squeeze %dma_wait3A_414 : memref<1x16x128xi32, #tpu.memory_space<vmem>> -> memref<16x128xi32, #tpu.memory_space<vmem>>
        %dma_wait3A_416 = arith.constant 32 : i32
        %dma_wait3A_417 = arith.constant 0 : i32
        %dma_wait3A_418 = tpu.memref_slice %arg4[%add3A, %dma_wait3A_416, %dma_wait3A_417] : memref<32x80x128xi32, #tpu.memory_space<hbm>> -> memref<1x16x128xi32, #tpu.memory_space<hbm>>
        %dma_wait3A_419 = tpu.memref_squeeze %dma_wait3A_418 : memref<1x16x128xi32, #tpu.memory_space<hbm>> -> memref<16x128xi32, #tpu.memory_space<hbm>>
        tpu.wait_dma2 semaphore(%arg13 : memref<!tpu.dma_semaphore, #tpu.memory_space<semaphore_mem>>) src(%dma_wait3A_419 : memref<16x128xi32, #tpu.memory_space<hbm>>) dst(%dma_wait3A_415 : memref<16x128xi32, #tpu.memory_space<vmem>>)
        %dma_start3A_420 = arith.constant 0 : i32
        %dma_start3A_421 = arith.constant 0 : i32
        %dma_start3A_422 = arith.constant 0 : i32
        %dma_start3A_423 = arith.constant 0 : i32
        %dma_start3A_424 = arith.constant 0 : i32
        %dma_start3A_425 = tpu.memref_slice %arg9[%dma_start3A_422, %dma_start3A_423, %dma_start3A_424] : memref<2x128x128xf32, #tpu.memory_space<vmem>> -> memref<1x128x128xf32, #tpu.memory_space<vmem>>
        %dma_start3A_426 = tpu.memref_squeeze %dma_start3A_425 : memref<1x128x128xf32, #tpu.memory_space<vmem>> -> memref<128x128xf32, #tpu.memory_space<vmem>>
        %dma_start3A_427 = arith.constant 0 : i32
        %dma_start3A_428 = tpu.memref_slice %arg7[%dma_start3A_420, %dma_start3A_421, %dma_start3A_427] : memref<2x16x128xi32, #tpu.memory_space<vmem>> -> memref<1x1x128xi32, #tpu.memory_space<vmem>>
        %dma_start3A_429 = tpu.memref_squeeze %dma_start3A_428 : memref<1x1x128xi32, #tpu.memory_space<vmem>> -> memref<128xi32, #tpu.memory_space<vmem>>
        %dma_start3A_430 = arith.constant 0 : i32
        %dma_start3A_431 = arith.constant 0 : i32
        %dma_start3A_432 = tpu.memref_slice %arg2[%dma_start3A_430, %dma_start3A_431] : memref<10000x128xf32, #tpu.memory_space<hbm>> -> memref<10000x128xf32, #tpu.memory_space<hbm>>
        tpu.enqueue_indirect_dma source(%dma_start3A_432 : memref<10000x128xf32, #tpu.memory_space<hbm>>) target(%dma_start3A_426 : memref<128x128xf32, #tpu.memory_space<vmem>>) offsets(%dma_start3A_429 : memref<128xi32, #tpu.memory_space<vmem>>) semaphore(%arg11 : memref<!tpu.dma_semaphore, #tpu.memory_space<semaphore_mem>>)
      } else {
      }
      %mul3A_355 = arith.constant 2 : i32
      %mul3A_356 = arith.muli %mul3A_355, %scan3A_326 : i32
      %add3A_357 = arith.constant 1 : i32
      %add3A_358 = arith.addi %mul3A_356, %add3A_357 : i32
      %dma_wait3A_359 = arith.constant 1 : i32
      %dma_wait3A_360 = arith.constant 1 : i32
      %dma_wait3A_361 = arith.constant 0 : i32
      %dma_wait3A_362 = arith.constant 0 : i32
      %dma_wait3A_363 = tpu.memref_slice %arg9[%dma_wait3A_360, %dma_wait3A_361, %dma_wait3A_362] : memref<2x128x128xf32, #tpu.memory_space<vmem>> -> memref<1x128x128xf32, #tpu.memory_space<vmem>>
      %dma_wait3A_364 = tpu.memref_squeeze %dma_wait3A_363 : memref<1x128x128xf32, #tpu.memory_space<vmem>> -> memref<128x128xf32, #tpu.memory_space<vmem>>
      %dma_wait3A_365 = arith.constant 0 : i32
      %dma_wait3A_366 = tpu.memref_slice %arg7[%dma_wait3A_359, %add3A_358, %dma_wait3A_365] : memref<2x16x128xi32, #tpu.memory_space<vmem>> -> memref<1x1x128xi32, #tpu.memory_space<vmem>>
      %dma_wait3A_367 = tpu.memref_squeeze %dma_wait3A_366 : memref<1x1x128xi32, #tpu.memory_space<vmem>> -> memref<128xi32, #tpu.memory_space<vmem>>
      %dma_wait3A_368 = arith.constant 0 : i32
      %dma_wait3A_369 = arith.constant 0 : i32
      %dma_wait3A_370 = tpu.memref_slice %arg2[%dma_wait3A_368, %dma_wait3A_369] : memref<10000x128xf32, #tpu.memory_space<hbm>> -> memref<10000x128xf32, #tpu.memory_space<hbm>>
      tpu.wait_indirect_dma semaphore(%arg12 : memref<!tpu.dma_semaphore, #tpu.memory_space<semaphore_mem>>) src(%dma_wait3A_370 : memref<10000x128xf32, #tpu.memory_space<hbm>>) dst(%dma_wait3A_364 : memref<128x128xf32, #tpu.memory_space<vmem>>)
      %run_scoped3A_371 = arith.constant 1 : i32
      %run_scoped3A_372 = arith.constant 1 : i32
      "tpu.region"() ({
        %run_scoped3A_386 = tpu.sem_alloc : memref<!tpu.dma_semaphore, #tpu.memory_space<semaphore_mem>>
        %dma_start3A_387 = arith.constant 0 : i32
        %dma_start3A_388 = arith.constant 0 : i32
        %dma_start3A_389 = tpu.memref_slice %arg9[%run_scoped3A_371, %dma_start3A_387, %dma_start3A_388] : memref<2x128x128xf32, #tpu.memory_space<vmem>> -> memref<1x128x128xf32, #tpu.memory_space<vmem>>
        %dma_start3A_390 = tpu.memref_squeeze %dma_start3A_389 : memref<1x128x128xf32, #tpu.memory_space<vmem>> -> memref<128x128xf32, #tpu.memory_space<vmem>>
        %dma_start3A_391 = arith.constant 0 : i32
        %dma_start3A_392 = tpu.memref_slice %arg8[%run_scoped3A_372, %add3A_358, %dma_start3A_391] : memref<2x16x128xi32, #tpu.memory_space<vmem>> -> memref<1x1x128xi32, #tpu.memory_space<vmem>>
        %dma_start3A_393 = tpu.memref_squeeze %dma_start3A_392 : memref<1x1x128xi32, #tpu.memory_space<vmem>> -> memref<128xi32, #tpu.memory_space<vmem>>
        %dma_start3A_394 = arith.constant 0 : i32
        %dma_start3A_395 = arith.constant 0 : i32
        %dma_start3A_396 = tpu.memref_slice %arg10[%dma_start3A_394, %dma_start3A_395] : memref<10240x128xf32, #tpu.memory_space<vmem_shared>> -> memref<10240x128xf32, #tpu.memory_space<vmem_shared>>
        tpu.enqueue_indirect_dma source(%dma_start3A_390 : memref<128x128xf32, #tpu.memory_space<vmem>>) target(%dma_start3A_396 : memref<10240x128xf32, #tpu.memory_space<vmem_shared>>) offsets(%dma_start3A_393 : memref<128xi32, #tpu.memory_space<vmem>>) semaphore(%run_scoped3A_386 : memref<!tpu.dma_semaphore, #tpu.memory_space<semaphore_mem>>) {add = true}
        %dma_wait3A_397 = arith.constant 0 : i32
        %dma_wait3A_398 = arith.constant 0 : i32
        %dma_wait3A_399 = tpu.memref_slice %arg9[%run_scoped3A_371, %dma_wait3A_397, %dma_wait3A_398] : memref<2x128x128xf32, #tpu.memory_space<vmem>> -> memref<1x128x128xf32, #tpu.memory_space<vmem>>
        %dma_wait3A_400 = tpu.memref_squeeze %dma_wait3A_399 : memref<1x128x128xf32, #tpu.memory_space<vmem>> -> memref<128x128xf32, #tpu.memory_space<vmem>>
        %dma_wait3A_401 = arith.constant 0 : i32
        %dma_wait3A_402 = tpu.memref_slice %arg8[%run_scoped3A_372, %add3A_358, %dma_wait3A_401] : memref<2x16x128xi32, #tpu.memory_space<vmem>> -> memref<1x1x128xi32, #tpu.memory_space<vmem>>
        %dma_wait3A_403 = tpu.memref_squeeze %dma_wait3A_402 : memref<1x1x128xi32, #tpu.memory_space<vmem>> -> memref<128xi32, #tpu.memory_space<vmem>>
        %dma_wait3A_404 = arith.constant 0 : i32
        %dma_wait3A_405 = arith.constant 0 : i32
        %dma_wait3A_406 = tpu.memref_slice %arg10[%dma_wait3A_404, %dma_wait3A_405] : memref<10240x128xf32, #tpu.memory_space<vmem_shared>> -> memref<10240x128xf32, #tpu.memory_space<vmem_shared>>
        tpu.wait_indirect_dma semaphore(%run_scoped3A_386 : memref<!tpu.dma_semaphore, #tpu.memory_space<semaphore_mem>>) src(%dma_wait3A_400 : memref<128x128xf32, #tpu.memory_space<vmem>>) dst(%dma_wait3A_406 : memref<10240x128xf32, #tpu.memory_space<vmem_shared>>)
        tpu.yield
      }) : () -> ()
      %run_scoped3A_373 = arith.constant 1 : i32
      "tpu.region"() ({
        %run_scoped3A_386 = tpu.sem_alloc : memref<!tpu.dma_semaphore, #tpu.memory_space<semaphore_mem>>
        %dma_start3A_387 = arith.constant 0 : i32
        %dma_start3A_388 = tpu.memref_slice %arg8[%run_scoped3A_373, %add3A_358, %dma_start3A_387] : memref<2x16x128xi32, #tpu.memory_space<vmem>> -> memref<1x1x128xi32, #tpu.memory_space<vmem>>
        %dma_start3A_389 = tpu.memref_squeeze %dma_start3A_388 : memref<1x1x128xi32, #tpu.memory_space<vmem>> -> memref<128xi32, #tpu.memory_space<vmem>>
        %dma_start3A_390 = arith.constant 0 : i32
        %dma_start3A_391 = tpu.memref_slice %arg17[%dma_start3A_390] : memref<10240xf32, #tpu.memory_space<vmem_shared>> -> memref<10240xf32, #tpu.memory_space<vmem_shared>>
        tpu.enqueue_indirect_dma source(%arg15 : memref<128xf32, #tpu.memory_space<vmem>>) target(%dma_start3A_391 : memref<10240xf32, #tpu.memory_space<vmem_shared>>) offsets(%dma_start3A_389 : memref<128xi32, #tpu.memory_space<vmem>>) semaphore(%run_scoped3A_386 : memref<!tpu.dma_semaphore, #tpu.memory_space<semaphore_mem>>) {add = true}
        %dma_wait3A_392 = arith.constant 0 : i32
        %dma_wait3A_393 = tpu.memref_slice %arg8[%run_scoped3A_373, %add3A_358, %dma_wait3A_392] : memref<2x16x128xi32, #tpu.memory_space<vmem>> -> memref<1x1x128xi32, #tpu.memory_space<vmem>>
        %dma_wait3A_394 = tpu.memref_squeeze %dma_wait3A_393 : memref<1x1x128xi32, #tpu.memory_space<vmem>> -> memref<128xi32, #tpu.memory_space<vmem>>
        %dma_wait3A_395 = arith.constant 0 : i32
        %dma_wait3A_396 = tpu.memref_slice %arg17[%dma_wait3A_395] : memref<10240xf32, #tpu.memory_space<vmem_shared>> -> memref<10240xf32, #tpu.memory_space<vmem_shared>>
        tpu.wait_indirect_dma semaphore(%run_scoped3A_386 : memref<!tpu.dma_semaphore, #tpu.memory_space<semaphore_mem>>) src(%arg15 : memref<128xf32, #tpu.memory_space<vmem>>) dst(%dma_wait3A_396 : memref<10240xf32, #tpu.memory_space<vmem_shared>>)
        tpu.yield
      }) : () -> ()
      %add3A_374 = arith.constant 2 : i32
      %add3A_375 = arith.addi %add3A_358, %add3A_374 : i32
      %lt3A_376 = arith.constant 16 : i32
      %lt3A_377 = arith.cmpi slt, %add3A_375, %lt3A_376 : i32
      %convert_element_type3A_378 = arith.extui %lt3A_377 : i1 to i32
      %cond3A_379 = arith.constant 0 : i32
      %cond3A_380 = arith.cmpi ne, %convert_element_type3A_378, %cond3A_379 : i32
      scf.if %cond3A_380 {
        %dma_start3A_386 = arith.constant 1 : i32
        %dma_start3A_387 = arith.constant 1 : i32
        %dma_start3A_388 = arith.constant 0 : i32
        %dma_start3A_389 = arith.constant 0 : i32
        %dma_start3A_390 = tpu.memref_slice %arg9[%dma_start3A_387, %dma_start3A_388, %dma_start3A_389] : memref<2x128x128xf32, #tpu.memory_space<vmem>> -> memref<1x128x128xf32, #tpu.memory_space<vmem>>
        %dma_start3A_391 = tpu.memref_squeeze %dma_start3A_390 : memref<1x128x128xf32, #tpu.memory_space<vmem>> -> memref<128x128xf32, #tpu.memory_space<vmem>>
        %dma_start3A_392 = arith.constant 0 : i32
        %dma_start3A_393 = tpu.memref_slice %arg7[%dma_start3A_386, %add3A_375, %dma_start3A_392] : memref<2x16x128xi32, #tpu.memory_space<vmem>> -> memref<1x1x128xi32, #tpu.memory_space<vmem>>
        %dma_start3A_394 = tpu.memref_squeeze %dma_start3A_393 : memref<1x1x128xi32, #tpu.memory_space<vmem>> -> memref<128xi32, #tpu.memory_space<vmem>>
        %dma_start3A_395 = arith.constant 0 : i32
        %dma_start3A_396 = arith.constant 0 : i32
        %dma_start3A_397 = tpu.memref_slice %arg2[%dma_start3A_395, %dma_start3A_396] : memref<10000x128xf32, #tpu.memory_space<hbm>> -> memref<10000x128xf32, #tpu.memory_space<hbm>>
        tpu.enqueue_indirect_dma source(%dma_start3A_397 : memref<10000x128xf32, #tpu.memory_space<hbm>>) target(%dma_start3A_391 : memref<128x128xf32, #tpu.memory_space<vmem>>) offsets(%dma_start3A_394 : memref<128xi32, #tpu.memory_space<vmem>>) semaphore(%arg12 : memref<!tpu.dma_semaphore, #tpu.memory_space<semaphore_mem>>)
      } else {
      }
      %ge3A_381 = arith.constant 16 : i32
      %ge3A_382 = arith.cmpi sge, %add3A_375, %ge3A_381 : i32
      %convert_element_type3A_383 = arith.extui %ge3A_382 : i1 to i32
      %cond3A_384 = arith.constant 0 : i32
      %cond3A_385 = arith.cmpi ne, %convert_element_type3A_383, %cond3A_384 : i32
      scf.if %cond3A_385 {
        %dma_start3A_386 = arith.constant 0 : i32
        %dma_start3A_387 = arith.constant 1 : i32
        %dma_start3A_388 = arith.constant 1 : i32
        %dma_start3A_389 = arith.constant 0 : i32
        %dma_start3A_390 = arith.constant 0 : i32
        %dma_start3A_391 = tpu.memref_slice %arg9[%dma_start3A_388, %dma_start3A_389, %dma_start3A_390] : memref<2x128x128xf32, #tpu.memory_space<vmem>> -> memref<1x128x128xf32, #tpu.memory_space<vmem>>
        %dma_start3A_392 = tpu.memref_squeeze %dma_start3A_391 : memref<1x128x128xf32, #tpu.memory_space<vmem>> -> memref<128x128xf32, #tpu.memory_space<vmem>>
        %dma_start3A_393 = arith.constant 0 : i32
        %dma_start3A_394 = tpu.memref_slice %arg7[%dma_start3A_386, %dma_start3A_387, %dma_start3A_393] : memref<2x16x128xi32, #tpu.memory_space<vmem>> -> memref<1x1x128xi32, #tpu.memory_space<vmem>>
        %dma_start3A_395 = tpu.memref_squeeze %dma_start3A_394 : memref<1x1x128xi32, #tpu.memory_space<vmem>> -> memref<128xi32, #tpu.memory_space<vmem>>
        %dma_start3A_396 = arith.constant 0 : i32
        %dma_start3A_397 = arith.constant 0 : i32
        %dma_start3A_398 = tpu.memref_slice %arg2[%dma_start3A_396, %dma_start3A_397] : memref<10000x128xf32, #tpu.memory_space<hbm>> -> memref<10000x128xf32, #tpu.memory_space<hbm>>
        tpu.enqueue_indirect_dma source(%dma_start3A_398 : memref<10000x128xf32, #tpu.memory_space<hbm>>) target(%dma_start3A_392 : memref<128x128xf32, #tpu.memory_space<vmem>>) offsets(%dma_start3A_395 : memref<128xi32, #tpu.memory_space<vmem>>) semaphore(%arg12 : memref<!tpu.dma_semaphore, #tpu.memory_space<semaphore_mem>>)
      } else {
      }
    }
    %scan3A_233 = arith.constant 8 : i32
    %dma_start3A_234 = arith.constant 1 : i32
    %dma_start3A_235 = arith.constant 0 : i32
    %dma_start3A_236 = arith.constant 0 : i32
    %dma_start3A_237 = tpu.memref_slice %arg7[%dma_start3A_234, %dma_start3A_235, %dma_start3A_236] : memref<2x16x128xi32, #tpu.memory_space<vmem>> -> memref<1x16x128xi32, #tpu.memory_space<vmem>>
    %dma_start3A_238 = tpu.memref_squeeze %dma_start3A_237 : memref<1x16x128xi32, #tpu.memory_space<vmem>> -> memref<16x128xi32, #tpu.memory_space<vmem>>
    %dma_start3A_239 = arith.constant 48 : i32
    %dma_start3A_240 = arith.constant 0 : i32
    %dma_start3A_241 = tpu.memref_slice %arg3[%add3A, %dma_start3A_239, %dma_start3A_240] : memref<32x80x128xi32, #tpu.memory_space<hbm>> -> memref<1x16x128xi32, #tpu.memory_space<hbm>>
    %dma_start3A_242 = tpu.memref_squeeze %dma_start3A_241 : memref<1x16x128xi32, #tpu.memory_space<hbm>> -> memref<16x128xi32, #tpu.memory_space<hbm>>
    %dma_start3A_243 = arith.constant 0 : i32
    %dma_start3A_244 = arith.constant 0 : i32
    %dma_start3A_245 = tpu.memref_slice %arg7[%dma_start3A_234, %dma_start3A_243, %dma_start3A_244] : memref<2x16x128xi32, #tpu.memory_space<vmem>> -> memref<1x16x128xi32, #tpu.memory_space<vmem>>
    %dma_start3A_246 = tpu.memref_squeeze %dma_start3A_245 : memref<1x16x128xi32, #tpu.memory_space<vmem>> -> memref<16x128xi32, #tpu.memory_space<vmem>>
    %dma_start3A_247 = arith.constant 48 : i32
    %dma_start3A_248 = arith.constant 0 : i32
    %dma_start3A_249 = tpu.memref_slice %arg3[%add3A, %dma_start3A_247, %dma_start3A_248] : memref<32x80x128xi32, #tpu.memory_space<hbm>> -> memref<1x16x128xi32, #tpu.memory_space<hbm>>
    %dma_start3A_250 = tpu.memref_squeeze %dma_start3A_249 : memref<1x16x128xi32, #tpu.memory_space<hbm>> -> memref<16x128xi32, #tpu.memory_space<hbm>>
    tpu.enqueue_dma source(%dma_start3A_250 : memref<16x128xi32, #tpu.memory_space<hbm>>) target(%dma_start3A_246 : memref<16x128xi32, #tpu.memory_space<vmem>>) target_semaphore(%arg14 : memref<!tpu.dma_semaphore, #tpu.memory_space<semaphore_mem>>)
    %dma_start3A_251 = arith.constant 1 : i32
    %dma_start3A_252 = arith.constant 0 : i32
    %dma_start3A_253 = arith.constant 0 : i32
    %dma_start3A_254 = tpu.memref_slice %arg8[%dma_start3A_251, %dma_start3A_252, %dma_start3A_253] : memref<2x16x128xi32, #tpu.memory_space<vmem>> -> memref<1x16x128xi32, #tpu.memory_space<vmem>>
    %dma_start3A_255 = tpu.memref_squeeze %dma_start3A_254 : memref<1x16x128xi32, #tpu.memory_space<vmem>> -> memref<16x128xi32, #tpu.memory_space<vmem>>
    %dma_start3A_256 = arith.constant 48 : i32
    %dma_start3A_257 = arith.constant 0 : i32
    %dma_start3A_258 = tpu.memref_slice %arg4[%add3A, %dma_start3A_256, %dma_start3A_257] : memref<32x80x128xi32, #tpu.memory_space<hbm>> -> memref<1x16x128xi32, #tpu.memory_space<hbm>>
    %dma_start3A_259 = tpu.memref_squeeze %dma_start3A_258 : memref<1x16x128xi32, #tpu.memory_space<hbm>> -> memref<16x128xi32, #tpu.memory_space<hbm>>
    %dma_start3A_260 = arith.constant 0 : i32
    %dma_start3A_261 = arith.constant 0 : i32
    %dma_start3A_262 = tpu.memref_slice %arg8[%dma_start3A_251, %dma_start3A_260, %dma_start3A_261] : memref<2x16x128xi32, #tpu.memory_space<vmem>> -> memref<1x16x128xi32, #tpu.memory_space<vmem>>
    %dma_start3A_263 = tpu.memref_squeeze %dma_start3A_262 : memref<1x16x128xi32, #tpu.memory_space<vmem>> -> memref<16x128xi32, #tpu.memory_space<vmem>>
    %dma_start3A_264 = arith.constant 48 : i32
    %dma_start3A_265 = arith.constant 0 : i32
    %dma_start3A_266 = tpu.memref_slice %arg4[%add3A, %dma_start3A_264, %dma_start3A_265] : memref<32x80x128xi32, #tpu.memory_space<hbm>> -> memref<1x16x128xi32, #tpu.memory_space<hbm>>
    %dma_start3A_267 = tpu.memref_squeeze %dma_start3A_266 : memref<1x16x128xi32, #tpu.memory_space<hbm>> -> memref<16x128xi32, #tpu.memory_space<hbm>>
    tpu.enqueue_dma source(%dma_start3A_267 : memref<16x128xi32, #tpu.memory_space<hbm>>) target(%dma_start3A_263 : memref<16x128xi32, #tpu.memory_space<vmem>>) target_semaphore(%arg14 : memref<!tpu.dma_semaphore, #tpu.memory_space<semaphore_mem>>)
    %scan3A_268 = arith.constant 0 : i32
    %scan3A_269 = arith.constant 0 : i32
    %scan3A_270 = arith.constant 8 : i32
    %scan3A_271 = arith.addi %scan3A_269, %scan3A_270 : i32
    %scan3A_272 = arith.constant 1 : i32
    scf.for %scan3A_326 = %scan3A_269 to %scan3A_271 step %scan3A_272  : i32 {
      %mul3A_327 = arith.constant 2 : i32
      %mul3A_328 = arith.muli %mul3A_327, %scan3A_326 : i32
      %add3A_329 = arith.constant 0 : i32
      %add3A_330 = arith.addi %mul3A_328, %add3A_329 : i32
      %dma_wait3A_331 = arith.constant 0 : i32
      %dma_wait3A_332 = arith.constant 0 : i32
      %dma_wait3A_333 = arith.constant 0 : i32
      %dma_wait3A_334 = arith.constant 0 : i32
      %dma_wait3A_335 = tpu.memref_slice %arg9[%dma_wait3A_332, %dma_wait3A_333, %dma_wait3A_334] : memref<2x128x128xf32, #tpu.memory_space<vmem>> -> memref<1x128x128xf32, #tpu.memory_space<vmem>>
      %dma_wait3A_336 = tpu.memref_squeeze %dma_wait3A_335 : memref<1x128x128xf32, #tpu.memory_space<vmem>> -> memref<128x128xf32, #tpu.memory_space<vmem>>
      %dma_wait3A_337 = arith.constant 0 : i32
      %dma_wait3A_338 = tpu.memref_slice %arg7[%dma_wait3A_331, %add3A_330, %dma_wait3A_337] : memref<2x16x128xi32, #tpu.memory_space<vmem>> -> memref<1x1x128xi32, #tpu.memory_space<vmem>>
      %dma_wait3A_339 = tpu.memref_squeeze %dma_wait3A_338 : memref<1x1x128xi32, #tpu.memory_space<vmem>> -> memref<128xi32, #tpu.memory_space<vmem>>
      %dma_wait3A_340 = arith.constant 0 : i32
      %dma_wait3A_341 = arith.constant 0 : i32
      %dma_wait3A_342 = tpu.memref_slice %arg2[%dma_wait3A_340, %dma_wait3A_341] : memref<10000x128xf32, #tpu.memory_space<hbm>> -> memref<10000x128xf32, #tpu.memory_space<hbm>>
      tpu.wait_indirect_dma semaphore(%arg11 : memref<!tpu.dma_semaphore, #tpu.memory_space<semaphore_mem>>) src(%dma_wait3A_342 : memref<10000x128xf32, #tpu.memory_space<hbm>>) dst(%dma_wait3A_336 : memref<128x128xf32, #tpu.memory_space<vmem>>)
      %run_scoped3A = arith.constant 0 : i32
      %run_scoped3A_343 = arith.constant 0 : i32
      "tpu.region"() ({
        %run_scoped3A_386 = tpu.sem_alloc : memref<!tpu.dma_semaphore, #tpu.memory_space<semaphore_mem>>
        %dma_start3A_387 = arith.constant 0 : i32
        %dma_start3A_388 = arith.constant 0 : i32
        %dma_start3A_389 = tpu.memref_slice %arg9[%run_scoped3A, %dma_start3A_387, %dma_start3A_388] : memref<2x128x128xf32, #tpu.memory_space<vmem>> -> memref<1x128x128xf32, #tpu.memory_space<vmem>>
        %dma_start3A_390 = tpu.memref_squeeze %dma_start3A_389 : memref<1x128x128xf32, #tpu.memory_space<vmem>> -> memref<128x128xf32, #tpu.memory_space<vmem>>
        %dma_start3A_391 = arith.constant 0 : i32
        %dma_start3A_392 = tpu.memref_slice %arg8[%run_scoped3A_343, %add3A_330, %dma_start3A_391] : memref<2x16x128xi32, #tpu.memory_space<vmem>> -> memref<1x1x128xi32, #tpu.memory_space<vmem>>
        %dma_start3A_393 = tpu.memref_squeeze %dma_start3A_392 : memref<1x1x128xi32, #tpu.memory_space<vmem>> -> memref<128xi32, #tpu.memory_space<vmem>>
        %dma_start3A_394 = arith.constant 0 : i32
        %dma_start3A_395 = arith.constant 0 : i32
        %dma_start3A_396 = tpu.memref_slice %arg10[%dma_start3A_394, %dma_start3A_395] : memref<10240x128xf32, #tpu.memory_space<vmem_shared>> -> memref<10240x128xf32, #tpu.memory_space<vmem_shared>>
        tpu.enqueue_indirect_dma source(%dma_start3A_390 : memref<128x128xf32, #tpu.memory_space<vmem>>) target(%dma_start3A_396 : memref<10240x128xf32, #tpu.memory_space<vmem_shared>>) offsets(%dma_start3A_393 : memref<128xi32, #tpu.memory_space<vmem>>) semaphore(%run_scoped3A_386 : memref<!tpu.dma_semaphore, #tpu.memory_space<semaphore_mem>>) {add = true}
        %dma_wait3A_397 = arith.constant 0 : i32
        %dma_wait3A_398 = arith.constant 0 : i32
        %dma_wait3A_399 = tpu.memref_slice %arg9[%run_scoped3A, %dma_wait3A_397, %dma_wait3A_398] : memref<2x128x128xf32, #tpu.memory_space<vmem>> -> memref<1x128x128xf32, #tpu.memory_space<vmem>>
        %dma_wait3A_400 = tpu.memref_squeeze %dma_wait3A_399 : memref<1x128x128xf32, #tpu.memory_space<vmem>> -> memref<128x128xf32, #tpu.memory_space<vmem>>
        %dma_wait3A_401 = arith.constant 0 : i32
        %dma_wait3A_402 = tpu.memref_slice %arg8[%run_scoped3A_343, %add3A_330, %dma_wait3A_401] : memref<2x16x128xi32, #tpu.memory_space<vmem>> -> memref<1x1x128xi32, #tpu.memory_space<vmem>>
        %dma_wait3A_403 = tpu.memref_squeeze %dma_wait3A_402 : memref<1x1x128xi32, #tpu.memory_space<vmem>> -> memref<128xi32, #tpu.memory_space<vmem>>
        %dma_wait3A_404 = arith.constant 0 : i32
        %dma_wait3A_405 = arith.constant 0 : i32
        %dma_wait3A_406 = tpu.memref_slice %arg10[%dma_wait3A_404, %dma_wait3A_405] : memref<10240x128xf32, #tpu.memory_space<vmem_shared>> -> memref<10240x128xf32, #tpu.memory_space<vmem_shared>>
        tpu.wait_indirect_dma semaphore(%run_scoped3A_386 : memref<!tpu.dma_semaphore, #tpu.memory_space<semaphore_mem>>) src(%dma_wait3A_400 : memref<128x128xf32, #tpu.memory_space<vmem>>) dst(%dma_wait3A_406 : memref<10240x128xf32, #tpu.memory_space<vmem_shared>>)
        tpu.yield
      }) : () -> ()
      %run_scoped3A_344 = arith.constant 0 : i32
      "tpu.region"() ({
        %run_scoped3A_386 = tpu.sem_alloc : memref<!tpu.dma_semaphore, #tpu.memory_space<semaphore_mem>>
        %dma_start3A_387 = arith.constant 0 : i32
        %dma_start3A_388 = tpu.memref_slice %arg8[%run_scoped3A_344, %add3A_330, %dma_start3A_387] : memref<2x16x128xi32, #tpu.memory_space<vmem>> -> memref<1x1x128xi32, #tpu.memory_space<vmem>>
        %dma_start3A_389 = tpu.memref_squeeze %dma_start3A_388 : memref<1x1x128xi32, #tpu.memory_space<vmem>> -> memref<128xi32, #tpu.memory_space<vmem>>
        %dma_start3A_390 = arith.constant 0 : i32
        %dma_start3A_391 = tpu.memref_slice %arg17[%dma_start3A_390] : memref<10240xf32, #tpu.memory_space<vmem_shared>> -> memref<10240xf32, #tpu.memory_space<vmem_shared>>
        tpu.enqueue_indirect_dma source(%arg15 : memref<128xf32, #tpu.memory_space<vmem>>) target(%dma_start3A_391 : memref<10240xf32, #tpu.memory_space<vmem_shared>>) offsets(%dma_start3A_389 : memref<128xi32, #tpu.memory_space<vmem>>) semaphore(%run_scoped3A_386 : memref<!tpu.dma_semaphore, #tpu.memory_space<semaphore_mem>>) {add = true}
        %dma_wait3A_392 = arith.constant 0 : i32
        %dma_wait3A_393 = tpu.memref_slice %arg8[%run_scoped3A_344, %add3A_330, %dma_wait3A_392] : memref<2x16x128xi32, #tpu.memory_space<vmem>> -> memref<1x1x128xi32, #tpu.memory_space<vmem>>
        %dma_wait3A_394 = tpu.memref_squeeze %dma_wait3A_393 : memref<1x1x128xi32, #tpu.memory_space<vmem>> -> memref<128xi32, #tpu.memory_space<vmem>>
        %dma_wait3A_395 = arith.constant 0 : i32
        %dma_wait3A_396 = tpu.memref_slice %arg17[%dma_wait3A_395] : memref<10240xf32, #tpu.memory_space<vmem_shared>> -> memref<10240xf32, #tpu.memory_space<vmem_shared>>
        tpu.wait_indirect_dma semaphore(%run_scoped3A_386 : memref<!tpu.dma_semaphore, #tpu.memory_space<semaphore_mem>>) src(%arg15 : memref<128xf32, #tpu.memory_space<vmem>>) dst(%dma_wait3A_396 : memref<10240xf32, #tpu.memory_space<vmem_shared>>)
        tpu.yield
      }) : () -> ()
      %add3A_345 = arith.constant 2 : i32
      %add3A_346 = arith.addi %add3A_330, %add3A_345 : i32
      %lt3A = arith.constant 16 : i32
      %lt3A_347 = arith.cmpi slt, %add3A_346, %lt3A : i32
      %convert_element_type3A_348 = arith.extui %lt3A_347 : i1 to i32
      %cond3A_349 = arith.constant 0 : i32
      %cond3A_350 = arith.cmpi ne, %convert_element_type3A_348, %cond3A_349 : i32
      scf.if %cond3A_350 {
        %dma_start3A_386 = arith.constant 0 : i32
        %dma_start3A_387 = arith.constant 0 : i32
        %dma_start3A_388 = arith.constant 0 : i32
        %dma_start3A_389 = arith.constant 0 : i32
        %dma_start3A_390 = tpu.memref_slice %arg9[%dma_start3A_387, %dma_start3A_388, %dma_start3A_389] : memref<2x128x128xf32, #tpu.memory_space<vmem>> -> memref<1x128x128xf32, #tpu.memory_space<vmem>>
        %dma_start3A_391 = tpu.memref_squeeze %dma_start3A_390 : memref<1x128x128xf32, #tpu.memory_space<vmem>> -> memref<128x128xf32, #tpu.memory_space<vmem>>
        %dma_start3A_392 = arith.constant 0 : i32
        %dma_start3A_393 = tpu.memref_slice %arg7[%dma_start3A_386, %add3A_346, %dma_start3A_392] : memref<2x16x128xi32, #tpu.memory_space<vmem>> -> memref<1x1x128xi32, #tpu.memory_space<vmem>>
        %dma_start3A_394 = tpu.memref_squeeze %dma_start3A_393 : memref<1x1x128xi32, #tpu.memory_space<vmem>> -> memref<128xi32, #tpu.memory_space<vmem>>
        %dma_start3A_395 = arith.constant 0 : i32
        %dma_start3A_396 = arith.constant 0 : i32
        %dma_start3A_397 = tpu.memref_slice %arg2[%dma_start3A_395, %dma_start3A_396] : memref<10000x128xf32, #tpu.memory_space<hbm>> -> memref<10000x128xf32, #tpu.memory_space<hbm>>
        tpu.enqueue_indirect_dma source(%dma_start3A_397 : memref<10000x128xf32, #tpu.memory_space<hbm>>) target(%dma_start3A_391 : memref<128x128xf32, #tpu.memory_space<vmem>>) offsets(%dma_start3A_394 : memref<128xi32, #tpu.memory_space<vmem>>) semaphore(%arg11 : memref<!tpu.dma_semaphore, #tpu.memory_space<semaphore_mem>>)
      } else {
      }
      %ge3A = arith.constant 16 : i32
      %ge3A_351 = arith.cmpi sge, %add3A_346, %ge3A : i32
      %convert_element_type3A_352 = arith.extui %ge3A_351 : i1 to i32
      %cond3A_353 = arith.constant 0 : i32
      %cond3A_354 = arith.cmpi ne, %convert_element_type3A_352, %cond3A_353 : i32
      scf.if %cond3A_354 {
        %dma_wait3A_386 = arith.constant 1 : i32
        %dma_wait3A_387 = arith.constant 0 : i32
        %dma_wait3A_388 = arith.constant 0 : i32
        %dma_wait3A_389 = tpu.memref_slice %arg7[%dma_wait3A_386, %dma_wait3A_387, %dma_wait3A_388] : memref<2x16x128xi32, #tpu.memory_space<vmem>> -> memref<1x16x128xi32, #tpu.memory_space<vmem>>
        %dma_wait3A_390 = tpu.memref_squeeze %dma_wait3A_389 : memref<1x16x128xi32, #tpu.memory_space<vmem>> -> memref<16x128xi32, #tpu.memory_space<vmem>>
        %dma_wait3A_391 = arith.constant 48 : i32
        %dma_wait3A_392 = arith.constant 0 : i32
        %dma_wait3A_393 = tpu.memref_slice %arg3[%add3A, %dma_wait3A_391, %dma_wait3A_392] : memref<32x80x128xi32, #tpu.memory_space<hbm>> -> memref<1x16x128xi32, #tpu.memory_space<hbm>>
        %dma_wait3A_394 = tpu.memref_squeeze %dma_wait3A_393 : memref<1x16x128xi32, #tpu.memory_space<hbm>> -> memref<16x128xi32, #tpu.memory_space<hbm>>
        %dma_wait3A_395 = arith.constant 0 : i32
        %dma_wait3A_396 = arith.constant 0 : i32
        %dma_wait3A_397 = tpu.memref_slice %arg7[%dma_wait3A_386, %dma_wait3A_395, %dma_wait3A_396] : memref<2x16x128xi32, #tpu.memory_space<vmem>> -> memref<1x16x128xi32, #tpu.memory_space<vmem>>
        %dma_wait3A_398 = tpu.memref_squeeze %dma_wait3A_397 : memref<1x16x128xi32, #tpu.memory_space<vmem>> -> memref<16x128xi32, #tpu.memory_space<vmem>>
        %dma_wait3A_399 = arith.constant 48 : i32
        %dma_wait3A_400 = arith.constant 0 : i32
        %dma_wait3A_401 = tpu.memref_slice %arg3[%add3A, %dma_wait3A_399, %dma_wait3A_400] : memref<32x80x128xi32, #tpu.memory_space<hbm>> -> memref<1x16x128xi32, #tpu.memory_space<hbm>>
        %dma_wait3A_402 = tpu.memref_squeeze %dma_wait3A_401 : memref<1x16x128xi32, #tpu.memory_space<hbm>> -> memref<16x128xi32, #tpu.memory_space<hbm>>
        tpu.wait_dma2 semaphore(%arg14 : memref<!tpu.dma_semaphore, #tpu.memory_space<semaphore_mem>>) src(%dma_wait3A_402 : memref<16x128xi32, #tpu.memory_space<hbm>>) dst(%dma_wait3A_398 : memref<16x128xi32, #tpu.memory_space<vmem>>)
        %dma_wait3A_403 = arith.constant 1 : i32
        %dma_wait3A_404 = arith.constant 0 : i32
        %dma_wait3A_405 = arith.constant 0 : i32
        %dma_wait3A_406 = tpu.memref_slice %arg8[%dma_wait3A_403, %dma_wait3A_404, %dma_wait3A_405] : memref<2x16x128xi32, #tpu.memory_space<vmem>> -> memref<1x16x128xi32, #tpu.memory_space<vmem>>
        %dma_wait3A_407 = tpu.memref_squeeze %dma_wait3A_406 : memref<1x16x128xi32, #tpu.memory_space<vmem>> -> memref<16x128xi32, #tpu.memory_space<vmem>>
        %dma_wait3A_408 = arith.constant 48 : i32
        %dma_wait3A_409 = arith.constant 0 : i32
        %dma_wait3A_410 = tpu.memref_slice %arg4[%add3A, %dma_wait3A_408, %dma_wait3A_409] : memref<32x80x128xi32, #tpu.memory_space<hbm>> -> memref<1x16x128xi32, #tpu.memory_space<hbm>>
        %dma_wait3A_411 = tpu.memref_squeeze %dma_wait3A_410 : memref<1x16x128xi32, #tpu.memory_space<hbm>> -> memref<16x128xi32, #tpu.memory_space<hbm>>
        %dma_wait3A_412 = arith.constant 0 : i32
        %dma_wait3A_413 = arith.constant 0 : i32
        %dma_wait3A_414 = tpu.memref_slice %arg8[%dma_wait3A_403, %dma_wait3A_412, %dma_wait3A_413] : memref<2x16x128xi32, #tpu.memory_space<vmem>> -> memref<1x16x128xi32, #tpu.memory_space<vmem>>
        %dma_wait3A_415 = tpu.memref_squeeze %dma_wait3A_414 : memref<1x16x128xi32, #tpu.memory_space<vmem>> -> memref<16x128xi32, #tpu.memory_space<vmem>>
        %dma_wait3A_416 = arith.constant 48 : i32
        %dma_wait3A_417 = arith.constant 0 : i32
        %dma_wait3A_418 = tpu.memref_slice %arg4[%add3A, %dma_wait3A_416, %dma_wait3A_417] : memref<32x80x128xi32, #tpu.memory_space<hbm>> -> memref<1x16x128xi32, #tpu.memory_space<hbm>>
        %dma_wait3A_419 = tpu.memref_squeeze %dma_wait3A_418 : memref<1x16x128xi32, #tpu.memory_space<hbm>> -> memref<16x128xi32, #tpu.memory_space<hbm>>
        tpu.wait_dma2 semaphore(%arg14 : memref<!tpu.dma_semaphore, #tpu.memory_space<semaphore_mem>>) src(%dma_wait3A_419 : memref<16x128xi32, #tpu.memory_space<hbm>>) dst(%dma_wait3A_415 : memref<16x128xi32, #tpu.memory_space<vmem>>)
        %dma_start3A_420 = arith.constant 1 : i32
        %dma_start3A_421 = arith.constant 0 : i32
        %dma_start3A_422 = arith.constant 0 : i32
        %dma_start3A_423 = arith.constant 0 : i32
        %dma_start3A_424 = arith.constant 0 : i32
        %dma_start3A_425 = tpu.memref_slice %arg9[%dma_start3A_422, %dma_start3A_423, %dma_start3A_424] : memref<2x128x128xf32, #tpu.memory_space<vmem>> -> memref<1x128x128xf32, #tpu.memory_space<vmem>>
        %dma_start3A_426 = tpu.memref_squeeze %dma_start3A_425 : memref<1x128x128xf32, #tpu.memory_space<vmem>> -> memref<128x128xf32, #tpu.memory_space<vmem>>
        %dma_start3A_427 = arith.constant 0 : i32
        %dma_start3A_428 = tpu.memref_slice %arg7[%dma_start3A_420, %dma_start3A_421, %dma_start3A_427] : memref<2x16x128xi32, #tpu.memory_space<vmem>> -> memref<1x1x128xi32, #tpu.memory_space<vmem>>
        %dma_start3A_429 = tpu.memref_squeeze %dma_start3A_428 : memref<1x1x128xi32, #tpu.memory_space<vmem>> -> memref<128xi32, #tpu.memory_space<vmem>>
        %dma_start3A_430 = arith.constant 0 : i32
        %dma_start3A_431 = arith.constant 0 : i32
        %dma_start3A_432 = tpu.memref_slice %arg2[%dma_start3A_430, %dma_start3A_431] : memref<10000x128xf32, #tpu.memory_space<hbm>> -> memref<10000x128xf32, #tpu.memory_space<hbm>>
        tpu.enqueue_indirect_dma source(%dma_start3A_432 : memref<10000x128xf32, #tpu.memory_space<hbm>>) target(%dma_start3A_426 : memref<128x128xf32, #tpu.memory_space<vmem>>) offsets(%dma_start3A_429 : memref<128xi32, #tpu.memory_space<vmem>>) semaphore(%arg11 : memref<!tpu.dma_semaphore, #tpu.memory_space<semaphore_mem>>)
      } else {
      }
      %mul3A_355 = arith.constant 2 : i32
      %mul3A_356 = arith.muli %mul3A_355, %scan3A_326 : i32
      %add3A_357 = arith.constant 1 : i32
      %add3A_358 = arith.addi %mul3A_356, %add3A_357 : i32
      %dma_wait3A_359 = arith.constant 0 : i32
      %dma_wait3A_360 = arith.constant 1 : i32
      %dma_wait3A_361 = arith.constant 0 : i32
      %dma_wait3A_362 = arith.constant 0 : i32
      %dma_wait3A_363 = tpu.memref_slice %arg9[%dma_wait3A_360, %dma_wait3A_361, %dma_wait3A_362] : memref<2x128x128xf32, #tpu.memory_space<vmem>> -> memref<1x128x128xf32, #tpu.memory_space<vmem>>
      %dma_wait3A_364 = tpu.memref_squeeze %dma_wait3A_363 : memref<1x128x128xf32, #tpu.memory_space<vmem>> -> memref<128x128xf32, #tpu.memory_space<vmem>>
      %dma_wait3A_365 = arith.constant 0 : i32
      %dma_wait3A_366 = tpu.memref_slice %arg7[%dma_wait3A_359, %add3A_358, %dma_wait3A_365] : memref<2x16x128xi32, #tpu.memory_space<vmem>> -> memref<1x1x128xi32, #tpu.memory_space<vmem>>
      %dma_wait3A_367 = tpu.memref_squeeze %dma_wait3A_366 : memref<1x1x128xi32, #tpu.memory_space<vmem>> -> memref<128xi32, #tpu.memory_space<vmem>>
      %dma_wait3A_368 = arith.constant 0 : i32
      %dma_wait3A_369 = arith.constant 0 : i32
      %dma_wait3A_370 = tpu.memref_slice %arg2[%dma_wait3A_368, %dma_wait3A_369] : memref<10000x128xf32, #tpu.memory_space<hbm>> -> memref<10000x128xf32, #tpu.memory_space<hbm>>
      tpu.wait_indirect_dma semaphore(%arg12 : memref<!tpu.dma_semaphore, #tpu.memory_space<semaphore_mem>>) src(%dma_wait3A_370 : memref<10000x128xf32, #tpu.memory_space<hbm>>) dst(%dma_wait3A_364 : memref<128x128xf32, #tpu.memory_space<vmem>>)
      %run_scoped3A_371 = arith.constant 1 : i32
      %run_scoped3A_372 = arith.constant 0 : i32
      "tpu.region"() ({
        %run_scoped3A_386 = tpu.sem_alloc : memref<!tpu.dma_semaphore, #tpu.memory_space<semaphore_mem>>
        %dma_start3A_387 = arith.constant 0 : i32
        %dma_start3A_388 = arith.constant 0 : i32
        %dma_start3A_389 = tpu.memref_slice %arg9[%run_scoped3A_371, %dma_start3A_387, %dma_start3A_388] : memref<2x128x128xf32, #tpu.memory_space<vmem>> -> memref<1x128x128xf32, #tpu.memory_space<vmem>>
        %dma_start3A_390 = tpu.memref_squeeze %dma_start3A_389 : memref<1x128x128xf32, #tpu.memory_space<vmem>> -> memref<128x128xf32, #tpu.memory_space<vmem>>
        %dma_start3A_391 = arith.constant 0 : i32
        %dma_start3A_392 = tpu.memref_slice %arg8[%run_scoped3A_372, %add3A_358, %dma_start3A_391] : memref<2x16x128xi32, #tpu.memory_space<vmem>> -> memref<1x1x128xi32, #tpu.memory_space<vmem>>
        %dma_start3A_393 = tpu.memref_squeeze %dma_start3A_392 : memref<1x1x128xi32, #tpu.memory_space<vmem>> -> memref<128xi32, #tpu.memory_space<vmem>>
        %dma_start3A_394 = arith.constant 0 : i32
        %dma_start3A_395 = arith.constant 0 : i32
        %dma_start3A_396 = tpu.memref_slice %arg10[%dma_start3A_394, %dma_start3A_395] : memref<10240x128xf32, #tpu.memory_space<vmem_shared>> -> memref<10240x128xf32, #tpu.memory_space<vmem_shared>>
        tpu.enqueue_indirect_dma source(%dma_start3A_390 : memref<128x128xf32, #tpu.memory_space<vmem>>) target(%dma_start3A_396 : memref<10240x128xf32, #tpu.memory_space<vmem_shared>>) offsets(%dma_start3A_393 : memref<128xi32, #tpu.memory_space<vmem>>) semaphore(%run_scoped3A_386 : memref<!tpu.dma_semaphore, #tpu.memory_space<semaphore_mem>>) {add = true}
        %dma_wait3A_397 = arith.constant 0 : i32
        %dma_wait3A_398 = arith.constant 0 : i32
        %dma_wait3A_399 = tpu.memref_slice %arg9[%run_scoped3A_371, %dma_wait3A_397, %dma_wait3A_398] : memref<2x128x128xf32, #tpu.memory_space<vmem>> -> memref<1x128x128xf32, #tpu.memory_space<vmem>>
        %dma_wait3A_400 = tpu.memref_squeeze %dma_wait3A_399 : memref<1x128x128xf32, #tpu.memory_space<vmem>> -> memref<128x128xf32, #tpu.memory_space<vmem>>
        %dma_wait3A_401 = arith.constant 0 : i32
        %dma_wait3A_402 = tpu.memref_slice %arg8[%run_scoped3A_372, %add3A_358, %dma_wait3A_401] : memref<2x16x128xi32, #tpu.memory_space<vmem>> -> memref<1x1x128xi32, #tpu.memory_space<vmem>>
        %dma_wait3A_403 = tpu.memref_squeeze %dma_wait3A_402 : memref<1x1x128xi32, #tpu.memory_space<vmem>> -> memref<128xi32, #tpu.memory_space<vmem>>
        %dma_wait3A_404 = arith.constant 0 : i32
        %dma_wait3A_405 = arith.constant 0 : i32
        %dma_wait3A_406 = tpu.memref_slice %arg10[%dma_wait3A_404, %dma_wait3A_405] : memref<10240x128xf32, #tpu.memory_space<vmem_shared>> -> memref<10240x128xf32, #tpu.memory_space<vmem_shared>>
        tpu.wait_indirect_dma semaphore(%run_scoped3A_386 : memref<!tpu.dma_semaphore, #tpu.memory_space<semaphore_mem>>) src(%dma_wait3A_400 : memref<128x128xf32, #tpu.memory_space<vmem>>) dst(%dma_wait3A_406 : memref<10240x128xf32, #tpu.memory_space<vmem_shared>>)
        tpu.yield
      }) : () -> ()
      %run_scoped3A_373 = arith.constant 0 : i32
      "tpu.region"() ({
        %run_scoped3A_386 = tpu.sem_alloc : memref<!tpu.dma_semaphore, #tpu.memory_space<semaphore_mem>>
        %dma_start3A_387 = arith.constant 0 : i32
        %dma_start3A_388 = tpu.memref_slice %arg8[%run_scoped3A_373, %add3A_358, %dma_start3A_387] : memref<2x16x128xi32, #tpu.memory_space<vmem>> -> memref<1x1x128xi32, #tpu.memory_space<vmem>>
        %dma_start3A_389 = tpu.memref_squeeze %dma_start3A_388 : memref<1x1x128xi32, #tpu.memory_space<vmem>> -> memref<128xi32, #tpu.memory_space<vmem>>
        %dma_start3A_390 = arith.constant 0 : i32
        %dma_start3A_391 = tpu.memref_slice %arg17[%dma_start3A_390] : memref<10240xf32, #tpu.memory_space<vmem_shared>> -> memref<10240xf32, #tpu.memory_space<vmem_shared>>
        tpu.enqueue_indirect_dma source(%arg15 : memref<128xf32, #tpu.memory_space<vmem>>) target(%dma_start3A_391 : memref<10240xf32, #tpu.memory_space<vmem_shared>>) offsets(%dma_start3A_389 : memref<128xi32, #tpu.memory_space<vmem>>) semaphore(%run_scoped3A_386 : memref<!tpu.dma_semaphore, #tpu.memory_space<semaphore_mem>>) {add = true}
        %dma_wait3A_392 = arith.constant 0 : i32
        %dma_wait3A_393 = tpu.memref_slice %arg8[%run_scoped3A_373, %add3A_358, %dma_wait3A_392] : memref<2x16x128xi32, #tpu.memory_space<vmem>> -> memref<1x1x128xi32, #tpu.memory_space<vmem>>
        %dma_wait3A_394 = tpu.memref_squeeze %dma_wait3A_393 : memref<1x1x128xi32, #tpu.memory_space<vmem>> -> memref<128xi32, #tpu.memory_space<vmem>>
        %dma_wait3A_395 = arith.constant 0 : i32
        %dma_wait3A_396 = tpu.memref_slice %arg17[%dma_wait3A_395] : memref<10240xf32, #tpu.memory_space<vmem_shared>> -> memref<10240xf32, #tpu.memory_space<vmem_shared>>
        tpu.wait_indirect_dma semaphore(%run_scoped3A_386 : memref<!tpu.dma_semaphore, #tpu.memory_space<semaphore_mem>>) src(%arg15 : memref<128xf32, #tpu.memory_space<vmem>>) dst(%dma_wait3A_396 : memref<10240xf32, #tpu.memory_space<vmem_shared>>)
        tpu.yield
      }) : () -> ()
      %add3A_374 = arith.constant 2 : i32
      %add3A_375 = arith.addi %add3A_358, %add3A_374 : i32
      %lt3A_376 = arith.constant 16 : i32
      %lt3A_377 = arith.cmpi slt, %add3A_375, %lt3A_376 : i32
      %convert_element_type3A_378 = arith.extui %lt3A_377 : i1 to i32
      %cond3A_379 = arith.constant 0 : i32
      %cond3A_380 = arith.cmpi ne, %convert_element_type3A_378, %cond3A_379 : i32
      scf.if %cond3A_380 {
        %dma_start3A_386 = arith.constant 0 : i32
        %dma_start3A_387 = arith.constant 1 : i32
        %dma_start3A_388 = arith.constant 0 : i32
        %dma_start3A_389 = arith.constant 0 : i32
        %dma_start3A_390 = tpu.memref_slice %arg9[%dma_start3A_387, %dma_start3A_388, %dma_start3A_389] : memref<2x128x128xf32, #tpu.memory_space<vmem>> -> memref<1x128x128xf32, #tpu.memory_space<vmem>>
        %dma_start3A_391 = tpu.memref_squeeze %dma_start3A_390 : memref<1x128x128xf32, #tpu.memory_space<vmem>> -> memref<128x128xf32, #tpu.memory_space<vmem>>
        %dma_start3A_392 = arith.constant 0 : i32
        %dma_start3A_393 = tpu.memref_slice %arg7[%dma_start3A_386, %add3A_375, %dma_start3A_392] : memref<2x16x128xi32, #tpu.memory_space<vmem>> -> memref<1x1x128xi32, #tpu.memory_space<vmem>>
        %dma_start3A_394 = tpu.memref_squeeze %dma_start3A_393 : memref<1x1x128xi32, #tpu.memory_space<vmem>> -> memref<128xi32, #tpu.memory_space<vmem>>
        %dma_start3A_395 = arith.constant 0 : i32
        %dma_start3A_396 = arith.constant 0 : i32
        %dma_start3A_397 = tpu.memref_slice %arg2[%dma_start3A_395, %dma_start3A_396] : memref<10000x128xf32, #tpu.memory_space<hbm>> -> memref<10000x128xf32, #tpu.memory_space<hbm>>
        tpu.enqueue_indirect_dma source(%dma_start3A_397 : memref<10000x128xf32, #tpu.memory_space<hbm>>) target(%dma_start3A_391 : memref<128x128xf32, #tpu.memory_space<vmem>>) offsets(%dma_start3A_394 : memref<128xi32, #tpu.memory_space<vmem>>) semaphore(%arg12 : memref<!tpu.dma_semaphore, #tpu.memory_space<semaphore_mem>>)
      } else {
      }
      %ge3A_381 = arith.constant 16 : i32
      %ge3A_382 = arith.cmpi sge, %add3A_375, %ge3A_381 : i32
      %convert_element_type3A_383 = arith.extui %ge3A_382 : i1 to i32
      %cond3A_384 = arith.constant 0 : i32
      %cond3A_385 = arith.cmpi ne, %convert_element_type3A_383, %cond3A_384 : i32
      scf.if %cond3A_385 {
        %dma_start3A_386 = arith.constant 1 : i32
        %dma_start3A_387 = arith.constant 1 : i32
        %dma_start3A_388 = arith.constant 1 : i32
        %dma_start3A_389 = arith.constant 0 : i32
        %dma_start3A_390 = arith.constant 0 : i32
        %dma_start3A_391 = tpu.memref_slice %arg9[%dma_start3A_388, %dma_start3A_389, %dma_start3A_390] : memref<2x128x128xf32, #tpu.memory_space<vmem>> -> memref<1x128x128xf32, #tpu.memory_space<vmem>>
        %dma_start3A_392 = tpu.memref_squeeze %dma_start3A_391 : memref<1x128x128xf32, #tpu.memory_space<vmem>> -> memref<128x128xf32, #tpu.memory_space<vmem>>
        %dma_start3A_393 = arith.constant 0 : i32
        %dma_start3A_394 = tpu.memref_slice %arg7[%dma_start3A_386, %dma_start3A_387, %dma_start3A_393] : memref<2x16x128xi32, #tpu.memory_space<vmem>> -> memref<1x1x128xi32, #tpu.memory_space<vmem>>
        %dma_start3A_395 = tpu.memref_squeeze %dma_start3A_394 : memref<1x1x128xi32, #tpu.memory_space<vmem>> -> memref<128xi32, #tpu.memory_space<vmem>>
        %dma_start3A_396 = arith.constant 0 : i32
        %dma_start3A_397 = arith.constant 0 : i32
        %dma_start3A_398 = tpu.memref_slice %arg2[%dma_start3A_396, %dma_start3A_397] : memref<10000x128xf32, #tpu.memory_space<hbm>> -> memref<10000x128xf32, #tpu.memory_space<hbm>>
        tpu.enqueue_indirect_dma source(%dma_start3A_398 : memref<10000x128xf32, #tpu.memory_space<hbm>>) target(%dma_start3A_392 : memref<128x128xf32, #tpu.memory_space<vmem>>) offsets(%dma_start3A_395 : memref<128xi32, #tpu.memory_space<vmem>>) semaphore(%arg12 : memref<!tpu.dma_semaphore, #tpu.memory_space<semaphore_mem>>)
      } else {
      }
    }
    %scan3A_273 = arith.constant 8 : i32
    %dma_start3A_274 = arith.constant 0 : i32
    %dma_start3A_275 = arith.constant 0 : i32
    %dma_start3A_276 = arith.constant 0 : i32
    %dma_start3A_277 = tpu.memref_slice %arg7[%dma_start3A_274, %dma_start3A_275, %dma_start3A_276] : memref<2x16x128xi32, #tpu.memory_space<vmem>> -> memref<1x16x128xi32, #tpu.memory_space<vmem>>
    %dma_start3A_278 = tpu.memref_squeeze %dma_start3A_277 : memref<1x16x128xi32, #tpu.memory_space<vmem>> -> memref<16x128xi32, #tpu.memory_space<vmem>>
    %dma_start3A_279 = arith.constant 64 : i32
    %dma_start3A_280 = arith.constant 0 : i32
    %dma_start3A_281 = tpu.memref_slice %arg3[%add3A, %dma_start3A_279, %dma_start3A_280] : memref<32x80x128xi32, #tpu.memory_space<hbm>> -> memref<1x16x128xi32, #tpu.memory_space<hbm>>
    %dma_start3A_282 = tpu.memref_squeeze %dma_start3A_281 : memref<1x16x128xi32, #tpu.memory_space<hbm>> -> memref<16x128xi32, #tpu.memory_space<hbm>>
    %dma_start3A_283 = arith.constant 0 : i32
    %dma_start3A_284 = arith.constant 0 : i32
    %dma_start3A_285 = tpu.memref_slice %arg7[%dma_start3A_274, %dma_start3A_283, %dma_start3A_284] : memref<2x16x128xi32, #tpu.memory_space<vmem>> -> memref<1x16x128xi32, #tpu.memory_space<vmem>>
    %dma_start3A_286 = tpu.memref_squeeze %dma_start3A_285 : memref<1x16x128xi32, #tpu.memory_space<vmem>> -> memref<16x128xi32, #tpu.memory_space<vmem>>
    %dma_start3A_287 = arith.constant 64 : i32
    %dma_start3A_288 = arith.constant 0 : i32
    %dma_start3A_289 = tpu.memref_slice %arg3[%add3A, %dma_start3A_287, %dma_start3A_288] : memref<32x80x128xi32, #tpu.memory_space<hbm>> -> memref<1x16x128xi32, #tpu.memory_space<hbm>>
    %dma_start3A_290 = tpu.memref_squeeze %dma_start3A_289 : memref<1x16x128xi32, #tpu.memory_space<hbm>> -> memref<16x128xi32, #tpu.memory_space<hbm>>
    tpu.enqueue_dma source(%dma_start3A_290 : memref<16x128xi32, #tpu.memory_space<hbm>>) target(%dma_start3A_286 : memref<16x128xi32, #tpu.memory_space<vmem>>) target_semaphore(%arg13 : memref<!tpu.dma_semaphore, #tpu.memory_space<semaphore_mem>>)
    %dma_start3A_291 = arith.constant 0 : i32
    %dma_start3A_292 = arith.constant 0 : i32
    %dma_start3A_293 = arith.constant 0 : i32
    %dma_start3A_294 = tpu.memref_slice %arg8[%dma_start3A_291, %dma_start3A_292, %dma_start3A_293] : memref<2x16x128xi32, #tpu.memory_space<vmem>> -> memref<1x16x128xi32, #tpu.memory_space<vmem>>
    %dma_start3A_295 = tpu.memref_squeeze %dma_start3A_294 : memref<1x16x128xi32, #tpu.memory_space<vmem>> -> memref<16x128xi32, #tpu.memory_space<vmem>>
    %dma_start3A_296 = arith.constant 64 : i32
    %dma_start3A_297 = arith.constant 0 : i32
    %dma_start3A_298 = tpu.memref_slice %arg4[%add3A, %dma_start3A_296, %dma_start3A_297] : memref<32x80x128xi32, #tpu.memory_space<hbm>> -> memref<1x16x128xi32, #tpu.memory_space<hbm>>
    %dma_start3A_299 = tpu.memref_squeeze %dma_start3A_298 : memref<1x16x128xi32, #tpu.memory_space<hbm>> -> memref<16x128xi32, #tpu.memory_space<hbm>>
    %dma_start3A_300 = arith.constant 0 : i32
    %dma_start3A_301 = arith.constant 0 : i32
    %dma_start3A_302 = tpu.memref_slice %arg8[%dma_start3A_291, %dma_start3A_300, %dma_start3A_301] : memref<2x16x128xi32, #tpu.memory_space<vmem>> -> memref<1x16x128xi32, #tpu.memory_space<vmem>>
    %dma_start3A_303 = tpu.memref_squeeze %dma_start3A_302 : memref<1x16x128xi32, #tpu.memory_space<vmem>> -> memref<16x128xi32, #tpu.memory_space<vmem>>
    %dma_start3A_304 = arith.constant 64 : i32
    %dma_start3A_305 = arith.constant 0 : i32
    %dma_start3A_306 = tpu.memref_slice %arg4[%add3A, %dma_start3A_304, %dma_start3A_305] : memref<32x80x128xi32, #tpu.memory_space<hbm>> -> memref<1x16x128xi32, #tpu.memory_space<hbm>>
    %dma_start3A_307 = tpu.memref_squeeze %dma_start3A_306 : memref<1x16x128xi32, #tpu.memory_space<hbm>> -> memref<16x128xi32, #tpu.memory_space<hbm>>
    tpu.enqueue_dma source(%dma_start3A_307 : memref<16x128xi32, #tpu.memory_space<hbm>>) target(%dma_start3A_303 : memref<16x128xi32, #tpu.memory_space<vmem>>) target_semaphore(%arg13 : memref<!tpu.dma_semaphore, #tpu.memory_space<semaphore_mem>>)
    %scan3A_308 = arith.constant 0 : i32
    %scan3A_309 = arith.constant 0 : i32
    %scan3A_310 = arith.constant 8 : i32
    %scan3A_311 = arith.addi %scan3A_309, %scan3A_310 : i32
    %scan3A_312 = arith.constant 1 : i32
    scf.for %scan3A_326 = %scan3A_309 to %scan3A_311 step %scan3A_312  : i32 {
      %mul3A_327 = arith.constant 2 : i32
      %mul3A_328 = arith.muli %mul3A_327, %scan3A_326 : i32
      %add3A_329 = arith.constant 0 : i32
      %add3A_330 = arith.addi %mul3A_328, %add3A_329 : i32
      %dma_wait3A_331 = arith.constant 1 : i32
      %dma_wait3A_332 = arith.constant 0 : i32
      %dma_wait3A_333 = arith.constant 0 : i32
      %dma_wait3A_334 = arith.constant 0 : i32
      %dma_wait3A_335 = tpu.memref_slice %arg9[%dma_wait3A_332, %dma_wait3A_333, %dma_wait3A_334] : memref<2x128x128xf32, #tpu.memory_space<vmem>> -> memref<1x128x128xf32, #tpu.memory_space<vmem>>
      %dma_wait3A_336 = tpu.memref_squeeze %dma_wait3A_335 : memref<1x128x128xf32, #tpu.memory_space<vmem>> -> memref<128x128xf32, #tpu.memory_space<vmem>>
      %dma_wait3A_337 = arith.constant 0 : i32
      %dma_wait3A_338 = tpu.memref_slice %arg7[%dma_wait3A_331, %add3A_330, %dma_wait3A_337] : memref<2x16x128xi32, #tpu.memory_space<vmem>> -> memref<1x1x128xi32, #tpu.memory_space<vmem>>
      %dma_wait3A_339 = tpu.memref_squeeze %dma_wait3A_338 : memref<1x1x128xi32, #tpu.memory_space<vmem>> -> memref<128xi32, #tpu.memory_space<vmem>>
      %dma_wait3A_340 = arith.constant 0 : i32
      %dma_wait3A_341 = arith.constant 0 : i32
      %dma_wait3A_342 = tpu.memref_slice %arg2[%dma_wait3A_340, %dma_wait3A_341] : memref<10000x128xf32, #tpu.memory_space<hbm>> -> memref<10000x128xf32, #tpu.memory_space<hbm>>
      tpu.wait_indirect_dma semaphore(%arg11 : memref<!tpu.dma_semaphore, #tpu.memory_space<semaphore_mem>>) src(%dma_wait3A_342 : memref<10000x128xf32, #tpu.memory_space<hbm>>) dst(%dma_wait3A_336 : memref<128x128xf32, #tpu.memory_space<vmem>>)
      %run_scoped3A = arith.constant 0 : i32
      %run_scoped3A_343 = arith.constant 1 : i32
      "tpu.region"() ({
        %run_scoped3A_386 = tpu.sem_alloc : memref<!tpu.dma_semaphore, #tpu.memory_space<semaphore_mem>>
        %dma_start3A_387 = arith.constant 0 : i32
        %dma_start3A_388 = arith.constant 0 : i32
        %dma_start3A_389 = tpu.memref_slice %arg9[%run_scoped3A, %dma_start3A_387, %dma_start3A_388] : memref<2x128x128xf32, #tpu.memory_space<vmem>> -> memref<1x128x128xf32, #tpu.memory_space<vmem>>
        %dma_start3A_390 = tpu.memref_squeeze %dma_start3A_389 : memref<1x128x128xf32, #tpu.memory_space<vmem>> -> memref<128x128xf32, #tpu.memory_space<vmem>>
        %dma_start3A_391 = arith.constant 0 : i32
        %dma_start3A_392 = tpu.memref_slice %arg8[%run_scoped3A_343, %add3A_330, %dma_start3A_391] : memref<2x16x128xi32, #tpu.memory_space<vmem>> -> memref<1x1x128xi32, #tpu.memory_space<vmem>>
        %dma_start3A_393 = tpu.memref_squeeze %dma_start3A_392 : memref<1x1x128xi32, #tpu.memory_space<vmem>> -> memref<128xi32, #tpu.memory_space<vmem>>
        %dma_start3A_394 = arith.constant 0 : i32
        %dma_start3A_395 = arith.constant 0 : i32
        %dma_start3A_396 = tpu.memref_slice %arg10[%dma_start3A_394, %dma_start3A_395] : memref<10240x128xf32, #tpu.memory_space<vmem_shared>> -> memref<10240x128xf32, #tpu.memory_space<vmem_shared>>
        tpu.enqueue_indirect_dma source(%dma_start3A_390 : memref<128x128xf32, #tpu.memory_space<vmem>>) target(%dma_start3A_396 : memref<10240x128xf32, #tpu.memory_space<vmem_shared>>) offsets(%dma_start3A_393 : memref<128xi32, #tpu.memory_space<vmem>>) semaphore(%run_scoped3A_386 : memref<!tpu.dma_semaphore, #tpu.memory_space<semaphore_mem>>) {add = true}
        %dma_wait3A_397 = arith.constant 0 : i32
        %dma_wait3A_398 = arith.constant 0 : i32
        %dma_wait3A_399 = tpu.memref_slice %arg9[%run_scoped3A, %dma_wait3A_397, %dma_wait3A_398] : memref<2x128x128xf32, #tpu.memory_space<vmem>> -> memref<1x128x128xf32, #tpu.memory_space<vmem>>
        %dma_wait3A_400 = tpu.memref_squeeze %dma_wait3A_399 : memref<1x128x128xf32, #tpu.memory_space<vmem>> -> memref<128x128xf32, #tpu.memory_space<vmem>>
        %dma_wait3A_401 = arith.constant 0 : i32
        %dma_wait3A_402 = tpu.memref_slice %arg8[%run_scoped3A_343, %add3A_330, %dma_wait3A_401] : memref<2x16x128xi32, #tpu.memory_space<vmem>> -> memref<1x1x128xi32, #tpu.memory_space<vmem>>
        %dma_wait3A_403 = tpu.memref_squeeze %dma_wait3A_402 : memref<1x1x128xi32, #tpu.memory_space<vmem>> -> memref<128xi32, #tpu.memory_space<vmem>>
        %dma_wait3A_404 = arith.constant 0 : i32
        %dma_wait3A_405 = arith.constant 0 : i32
        %dma_wait3A_406 = tpu.memref_slice %arg10[%dma_wait3A_404, %dma_wait3A_405] : memref<10240x128xf32, #tpu.memory_space<vmem_shared>> -> memref<10240x128xf32, #tpu.memory_space<vmem_shared>>
        tpu.wait_indirect_dma semaphore(%run_scoped3A_386 : memref<!tpu.dma_semaphore, #tpu.memory_space<semaphore_mem>>) src(%dma_wait3A_400 : memref<128x128xf32, #tpu.memory_space<vmem>>) dst(%dma_wait3A_406 : memref<10240x128xf32, #tpu.memory_space<vmem_shared>>)
        tpu.yield
      }) : () -> ()
      %run_scoped3A_344 = arith.constant 1 : i32
      "tpu.region"() ({
        %run_scoped3A_386 = tpu.sem_alloc : memref<!tpu.dma_semaphore, #tpu.memory_space<semaphore_mem>>
        %dma_start3A_387 = arith.constant 0 : i32
        %dma_start3A_388 = tpu.memref_slice %arg8[%run_scoped3A_344, %add3A_330, %dma_start3A_387] : memref<2x16x128xi32, #tpu.memory_space<vmem>> -> memref<1x1x128xi32, #tpu.memory_space<vmem>>
        %dma_start3A_389 = tpu.memref_squeeze %dma_start3A_388 : memref<1x1x128xi32, #tpu.memory_space<vmem>> -> memref<128xi32, #tpu.memory_space<vmem>>
        %dma_start3A_390 = arith.constant 0 : i32
        %dma_start3A_391 = tpu.memref_slice %arg17[%dma_start3A_390] : memref<10240xf32, #tpu.memory_space<vmem_shared>> -> memref<10240xf32, #tpu.memory_space<vmem_shared>>
        tpu.enqueue_indirect_dma source(%arg15 : memref<128xf32, #tpu.memory_space<vmem>>) target(%dma_start3A_391 : memref<10240xf32, #tpu.memory_space<vmem_shared>>) offsets(%dma_start3A_389 : memref<128xi32, #tpu.memory_space<vmem>>) semaphore(%run_scoped3A_386 : memref<!tpu.dma_semaphore, #tpu.memory_space<semaphore_mem>>) {add = true}
        %dma_wait3A_392 = arith.constant 0 : i32
        %dma_wait3A_393 = tpu.memref_slice %arg8[%run_scoped3A_344, %add3A_330, %dma_wait3A_392] : memref<2x16x128xi32, #tpu.memory_space<vmem>> -> memref<1x1x128xi32, #tpu.memory_space<vmem>>
        %dma_wait3A_394 = tpu.memref_squeeze %dma_wait3A_393 : memref<1x1x128xi32, #tpu.memory_space<vmem>> -> memref<128xi32, #tpu.memory_space<vmem>>
        %dma_wait3A_395 = arith.constant 0 : i32
        %dma_wait3A_396 = tpu.memref_slice %arg17[%dma_wait3A_395] : memref<10240xf32, #tpu.memory_space<vmem_shared>> -> memref<10240xf32, #tpu.memory_space<vmem_shared>>
        tpu.wait_indirect_dma semaphore(%run_scoped3A_386 : memref<!tpu.dma_semaphore, #tpu.memory_space<semaphore_mem>>) src(%arg15 : memref<128xf32, #tpu.memory_space<vmem>>) dst(%dma_wait3A_396 : memref<10240xf32, #tpu.memory_space<vmem_shared>>)
        tpu.yield
      }) : () -> ()
      %add3A_345 = arith.constant 2 : i32
      %add3A_346 = arith.addi %add3A_330, %add3A_345 : i32
      %lt3A = arith.constant 16 : i32
      %lt3A_347 = arith.cmpi slt, %add3A_346, %lt3A : i32
      %convert_element_type3A_348 = arith.extui %lt3A_347 : i1 to i32
      %cond3A_349 = arith.constant 0 : i32
      %cond3A_350 = arith.cmpi ne, %convert_element_type3A_348, %cond3A_349 : i32
      scf.if %cond3A_350 {
        %dma_start3A_386 = arith.constant 1 : i32
        %dma_start3A_387 = arith.constant 0 : i32
        %dma_start3A_388 = arith.constant 0 : i32
        %dma_start3A_389 = arith.constant 0 : i32
        %dma_start3A_390 = tpu.memref_slice %arg9[%dma_start3A_387, %dma_start3A_388, %dma_start3A_389] : memref<2x128x128xf32, #tpu.memory_space<vmem>> -> memref<1x128x128xf32, #tpu.memory_space<vmem>>
        %dma_start3A_391 = tpu.memref_squeeze %dma_start3A_390 : memref<1x128x128xf32, #tpu.memory_space<vmem>> -> memref<128x128xf32, #tpu.memory_space<vmem>>
        %dma_start3A_392 = arith.constant 0 : i32
        %dma_start3A_393 = tpu.memref_slice %arg7[%dma_start3A_386, %add3A_346, %dma_start3A_392] : memref<2x16x128xi32, #tpu.memory_space<vmem>> -> memref<1x1x128xi32, #tpu.memory_space<vmem>>
        %dma_start3A_394 = tpu.memref_squeeze %dma_start3A_393 : memref<1x1x128xi32, #tpu.memory_space<vmem>> -> memref<128xi32, #tpu.memory_space<vmem>>
        %dma_start3A_395 = arith.constant 0 : i32
        %dma_start3A_396 = arith.constant 0 : i32
        %dma_start3A_397 = tpu.memref_slice %arg2[%dma_start3A_395, %dma_start3A_396] : memref<10000x128xf32, #tpu.memory_space<hbm>> -> memref<10000x128xf32, #tpu.memory_space<hbm>>
        tpu.enqueue_indirect_dma source(%dma_start3A_397 : memref<10000x128xf32, #tpu.memory_space<hbm>>) target(%dma_start3A_391 : memref<128x128xf32, #tpu.memory_space<vmem>>) offsets(%dma_start3A_394 : memref<128xi32, #tpu.memory_space<vmem>>) semaphore(%arg11 : memref<!tpu.dma_semaphore, #tpu.memory_space<semaphore_mem>>)
      } else {
      }
      %ge3A = arith.constant 16 : i32
      %ge3A_351 = arith.cmpi sge, %add3A_346, %ge3A : i32
      %convert_element_type3A_352 = arith.extui %ge3A_351 : i1 to i32
      %cond3A_353 = arith.constant 0 : i32
      %cond3A_354 = arith.cmpi ne, %convert_element_type3A_352, %cond3A_353 : i32
      scf.if %cond3A_354 {
        %dma_wait3A_386 = arith.constant 0 : i32
        %dma_wait3A_387 = arith.constant 0 : i32
        %dma_wait3A_388 = arith.constant 0 : i32
        %dma_wait3A_389 = tpu.memref_slice %arg7[%dma_wait3A_386, %dma_wait3A_387, %dma_wait3A_388] : memref<2x16x128xi32, #tpu.memory_space<vmem>> -> memref<1x16x128xi32, #tpu.memory_space<vmem>>
        %dma_wait3A_390 = tpu.memref_squeeze %dma_wait3A_389 : memref<1x16x128xi32, #tpu.memory_space<vmem>> -> memref<16x128xi32, #tpu.memory_space<vmem>>
        %dma_wait3A_391 = arith.constant 64 : i32
        %dma_wait3A_392 = arith.constant 0 : i32
        %dma_wait3A_393 = tpu.memref_slice %arg3[%add3A, %dma_wait3A_391, %dma_wait3A_392] : memref<32x80x128xi32, #tpu.memory_space<hbm>> -> memref<1x16x128xi32, #tpu.memory_space<hbm>>
        %dma_wait3A_394 = tpu.memref_squeeze %dma_wait3A_393 : memref<1x16x128xi32, #tpu.memory_space<hbm>> -> memref<16x128xi32, #tpu.memory_space<hbm>>
        %dma_wait3A_395 = arith.constant 0 : i32
        %dma_wait3A_396 = arith.constant 0 : i32
        %dma_wait3A_397 = tpu.memref_slice %arg7[%dma_wait3A_386, %dma_wait3A_395, %dma_wait3A_396] : memref<2x16x128xi32, #tpu.memory_space<vmem>> -> memref<1x16x128xi32, #tpu.memory_space<vmem>>
        %dma_wait3A_398 = tpu.memref_squeeze %dma_wait3A_397 : memref<1x16x128xi32, #tpu.memory_space<vmem>> -> memref<16x128xi32, #tpu.memory_space<vmem>>
        %dma_wait3A_399 = arith.constant 64 : i32
        %dma_wait3A_400 = arith.constant 0 : i32
        %dma_wait3A_401 = tpu.memref_slice %arg3[%add3A, %dma_wait3A_399, %dma_wait3A_400] : memref<32x80x128xi32, #tpu.memory_space<hbm>> -> memref<1x16x128xi32, #tpu.memory_space<hbm>>
        %dma_wait3A_402 = tpu.memref_squeeze %dma_wait3A_401 : memref<1x16x128xi32, #tpu.memory_space<hbm>> -> memref<16x128xi32, #tpu.memory_space<hbm>>
        tpu.wait_dma2 semaphore(%arg13 : memref<!tpu.dma_semaphore, #tpu.memory_space<semaphore_mem>>) src(%dma_wait3A_402 : memref<16x128xi32, #tpu.memory_space<hbm>>) dst(%dma_wait3A_398 : memref<16x128xi32, #tpu.memory_space<vmem>>)
        %dma_wait3A_403 = arith.constant 0 : i32
        %dma_wait3A_404 = arith.constant 0 : i32
        %dma_wait3A_405 = arith.constant 0 : i32
        %dma_wait3A_406 = tpu.memref_slice %arg8[%dma_wait3A_403, %dma_wait3A_404, %dma_wait3A_405] : memref<2x16x128xi32, #tpu.memory_space<vmem>> -> memref<1x16x128xi32, #tpu.memory_space<vmem>>
        %dma_wait3A_407 = tpu.memref_squeeze %dma_wait3A_406 : memref<1x16x128xi32, #tpu.memory_space<vmem>> -> memref<16x128xi32, #tpu.memory_space<vmem>>
        %dma_wait3A_408 = arith.constant 64 : i32
        %dma_wait3A_409 = arith.constant 0 : i32
        %dma_wait3A_410 = tpu.memref_slice %arg4[%add3A, %dma_wait3A_408, %dma_wait3A_409] : memref<32x80x128xi32, #tpu.memory_space<hbm>> -> memref<1x16x128xi32, #tpu.memory_space<hbm>>
        %dma_wait3A_411 = tpu.memref_squeeze %dma_wait3A_410 : memref<1x16x128xi32, #tpu.memory_space<hbm>> -> memref<16x128xi32, #tpu.memory_space<hbm>>
        %dma_wait3A_412 = arith.constant 0 : i32
        %dma_wait3A_413 = arith.constant 0 : i32
        %dma_wait3A_414 = tpu.memref_slice %arg8[%dma_wait3A_403, %dma_wait3A_412, %dma_wait3A_413] : memref<2x16x128xi32, #tpu.memory_space<vmem>> -> memref<1x16x128xi32, #tpu.memory_space<vmem>>
        %dma_wait3A_415 = tpu.memref_squeeze %dma_wait3A_414 : memref<1x16x128xi32, #tpu.memory_space<vmem>> -> memref<16x128xi32, #tpu.memory_space<vmem>>
        %dma_wait3A_416 = arith.constant 64 : i32
        %dma_wait3A_417 = arith.constant 0 : i32
        %dma_wait3A_418 = tpu.memref_slice %arg4[%add3A, %dma_wait3A_416, %dma_wait3A_417] : memref<32x80x128xi32, #tpu.memory_space<hbm>> -> memref<1x16x128xi32, #tpu.memory_space<hbm>>
        %dma_wait3A_419 = tpu.memref_squeeze %dma_wait3A_418 : memref<1x16x128xi32, #tpu.memory_space<hbm>> -> memref<16x128xi32, #tpu.memory_space<hbm>>
        tpu.wait_dma2 semaphore(%arg13 : memref<!tpu.dma_semaphore, #tpu.memory_space<semaphore_mem>>) src(%dma_wait3A_419 : memref<16x128xi32, #tpu.memory_space<hbm>>) dst(%dma_wait3A_415 : memref<16x128xi32, #tpu.memory_space<vmem>>)
        %dma_start3A_420 = arith.constant 0 : i32
        %dma_start3A_421 = arith.constant 0 : i32
        %dma_start3A_422 = arith.constant 0 : i32
        %dma_start3A_423 = arith.constant 0 : i32
        %dma_start3A_424 = arith.constant 0 : i32
        %dma_start3A_425 = tpu.memref_slice %arg9[%dma_start3A_422, %dma_start3A_423, %dma_start3A_424] : memref<2x128x128xf32, #tpu.memory_space<vmem>> -> memref<1x128x128xf32, #tpu.memory_space<vmem>>
        %dma_start3A_426 = tpu.memref_squeeze %dma_start3A_425 : memref<1x128x128xf32, #tpu.memory_space<vmem>> -> memref<128x128xf32, #tpu.memory_space<vmem>>
        %dma_start3A_427 = arith.constant 0 : i32
        %dma_start3A_428 = tpu.memref_slice %arg7[%dma_start3A_420, %dma_start3A_421, %dma_start3A_427] : memref<2x16x128xi32, #tpu.memory_space<vmem>> -> memref<1x1x128xi32, #tpu.memory_space<vmem>>
        %dma_start3A_429 = tpu.memref_squeeze %dma_start3A_428 : memref<1x1x128xi32, #tpu.memory_space<vmem>> -> memref<128xi32, #tpu.memory_space<vmem>>
        %dma_start3A_430 = arith.constant 0 : i32
        %dma_start3A_431 = arith.constant 0 : i32
        %dma_start3A_432 = tpu.memref_slice %arg2[%dma_start3A_430, %dma_start3A_431] : memref<10000x128xf32, #tpu.memory_space<hbm>> -> memref<10000x128xf32, #tpu.memory_space<hbm>>
        tpu.enqueue_indirect_dma source(%dma_start3A_432 : memref<10000x128xf32, #tpu.memory_space<hbm>>) target(%dma_start3A_426 : memref<128x128xf32, #tpu.memory_space<vmem>>) offsets(%dma_start3A_429 : memref<128xi32, #tpu.memory_space<vmem>>) semaphore(%arg11 : memref<!tpu.dma_semaphore, #tpu.memory_space<semaphore_mem>>)
      } else {
      }
      %mul3A_355 = arith.constant 2 : i32
      %mul3A_356 = arith.muli %mul3A_355, %scan3A_326 : i32
      %add3A_357 = arith.constant 1 : i32
      %add3A_358 = arith.addi %mul3A_356, %add3A_357 : i32
      %dma_wait3A_359 = arith.constant 1 : i32
      %dma_wait3A_360 = arith.constant 1 : i32
      %dma_wait3A_361 = arith.constant 0 : i32
      %dma_wait3A_362 = arith.constant 0 : i32
      %dma_wait3A_363 = tpu.memref_slice %arg9[%dma_wait3A_360, %dma_wait3A_361, %dma_wait3A_362] : memref<2x128x128xf32, #tpu.memory_space<vmem>> -> memref<1x128x128xf32, #tpu.memory_space<vmem>>
      %dma_wait3A_364 = tpu.memref_squeeze %dma_wait3A_363 : memref<1x128x128xf32, #tpu.memory_space<vmem>> -> memref<128x128xf32, #tpu.memory_space<vmem>>
      %dma_wait3A_365 = arith.constant 0 : i32
      %dma_wait3A_366 = tpu.memref_slice %arg7[%dma_wait3A_359, %add3A_358, %dma_wait3A_365] : memref<2x16x128xi32, #tpu.memory_space<vmem>> -> memref<1x1x128xi32, #tpu.memory_space<vmem>>
      %dma_wait3A_367 = tpu.memref_squeeze %dma_wait3A_366 : memref<1x1x128xi32, #tpu.memory_space<vmem>> -> memref<128xi32, #tpu.memory_space<vmem>>
      %dma_wait3A_368 = arith.constant 0 : i32
      %dma_wait3A_369 = arith.constant 0 : i32
      %dma_wait3A_370 = tpu.memref_slice %arg2[%dma_wait3A_368, %dma_wait3A_369] : memref<10000x128xf32, #tpu.memory_space<hbm>> -> memref<10000x128xf32, #tpu.memory_space<hbm>>
      tpu.wait_indirect_dma semaphore(%arg12 : memref<!tpu.dma_semaphore, #tpu.memory_space<semaphore_mem>>) src(%dma_wait3A_370 : memref<10000x128xf32, #tpu.memory_space<hbm>>) dst(%dma_wait3A_364 : memref<128x128xf32, #tpu.memory_space<vmem>>)
      %run_scoped3A_371 = arith.constant 1 : i32
      %run_scoped3A_372 = arith.constant 1 : i32
      "tpu.region"() ({
        %run_scoped3A_386 = tpu.sem_alloc : memref<!tpu.dma_semaphore, #tpu.memory_space<semaphore_mem>>
        %dma_start3A_387 = arith.constant 0 : i32
        %dma_start3A_388 = arith.constant 0 : i32
        %dma_start3A_389 = tpu.memref_slice %arg9[%run_scoped3A_371, %dma_start3A_387, %dma_start3A_388] : memref<2x128x128xf32, #tpu.memory_space<vmem>> -> memref<1x128x128xf32, #tpu.memory_space<vmem>>
        %dma_start3A_390 = tpu.memref_squeeze %dma_start3A_389 : memref<1x128x128xf32, #tpu.memory_space<vmem>> -> memref<128x128xf32, #tpu.memory_space<vmem>>
        %dma_start3A_391 = arith.constant 0 : i32
        %dma_start3A_392 = tpu.memref_slice %arg8[%run_scoped3A_372, %add3A_358, %dma_start3A_391] : memref<2x16x128xi32, #tpu.memory_space<vmem>> -> memref<1x1x128xi32, #tpu.memory_space<vmem>>
        %dma_start3A_393 = tpu.memref_squeeze %dma_start3A_392 : memref<1x1x128xi32, #tpu.memory_space<vmem>> -> memref<128xi32, #tpu.memory_space<vmem>>
        %dma_start3A_394 = arith.constant 0 : i32
        %dma_start3A_395 = arith.constant 0 : i32
        %dma_start3A_396 = tpu.memref_slice %arg10[%dma_start3A_394, %dma_start3A_395] : memref<10240x128xf32, #tpu.memory_space<vmem_shared>> -> memref<10240x128xf32, #tpu.memory_space<vmem_shared>>
        tpu.enqueue_indirect_dma source(%dma_start3A_390 : memref<128x128xf32, #tpu.memory_space<vmem>>) target(%dma_start3A_396 : memref<10240x128xf32, #tpu.memory_space<vmem_shared>>) offsets(%dma_start3A_393 : memref<128xi32, #tpu.memory_space<vmem>>) semaphore(%run_scoped3A_386 : memref<!tpu.dma_semaphore, #tpu.memory_space<semaphore_mem>>) {add = true}
        %dma_wait3A_397 = arith.constant 0 : i32
        %dma_wait3A_398 = arith.constant 0 : i32
        %dma_wait3A_399 = tpu.memref_slice %arg9[%run_scoped3A_371, %dma_wait3A_397, %dma_wait3A_398] : memref<2x128x128xf32, #tpu.memory_space<vmem>> -> memref<1x128x128xf32, #tpu.memory_space<vmem>>
        %dma_wait3A_400 = tpu.memref_squeeze %dma_wait3A_399 : memref<1x128x128xf32, #tpu.memory_space<vmem>> -> memref<128x128xf32, #tpu.memory_space<vmem>>
        %dma_wait3A_401 = arith.constant 0 : i32
        %dma_wait3A_402 = tpu.memref_slice %arg8[%run_scoped3A_372, %add3A_358, %dma_wait3A_401] : memref<2x16x128xi32, #tpu.memory_space<vmem>> -> memref<1x1x128xi32, #tpu.memory_space<vmem>>
        %dma_wait3A_403 = tpu.memref_squeeze %dma_wait3A_402 : memref<1x1x128xi32, #tpu.memory_space<vmem>> -> memref<128xi32, #tpu.memory_space<vmem>>
        %dma_wait3A_404 = arith.constant 0 : i32
        %dma_wait3A_405 = arith.constant 0 : i32
        %dma_wait3A_406 = tpu.memref_slice %arg10[%dma_wait3A_404, %dma_wait3A_405] : memref<10240x128xf32, #tpu.memory_space<vmem_shared>> -> memref<10240x128xf32, #tpu.memory_space<vmem_shared>>
        tpu.wait_indirect_dma semaphore(%run_scoped3A_386 : memref<!tpu.dma_semaphore, #tpu.memory_space<semaphore_mem>>) src(%dma_wait3A_400 : memref<128x128xf32, #tpu.memory_space<vmem>>) dst(%dma_wait3A_406 : memref<10240x128xf32, #tpu.memory_space<vmem_shared>>)
        tpu.yield
      }) : () -> ()
      %run_scoped3A_373 = arith.constant 1 : i32
      "tpu.region"() ({
        %run_scoped3A_386 = tpu.sem_alloc : memref<!tpu.dma_semaphore, #tpu.memory_space<semaphore_mem>>
        %dma_start3A_387 = arith.constant 0 : i32
        %dma_start3A_388 = tpu.memref_slice %arg8[%run_scoped3A_373, %add3A_358, %dma_start3A_387] : memref<2x16x128xi32, #tpu.memory_space<vmem>> -> memref<1x1x128xi32, #tpu.memory_space<vmem>>
        %dma_start3A_389 = tpu.memref_squeeze %dma_start3A_388 : memref<1x1x128xi32, #tpu.memory_space<vmem>> -> memref<128xi32, #tpu.memory_space<vmem>>
        %dma_start3A_390 = arith.constant 0 : i32
        %dma_start3A_391 = tpu.memref_slice %arg17[%dma_start3A_390] : memref<10240xf32, #tpu.memory_space<vmem_shared>> -> memref<10240xf32, #tpu.memory_space<vmem_shared>>
        tpu.enqueue_indirect_dma source(%arg15 : memref<128xf32, #tpu.memory_space<vmem>>) target(%dma_start3A_391 : memref<10240xf32, #tpu.memory_space<vmem_shared>>) offsets(%dma_start3A_389 : memref<128xi32, #tpu.memory_space<vmem>>) semaphore(%run_scoped3A_386 : memref<!tpu.dma_semaphore, #tpu.memory_space<semaphore_mem>>) {add = true}
        %dma_wait3A_392 = arith.constant 0 : i32
        %dma_wait3A_393 = tpu.memref_slice %arg8[%run_scoped3A_373, %add3A_358, %dma_wait3A_392] : memref<2x16x128xi32, #tpu.memory_space<vmem>> -> memref<1x1x128xi32, #tpu.memory_space<vmem>>
        %dma_wait3A_394 = tpu.memref_squeeze %dma_wait3A_393 : memref<1x1x128xi32, #tpu.memory_space<vmem>> -> memref<128xi32, #tpu.memory_space<vmem>>
        %dma_wait3A_395 = arith.constant 0 : i32
        %dma_wait3A_396 = tpu.memref_slice %arg17[%dma_wait3A_395] : memref<10240xf32, #tpu.memory_space<vmem_shared>> -> memref<10240xf32, #tpu.memory_space<vmem_shared>>
        tpu.wait_indirect_dma semaphore(%run_scoped3A_386 : memref<!tpu.dma_semaphore, #tpu.memory_space<semaphore_mem>>) src(%arg15 : memref<128xf32, #tpu.memory_space<vmem>>) dst(%dma_wait3A_396 : memref<10240xf32, #tpu.memory_space<vmem_shared>>)
        tpu.yield
      }) : () -> ()
      %add3A_374 = arith.constant 2 : i32
      %add3A_375 = arith.addi %add3A_358, %add3A_374 : i32
      %lt3A_376 = arith.constant 16 : i32
      %lt3A_377 = arith.cmpi slt, %add3A_375, %lt3A_376 : i32
      %convert_element_type3A_378 = arith.extui %lt3A_377 : i1 to i32
      %cond3A_379 = arith.constant 0 : i32
      %cond3A_380 = arith.cmpi ne, %convert_element_type3A_378, %cond3A_379 : i32
      scf.if %cond3A_380 {
        %dma_start3A_386 = arith.constant 1 : i32
        %dma_start3A_387 = arith.constant 1 : i32
        %dma_start3A_388 = arith.constant 0 : i32
        %dma_start3A_389 = arith.constant 0 : i32
        %dma_start3A_390 = tpu.memref_slice %arg9[%dma_start3A_387, %dma_start3A_388, %dma_start3A_389] : memref<2x128x128xf32, #tpu.memory_space<vmem>> -> memref<1x128x128xf32, #tpu.memory_space<vmem>>
        %dma_start3A_391 = tpu.memref_squeeze %dma_start3A_390 : memref<1x128x128xf32, #tpu.memory_space<vmem>> -> memref<128x128xf32, #tpu.memory_space<vmem>>
        %dma_start3A_392 = arith.constant 0 : i32
        %dma_start3A_393 = tpu.memref_slice %arg7[%dma_start3A_386, %add3A_375, %dma_start3A_392] : memref<2x16x128xi32, #tpu.memory_space<vmem>> -> memref<1x1x128xi32, #tpu.memory_space<vmem>>
        %dma_start3A_394 = tpu.memref_squeeze %dma_start3A_393 : memref<1x1x128xi32, #tpu.memory_space<vmem>> -> memref<128xi32, #tpu.memory_space<vmem>>
        %dma_start3A_395 = arith.constant 0 : i32
        %dma_start3A_396 = arith.constant 0 : i32
        %dma_start3A_397 = tpu.memref_slice %arg2[%dma_start3A_395, %dma_start3A_396] : memref<10000x128xf32, #tpu.memory_space<hbm>> -> memref<10000x128xf32, #tpu.memory_space<hbm>>
        tpu.enqueue_indirect_dma source(%dma_start3A_397 : memref<10000x128xf32, #tpu.memory_space<hbm>>) target(%dma_start3A_391 : memref<128x128xf32, #tpu.memory_space<vmem>>) offsets(%dma_start3A_394 : memref<128xi32, #tpu.memory_space<vmem>>) semaphore(%arg12 : memref<!tpu.dma_semaphore, #tpu.memory_space<semaphore_mem>>)
      } else {
      }
      %ge3A_381 = arith.constant 16 : i32
      %ge3A_382 = arith.cmpi sge, %add3A_375, %ge3A_381 : i32
      %convert_element_type3A_383 = arith.extui %ge3A_382 : i1 to i32
      %cond3A_384 = arith.constant 0 : i32
      %cond3A_385 = arith.cmpi ne, %convert_element_type3A_383, %cond3A_384 : i32
      scf.if %cond3A_385 {
        %dma_start3A_386 = arith.constant 0 : i32
        %dma_start3A_387 = arith.constant 1 : i32
        %dma_start3A_388 = arith.constant 1 : i32
        %dma_start3A_389 = arith.constant 0 : i32
        %dma_start3A_390 = arith.constant 0 : i32
        %dma_start3A_391 = tpu.memref_slice %arg9[%dma_start3A_388, %dma_start3A_389, %dma_start3A_390] : memref<2x128x128xf32, #tpu.memory_space<vmem>> -> memref<1x128x128xf32, #tpu.memory_space<vmem>>
        %dma_start3A_392 = tpu.memref_squeeze %dma_start3A_391 : memref<1x128x128xf32, #tpu.memory_space<vmem>> -> memref<128x128xf32, #tpu.memory_space<vmem>>
        %dma_start3A_393 = arith.constant 0 : i32
        %dma_start3A_394 = tpu.memref_slice %arg7[%dma_start3A_386, %dma_start3A_387, %dma_start3A_393] : memref<2x16x128xi32, #tpu.memory_space<vmem>> -> memref<1x1x128xi32, #tpu.memory_space<vmem>>
        %dma_start3A_395 = tpu.memref_squeeze %dma_start3A_394 : memref<1x1x128xi32, #tpu.memory_space<vmem>> -> memref<128xi32, #tpu.memory_space<vmem>>
        %dma_start3A_396 = arith.constant 0 : i32
        %dma_start3A_397 = arith.constant 0 : i32
        %dma_start3A_398 = tpu.memref_slice %arg2[%dma_start3A_396, %dma_start3A_397] : memref<10000x128xf32, #tpu.memory_space<hbm>> -> memref<10000x128xf32, #tpu.memory_space<hbm>>
        tpu.enqueue_indirect_dma source(%dma_start3A_398 : memref<10000x128xf32, #tpu.memory_space<hbm>>) target(%dma_start3A_392 : memref<128x128xf32, #tpu.memory_space<vmem>>) offsets(%dma_start3A_395 : memref<128xi32, #tpu.memory_space<vmem>>) semaphore(%arg12 : memref<!tpu.dma_semaphore, #tpu.memory_space<semaphore_mem>>)
      } else {
      }
    }
    %scan3A_313 = arith.constant 8 : i32
    %scan3A_314 = arith.constant 0 : i32
    %scan3A_315 = arith.constant 0 : i32
    %scan3A_316 = arith.constant 8 : i32
    %scan3A_317 = arith.addi %scan3A_315, %scan3A_316 : i32
    %scan3A_318 = arith.constant 1 : i32
    scf.for %scan3A_326 = %scan3A_315 to %scan3A_317 step %scan3A_318  : i32 {
      %mul3A_327 = arith.constant 2 : i32
      %mul3A_328 = arith.muli %mul3A_327, %scan3A_326 : i32
      %add3A_329 = arith.constant 0 : i32
      %add3A_330 = arith.addi %mul3A_328, %add3A_329 : i32
      %dma_wait3A_331 = arith.constant 0 : i32
      %dma_wait3A_332 = arith.constant 0 : i32
      %dma_wait3A_333 = arith.constant 0 : i32
      %dma_wait3A_334 = arith.constant 0 : i32
      %dma_wait3A_335 = tpu.memref_slice %arg9[%dma_wait3A_332, %dma_wait3A_333, %dma_wait3A_334] : memref<2x128x128xf32, #tpu.memory_space<vmem>> -> memref<1x128x128xf32, #tpu.memory_space<vmem>>
      %dma_wait3A_336 = tpu.memref_squeeze %dma_wait3A_335 : memref<1x128x128xf32, #tpu.memory_space<vmem>> -> memref<128x128xf32, #tpu.memory_space<vmem>>
      %dma_wait3A_337 = arith.constant 0 : i32
      %dma_wait3A_338 = tpu.memref_slice %arg7[%dma_wait3A_331, %add3A_330, %dma_wait3A_337] : memref<2x16x128xi32, #tpu.memory_space<vmem>> -> memref<1x1x128xi32, #tpu.memory_space<vmem>>
      %dma_wait3A_339 = tpu.memref_squeeze %dma_wait3A_338 : memref<1x1x128xi32, #tpu.memory_space<vmem>> -> memref<128xi32, #tpu.memory_space<vmem>>
      %dma_wait3A_340 = arith.constant 0 : i32
      %dma_wait3A_341 = arith.constant 0 : i32
      %dma_wait3A_342 = tpu.memref_slice %arg2[%dma_wait3A_340, %dma_wait3A_341] : memref<10000x128xf32, #tpu.memory_space<hbm>> -> memref<10000x128xf32, #tpu.memory_space<hbm>>
      tpu.wait_indirect_dma semaphore(%arg11 : memref<!tpu.dma_semaphore, #tpu.memory_space<semaphore_mem>>) src(%dma_wait3A_342 : memref<10000x128xf32, #tpu.memory_space<hbm>>) dst(%dma_wait3A_336 : memref<128x128xf32, #tpu.memory_space<vmem>>)
      %run_scoped3A = arith.constant 0 : i32
      %run_scoped3A_343 = arith.constant 0 : i32
      "tpu.region"() ({
        %run_scoped3A_377 = tpu.sem_alloc : memref<!tpu.dma_semaphore, #tpu.memory_space<semaphore_mem>>
        %dma_start3A_378 = arith.constant 0 : i32
        %dma_start3A_379 = arith.constant 0 : i32
        %dma_start3A_380 = tpu.memref_slice %arg9[%run_scoped3A, %dma_start3A_378, %dma_start3A_379] : memref<2x128x128xf32, #tpu.memory_space<vmem>> -> memref<1x128x128xf32, #tpu.memory_space<vmem>>
        %dma_start3A_381 = tpu.memref_squeeze %dma_start3A_380 : memref<1x128x128xf32, #tpu.memory_space<vmem>> -> memref<128x128xf32, #tpu.memory_space<vmem>>
        %dma_start3A_382 = arith.constant 0 : i32
        %dma_start3A_383 = tpu.memref_slice %arg8[%run_scoped3A_343, %add3A_330, %dma_start3A_382] : memref<2x16x128xi32, #tpu.memory_space<vmem>> -> memref<1x1x128xi32, #tpu.memory_space<vmem>>
        %dma_start3A_384 = tpu.memref_squeeze %dma_start3A_383 : memref<1x1x128xi32, #tpu.memory_space<vmem>> -> memref<128xi32, #tpu.memory_space<vmem>>
        %dma_start3A_385 = arith.constant 0 : i32
        %dma_start3A_386 = arith.constant 0 : i32
        %dma_start3A_387 = tpu.memref_slice %arg10[%dma_start3A_385, %dma_start3A_386] : memref<10240x128xf32, #tpu.memory_space<vmem_shared>> -> memref<10240x128xf32, #tpu.memory_space<vmem_shared>>
        tpu.enqueue_indirect_dma source(%dma_start3A_381 : memref<128x128xf32, #tpu.memory_space<vmem>>) target(%dma_start3A_387 : memref<10240x128xf32, #tpu.memory_space<vmem_shared>>) offsets(%dma_start3A_384 : memref<128xi32, #tpu.memory_space<vmem>>) semaphore(%run_scoped3A_377 : memref<!tpu.dma_semaphore, #tpu.memory_space<semaphore_mem>>) {add = true}
        %dma_wait3A_388 = arith.constant 0 : i32
        %dma_wait3A_389 = arith.constant 0 : i32
        %dma_wait3A_390 = tpu.memref_slice %arg9[%run_scoped3A, %dma_wait3A_388, %dma_wait3A_389] : memref<2x128x128xf32, #tpu.memory_space<vmem>> -> memref<1x128x128xf32, #tpu.memory_space<vmem>>
        %dma_wait3A_391 = tpu.memref_squeeze %dma_wait3A_390 : memref<1x128x128xf32, #tpu.memory_space<vmem>> -> memref<128x128xf32, #tpu.memory_space<vmem>>
        %dma_wait3A_392 = arith.constant 0 : i32
        %dma_wait3A_393 = tpu.memref_slice %arg8[%run_scoped3A_343, %add3A_330, %dma_wait3A_392] : memref<2x16x128xi32, #tpu.memory_space<vmem>> -> memref<1x1x128xi32, #tpu.memory_space<vmem>>
        %dma_wait3A_394 = tpu.memref_squeeze %dma_wait3A_393 : memref<1x1x128xi32, #tpu.memory_space<vmem>> -> memref<128xi32, #tpu.memory_space<vmem>>
        %dma_wait3A_395 = arith.constant 0 : i32
        %dma_wait3A_396 = arith.constant 0 : i32
        %dma_wait3A_397 = tpu.memref_slice %arg10[%dma_wait3A_395, %dma_wait3A_396] : memref<10240x128xf32, #tpu.memory_space<vmem_shared>> -> memref<10240x128xf32, #tpu.memory_space<vmem_shared>>
        tpu.wait_indirect_dma semaphore(%run_scoped3A_377 : memref<!tpu.dma_semaphore, #tpu.memory_space<semaphore_mem>>) src(%dma_wait3A_391 : memref<128x128xf32, #tpu.memory_space<vmem>>) dst(%dma_wait3A_397 : memref<10240x128xf32, #tpu.memory_space<vmem_shared>>)
        tpu.yield
      }) : () -> ()
      %run_scoped3A_344 = arith.constant 0 : i32
      "tpu.region"() ({
        %run_scoped3A_377 = tpu.sem_alloc : memref<!tpu.dma_semaphore, #tpu.memory_space<semaphore_mem>>
        %dma_start3A_378 = arith.constant 0 : i32
        %dma_start3A_379 = tpu.memref_slice %arg8[%run_scoped3A_344, %add3A_330, %dma_start3A_378] : memref<2x16x128xi32, #tpu.memory_space<vmem>> -> memref<1x1x128xi32, #tpu.memory_space<vmem>>
        %dma_start3A_380 = tpu.memref_squeeze %dma_start3A_379 : memref<1x1x128xi32, #tpu.memory_space<vmem>> -> memref<128xi32, #tpu.memory_space<vmem>>
        %dma_start3A_381 = arith.constant 0 : i32
        %dma_start3A_382 = tpu.memref_slice %arg17[%dma_start3A_381] : memref<10240xf32, #tpu.memory_space<vmem_shared>> -> memref<10240xf32, #tpu.memory_space<vmem_shared>>
        tpu.enqueue_indirect_dma source(%arg15 : memref<128xf32, #tpu.memory_space<vmem>>) target(%dma_start3A_382 : memref<10240xf32, #tpu.memory_space<vmem_shared>>) offsets(%dma_start3A_380 : memref<128xi32, #tpu.memory_space<vmem>>) semaphore(%run_scoped3A_377 : memref<!tpu.dma_semaphore, #tpu.memory_space<semaphore_mem>>) {add = true}
        %dma_wait3A_383 = arith.constant 0 : i32
        %dma_wait3A_384 = tpu.memref_slice %arg8[%run_scoped3A_344, %add3A_330, %dma_wait3A_383] : memref<2x16x128xi32, #tpu.memory_space<vmem>> -> memref<1x1x128xi32, #tpu.memory_space<vmem>>
        %dma_wait3A_385 = tpu.memref_squeeze %dma_wait3A_384 : memref<1x1x128xi32, #tpu.memory_space<vmem>> -> memref<128xi32, #tpu.memory_space<vmem>>
        %dma_wait3A_386 = arith.constant 0 : i32
        %dma_wait3A_387 = tpu.memref_slice %arg17[%dma_wait3A_386] : memref<10240xf32, #tpu.memory_space<vmem_shared>> -> memref<10240xf32, #tpu.memory_space<vmem_shared>>
        tpu.wait_indirect_dma semaphore(%run_scoped3A_377 : memref<!tpu.dma_semaphore, #tpu.memory_space<semaphore_mem>>) src(%arg15 : memref<128xf32, #tpu.memory_space<vmem>>) dst(%dma_wait3A_387 : memref<10240xf32, #tpu.memory_space<vmem_shared>>)
        tpu.yield
      }) : () -> ()
      %add3A_345 = arith.constant 2 : i32
      %add3A_346 = arith.addi %add3A_330, %add3A_345 : i32
      %lt3A = arith.constant 16 : i32
      %lt3A_347 = arith.cmpi slt, %add3A_346, %lt3A : i32
      %convert_element_type3A_348 = arith.extui %lt3A_347 : i1 to i32
      %cond3A_349 = arith.constant 0 : i32
      %cond3A_350 = arith.cmpi ne, %convert_element_type3A_348, %cond3A_349 : i32
      scf.if %cond3A_350 {
        %dma_start3A_377 = arith.constant 0 : i32
        %dma_start3A_378 = arith.constant 0 : i32
        %dma_start3A_379 = arith.constant 0 : i32
        %dma_start3A_380 = arith.constant 0 : i32
        %dma_start3A_381 = tpu.memref_slice %arg9[%dma_start3A_378, %dma_start3A_379, %dma_start3A_380] : memref<2x128x128xf32, #tpu.memory_space<vmem>> -> memref<1x128x128xf32, #tpu.memory_space<vmem>>
        %dma_start3A_382 = tpu.memref_squeeze %dma_start3A_381 : memref<1x128x128xf32, #tpu.memory_space<vmem>> -> memref<128x128xf32, #tpu.memory_space<vmem>>
        %dma_start3A_383 = arith.constant 0 : i32
        %dma_start3A_384 = tpu.memref_slice %arg7[%dma_start3A_377, %add3A_346, %dma_start3A_383] : memref<2x16x128xi32, #tpu.memory_space<vmem>> -> memref<1x1x128xi32, #tpu.memory_space<vmem>>
        %dma_start3A_385 = tpu.memref_squeeze %dma_start3A_384 : memref<1x1x128xi32, #tpu.memory_space<vmem>> -> memref<128xi32, #tpu.memory_space<vmem>>
        %dma_start3A_386 = arith.constant 0 : i32
        %dma_start3A_387 = arith.constant 0 : i32
        %dma_start3A_388 = tpu.memref_slice %arg2[%dma_start3A_386, %dma_start3A_387] : memref<10000x128xf32, #tpu.memory_space<hbm>> -> memref<10000x128xf32, #tpu.memory_space<hbm>>
        tpu.enqueue_indirect_dma source(%dma_start3A_388 : memref<10000x128xf32, #tpu.memory_space<hbm>>) target(%dma_start3A_382 : memref<128x128xf32, #tpu.memory_space<vmem>>) offsets(%dma_start3A_385 : memref<128xi32, #tpu.memory_space<vmem>>) semaphore(%arg11 : memref<!tpu.dma_semaphore, #tpu.memory_space<semaphore_mem>>)
      } else {
      }
      %mul3A_351 = arith.constant 2 : i32
      %mul3A_352 = arith.muli %mul3A_351, %scan3A_326 : i32
      %add3A_353 = arith.constant 1 : i32
      %add3A_354 = arith.addi %mul3A_352, %add3A_353 : i32
      %dma_wait3A_355 = arith.constant 0 : i32
      %dma_wait3A_356 = arith.constant 1 : i32
      %dma_wait3A_357 = arith.constant 0 : i32
      %dma_wait3A_358 = arith.constant 0 : i32
      %dma_wait3A_359 = tpu.memref_slice %arg9[%dma_wait3A_356, %dma_wait3A_357, %dma_wait3A_358] : memref<2x128x128xf32, #tpu.memory_space<vmem>> -> memref<1x128x128xf32, #tpu.memory_space<vmem>>
      %dma_wait3A_360 = tpu.memref_squeeze %dma_wait3A_359 : memref<1x128x128xf32, #tpu.memory_space<vmem>> -> memref<128x128xf32, #tpu.memory_space<vmem>>
      %dma_wait3A_361 = arith.constant 0 : i32
      %dma_wait3A_362 = tpu.memref_slice %arg7[%dma_wait3A_355, %add3A_354, %dma_wait3A_361] : memref<2x16x128xi32, #tpu.memory_space<vmem>> -> memref<1x1x128xi32, #tpu.memory_space<vmem>>
      %dma_wait3A_363 = tpu.memref_squeeze %dma_wait3A_362 : memref<1x1x128xi32, #tpu.memory_space<vmem>> -> memref<128xi32, #tpu.memory_space<vmem>>
      %dma_wait3A_364 = arith.constant 0 : i32
      %dma_wait3A_365 = arith.constant 0 : i32
      %dma_wait3A_366 = tpu.memref_slice %arg2[%dma_wait3A_364, %dma_wait3A_365] : memref<10000x128xf32, #tpu.memory_space<hbm>> -> memref<10000x128xf32, #tpu.memory_space<hbm>>
      tpu.wait_indirect_dma semaphore(%arg12 : memref<!tpu.dma_semaphore, #tpu.memory_space<semaphore_mem>>) src(%dma_wait3A_366 : memref<10000x128xf32, #tpu.memory_space<hbm>>) dst(%dma_wait3A_360 : memref<128x128xf32, #tpu.memory_space<vmem>>)
      %run_scoped3A_367 = arith.constant 1 : i32
      %run_scoped3A_368 = arith.constant 0 : i32
      "tpu.region"() ({
        %run_scoped3A_377 = tpu.sem_alloc : memref<!tpu.dma_semaphore, #tpu.memory_space<semaphore_mem>>
        %dma_start3A_378 = arith.constant 0 : i32
        %dma_start3A_379 = arith.constant 0 : i32
        %dma_start3A_380 = tpu.memref_slice %arg9[%run_scoped3A_367, %dma_start3A_378, %dma_start3A_379] : memref<2x128x128xf32, #tpu.memory_space<vmem>> -> memref<1x128x128xf32, #tpu.memory_space<vmem>>
        %dma_start3A_381 = tpu.memref_squeeze %dma_start3A_380 : memref<1x128x128xf32, #tpu.memory_space<vmem>> -> memref<128x128xf32, #tpu.memory_space<vmem>>
        %dma_start3A_382 = arith.constant 0 : i32
        %dma_start3A_383 = tpu.memref_slice %arg8[%run_scoped3A_368, %add3A_354, %dma_start3A_382] : memref<2x16x128xi32, #tpu.memory_space<vmem>> -> memref<1x1x128xi32, #tpu.memory_space<vmem>>
        %dma_start3A_384 = tpu.memref_squeeze %dma_start3A_383 : memref<1x1x128xi32, #tpu.memory_space<vmem>> -> memref<128xi32, #tpu.memory_space<vmem>>
        %dma_start3A_385 = arith.constant 0 : i32
        %dma_start3A_386 = arith.constant 0 : i32
        %dma_start3A_387 = tpu.memref_slice %arg10[%dma_start3A_385, %dma_start3A_386] : memref<10240x128xf32, #tpu.memory_space<vmem_shared>> -> memref<10240x128xf32, #tpu.memory_space<vmem_shared>>
        tpu.enqueue_indirect_dma source(%dma_start3A_381 : memref<128x128xf32, #tpu.memory_space<vmem>>) target(%dma_start3A_387 : memref<10240x128xf32, #tpu.memory_space<vmem_shared>>) offsets(%dma_start3A_384 : memref<128xi32, #tpu.memory_space<vmem>>) semaphore(%run_scoped3A_377 : memref<!tpu.dma_semaphore, #tpu.memory_space<semaphore_mem>>) {add = true}
        %dma_wait3A_388 = arith.constant 0 : i32
        %dma_wait3A_389 = arith.constant 0 : i32
        %dma_wait3A_390 = tpu.memref_slice %arg9[%run_scoped3A_367, %dma_wait3A_388, %dma_wait3A_389] : memref<2x128x128xf32, #tpu.memory_space<vmem>> -> memref<1x128x128xf32, #tpu.memory_space<vmem>>
        %dma_wait3A_391 = tpu.memref_squeeze %dma_wait3A_390 : memref<1x128x128xf32, #tpu.memory_space<vmem>> -> memref<128x128xf32, #tpu.memory_space<vmem>>
        %dma_wait3A_392 = arith.constant 0 : i32
        %dma_wait3A_393 = tpu.memref_slice %arg8[%run_scoped3A_368, %add3A_354, %dma_wait3A_392] : memref<2x16x128xi32, #tpu.memory_space<vmem>> -> memref<1x1x128xi32, #tpu.memory_space<vmem>>
        %dma_wait3A_394 = tpu.memref_squeeze %dma_wait3A_393 : memref<1x1x128xi32, #tpu.memory_space<vmem>> -> memref<128xi32, #tpu.memory_space<vmem>>
        %dma_wait3A_395 = arith.constant 0 : i32
        %dma_wait3A_396 = arith.constant 0 : i32
        %dma_wait3A_397 = tpu.memref_slice %arg10[%dma_wait3A_395, %dma_wait3A_396] : memref<10240x128xf32, #tpu.memory_space<vmem_shared>> -> memref<10240x128xf32, #tpu.memory_space<vmem_shared>>
        tpu.wait_indirect_dma semaphore(%run_scoped3A_377 : memref<!tpu.dma_semaphore, #tpu.memory_space<semaphore_mem>>) src(%dma_wait3A_391 : memref<128x128xf32, #tpu.memory_space<vmem>>) dst(%dma_wait3A_397 : memref<10240x128xf32, #tpu.memory_space<vmem_shared>>)
        tpu.yield
      }) : () -> ()
      %run_scoped3A_369 = arith.constant 0 : i32
      "tpu.region"() ({
        %run_scoped3A_377 = tpu.sem_alloc : memref<!tpu.dma_semaphore, #tpu.memory_space<semaphore_mem>>
        %dma_start3A_378 = arith.constant 0 : i32
        %dma_start3A_379 = tpu.memref_slice %arg8[%run_scoped3A_369, %add3A_354, %dma_start3A_378] : memref<2x16x128xi32, #tpu.memory_space<vmem>> -> memref<1x1x128xi32, #tpu.memory_space<vmem>>
        %dma_start3A_380 = tpu.memref_squeeze %dma_start3A_379 : memref<1x1x128xi32, #tpu.memory_space<vmem>> -> memref<128xi32, #tpu.memory_space<vmem>>
        %dma_start3A_381 = arith.constant 0 : i32
        %dma_start3A_382 = tpu.memref_slice %arg17[%dma_start3A_381] : memref<10240xf32, #tpu.memory_space<vmem_shared>> -> memref<10240xf32, #tpu.memory_space<vmem_shared>>
        tpu.enqueue_indirect_dma source(%arg15 : memref<128xf32, #tpu.memory_space<vmem>>) target(%dma_start3A_382 : memref<10240xf32, #tpu.memory_space<vmem_shared>>) offsets(%dma_start3A_380 : memref<128xi32, #tpu.memory_space<vmem>>) semaphore(%run_scoped3A_377 : memref<!tpu.dma_semaphore, #tpu.memory_space<semaphore_mem>>) {add = true}
        %dma_wait3A_383 = arith.constant 0 : i32
        %dma_wait3A_384 = tpu.memref_slice %arg8[%run_scoped3A_369, %add3A_354, %dma_wait3A_383] : memref<2x16x128xi32, #tpu.memory_space<vmem>> -> memref<1x1x128xi32, #tpu.memory_space<vmem>>
        %dma_wait3A_385 = tpu.memref_squeeze %dma_wait3A_384 : memref<1x1x128xi32, #tpu.memory_space<vmem>> -> memref<128xi32, #tpu.memory_space<vmem>>
        %dma_wait3A_386 = arith.constant 0 : i32
        %dma_wait3A_387 = tpu.memref_slice %arg17[%dma_wait3A_386] : memref<10240xf32, #tpu.memory_space<vmem_shared>> -> memref<10240xf32, #tpu.memory_space<vmem_shared>>
        tpu.wait_indirect_dma semaphore(%run_scoped3A_377 : memref<!tpu.dma_semaphore, #tpu.memory_space<semaphore_mem>>) src(%arg15 : memref<128xf32, #tpu.memory_space<vmem>>) dst(%dma_wait3A_387 : memref<10240xf32, #tpu.memory_space<vmem_shared>>)
        tpu.yield
      }) : () -> ()
      %add3A_370 = arith.constant 2 : i32
      %add3A_371 = arith.addi %add3A_354, %add3A_370 : i32
      %lt3A_372 = arith.constant 16 : i32
      %lt3A_373 = arith.cmpi slt, %add3A_371, %lt3A_372 : i32
      %convert_element_type3A_374 = arith.extui %lt3A_373 : i1 to i32
      %cond3A_375 = arith.constant 0 : i32
      %cond3A_376 = arith.cmpi ne, %convert_element_type3A_374, %cond3A_375 : i32
      scf.if %cond3A_376 {
        %dma_start3A_377 = arith.constant 0 : i32
        %dma_start3A_378 = arith.constant 1 : i32
        %dma_start3A_379 = arith.constant 0 : i32
        %dma_start3A_380 = arith.constant 0 : i32
        %dma_start3A_381 = tpu.memref_slice %arg9[%dma_start3A_378, %dma_start3A_379, %dma_start3A_380] : memref<2x128x128xf32, #tpu.memory_space<vmem>> -> memref<1x128x128xf32, #tpu.memory_space<vmem>>
        %dma_start3A_382 = tpu.memref_squeeze %dma_start3A_381 : memref<1x128x128xf32, #tpu.memory_space<vmem>> -> memref<128x128xf32, #tpu.memory_space<vmem>>
        %dma_start3A_383 = arith.constant 0 : i32
        %dma_start3A_384 = tpu.memref_slice %arg7[%dma_start3A_377, %add3A_371, %dma_start3A_383] : memref<2x16x128xi32, #tpu.memory_space<vmem>> -> memref<1x1x128xi32, #tpu.memory_space<vmem>>
        %dma_start3A_385 = tpu.memref_squeeze %dma_start3A_384 : memref<1x1x128xi32, #tpu.memory_space<vmem>> -> memref<128xi32, #tpu.memory_space<vmem>>
        %dma_start3A_386 = arith.constant 0 : i32
        %dma_start3A_387 = arith.constant 0 : i32
        %dma_start3A_388 = tpu.memref_slice %arg2[%dma_start3A_386, %dma_start3A_387] : memref<10000x128xf32, #tpu.memory_space<hbm>> -> memref<10000x128xf32, #tpu.memory_space<hbm>>
        tpu.enqueue_indirect_dma source(%dma_start3A_388 : memref<10000x128xf32, #tpu.memory_space<hbm>>) target(%dma_start3A_382 : memref<128x128xf32, #tpu.memory_space<vmem>>) offsets(%dma_start3A_385 : memref<128xi32, #tpu.memory_space<vmem>>) semaphore(%arg12 : memref<!tpu.dma_semaphore, #tpu.memory_space<semaphore_mem>>)
      } else {
      }
    }
    %scan3A_319 = arith.constant 8 : i32
    %barrier3A_320 = arith.constant 0 : index
    tpu.barrier barrier_id(%barrier3A_320)
    "tpu.region"() ({
      %run_scoped3A = tpu.sem_alloc : memref<!tpu.dma_semaphore, #tpu.memory_space<semaphore_mem>>
      %dma_start3A_326 = arith.constant 0 : i32
      %dma_start3A_327 = tpu.memref_slice %arg5[%arg0, %mul3A_8, %dma_start3A_326] : memref<2x10240x128xf32, #tpu.memory_space<hbm>> -> memref<1x640x128xf32, #tpu.memory_space<hbm>>
      %dma_start3A_328 = tpu.memref_squeeze %dma_start3A_327 : memref<1x640x128xf32, #tpu.memory_space<hbm>> -> memref<640x128xf32, #tpu.memory_space<hbm>>
      %dma_start3A_329 = arith.constant 0 : i32
      %dma_start3A_330 = tpu.memref_slice %arg10[%mul3A_8, %dma_start3A_329] : memref<10240x128xf32, #tpu.memory_space<vmem_shared>> -> memref<640x128xf32, #tpu.memory_space<vmem_shared>>
      tpu.enqueue_dma source(%dma_start3A_330 : memref<640x128xf32, #tpu.memory_space<vmem_shared>>) target(%dma_start3A_328 : memref<640x128xf32, #tpu.memory_space<hbm>>) target_semaphore(%run_scoped3A : memref<!tpu.dma_semaphore, #tpu.memory_space<semaphore_mem>>)
      %dma_wait3A_331 = arith.constant 0 : i32
      %dma_wait3A_332 = tpu.memref_slice %arg5[%arg0, %mul3A_8, %dma_wait3A_331] : memref<2x10240x128xf32, #tpu.memory_space<hbm>> -> memref<1x640x128xf32, #tpu.memory_space<hbm>>
      %dma_wait3A_333 = tpu.memref_squeeze %dma_wait3A_332 : memref<1x640x128xf32, #tpu.memory_space<hbm>> -> memref<640x128xf32, #tpu.memory_space<hbm>>
      %dma_wait3A_334 = arith.constant 0 : i32
      %dma_wait3A_335 = tpu.memref_slice %arg10[%mul3A_8, %dma_wait3A_334] : memref<10240x128xf32, #tpu.memory_space<vmem_shared>> -> memref<640x128xf32, #tpu.memory_space<vmem_shared>>
      tpu.wait_dma2 semaphore(%run_scoped3A : memref<!tpu.dma_semaphore, #tpu.memory_space<semaphore_mem>>) src(%dma_wait3A_335 : memref<640x128xf32, #tpu.memory_space<vmem_shared>>) dst(%dma_wait3A_333 : memref<640x128xf32, #tpu.memory_space<hbm>>)
      tpu.yield
    }) : () -> ()
    %eq3A_321 = arith.constant 0 : i32
    %eq3A_322 = arith.cmpi eq, %arg1, %eq3A_321 : i32
    %convert_element_type3A_323 = arith.extui %eq3A_322 : i1 to i32
    %cond3A_324 = arith.constant 0 : i32
    %cond3A_325 = arith.cmpi ne, %convert_element_type3A_323, %cond3A_324 : i32
    scf.if %cond3A_325 {
      %mul3A_326 = arith.constant 10240 : i32
      %mul3A_327 = arith.muli %arg0, %mul3A_326 : i32
      "tpu.region"() ({
        %run_scoped3A = tpu.sem_alloc : memref<!tpu.dma_semaphore, #tpu.memory_space<semaphore_mem>>
        %dma_start3A_328 = tpu.memref_slice %arg6[%mul3A_327] : memref<20480xf32, #tpu.memory_space<hbm>> -> memref<10240xf32, #tpu.memory_space<hbm>>
        tpu.enqueue_dma source(%arg17 : memref<10240xf32, #tpu.memory_space<vmem_shared>>) target(%dma_start3A_328 : memref<10240xf32, #tpu.memory_space<hbm>>) target_semaphore(%run_scoped3A : memref<!tpu.dma_semaphore, #tpu.memory_space<semaphore_mem>>)
        %dma_wait3A_329 = tpu.memref_slice %arg6[%mul3A_327] : memref<20480xf32, #tpu.memory_space<hbm>> -> memref<10240xf32, #tpu.memory_space<hbm>>
        tpu.wait_dma2 semaphore(%run_scoped3A : memref<!tpu.dma_semaphore, #tpu.memory_space<semaphore_mem>>) src(%arg17 : memref<10240xf32, #tpu.memory_space<vmem_shared>>) dst(%dma_wait3A_329 : memref<10240xf32, #tpu.memory_space<hbm>>)
        tpu.yield
      }) : () -> ()
    } else {
    }
    return
  }
}

#map = affine_map<(d0, d1) -> (0, 0)>
#map1 = affine_map<(d0, d1) -> (0, 0, 0)>
module attributes {stable_mosaic.version = 14 : i64} {
  func.func @body(%arg0: i32, %arg1: i32, %arg2: memref<10000x128xf32, #tpu.memory_space<hbm>>, %arg3: memref<32x80x128xi32, #tpu.memory_space<hbm>>, %arg4: memref<32x80x128xi32, #tpu.memory_space<hbm>>, %arg5: memref<2x10240x128xf32, #tpu.memory_space<hbm>>, %arg6: memref<2x16x128xi32, #tpu.memory_space<vmem>>, %arg7: memref<2x16x128xi32, #tpu.memory_space<vmem>>, %arg8: memref<2x128x128xf32, #tpu.memory_space<vmem>>, %arg9: memref<10240x128xf32, #tpu.memory_space<vmem_shared>>, %arg10: memref<!tpu.dma_semaphore, #tpu.memory_space<semaphore_mem>>, %arg11: memref<!tpu.dma_semaphore, #tpu.memory_space<semaphore_mem>>, %arg12: memref<!tpu.dma_semaphore, #tpu.memory_space<semaphore_mem>>, %arg13: memref<!tpu.dma_semaphore, #tpu.memory_space<semaphore_mem>>) attributes {dimension_semantics = [#tpu.dimension_semantics<core_parallel>, #tpu.dimension_semantics<subcore_parallel>], iteration_bounds = array<i64: 2, 16>, scalar_prefetch = 0 : i64, scratch_operands = 8 : i64, tpu.core_type = #tpu.core_type<sc_vector_subcore>, window_params = [{transform_indices = #map}, {transform_indices = #map1}, {transform_indices = #map1}, {transform_indices = #map1}]} {
    %mul3A = arith.constant 2 : i32
    %mul3A_0 = arith.muli %arg1, %mul3A : i32
    %add3A = arith.addi %mul3A_0, %arg0 : i32
    %broadcast_in_dim3A = arith.constant 0.000000e+00 : f32
    %broadcast_in_dim3A_1 = vector.broadcast %broadcast_in_dim3A : f32 to vector<16xf32>
    %scan3A = arith.constant 0 : i32
    %scan3A_2 = arith.constant 0 : i32
    %scan3A_3 = arith.constant 128 : i32
    %scan3A_4 = arith.addi %scan3A_2, %scan3A_3 : i32
    %scan3A_5 = arith.constant 1 : i32
    scf.for %scan3A_280 = %scan3A_2 to %scan3A_4 step %scan3A_5  : i32 {
      %scan3A_281 = arith.constant 0 : i32
      %scan3A_282 = arith.constant 8 : i32
      %scan3A_283 = arith.addi %scan3A_281, %scan3A_282 : i32
      %scan3A_284 = arith.constant 1 : i32
      scf.for %scan3A_286 = %scan3A_281 to %scan3A_283 step %scan3A_284  : i32 {
        %mul3A_287 = arith.constant 16 : i32
        %mul3A_288 = arith.muli %scan3A_286, %mul3A_287 : i32
        %swap3A = arith.constant 0 : i32
        %swap3A_289 = arith.index_cast %swap3A : i32 to index
        %swap3A_290 = arith.index_cast %scan3A_280 : i32 to index
        %swap3A_291 = arith.index_cast %mul3A_288 : i32 to index
        %swap3A_292 = tpu.vector_load %arg8[%swap3A_289, %swap3A_290, %swap3A_291] {strides = array<i32>} : memref<2x128x128xf32, #tpu.memory_space<vmem>>, vector<1x1x16xf32>,
        %swap3A_293 = vector.shape_cast %swap3A_292 : vector<1x1x16xf32> to vector<16xf32>
        %swap3A_294 = vector.shape_cast %broadcast_in_dim3A_1 : vector<16xf32> to vector<1x1x16xf32>
        tpu.vector_store %arg8[%swap3A_289, %swap3A_290, %swap3A_291], %swap3A_294 {strides = array<i32>} : memref<2x128x128xf32, #tpu.memory_space<vmem>>, vector<1x1x16xf32>,
      }
      %scan3A_285 = arith.constant 8 : i32
    }
    %scan3A_6 = arith.constant 128 : i32
    %mul3A_7 = arith.constant 640 : i32
    %mul3A_8 = arith.muli %arg1, %mul3A_7 : i32
    %scan3A_9 = arith.constant 0 : i32
    %scan3A_10 = arith.constant 0 : i32
    %scan3A_11 = arith.constant 5 : i32
    %scan3A_12 = arith.addi %scan3A_10, %scan3A_11 : i32
    %scan3A_13 = arith.constant 1 : i32
    scf.for %scan3A_280 = %scan3A_10 to %scan3A_12 step %scan3A_13  : i32 {
      %mul3A_281 = arith.constant 128 : i32
      %mul3A_282 = arith.muli %scan3A_280, %mul3A_281 : i32
      %add3A_283 = arith.addi %mul3A_8, %mul3A_282 : i32
      %dma_start3A_284 = arith.constant 0 : i32
      %dma_start3A_285 = arith.constant 0 : i32
      %dma_start3A_286 = arith.constant 0 : i32
      %dma_start3A_287 = tpu.memref_slice %arg8[%dma_start3A_284, %dma_start3A_285, %dma_start3A_286] : memref<2x128x128xf32, #tpu.memory_space<vmem>> -> memref<1x128x128xf32, #tpu.memory_space<vmem>>
      %dma_start3A_288 = tpu.memref_squeeze %dma_start3A_287 : memref<1x128x128xf32, #tpu.memory_space<vmem>> -> memref<128x128xf32, #tpu.memory_space<vmem>>
      %dma_start3A_289 = arith.constant 0 : i32
      %dma_start3A_290 = tpu.memref_slice %arg9[%add3A_283, %dma_start3A_289] : memref<10240x128xf32, #tpu.memory_space<vmem_shared>> -> memref<128x128xf32, #tpu.memory_space<vmem_shared>>
      %dma_start3A_291 = arith.constant 0 : i32
      %dma_start3A_292 = tpu.memref_slice %arg9[%add3A_283, %dma_start3A_291] : memref<10240x128xf32, #tpu.memory_space<vmem_shared>> -> memref<128x128xf32, #tpu.memory_space<vmem_shared>>
      %dma_start3A_293 = arith.constant 0 : i32
      %dma_start3A_294 = arith.constant 0 : i32
      %dma_start3A_295 = tpu.memref_slice %arg8[%dma_start3A_284, %dma_start3A_293, %dma_start3A_294] : memref<2x128x128xf32, #tpu.memory_space<vmem>> -> memref<1x128x128xf32, #tpu.memory_space<vmem>>
      %dma_start3A_296 = tpu.memref_squeeze %dma_start3A_295 : memref<1x128x128xf32, #tpu.memory_space<vmem>> -> memref<128x128xf32, #tpu.memory_space<vmem>>
      tpu.enqueue_dma source(%dma_start3A_296 : memref<128x128xf32, #tpu.memory_space<vmem>>) target(%dma_start3A_292 : memref<128x128xf32, #tpu.memory_space<vmem_shared>>) target_semaphore(%arg10 : memref<!tpu.dma_semaphore, #tpu.memory_space<semaphore_mem>>)
    }
    %scan3A_14 = arith.constant 5 : i32
    %scan3A_15 = arith.constant 0 : i32
    %scan3A_16 = arith.constant 0 : i32
    %scan3A_17 = arith.constant 5 : i32
    %scan3A_18 = arith.addi %scan3A_16, %scan3A_17 : i32
    %scan3A_19 = arith.constant 1 : i32
    scf.for %scan3A_280 = %scan3A_16 to %scan3A_18 step %scan3A_19  : i32 {
      %mul3A_281 = arith.constant 128 : i32
      %mul3A_282 = arith.muli %scan3A_280, %mul3A_281 : i32
      %add3A_283 = arith.addi %mul3A_8, %mul3A_282 : i32
      %dma_wait3A_284 = arith.constant 0 : i32
      %dma_wait3A_285 = arith.constant 0 : i32
      %dma_wait3A_286 = arith.constant 0 : i32
      %dma_wait3A_287 = tpu.memref_slice %arg8[%dma_wait3A_284, %dma_wait3A_285, %dma_wait3A_286] : memref<2x128x128xf32, #tpu.memory_space<vmem>> -> memref<1x128x128xf32, #tpu.memory_space<vmem>>
      %dma_wait3A_288 = tpu.memref_squeeze %dma_wait3A_287 : memref<1x128x128xf32, #tpu.memory_space<vmem>> -> memref<128x128xf32, #tpu.memory_space<vmem>>
      %dma_wait3A_289 = arith.constant 0 : i32
      %dma_wait3A_290 = tpu.memref_slice %arg9[%add3A_283, %dma_wait3A_289] : memref<10240x128xf32, #tpu.memory_space<vmem_shared>> -> memref<128x128xf32, #tpu.memory_space<vmem_shared>>
      %dma_wait3A_291 = arith.constant 0 : i32
      %dma_wait3A_292 = tpu.memref_slice %arg9[%add3A_283, %dma_wait3A_291] : memref<10240x128xf32, #tpu.memory_space<vmem_shared>> -> memref<128x128xf32, #tpu.memory_space<vmem_shared>>
      %dma_wait3A_293 = arith.constant 0 : i32
      %dma_wait3A_294 = arith.constant 0 : i32
      %dma_wait3A_295 = tpu.memref_slice %arg8[%dma_wait3A_284, %dma_wait3A_293, %dma_wait3A_294] : memref<2x128x128xf32, #tpu.memory_space<vmem>> -> memref<1x128x128xf32, #tpu.memory_space<vmem>>
      %dma_wait3A_296 = tpu.memref_squeeze %dma_wait3A_295 : memref<1x128x128xf32, #tpu.memory_space<vmem>> -> memref<128x128xf32, #tpu.memory_space<vmem>>
      tpu.wait_dma2 semaphore(%arg10 : memref<!tpu.dma_semaphore, #tpu.memory_space<semaphore_mem>>) src(%dma_wait3A_296 : memref<128x128xf32, #tpu.memory_space<vmem>>) dst(%dma_wait3A_292 : memref<128x128xf32, #tpu.memory_space<vmem_shared>>)
    }
    %scan3A_20 = arith.constant 5 : i32
    %dma_start3A = arith.constant 0 : i32
    %dma_start3A_21 = arith.constant 0 : i32
    %dma_start3A_22 = arith.constant 0 : i32
    %dma_start3A_23 = tpu.memref_slice %arg6[%dma_start3A, %dma_start3A_21, %dma_start3A_22] : memref<2x16x128xi32, #tpu.memory_space<vmem>> -> memref<1x16x128xi32, #tpu.memory_space<vmem>>
    %dma_start3A_24 = tpu.memref_squeeze %dma_start3A_23 : memref<1x16x128xi32, #tpu.memory_space<vmem>> -> memref<16x128xi32, #tpu.memory_space<vmem>>
    %dma_start3A_25 = arith.constant 0 : i32
    %dma_start3A_26 = arith.constant 0 : i32
    %dma_start3A_27 = tpu.memref_slice %arg3[%add3A, %dma_start3A_25, %dma_start3A_26] : memref<32x80x128xi32, #tpu.memory_space<hbm>> -> memref<1x16x128xi32, #tpu.memory_space<hbm>>
    %dma_start3A_28 = tpu.memref_squeeze %dma_start3A_27 : memref<1x16x128xi32, #tpu.memory_space<hbm>> -> memref<16x128xi32, #tpu.memory_space<hbm>>
    %dma_start3A_29 = arith.constant 0 : i32
    %dma_start3A_30 = arith.constant 0 : i32
    %dma_start3A_31 = tpu.memref_slice %arg6[%dma_start3A, %dma_start3A_29, %dma_start3A_30] : memref<2x16x128xi32, #tpu.memory_space<vmem>> -> memref<1x16x128xi32, #tpu.memory_space<vmem>>
    %dma_start3A_32 = tpu.memref_squeeze %dma_start3A_31 : memref<1x16x128xi32, #tpu.memory_space<vmem>> -> memref<16x128xi32, #tpu.memory_space<vmem>>
    %dma_start3A_33 = arith.constant 0 : i32
    %dma_start3A_34 = arith.constant 0 : i32
    %dma_start3A_35 = tpu.memref_slice %arg3[%add3A, %dma_start3A_33, %dma_start3A_34] : memref<32x80x128xi32, #tpu.memory_space<hbm>> -> memref<1x16x128xi32, #tpu.memory_space<hbm>>
    %dma_start3A_36 = tpu.memref_squeeze %dma_start3A_35 : memref<1x16x128xi32, #tpu.memory_space<hbm>> -> memref<16x128xi32, #tpu.memory_space<hbm>>
    tpu.enqueue_dma source(%dma_start3A_36 : memref<16x128xi32, #tpu.memory_space<hbm>>) target(%dma_start3A_32 : memref<16x128xi32, #tpu.memory_space<vmem>>) target_semaphore(%arg12 : memref<!tpu.dma_semaphore, #tpu.memory_space<semaphore_mem>>)
    %dma_start3A_37 = arith.constant 0 : i32
    %dma_start3A_38 = arith.constant 0 : i32
    %dma_start3A_39 = arith.constant 0 : i32
    %dma_start3A_40 = tpu.memref_slice %arg7[%dma_start3A_37, %dma_start3A_38, %dma_start3A_39] : memref<2x16x128xi32, #tpu.memory_space<vmem>> -> memref<1x16x128xi32, #tpu.memory_space<vmem>>
    %dma_start3A_41 = tpu.memref_squeeze %dma_start3A_40 : memref<1x16x128xi32, #tpu.memory_space<vmem>> -> memref<16x128xi32, #tpu.memory_space<vmem>>
    %dma_start3A_42 = arith.constant 0 : i32
    %dma_start3A_43 = arith.constant 0 : i32
    %dma_start3A_44 = tpu.memref_slice %arg4[%add3A, %dma_start3A_42, %dma_start3A_43] : memref<32x80x128xi32, #tpu.memory_space<hbm>> -> memref<1x16x128xi32, #tpu.memory_space<hbm>>
    %dma_start3A_45 = tpu.memref_squeeze %dma_start3A_44 : memref<1x16x128xi32, #tpu.memory_space<hbm>> -> memref<16x128xi32, #tpu.memory_space<hbm>>
    %dma_start3A_46 = arith.constant 0 : i32
    %dma_start3A_47 = arith.constant 0 : i32
    %dma_start3A_48 = tpu.memref_slice %arg7[%dma_start3A_37, %dma_start3A_46, %dma_start3A_47] : memref<2x16x128xi32, #tpu.memory_space<vmem>> -> memref<1x16x128xi32, #tpu.memory_space<vmem>>
    %dma_start3A_49 = tpu.memref_squeeze %dma_start3A_48 : memref<1x16x128xi32, #tpu.memory_space<vmem>> -> memref<16x128xi32, #tpu.memory_space<vmem>>
    %dma_start3A_50 = arith.constant 0 : i32
    %dma_start3A_51 = arith.constant 0 : i32
    %dma_start3A_52 = tpu.memref_slice %arg4[%add3A, %dma_start3A_50, %dma_start3A_51] : memref<32x80x128xi32, #tpu.memory_space<hbm>> -> memref<1x16x128xi32, #tpu.memory_space<hbm>>
    %dma_start3A_53 = tpu.memref_squeeze %dma_start3A_52 : memref<1x16x128xi32, #tpu.memory_space<hbm>> -> memref<16x128xi32, #tpu.memory_space<hbm>>
    tpu.enqueue_dma source(%dma_start3A_53 : memref<16x128xi32, #tpu.memory_space<hbm>>) target(%dma_start3A_49 : memref<16x128xi32, #tpu.memory_space<vmem>>) target_semaphore(%arg12 : memref<!tpu.dma_semaphore, #tpu.memory_space<semaphore_mem>>)
    %dma_start3A_54 = arith.constant 1 : i32
    %dma_start3A_55 = arith.constant 0 : i32
    %dma_start3A_56 = arith.constant 0 : i32
    %dma_start3A_57 = tpu.memref_slice %arg6[%dma_start3A_54, %dma_start3A_55, %dma_start3A_56] : memref<2x16x128xi32, #tpu.memory_space<vmem>> -> memref<1x16x128xi32, #tpu.memory_space<vmem>>
    %dma_start3A_58 = tpu.memref_squeeze %dma_start3A_57 : memref<1x16x128xi32, #tpu.memory_space<vmem>> -> memref<16x128xi32, #tpu.memory_space<vmem>>
    %dma_start3A_59 = arith.constant 16 : i32
    %dma_start3A_60 = arith.constant 0 : i32
    %dma_start3A_61 = tpu.memref_slice %arg3[%add3A, %dma_start3A_59, %dma_start3A_60] : memref<32x80x128xi32, #tpu.memory_space<hbm>> -> memref<1x16x128xi32, #tpu.memory_space<hbm>>
    %dma_start3A_62 = tpu.memref_squeeze %dma_start3A_61 : memref<1x16x128xi32, #tpu.memory_space<hbm>> -> memref<16x128xi32, #tpu.memory_space<hbm>>
    %dma_start3A_63 = arith.constant 0 : i32
    %dma_start3A_64 = arith.constant 0 : i32
    %dma_start3A_65 = tpu.memref_slice %arg6[%dma_start3A_54, %dma_start3A_63, %dma_start3A_64] : memref<2x16x128xi32, #tpu.memory_space<vmem>> -> memref<1x16x128xi32, #tpu.memory_space<vmem>>
    %dma_start3A_66 = tpu.memref_squeeze %dma_start3A_65 : memref<1x16x128xi32, #tpu.memory_space<vmem>> -> memref<16x128xi32, #tpu.memory_space<vmem>>
    %dma_start3A_67 = arith.constant 16 : i32
    %dma_start3A_68 = arith.constant 0 : i32
    %dma_start3A_69 = tpu.memref_slice %arg3[%add3A, %dma_start3A_67, %dma_start3A_68] : memref<32x80x128xi32, #tpu.memory_space<hbm>> -> memref<1x16x128xi32, #tpu.memory_space<hbm>>
    %dma_start3A_70 = tpu.memref_squeeze %dma_start3A_69 : memref<1x16x128xi32, #tpu.memory_space<hbm>> -> memref<16x128xi32, #tpu.memory_space<hbm>>
    tpu.enqueue_dma source(%dma_start3A_70 : memref<16x128xi32, #tpu.memory_space<hbm>>) target(%dma_start3A_66 : memref<16x128xi32, #tpu.memory_space<vmem>>) target_semaphore(%arg13 : memref<!tpu.dma_semaphore, #tpu.memory_space<semaphore_mem>>)
    %dma_start3A_71 = arith.constant 1 : i32
    %dma_start3A_72 = arith.constant 0 : i32
    %dma_start3A_73 = arith.constant 0 : i32
    %dma_start3A_74 = tpu.memref_slice %arg7[%dma_start3A_71, %dma_start3A_72, %dma_start3A_73] : memref<2x16x128xi32, #tpu.memory_space<vmem>> -> memref<1x16x128xi32, #tpu.memory_space<vmem>>
    %dma_start3A_75 = tpu.memref_squeeze %dma_start3A_74 : memref<1x16x128xi32, #tpu.memory_space<vmem>> -> memref<16x128xi32, #tpu.memory_space<vmem>>
    %dma_start3A_76 = arith.constant 16 : i32
    %dma_start3A_77 = arith.constant 0 : i32
    %dma_start3A_78 = tpu.memref_slice %arg4[%add3A, %dma_start3A_76, %dma_start3A_77] : memref<32x80x128xi32, #tpu.memory_space<hbm>> -> memref<1x16x128xi32, #tpu.memory_space<hbm>>
    %dma_start3A_79 = tpu.memref_squeeze %dma_start3A_78 : memref<1x16x128xi32, #tpu.memory_space<hbm>> -> memref<16x128xi32, #tpu.memory_space<hbm>>
    %dma_start3A_80 = arith.constant 0 : i32
    %dma_start3A_81 = arith.constant 0 : i32
    %dma_start3A_82 = tpu.memref_slice %arg7[%dma_start3A_71, %dma_start3A_80, %dma_start3A_81] : memref<2x16x128xi32, #tpu.memory_space<vmem>> -> memref<1x16x128xi32, #tpu.memory_space<vmem>>
    %dma_start3A_83 = tpu.memref_squeeze %dma_start3A_82 : memref<1x16x128xi32, #tpu.memory_space<vmem>> -> memref<16x128xi32, #tpu.memory_space<vmem>>
    %dma_start3A_84 = arith.constant 16 : i32
    %dma_start3A_85 = arith.constant 0 : i32
    %dma_start3A_86 = tpu.memref_slice %arg4[%add3A, %dma_start3A_84, %dma_start3A_85] : memref<32x80x128xi32, #tpu.memory_space<hbm>> -> memref<1x16x128xi32, #tpu.memory_space<hbm>>
    %dma_start3A_87 = tpu.memref_squeeze %dma_start3A_86 : memref<1x16x128xi32, #tpu.memory_space<hbm>> -> memref<16x128xi32, #tpu.memory_space<hbm>>
    tpu.enqueue_dma source(%dma_start3A_87 : memref<16x128xi32, #tpu.memory_space<hbm>>) target(%dma_start3A_83 : memref<16x128xi32, #tpu.memory_space<vmem>>) target_semaphore(%arg13 : memref<!tpu.dma_semaphore, #tpu.memory_space<semaphore_mem>>)
    %barrier3A = arith.constant 0 : index
    tpu.barrier barrier_id(%barrier3A)
    %dma_wait3A = arith.constant 0 : i32
    %dma_wait3A_88 = arith.constant 0 : i32
    %dma_wait3A_89 = arith.constant 0 : i32
    %dma_wait3A_90 = tpu.memref_slice %arg6[%dma_wait3A, %dma_wait3A_88, %dma_wait3A_89] : memref<2x16x128xi32, #tpu.memory_space<vmem>> -> memref<1x16x128xi32, #tpu.memory_space<vmem>>
    %dma_wait3A_91 = tpu.memref_squeeze %dma_wait3A_90 : memref<1x16x128xi32, #tpu.memory_space<vmem>> -> memref<16x128xi32, #tpu.memory_space<vmem>>
    %dma_wait3A_92 = arith.constant 0 : i32
    %dma_wait3A_93 = arith.constant 0 : i32
    %dma_wait3A_94 = tpu.memref_slice %arg3[%add3A, %dma_wait3A_92, %dma_wait3A_93] : memref<32x80x128xi32, #tpu.memory_space<hbm>> -> memref<1x16x128xi32, #tpu.memory_space<hbm>>
    %dma_wait3A_95 = tpu.memref_squeeze %dma_wait3A_94 : memref<1x16x128xi32, #tpu.memory_space<hbm>> -> memref<16x128xi32, #tpu.memory_space<hbm>>
    %dma_wait3A_96 = arith.constant 0 : i32
    %dma_wait3A_97 = arith.constant 0 : i32
    %dma_wait3A_98 = tpu.memref_slice %arg6[%dma_wait3A, %dma_wait3A_96, %dma_wait3A_97] : memref<2x16x128xi32, #tpu.memory_space<vmem>> -> memref<1x16x128xi32, #tpu.memory_space<vmem>>
    %dma_wait3A_99 = tpu.memref_squeeze %dma_wait3A_98 : memref<1x16x128xi32, #tpu.memory_space<vmem>> -> memref<16x128xi32, #tpu.memory_space<vmem>>
    %dma_wait3A_100 = arith.constant 0 : i32
    %dma_wait3A_101 = arith.constant 0 : i32
    %dma_wait3A_102 = tpu.memref_slice %arg3[%add3A, %dma_wait3A_100, %dma_wait3A_101] : memref<32x80x128xi32, #tpu.memory_space<hbm>> -> memref<1x16x128xi32, #tpu.memory_space<hbm>>
    %dma_wait3A_103 = tpu.memref_squeeze %dma_wait3A_102 : memref<1x16x128xi32, #tpu.memory_space<hbm>> -> memref<16x128xi32, #tpu.memory_space<hbm>>
    tpu.wait_dma2 semaphore(%arg12 : memref<!tpu.dma_semaphore, #tpu.memory_space<semaphore_mem>>) src(%dma_wait3A_103 : memref<16x128xi32, #tpu.memory_space<hbm>>) dst(%dma_wait3A_99 : memref<16x128xi32, #tpu.memory_space<vmem>>)
    %dma_wait3A_104 = arith.constant 0 : i32
    %dma_wait3A_105 = arith.constant 0 : i32
    %dma_wait3A_106 = arith.constant 0 : i32
    %dma_wait3A_107 = tpu.memref_slice %arg7[%dma_wait3A_104, %dma_wait3A_105, %dma_wait3A_106] : memref<2x16x128xi32, #tpu.memory_space<vmem>> -> memref<1x16x128xi32, #tpu.memory_space<vmem>>
    %dma_wait3A_108 = tpu.memref_squeeze %dma_wait3A_107 : memref<1x16x128xi32, #tpu.memory_space<vmem>> -> memref<16x128xi32, #tpu.memory_space<vmem>>
    %dma_wait3A_109 = arith.constant 0 : i32
    %dma_wait3A_110 = arith.constant 0 : i32
    %dma_wait3A_111 = tpu.memref_slice %arg4[%add3A, %dma_wait3A_109, %dma_wait3A_110] : memref<32x80x128xi32, #tpu.memory_space<hbm>> -> memref<1x16x128xi32, #tpu.memory_space<hbm>>
    %dma_wait3A_112 = tpu.memref_squeeze %dma_wait3A_111 : memref<1x16x128xi32, #tpu.memory_space<hbm>> -> memref<16x128xi32, #tpu.memory_space<hbm>>
    %dma_wait3A_113 = arith.constant 0 : i32
    %dma_wait3A_114 = arith.constant 0 : i32
    %dma_wait3A_115 = tpu.memref_slice %arg7[%dma_wait3A_104, %dma_wait3A_113, %dma_wait3A_114] : memref<2x16x128xi32, #tpu.memory_space<vmem>> -> memref<1x16x128xi32, #tpu.memory_space<vmem>>
    %dma_wait3A_116 = tpu.memref_squeeze %dma_wait3A_115 : memref<1x16x128xi32, #tpu.memory_space<vmem>> -> memref<16x128xi32, #tpu.memory_space<vmem>>
    %dma_wait3A_117 = arith.constant 0 : i32
    %dma_wait3A_118 = arith.constant 0 : i32
    %dma_wait3A_119 = tpu.memref_slice %arg4[%add3A, %dma_wait3A_117, %dma_wait3A_118] : memref<32x80x128xi32, #tpu.memory_space<hbm>> -> memref<1x16x128xi32, #tpu.memory_space<hbm>>
    %dma_wait3A_120 = tpu.memref_squeeze %dma_wait3A_119 : memref<1x16x128xi32, #tpu.memory_space<hbm>> -> memref<16x128xi32, #tpu.memory_space<hbm>>
    tpu.wait_dma2 semaphore(%arg12 : memref<!tpu.dma_semaphore, #tpu.memory_space<semaphore_mem>>) src(%dma_wait3A_120 : memref<16x128xi32, #tpu.memory_space<hbm>>) dst(%dma_wait3A_116 : memref<16x128xi32, #tpu.memory_space<vmem>>)
    %dma_start3A_121 = arith.constant 0 : i32
    %dma_start3A_122 = arith.constant 0 : i32
    %dma_start3A_123 = arith.constant 0 : i32
    %dma_start3A_124 = arith.constant 0 : i32
    %dma_start3A_125 = arith.constant 0 : i32
    %dma_start3A_126 = tpu.memref_slice %arg8[%dma_start3A_123, %dma_start3A_124, %dma_start3A_125] : memref<2x128x128xf32, #tpu.memory_space<vmem>> -> memref<1x128x128xf32, #tpu.memory_space<vmem>>
    %dma_start3A_127 = tpu.memref_squeeze %dma_start3A_126 : memref<1x128x128xf32, #tpu.memory_space<vmem>> -> memref<128x128xf32, #tpu.memory_space<vmem>>
    %dma_start3A_128 = arith.constant 0 : i32
    %dma_start3A_129 = tpu.memref_slice %arg6[%dma_start3A_121, %dma_start3A_122, %dma_start3A_128] : memref<2x16x128xi32, #tpu.memory_space<vmem>> -> memref<1x1x128xi32, #tpu.memory_space<vmem>>
    %dma_start3A_130 = tpu.memref_squeeze %dma_start3A_129 : memref<1x1x128xi32, #tpu.memory_space<vmem>> -> memref<128xi32, #tpu.memory_space<vmem>>
    %dma_start3A_131 = arith.constant 0 : i32
    %dma_start3A_132 = arith.constant 0 : i32
    %dma_start3A_133 = tpu.memref_slice %arg2[%dma_start3A_131, %dma_start3A_132] : memref<10000x128xf32, #tpu.memory_space<hbm>> -> memref<10000x128xf32, #tpu.memory_space<hbm>>
    tpu.enqueue_indirect_dma source(%dma_start3A_133 : memref<10000x128xf32, #tpu.memory_space<hbm>>) target(%dma_start3A_127 : memref<128x128xf32, #tpu.memory_space<vmem>>) offsets(%dma_start3A_130 : memref<128xi32, #tpu.memory_space<vmem>>) semaphore(%arg10 : memref<!tpu.dma_semaphore, #tpu.memory_space<semaphore_mem>>)
    %dma_start3A_134 = arith.constant 0 : i32
    %dma_start3A_135 = arith.constant 1 : i32
    %dma_start3A_136 = arith.constant 1 : i32
    %dma_start3A_137 = arith.constant 0 : i32
    %dma_start3A_138 = arith.constant 0 : i32
    %dma_start3A_139 = tpu.memref_slice %arg8[%dma_start3A_136, %dma_start3A_137, %dma_start3A_138] : memref<2x128x128xf32, #tpu.memory_space<vmem>> -> memref<1x128x128xf32, #tpu.memory_space<vmem>>
    %dma_start3A_140 = tpu.memref_squeeze %dma_start3A_139 : memref<1x128x128xf32, #tpu.memory_space<vmem>> -> memref<128x128xf32, #tpu.memory_space<vmem>>
    %dma_start3A_141 = arith.constant 0 : i32
    %dma_start3A_142 = tpu.memref_slice %arg6[%dma_start3A_134, %dma_start3A_135, %dma_start3A_141] : memref<2x16x128xi32, #tpu.memory_space<vmem>> -> memref<1x1x128xi32, #tpu.memory_space<vmem>>
    %dma_start3A_143 = tpu.memref_squeeze %dma_start3A_142 : memref<1x1x128xi32, #tpu.memory_space<vmem>> -> memref<128xi32, #tpu.memory_space<vmem>>
    %dma_start3A_144 = arith.constant 0 : i32
    %dma_start3A_145 = arith.constant 0 : i32
    %dma_start3A_146 = tpu.memref_slice %arg2[%dma_start3A_144, %dma_start3A_145] : memref<10000x128xf32, #tpu.memory_space<hbm>> -> memref<10000x128xf32, #tpu.memory_space<hbm>>
    tpu.enqueue_indirect_dma source(%dma_start3A_146 : memref<10000x128xf32, #tpu.memory_space<hbm>>) target(%dma_start3A_140 : memref<128x128xf32, #tpu.memory_space<vmem>>) offsets(%dma_start3A_143 : memref<128xi32, #tpu.memory_space<vmem>>) semaphore(%arg11 : memref<!tpu.dma_semaphore, #tpu.memory_space<semaphore_mem>>)
    %scan3A_147 = arith.constant 0 : i32
    %scan3A_148 = arith.constant 0 : i32
    %scan3A_149 = arith.constant 8 : i32
    %scan3A_150 = arith.addi %scan3A_148, %scan3A_149 : i32
    %scan3A_151 = arith.constant 1 : i32
    scf.for %scan3A_280 = %scan3A_148 to %scan3A_150 step %scan3A_151  : i32 {
      %mul3A_281 = arith.constant 2 : i32
      %mul3A_282 = arith.muli %mul3A_281, %scan3A_280 : i32
      %add3A_283 = arith.constant 0 : i32
      %add3A_284 = arith.addi %mul3A_282, %add3A_283 : i32
      %dma_wait3A_285 = arith.constant 0 : i32
      %dma_wait3A_286 = arith.constant 0 : i32
      %dma_wait3A_287 = arith.constant 0 : i32
      %dma_wait3A_288 = arith.constant 0 : i32
      %dma_wait3A_289 = tpu.memref_slice %arg8[%dma_wait3A_286, %dma_wait3A_287, %dma_wait3A_288] : memref<2x128x128xf32, #tpu.memory_space<vmem>> -> memref<1x128x128xf32, #tpu.memory_space<vmem>>
      %dma_wait3A_290 = tpu.memref_squeeze %dma_wait3A_289 : memref<1x128x128xf32, #tpu.memory_space<vmem>> -> memref<128x128xf32, #tpu.memory_space<vmem>>
      %dma_wait3A_291 = arith.constant 0 : i32
      %dma_wait3A_292 = tpu.memref_slice %arg6[%dma_wait3A_285, %add3A_284, %dma_wait3A_291] : memref<2x16x128xi32, #tpu.memory_space<vmem>> -> memref<1x1x128xi32, #tpu.memory_space<vmem>>
      %dma_wait3A_293 = tpu.memref_squeeze %dma_wait3A_292 : memref<1x1x128xi32, #tpu.memory_space<vmem>> -> memref<128xi32, #tpu.memory_space<vmem>>
      %dma_wait3A_294 = arith.constant 0 : i32
      %dma_wait3A_295 = arith.constant 0 : i32
      %dma_wait3A_296 = tpu.memref_slice %arg2[%dma_wait3A_294, %dma_wait3A_295] : memref<10000x128xf32, #tpu.memory_space<hbm>> -> memref<10000x128xf32, #tpu.memory_space<hbm>>
      tpu.wait_indirect_dma semaphore(%arg10 : memref<!tpu.dma_semaphore, #tpu.memory_space<semaphore_mem>>) src(%dma_wait3A_296 : memref<10000x128xf32, #tpu.memory_space<hbm>>) dst(%dma_wait3A_290 : memref<128x128xf32, #tpu.memory_space<vmem>>)
      %run_scoped3A = arith.constant 0 : i32
      %run_scoped3A_297 = arith.constant 0 : i32
      "tpu.region"() ({
        %run_scoped3A_336 = tpu.sem_alloc : memref<!tpu.dma_semaphore, #tpu.memory_space<semaphore_mem>>
        %dma_start3A_337 = arith.constant 0 : i32
        %dma_start3A_338 = arith.constant 0 : i32
        %dma_start3A_339 = tpu.memref_slice %arg8[%run_scoped3A, %dma_start3A_337, %dma_start3A_338] : memref<2x128x128xf32, #tpu.memory_space<vmem>> -> memref<1x128x128xf32, #tpu.memory_space<vmem>>
        %dma_start3A_340 = tpu.memref_squeeze %dma_start3A_339 : memref<1x128x128xf32, #tpu.memory_space<vmem>> -> memref<128x128xf32, #tpu.memory_space<vmem>>
        %dma_start3A_341 = arith.constant 0 : i32
        %dma_start3A_342 = tpu.memref_slice %arg7[%run_scoped3A_297, %add3A_284, %dma_start3A_341] : memref<2x16x128xi32, #tpu.memory_space<vmem>> -> memref<1x1x128xi32, #tpu.memory_space<vmem>>
        %dma_start3A_343 = tpu.memref_squeeze %dma_start3A_342 : memref<1x1x128xi32, #tpu.memory_space<vmem>> -> memref<128xi32, #tpu.memory_space<vmem>>
        %dma_start3A_344 = arith.constant 0 : i32
        %dma_start3A_345 = arith.constant 0 : i32
        %dma_start3A_346 = tpu.memref_slice %arg9[%dma_start3A_344, %dma_start3A_345] : memref<10240x128xf32, #tpu.memory_space<vmem_shared>> -> memref<10240x128xf32, #tpu.memory_space<vmem_shared>>
        tpu.enqueue_indirect_dma source(%dma_start3A_340 : memref<128x128xf32, #tpu.memory_space<vmem>>) target(%dma_start3A_346 : memref<10240x128xf32, #tpu.memory_space<vmem_shared>>) offsets(%dma_start3A_343 : memref<128xi32, #tpu.memory_space<vmem>>) semaphore(%run_scoped3A_336 : memref<!tpu.dma_semaphore, #tpu.memory_space<semaphore_mem>>) {add = true}
        %dma_wait3A_347 = arith.constant 0 : i32
        %dma_wait3A_348 = arith.constant 0 : i32
        %dma_wait3A_349 = tpu.memref_slice %arg8[%run_scoped3A, %dma_wait3A_347, %dma_wait3A_348] : memref<2x128x128xf32, #tpu.memory_space<vmem>> -> memref<1x128x128xf32, #tpu.memory_space<vmem>>
        %dma_wait3A_350 = tpu.memref_squeeze %dma_wait3A_349 : memref<1x128x128xf32, #tpu.memory_space<vmem>> -> memref<128x128xf32, #tpu.memory_space<vmem>>
        %dma_wait3A_351 = arith.constant 0 : i32
        %dma_wait3A_352 = tpu.memref_slice %arg7[%run_scoped3A_297, %add3A_284, %dma_wait3A_351] : memref<2x16x128xi32, #tpu.memory_space<vmem>> -> memref<1x1x128xi32, #tpu.memory_space<vmem>>
        %dma_wait3A_353 = tpu.memref_squeeze %dma_wait3A_352 : memref<1x1x128xi32, #tpu.memory_space<vmem>> -> memref<128xi32, #tpu.memory_space<vmem>>
        %dma_wait3A_354 = arith.constant 0 : i32
        %dma_wait3A_355 = arith.constant 0 : i32
        %dma_wait3A_356 = tpu.memref_slice %arg9[%dma_wait3A_354, %dma_wait3A_355] : memref<10240x128xf32, #tpu.memory_space<vmem_shared>> -> memref<10240x128xf32, #tpu.memory_space<vmem_shared>>
        tpu.wait_indirect_dma semaphore(%run_scoped3A_336 : memref<!tpu.dma_semaphore, #tpu.memory_space<semaphore_mem>>) src(%dma_wait3A_350 : memref<128x128xf32, #tpu.memory_space<vmem>>) dst(%dma_wait3A_356 : memref<10240x128xf32, #tpu.memory_space<vmem_shared>>)
        tpu.yield
      }) : () -> ()
      %add3A_298 = arith.constant 2 : i32
      %add3A_299 = arith.addi %add3A_284, %add3A_298 : i32
      %lt3A = arith.constant 16 : i32
      %lt3A_300 = arith.cmpi slt, %add3A_299, %lt3A : i32
      %convert_element_type3A = arith.extui %lt3A_300 : i1 to i32
      %cond3A = arith.constant 0 : i32
      %cond3A_301 = arith.cmpi ne, %convert_element_type3A, %cond3A : i32
      scf.if %cond3A_301 {
        %dma_start3A_336 = arith.constant 0 : i32
        %dma_start3A_337 = arith.constant 0 : i32
        %dma_start3A_338 = arith.constant 0 : i32
        %dma_start3A_339 = arith.constant 0 : i32
        %dma_start3A_340 = tpu.memref_slice %arg8[%dma_start3A_337, %dma_start3A_338, %dma_start3A_339] : memref<2x128x128xf32, #tpu.memory_space<vmem>> -> memref<1x128x128xf32, #tpu.memory_space<vmem>>
        %dma_start3A_341 = tpu.memref_squeeze %dma_start3A_340 : memref<1x128x128xf32, #tpu.memory_space<vmem>> -> memref<128x128xf32, #tpu.memory_space<vmem>>
        %dma_start3A_342 = arith.constant 0 : i32
        %dma_start3A_343 = tpu.memref_slice %arg6[%dma_start3A_336, %add3A_299, %dma_start3A_342] : memref<2x16x128xi32, #tpu.memory_space<vmem>> -> memref<1x1x128xi32, #tpu.memory_space<vmem>>
        %dma_start3A_344 = tpu.memref_squeeze %dma_start3A_343 : memref<1x1x128xi32, #tpu.memory_space<vmem>> -> memref<128xi32, #tpu.memory_space<vmem>>
        %dma_start3A_345 = arith.constant 0 : i32
        %dma_start3A_346 = arith.constant 0 : i32
        %dma_start3A_347 = tpu.memref_slice %arg2[%dma_start3A_345, %dma_start3A_346] : memref<10000x128xf32, #tpu.memory_space<hbm>> -> memref<10000x128xf32, #tpu.memory_space<hbm>>
        tpu.enqueue_indirect_dma source(%dma_start3A_347 : memref<10000x128xf32, #tpu.memory_space<hbm>>) target(%dma_start3A_341 : memref<128x128xf32, #tpu.memory_space<vmem>>) offsets(%dma_start3A_344 : memref<128xi32, #tpu.memory_space<vmem>>) semaphore(%arg10 : memref<!tpu.dma_semaphore, #tpu.memory_space<semaphore_mem>>)
      } else {
      }
      %ge3A = arith.constant 16 : i32
      %ge3A_302 = arith.cmpi sge, %add3A_299, %ge3A : i32
      %convert_element_type3A_303 = arith.extui %ge3A_302 : i1 to i32
      %cond3A_304 = arith.constant 0 : i32
      %cond3A_305 = arith.cmpi ne, %convert_element_type3A_303, %cond3A_304 : i32
      scf.if %cond3A_305 {
        %dma_wait3A_336 = arith.constant 1 : i32
        %dma_wait3A_337 = arith.constant 0 : i32
        %dma_wait3A_338 = arith.constant 0 : i32
        %dma_wait3A_339 = tpu.memref_slice %arg6[%dma_wait3A_336, %dma_wait3A_337, %dma_wait3A_338] : memref<2x16x128xi32, #tpu.memory_space<vmem>> -> memref<1x16x128xi32, #tpu.memory_space<vmem>>
        %dma_wait3A_340 = tpu.memref_squeeze %dma_wait3A_339 : memref<1x16x128xi32, #tpu.memory_space<vmem>> -> memref<16x128xi32, #tpu.memory_space<vmem>>
        %dma_wait3A_341 = arith.constant 16 : i32
        %dma_wait3A_342 = arith.constant 0 : i32
        %dma_wait3A_343 = tpu.memref_slice %arg3[%add3A, %dma_wait3A_341, %dma_wait3A_342] : memref<32x80x128xi32, #tpu.memory_space<hbm>> -> memref<1x16x128xi32, #tpu.memory_space<hbm>>
        %dma_wait3A_344 = tpu.memref_squeeze %dma_wait3A_343 : memref<1x16x128xi32, #tpu.memory_space<hbm>> -> memref<16x128xi32, #tpu.memory_space<hbm>>
        %dma_wait3A_345 = arith.constant 0 : i32
        %dma_wait3A_346 = arith.constant 0 : i32
        %dma_wait3A_347 = tpu.memref_slice %arg6[%dma_wait3A_336, %dma_wait3A_345, %dma_wait3A_346] : memref<2x16x128xi32, #tpu.memory_space<vmem>> -> memref<1x16x128xi32, #tpu.memory_space<vmem>>
        %dma_wait3A_348 = tpu.memref_squeeze %dma_wait3A_347 : memref<1x16x128xi32, #tpu.memory_space<vmem>> -> memref<16x128xi32, #tpu.memory_space<vmem>>
        %dma_wait3A_349 = arith.constant 16 : i32
        %dma_wait3A_350 = arith.constant 0 : i32
        %dma_wait3A_351 = tpu.memref_slice %arg3[%add3A, %dma_wait3A_349, %dma_wait3A_350] : memref<32x80x128xi32, #tpu.memory_space<hbm>> -> memref<1x16x128xi32, #tpu.memory_space<hbm>>
        %dma_wait3A_352 = tpu.memref_squeeze %dma_wait3A_351 : memref<1x16x128xi32, #tpu.memory_space<hbm>> -> memref<16x128xi32, #tpu.memory_space<hbm>>
        tpu.wait_dma2 semaphore(%arg13 : memref<!tpu.dma_semaphore, #tpu.memory_space<semaphore_mem>>) src(%dma_wait3A_352 : memref<16x128xi32, #tpu.memory_space<hbm>>) dst(%dma_wait3A_348 : memref<16x128xi32, #tpu.memory_space<vmem>>)
        %dma_wait3A_353 = arith.constant 1 : i32
        %dma_wait3A_354 = arith.constant 0 : i32
        %dma_wait3A_355 = arith.constant 0 : i32
        %dma_wait3A_356 = tpu.memref_slice %arg7[%dma_wait3A_353, %dma_wait3A_354, %dma_wait3A_355] : memref<2x16x128xi32, #tpu.memory_space<vmem>> -> memref<1x16x128xi32, #tpu.memory_space<vmem>>
        %dma_wait3A_357 = tpu.memref_squeeze %dma_wait3A_356 : memref<1x16x128xi32, #tpu.memory_space<vmem>> -> memref<16x128xi32, #tpu.memory_space<vmem>>
        %dma_wait3A_358 = arith.constant 16 : i32
        %dma_wait3A_359 = arith.constant 0 : i32
        %dma_wait3A_360 = tpu.memref_slice %arg4[%add3A, %dma_wait3A_358, %dma_wait3A_359] : memref<32x80x128xi32, #tpu.memory_space<hbm>> -> memref<1x16x128xi32, #tpu.memory_space<hbm>>
        %dma_wait3A_361 = tpu.memref_squeeze %dma_wait3A_360 : memref<1x16x128xi32, #tpu.memory_space<hbm>> -> memref<16x128xi32, #tpu.memory_space<hbm>>
        %dma_wait3A_362 = arith.constant 0 : i32
        %dma_wait3A_363 = arith.constant 0 : i32
        %dma_wait3A_364 = tpu.memref_slice %arg7[%dma_wait3A_353, %dma_wait3A_362, %dma_wait3A_363] : memref<2x16x128xi32, #tpu.memory_space<vmem>> -> memref<1x16x128xi32, #tpu.memory_space<vmem>>
        %dma_wait3A_365 = tpu.memref_squeeze %dma_wait3A_364 : memref<1x16x128xi32, #tpu.memory_space<vmem>> -> memref<16x128xi32, #tpu.memory_space<vmem>>
        %dma_wait3A_366 = arith.constant 16 : i32
        %dma_wait3A_367 = arith.constant 0 : i32
        %dma_wait3A_368 = tpu.memref_slice %arg4[%add3A, %dma_wait3A_366, %dma_wait3A_367] : memref<32x80x128xi32, #tpu.memory_space<hbm>> -> memref<1x16x128xi32, #tpu.memory_space<hbm>>
        %dma_wait3A_369 = tpu.memref_squeeze %dma_wait3A_368 : memref<1x16x128xi32, #tpu.memory_space<hbm>> -> memref<16x128xi32, #tpu.memory_space<hbm>>
        tpu.wait_dma2 semaphore(%arg13 : memref<!tpu.dma_semaphore, #tpu.memory_space<semaphore_mem>>) src(%dma_wait3A_369 : memref<16x128xi32, #tpu.memory_space<hbm>>) dst(%dma_wait3A_365 : memref<16x128xi32, #tpu.memory_space<vmem>>)
        %dma_start3A_370 = arith.constant 1 : i32
        %dma_start3A_371 = arith.constant 0 : i32
        %dma_start3A_372 = arith.constant 0 : i32
        %dma_start3A_373 = arith.constant 0 : i32
        %dma_start3A_374 = arith.constant 0 : i32
        %dma_start3A_375 = tpu.memref_slice %arg8[%dma_start3A_372, %dma_start3A_373, %dma_start3A_374] : memref<2x128x128xf32, #tpu.memory_space<vmem>> -> memref<1x128x128xf32, #tpu.memory_space<vmem>>
        %dma_start3A_376 = tpu.memref_squeeze %dma_start3A_375 : memref<1x128x128xf32, #tpu.memory_space<vmem>> -> memref<128x128xf32, #tpu.memory_space<vmem>>
        %dma_start3A_377 = arith.constant 0 : i32
        %dma_start3A_378 = tpu.memref_slice %arg6[%dma_start3A_370, %dma_start3A_371, %dma_start3A_377] : memref<2x16x128xi32, #tpu.memory_space<vmem>> -> memref<1x1x128xi32, #tpu.memory_space<vmem>>
        %dma_start3A_379 = tpu.memref_squeeze %dma_start3A_378 : memref<1x1x128xi32, #tpu.memory_space<vmem>> -> memref<128xi32, #tpu.memory_space<vmem>>
        %dma_start3A_380 = arith.constant 0 : i32
        %dma_start3A_381 = arith.constant 0 : i32
        %dma_start3A_382 = tpu.memref_slice %arg2[%dma_start3A_380, %dma_start3A_381] : memref<10000x128xf32, #tpu.memory_space<hbm>> -> memref<10000x128xf32, #tpu.memory_space<hbm>>
        tpu.enqueue_indirect_dma source(%dma_start3A_382 : memref<10000x128xf32, #tpu.memory_space<hbm>>) target(%dma_start3A_376 : memref<128x128xf32, #tpu.memory_space<vmem>>) offsets(%dma_start3A_379 : memref<128xi32, #tpu.memory_space<vmem>>) semaphore(%arg10 : memref<!tpu.dma_semaphore, #tpu.memory_space<semaphore_mem>>)
      } else {
      }
      %mul3A_306 = arith.constant 2 : i32
      %mul3A_307 = arith.muli %mul3A_306, %scan3A_280 : i32
      %add3A_308 = arith.constant 1 : i32
      %add3A_309 = arith.addi %mul3A_307, %add3A_308 : i32
      %dma_wait3A_310 = arith.constant 0 : i32
      %dma_wait3A_311 = arith.constant 1 : i32
      %dma_wait3A_312 = arith.constant 0 : i32
      %dma_wait3A_313 = arith.constant 0 : i32
      %dma_wait3A_314 = tpu.memref_slice %arg8[%dma_wait3A_311, %dma_wait3A_312, %dma_wait3A_313] : memref<2x128x128xf32, #tpu.memory_space<vmem>> -> memref<1x128x128xf32, #tpu.memory_space<vmem>>
      %dma_wait3A_315 = tpu.memref_squeeze %dma_wait3A_314 : memref<1x128x128xf32, #tpu.memory_space<vmem>> -> memref<128x128xf32, #tpu.memory_space<vmem>>
      %dma_wait3A_316 = arith.constant 0 : i32
      %dma_wait3A_317 = tpu.memref_slice %arg6[%dma_wait3A_310, %add3A_309, %dma_wait3A_316] : memref<2x16x128xi32, #tpu.memory_space<vmem>> -> memref<1x1x128xi32, #tpu.memory_space<vmem>>
      %dma_wait3A_318 = tpu.memref_squeeze %dma_wait3A_317 : memref<1x1x128xi32, #tpu.memory_space<vmem>> -> memref<128xi32, #tpu.memory_space<vmem>>
      %dma_wait3A_319 = arith.constant 0 : i32
      %dma_wait3A_320 = arith.constant 0 : i32
      %dma_wait3A_321 = tpu.memref_slice %arg2[%dma_wait3A_319, %dma_wait3A_320] : memref<10000x128xf32, #tpu.memory_space<hbm>> -> memref<10000x128xf32, #tpu.memory_space<hbm>>
      tpu.wait_indirect_dma semaphore(%arg11 : memref<!tpu.dma_semaphore, #tpu.memory_space<semaphore_mem>>) src(%dma_wait3A_321 : memref<10000x128xf32, #tpu.memory_space<hbm>>) dst(%dma_wait3A_315 : memref<128x128xf32, #tpu.memory_space<vmem>>)
      %run_scoped3A_322 = arith.constant 1 : i32
      %run_scoped3A_323 = arith.constant 0 : i32
      "tpu.region"() ({
        %run_scoped3A_336 = tpu.sem_alloc : memref<!tpu.dma_semaphore, #tpu.memory_space<semaphore_mem>>
        %dma_start3A_337 = arith.constant 0 : i32
        %dma_start3A_338 = arith.constant 0 : i32
        %dma_start3A_339 = tpu.memref_slice %arg8[%run_scoped3A_322, %dma_start3A_337, %dma_start3A_338] : memref<2x128x128xf32, #tpu.memory_space<vmem>> -> memref<1x128x128xf32, #tpu.memory_space<vmem>>
        %dma_start3A_340 = tpu.memref_squeeze %dma_start3A_339 : memref<1x128x128xf32, #tpu.memory_space<vmem>> -> memref<128x128xf32, #tpu.memory_space<vmem>>
        %dma_start3A_341 = arith.constant 0 : i32
        %dma_start3A_342 = tpu.memref_slice %arg7[%run_scoped3A_323, %add3A_309, %dma_start3A_341] : memref<2x16x128xi32, #tpu.memory_space<vmem>> -> memref<1x1x128xi32, #tpu.memory_space<vmem>>
        %dma_start3A_343 = tpu.memref_squeeze %dma_start3A_342 : memref<1x1x128xi32, #tpu.memory_space<vmem>> -> memref<128xi32, #tpu.memory_space<vmem>>
        %dma_start3A_344 = arith.constant 0 : i32
        %dma_start3A_345 = arith.constant 0 : i32
        %dma_start3A_346 = tpu.memref_slice %arg9[%dma_start3A_344, %dma_start3A_345] : memref<10240x128xf32, #tpu.memory_space<vmem_shared>> -> memref<10240x128xf32, #tpu.memory_space<vmem_shared>>
        tpu.enqueue_indirect_dma source(%dma_start3A_340 : memref<128x128xf32, #tpu.memory_space<vmem>>) target(%dma_start3A_346 : memref<10240x128xf32, #tpu.memory_space<vmem_shared>>) offsets(%dma_start3A_343 : memref<128xi32, #tpu.memory_space<vmem>>) semaphore(%run_scoped3A_336 : memref<!tpu.dma_semaphore, #tpu.memory_space<semaphore_mem>>) {add = true}
        %dma_wait3A_347 = arith.constant 0 : i32
        %dma_wait3A_348 = arith.constant 0 : i32
        %dma_wait3A_349 = tpu.memref_slice %arg8[%run_scoped3A_322, %dma_wait3A_347, %dma_wait3A_348] : memref<2x128x128xf32, #tpu.memory_space<vmem>> -> memref<1x128x128xf32, #tpu.memory_space<vmem>>
        %dma_wait3A_350 = tpu.memref_squeeze %dma_wait3A_349 : memref<1x128x128xf32, #tpu.memory_space<vmem>> -> memref<128x128xf32, #tpu.memory_space<vmem>>
        %dma_wait3A_351 = arith.constant 0 : i32
        %dma_wait3A_352 = tpu.memref_slice %arg7[%run_scoped3A_323, %add3A_309, %dma_wait3A_351] : memref<2x16x128xi32, #tpu.memory_space<vmem>> -> memref<1x1x128xi32, #tpu.memory_space<vmem>>
        %dma_wait3A_353 = tpu.memref_squeeze %dma_wait3A_352 : memref<1x1x128xi32, #tpu.memory_space<vmem>> -> memref<128xi32, #tpu.memory_space<vmem>>
        %dma_wait3A_354 = arith.constant 0 : i32
        %dma_wait3A_355 = arith.constant 0 : i32
        %dma_wait3A_356 = tpu.memref_slice %arg9[%dma_wait3A_354, %dma_wait3A_355] : memref<10240x128xf32, #tpu.memory_space<vmem_shared>> -> memref<10240x128xf32, #tpu.memory_space<vmem_shared>>
        tpu.wait_indirect_dma semaphore(%run_scoped3A_336 : memref<!tpu.dma_semaphore, #tpu.memory_space<semaphore_mem>>) src(%dma_wait3A_350 : memref<128x128xf32, #tpu.memory_space<vmem>>) dst(%dma_wait3A_356 : memref<10240x128xf32, #tpu.memory_space<vmem_shared>>)
        tpu.yield
      }) : () -> ()
      %add3A_324 = arith.constant 2 : i32
      %add3A_325 = arith.addi %add3A_309, %add3A_324 : i32
      %lt3A_326 = arith.constant 16 : i32
      %lt3A_327 = arith.cmpi slt, %add3A_325, %lt3A_326 : i32
      %convert_element_type3A_328 = arith.extui %lt3A_327 : i1 to i32
      %cond3A_329 = arith.constant 0 : i32
      %cond3A_330 = arith.cmpi ne, %convert_element_type3A_328, %cond3A_329 : i32
      scf.if %cond3A_330 {
        %dma_start3A_336 = arith.constant 0 : i32
        %dma_start3A_337 = arith.constant 1 : i32
        %dma_start3A_338 = arith.constant 0 : i32
        %dma_start3A_339 = arith.constant 0 : i32
        %dma_start3A_340 = tpu.memref_slice %arg8[%dma_start3A_337, %dma_start3A_338, %dma_start3A_339] : memref<2x128x128xf32, #tpu.memory_space<vmem>> -> memref<1x128x128xf32, #tpu.memory_space<vmem>>
        %dma_start3A_341 = tpu.memref_squeeze %dma_start3A_340 : memref<1x128x128xf32, #tpu.memory_space<vmem>> -> memref<128x128xf32, #tpu.memory_space<vmem>>
        %dma_start3A_342 = arith.constant 0 : i32
        %dma_start3A_343 = tpu.memref_slice %arg6[%dma_start3A_336, %add3A_325, %dma_start3A_342] : memref<2x16x128xi32, #tpu.memory_space<vmem>> -> memref<1x1x128xi32, #tpu.memory_space<vmem>>
        %dma_start3A_344 = tpu.memref_squeeze %dma_start3A_343 : memref<1x1x128xi32, #tpu.memory_space<vmem>> -> memref<128xi32, #tpu.memory_space<vmem>>
        %dma_start3A_345 = arith.constant 0 : i32
        %dma_start3A_346 = arith.constant 0 : i32
        %dma_start3A_347 = tpu.memref_slice %arg2[%dma_start3A_345, %dma_start3A_346] : memref<10000x128xf32, #tpu.memory_space<hbm>> -> memref<10000x128xf32, #tpu.memory_space<hbm>>
        tpu.enqueue_indirect_dma source(%dma_start3A_347 : memref<10000x128xf32, #tpu.memory_space<hbm>>) target(%dma_start3A_341 : memref<128x128xf32, #tpu.memory_space<vmem>>) offsets(%dma_start3A_344 : memref<128xi32, #tpu.memory_space<vmem>>) semaphore(%arg11 : memref<!tpu.dma_semaphore, #tpu.memory_space<semaphore_mem>>)
      } else {
      }
      %ge3A_331 = arith.constant 16 : i32
      %ge3A_332 = arith.cmpi sge, %add3A_325, %ge3A_331 : i32
      %convert_element_type3A_333 = arith.extui %ge3A_332 : i1 to i32
      %cond3A_334 = arith.constant 0 : i32
      %cond3A_335 = arith.cmpi ne, %convert_element_type3A_333, %cond3A_334 : i32
      scf.if %cond3A_335 {
        %dma_start3A_336 = arith.constant 1 : i32
        %dma_start3A_337 = arith.constant 1 : i32
        %dma_start3A_338 = arith.constant 1 : i32
        %dma_start3A_339 = arith.constant 0 : i32
        %dma_start3A_340 = arith.constant 0 : i32
        %dma_start3A_341 = tpu.memref_slice %arg8[%dma_start3A_338, %dma_start3A_339, %dma_start3A_340] : memref<2x128x128xf32, #tpu.memory_space<vmem>> -> memref<1x128x128xf32, #tpu.memory_space<vmem>>
        %dma_start3A_342 = tpu.memref_squeeze %dma_start3A_341 : memref<1x128x128xf32, #tpu.memory_space<vmem>> -> memref<128x128xf32, #tpu.memory_space<vmem>>
        %dma_start3A_343 = arith.constant 0 : i32
        %dma_start3A_344 = tpu.memref_slice %arg6[%dma_start3A_336, %dma_start3A_337, %dma_start3A_343] : memref<2x16x128xi32, #tpu.memory_space<vmem>> -> memref<1x1x128xi32, #tpu.memory_space<vmem>>
        %dma_start3A_345 = tpu.memref_squeeze %dma_start3A_344 : memref<1x1x128xi32, #tpu.memory_space<vmem>> -> memref<128xi32, #tpu.memory_space<vmem>>
        %dma_start3A_346 = arith.constant 0 : i32
        %dma_start3A_347 = arith.constant 0 : i32
        %dma_start3A_348 = tpu.memref_slice %arg2[%dma_start3A_346, %dma_start3A_347] : memref<10000x128xf32, #tpu.memory_space<hbm>> -> memref<10000x128xf32, #tpu.memory_space<hbm>>
        tpu.enqueue_indirect_dma source(%dma_start3A_348 : memref<10000x128xf32, #tpu.memory_space<hbm>>) target(%dma_start3A_342 : memref<128x128xf32, #tpu.memory_space<vmem>>) offsets(%dma_start3A_345 : memref<128xi32, #tpu.memory_space<vmem>>) semaphore(%arg11 : memref<!tpu.dma_semaphore, #tpu.memory_space<semaphore_mem>>)
      } else {
      }
    }
    %scan3A_152 = arith.constant 8 : i32
    %dma_start3A_153 = arith.constant 0 : i32
    %dma_start3A_154 = arith.constant 0 : i32
    %dma_start3A_155 = arith.constant 0 : i32
    %dma_start3A_156 = tpu.memref_slice %arg6[%dma_start3A_153, %dma_start3A_154, %dma_start3A_155] : memref<2x16x128xi32, #tpu.memory_space<vmem>> -> memref<1x16x128xi32, #tpu.memory_space<vmem>>
    %dma_start3A_157 = tpu.memref_squeeze %dma_start3A_156 : memref<1x16x128xi32, #tpu.memory_space<vmem>> -> memref<16x128xi32, #tpu.memory_space<vmem>>
    %dma_start3A_158 = arith.constant 32 : i32
    %dma_start3A_159 = arith.constant 0 : i32
    %dma_start3A_160 = tpu.memref_slice %arg3[%add3A, %dma_start3A_158, %dma_start3A_159] : memref<32x80x128xi32, #tpu.memory_space<hbm>> -> memref<1x16x128xi32, #tpu.memory_space<hbm>>
    %dma_start3A_161 = tpu.memref_squeeze %dma_start3A_160 : memref<1x16x128xi32, #tpu.memory_space<hbm>> -> memref<16x128xi32, #tpu.memory_space<hbm>>
    %dma_start3A_162 = arith.constant 0 : i32
    %dma_start3A_163 = arith.constant 0 : i32
    %dma_start3A_164 = tpu.memref_slice %arg6[%dma_start3A_153, %dma_start3A_162, %dma_start3A_163] : memref<2x16x128xi32, #tpu.memory_space<vmem>> -> memref<1x16x128xi32, #tpu.memory_space<vmem>>
    %dma_start3A_165 = tpu.memref_squeeze %dma_start3A_164 : memref<1x16x128xi32, #tpu.memory_space<vmem>> -> memref<16x128xi32, #tpu.memory_space<vmem>>
    %dma_start3A_166 = arith.constant 32 : i32
    %dma_start3A_167 = arith.constant 0 : i32
    %dma_start3A_168 = tpu.memref_slice %arg3[%add3A, %dma_start3A_166, %dma_start3A_167] : memref<32x80x128xi32, #tpu.memory_space<hbm>> -> memref<1x16x128xi32, #tpu.memory_space<hbm>>
    %dma_start3A_169 = tpu.memref_squeeze %dma_start3A_168 : memref<1x16x128xi32, #tpu.memory_space<hbm>> -> memref<16x128xi32, #tpu.memory_space<hbm>>
    tpu.enqueue_dma source(%dma_start3A_169 : memref<16x128xi32, #tpu.memory_space<hbm>>) target(%dma_start3A_165 : memref<16x128xi32, #tpu.memory_space<vmem>>) target_semaphore(%arg12 : memref<!tpu.dma_semaphore, #tpu.memory_space<semaphore_mem>>)
    %dma_start3A_170 = arith.constant 0 : i32
    %dma_start3A_171 = arith.constant 0 : i32
    %dma_start3A_172 = arith.constant 0 : i32
    %dma_start3A_173 = tpu.memref_slice %arg7[%dma_start3A_170, %dma_start3A_171, %dma_start3A_172] : memref<2x16x128xi32, #tpu.memory_space<vmem>> -> memref<1x16x128xi32, #tpu.memory_space<vmem>>
    %dma_start3A_174 = tpu.memref_squeeze %dma_start3A_173 : memref<1x16x128xi32, #tpu.memory_space<vmem>> -> memref<16x128xi32, #tpu.memory_space<vmem>>
    %dma_start3A_175 = arith.constant 32 : i32
    %dma_start3A_176 = arith.constant 0 : i32
    %dma_start3A_177 = tpu.memref_slice %arg4[%add3A, %dma_start3A_175, %dma_start3A_176] : memref<32x80x128xi32, #tpu.memory_space<hbm>> -> memref<1x16x128xi32, #tpu.memory_space<hbm>>
    %dma_start3A_178 = tpu.memref_squeeze %dma_start3A_177 : memref<1x16x128xi32, #tpu.memory_space<hbm>> -> memref<16x128xi32, #tpu.memory_space<hbm>>
    %dma_start3A_179 = arith.constant 0 : i32
    %dma_start3A_180 = arith.constant 0 : i32
    %dma_start3A_181 = tpu.memref_slice %arg7[%dma_start3A_170, %dma_start3A_179, %dma_start3A_180] : memref<2x16x128xi32, #tpu.memory_space<vmem>> -> memref<1x16x128xi32, #tpu.memory_space<vmem>>
    %dma_start3A_182 = tpu.memref_squeeze %dma_start3A_181 : memref<1x16x128xi32, #tpu.memory_space<vmem>> -> memref<16x128xi32, #tpu.memory_space<vmem>>
    %dma_start3A_183 = arith.constant 32 : i32
    %dma_start3A_184 = arith.constant 0 : i32
    %dma_start3A_185 = tpu.memref_slice %arg4[%add3A, %dma_start3A_183, %dma_start3A_184] : memref<32x80x128xi32, #tpu.memory_space<hbm>> -> memref<1x16x128xi32, #tpu.memory_space<hbm>>
    %dma_start3A_186 = tpu.memref_squeeze %dma_start3A_185 : memref<1x16x128xi32, #tpu.memory_space<hbm>> -> memref<16x128xi32, #tpu.memory_space<hbm>>
    tpu.enqueue_dma source(%dma_start3A_186 : memref<16x128xi32, #tpu.memory_space<hbm>>) target(%dma_start3A_182 : memref<16x128xi32, #tpu.memory_space<vmem>>) target_semaphore(%arg12 : memref<!tpu.dma_semaphore, #tpu.memory_space<semaphore_mem>>)
    %scan3A_187 = arith.constant 0 : i32
    %scan3A_188 = arith.constant 0 : i32
    %scan3A_189 = arith.constant 8 : i32
    %scan3A_190 = arith.addi %scan3A_188, %scan3A_189 : i32
    %scan3A_191 = arith.constant 1 : i32
    scf.for %scan3A_280 = %scan3A_188 to %scan3A_190 step %scan3A_191  : i32 {
      %mul3A_281 = arith.constant 2 : i32
      %mul3A_282 = arith.muli %mul3A_281, %scan3A_280 : i32
      %add3A_283 = arith.constant 0 : i32
      %add3A_284 = arith.addi %mul3A_282, %add3A_283 : i32
      %dma_wait3A_285 = arith.constant 1 : i32
      %dma_wait3A_286 = arith.constant 0 : i32
      %dma_wait3A_287 = arith.constant 0 : i32
      %dma_wait3A_288 = arith.constant 0 : i32
      %dma_wait3A_289 = tpu.memref_slice %arg8[%dma_wait3A_286, %dma_wait3A_287, %dma_wait3A_288] : memref<2x128x128xf32, #tpu.memory_space<vmem>> -> memref<1x128x128xf32, #tpu.memory_space<vmem>>
      %dma_wait3A_290 = tpu.memref_squeeze %dma_wait3A_289 : memref<1x128x128xf32, #tpu.memory_space<vmem>> -> memref<128x128xf32, #tpu.memory_space<vmem>>
      %dma_wait3A_291 = arith.constant 0 : i32
      %dma_wait3A_292 = tpu.memref_slice %arg6[%dma_wait3A_285, %add3A_284, %dma_wait3A_291] : memref<2x16x128xi32, #tpu.memory_space<vmem>> -> memref<1x1x128xi32, #tpu.memory_space<vmem>>
      %dma_wait3A_293 = tpu.memref_squeeze %dma_wait3A_292 : memref<1x1x128xi32, #tpu.memory_space<vmem>> -> memref<128xi32, #tpu.memory_space<vmem>>
      %dma_wait3A_294 = arith.constant 0 : i32
      %dma_wait3A_295 = arith.constant 0 : i32
      %dma_wait3A_296 = tpu.memref_slice %arg2[%dma_wait3A_294, %dma_wait3A_295] : memref<10000x128xf32, #tpu.memory_space<hbm>> -> memref<10000x128xf32, #tpu.memory_space<hbm>>
      tpu.wait_indirect_dma semaphore(%arg10 : memref<!tpu.dma_semaphore, #tpu.memory_space<semaphore_mem>>) src(%dma_wait3A_296 : memref<10000x128xf32, #tpu.memory_space<hbm>>) dst(%dma_wait3A_290 : memref<128x128xf32, #tpu.memory_space<vmem>>)
      %run_scoped3A = arith.constant 0 : i32
      %run_scoped3A_297 = arith.constant 1 : i32
      "tpu.region"() ({
        %run_scoped3A_336 = tpu.sem_alloc : memref<!tpu.dma_semaphore, #tpu.memory_space<semaphore_mem>>
        %dma_start3A_337 = arith.constant 0 : i32
        %dma_start3A_338 = arith.constant 0 : i32
        %dma_start3A_339 = tpu.memref_slice %arg8[%run_scoped3A, %dma_start3A_337, %dma_start3A_338] : memref<2x128x128xf32, #tpu.memory_space<vmem>> -> memref<1x128x128xf32, #tpu.memory_space<vmem>>
        %dma_start3A_340 = tpu.memref_squeeze %dma_start3A_339 : memref<1x128x128xf32, #tpu.memory_space<vmem>> -> memref<128x128xf32, #tpu.memory_space<vmem>>
        %dma_start3A_341 = arith.constant 0 : i32
        %dma_start3A_342 = tpu.memref_slice %arg7[%run_scoped3A_297, %add3A_284, %dma_start3A_341] : memref<2x16x128xi32, #tpu.memory_space<vmem>> -> memref<1x1x128xi32, #tpu.memory_space<vmem>>
        %dma_start3A_343 = tpu.memref_squeeze %dma_start3A_342 : memref<1x1x128xi32, #tpu.memory_space<vmem>> -> memref<128xi32, #tpu.memory_space<vmem>>
        %dma_start3A_344 = arith.constant 0 : i32
        %dma_start3A_345 = arith.constant 0 : i32
        %dma_start3A_346 = tpu.memref_slice %arg9[%dma_start3A_344, %dma_start3A_345] : memref<10240x128xf32, #tpu.memory_space<vmem_shared>> -> memref<10240x128xf32, #tpu.memory_space<vmem_shared>>
        tpu.enqueue_indirect_dma source(%dma_start3A_340 : memref<128x128xf32, #tpu.memory_space<vmem>>) target(%dma_start3A_346 : memref<10240x128xf32, #tpu.memory_space<vmem_shared>>) offsets(%dma_start3A_343 : memref<128xi32, #tpu.memory_space<vmem>>) semaphore(%run_scoped3A_336 : memref<!tpu.dma_semaphore, #tpu.memory_space<semaphore_mem>>) {add = true}
        %dma_wait3A_347 = arith.constant 0 : i32
        %dma_wait3A_348 = arith.constant 0 : i32
        %dma_wait3A_349 = tpu.memref_slice %arg8[%run_scoped3A, %dma_wait3A_347, %dma_wait3A_348] : memref<2x128x128xf32, #tpu.memory_space<vmem>> -> memref<1x128x128xf32, #tpu.memory_space<vmem>>
        %dma_wait3A_350 = tpu.memref_squeeze %dma_wait3A_349 : memref<1x128x128xf32, #tpu.memory_space<vmem>> -> memref<128x128xf32, #tpu.memory_space<vmem>>
        %dma_wait3A_351 = arith.constant 0 : i32
        %dma_wait3A_352 = tpu.memref_slice %arg7[%run_scoped3A_297, %add3A_284, %dma_wait3A_351] : memref<2x16x128xi32, #tpu.memory_space<vmem>> -> memref<1x1x128xi32, #tpu.memory_space<vmem>>
        %dma_wait3A_353 = tpu.memref_squeeze %dma_wait3A_352 : memref<1x1x128xi32, #tpu.memory_space<vmem>> -> memref<128xi32, #tpu.memory_space<vmem>>
        %dma_wait3A_354 = arith.constant 0 : i32
        %dma_wait3A_355 = arith.constant 0 : i32
        %dma_wait3A_356 = tpu.memref_slice %arg9[%dma_wait3A_354, %dma_wait3A_355] : memref<10240x128xf32, #tpu.memory_space<vmem_shared>> -> memref<10240x128xf32, #tpu.memory_space<vmem_shared>>
        tpu.wait_indirect_dma semaphore(%run_scoped3A_336 : memref<!tpu.dma_semaphore, #tpu.memory_space<semaphore_mem>>) src(%dma_wait3A_350 : memref<128x128xf32, #tpu.memory_space<vmem>>) dst(%dma_wait3A_356 : memref<10240x128xf32, #tpu.memory_space<vmem_shared>>)
        tpu.yield
      }) : () -> ()
      %add3A_298 = arith.constant 2 : i32
      %add3A_299 = arith.addi %add3A_284, %add3A_298 : i32
      %lt3A = arith.constant 16 : i32
      %lt3A_300 = arith.cmpi slt, %add3A_299, %lt3A : i32
      %convert_element_type3A = arith.extui %lt3A_300 : i1 to i32
      %cond3A = arith.constant 0 : i32
      %cond3A_301 = arith.cmpi ne, %convert_element_type3A, %cond3A : i32
      scf.if %cond3A_301 {
        %dma_start3A_336 = arith.constant 1 : i32
        %dma_start3A_337 = arith.constant 0 : i32
        %dma_start3A_338 = arith.constant 0 : i32
        %dma_start3A_339 = arith.constant 0 : i32
        %dma_start3A_340 = tpu.memref_slice %arg8[%dma_start3A_337, %dma_start3A_338, %dma_start3A_339] : memref<2x128x128xf32, #tpu.memory_space<vmem>> -> memref<1x128x128xf32, #tpu.memory_space<vmem>>
        %dma_start3A_341 = tpu.memref_squeeze %dma_start3A_340 : memref<1x128x128xf32, #tpu.memory_space<vmem>> -> memref<128x128xf32, #tpu.memory_space<vmem>>
        %dma_start3A_342 = arith.constant 0 : i32
        %dma_start3A_343 = tpu.memref_slice %arg6[%dma_start3A_336, %add3A_299, %dma_start3A_342] : memref<2x16x128xi32, #tpu.memory_space<vmem>> -> memref<1x1x128xi32, #tpu.memory_space<vmem>>
        %dma_start3A_344 = tpu.memref_squeeze %dma_start3A_343 : memref<1x1x128xi32, #tpu.memory_space<vmem>> -> memref<128xi32, #tpu.memory_space<vmem>>
        %dma_start3A_345 = arith.constant 0 : i32
        %dma_start3A_346 = arith.constant 0 : i32
        %dma_start3A_347 = tpu.memref_slice %arg2[%dma_start3A_345, %dma_start3A_346] : memref<10000x128xf32, #tpu.memory_space<hbm>> -> memref<10000x128xf32, #tpu.memory_space<hbm>>
        tpu.enqueue_indirect_dma source(%dma_start3A_347 : memref<10000x128xf32, #tpu.memory_space<hbm>>) target(%dma_start3A_341 : memref<128x128xf32, #tpu.memory_space<vmem>>) offsets(%dma_start3A_344 : memref<128xi32, #tpu.memory_space<vmem>>) semaphore(%arg10 : memref<!tpu.dma_semaphore, #tpu.memory_space<semaphore_mem>>)
      } else {
      }
      %ge3A = arith.constant 16 : i32
      %ge3A_302 = arith.cmpi sge, %add3A_299, %ge3A : i32
      %convert_element_type3A_303 = arith.extui %ge3A_302 : i1 to i32
      %cond3A_304 = arith.constant 0 : i32
      %cond3A_305 = arith.cmpi ne, %convert_element_type3A_303, %cond3A_304 : i32
      scf.if %cond3A_305 {
        %dma_wait3A_336 = arith.constant 0 : i32
        %dma_wait3A_337 = arith.constant 0 : i32
        %dma_wait3A_338 = arith.constant 0 : i32
        %dma_wait3A_339 = tpu.memref_slice %arg6[%dma_wait3A_336, %dma_wait3A_337, %dma_wait3A_338] : memref<2x16x128xi32, #tpu.memory_space<vmem>> -> memref<1x16x128xi32, #tpu.memory_space<vmem>>
        %dma_wait3A_340 = tpu.memref_squeeze %dma_wait3A_339 : memref<1x16x128xi32, #tpu.memory_space<vmem>> -> memref<16x128xi32, #tpu.memory_space<vmem>>
        %dma_wait3A_341 = arith.constant 32 : i32
        %dma_wait3A_342 = arith.constant 0 : i32
        %dma_wait3A_343 = tpu.memref_slice %arg3[%add3A, %dma_wait3A_341, %dma_wait3A_342] : memref<32x80x128xi32, #tpu.memory_space<hbm>> -> memref<1x16x128xi32, #tpu.memory_space<hbm>>
        %dma_wait3A_344 = tpu.memref_squeeze %dma_wait3A_343 : memref<1x16x128xi32, #tpu.memory_space<hbm>> -> memref<16x128xi32, #tpu.memory_space<hbm>>
        %dma_wait3A_345 = arith.constant 0 : i32
        %dma_wait3A_346 = arith.constant 0 : i32
        %dma_wait3A_347 = tpu.memref_slice %arg6[%dma_wait3A_336, %dma_wait3A_345, %dma_wait3A_346] : memref<2x16x128xi32, #tpu.memory_space<vmem>> -> memref<1x16x128xi32, #tpu.memory_space<vmem>>
        %dma_wait3A_348 = tpu.memref_squeeze %dma_wait3A_347 : memref<1x16x128xi32, #tpu.memory_space<vmem>> -> memref<16x128xi32, #tpu.memory_space<vmem>>
        %dma_wait3A_349 = arith.constant 32 : i32
        %dma_wait3A_350 = arith.constant 0 : i32
        %dma_wait3A_351 = tpu.memref_slice %arg3[%add3A, %dma_wait3A_349, %dma_wait3A_350] : memref<32x80x128xi32, #tpu.memory_space<hbm>> -> memref<1x16x128xi32, #tpu.memory_space<hbm>>
        %dma_wait3A_352 = tpu.memref_squeeze %dma_wait3A_351 : memref<1x16x128xi32, #tpu.memory_space<hbm>> -> memref<16x128xi32, #tpu.memory_space<hbm>>
        tpu.wait_dma2 semaphore(%arg12 : memref<!tpu.dma_semaphore, #tpu.memory_space<semaphore_mem>>) src(%dma_wait3A_352 : memref<16x128xi32, #tpu.memory_space<hbm>>) dst(%dma_wait3A_348 : memref<16x128xi32, #tpu.memory_space<vmem>>)
        %dma_wait3A_353 = arith.constant 0 : i32
        %dma_wait3A_354 = arith.constant 0 : i32
        %dma_wait3A_355 = arith.constant 0 : i32
        %dma_wait3A_356 = tpu.memref_slice %arg7[%dma_wait3A_353, %dma_wait3A_354, %dma_wait3A_355] : memref<2x16x128xi32, #tpu.memory_space<vmem>> -> memref<1x16x128xi32, #tpu.memory_space<vmem>>
        %dma_wait3A_357 = tpu.memref_squeeze %dma_wait3A_356 : memref<1x16x128xi32, #tpu.memory_space<vmem>> -> memref<16x128xi32, #tpu.memory_space<vmem>>
        %dma_wait3A_358 = arith.constant 32 : i32
        %dma_wait3A_359 = arith.constant 0 : i32
        %dma_wait3A_360 = tpu.memref_slice %arg4[%add3A, %dma_wait3A_358, %dma_wait3A_359] : memref<32x80x128xi32, #tpu.memory_space<hbm>> -> memref<1x16x128xi32, #tpu.memory_space<hbm>>
        %dma_wait3A_361 = tpu.memref_squeeze %dma_wait3A_360 : memref<1x16x128xi32, #tpu.memory_space<hbm>> -> memref<16x128xi32, #tpu.memory_space<hbm>>
        %dma_wait3A_362 = arith.constant 0 : i32
        %dma_wait3A_363 = arith.constant 0 : i32
        %dma_wait3A_364 = tpu.memref_slice %arg7[%dma_wait3A_353, %dma_wait3A_362, %dma_wait3A_363] : memref<2x16x128xi32, #tpu.memory_space<vmem>> -> memref<1x16x128xi32, #tpu.memory_space<vmem>>
        %dma_wait3A_365 = tpu.memref_squeeze %dma_wait3A_364 : memref<1x16x128xi32, #tpu.memory_space<vmem>> -> memref<16x128xi32, #tpu.memory_space<vmem>>
        %dma_wait3A_366 = arith.constant 32 : i32
        %dma_wait3A_367 = arith.constant 0 : i32
        %dma_wait3A_368 = tpu.memref_slice %arg4[%add3A, %dma_wait3A_366, %dma_wait3A_367] : memref<32x80x128xi32, #tpu.memory_space<hbm>> -> memref<1x16x128xi32, #tpu.memory_space<hbm>>
        %dma_wait3A_369 = tpu.memref_squeeze %dma_wait3A_368 : memref<1x16x128xi32, #tpu.memory_space<hbm>> -> memref<16x128xi32, #tpu.memory_space<hbm>>
        tpu.wait_dma2 semaphore(%arg12 : memref<!tpu.dma_semaphore, #tpu.memory_space<semaphore_mem>>) src(%dma_wait3A_369 : memref<16x128xi32, #tpu.memory_space<hbm>>) dst(%dma_wait3A_365 : memref<16x128xi32, #tpu.memory_space<vmem>>)
        %dma_start3A_370 = arith.constant 0 : i32
        %dma_start3A_371 = arith.constant 0 : i32
        %dma_start3A_372 = arith.constant 0 : i32
        %dma_start3A_373 = arith.constant 0 : i32
        %dma_start3A_374 = arith.constant 0 : i32
        %dma_start3A_375 = tpu.memref_slice %arg8[%dma_start3A_372, %dma_start3A_373, %dma_start3A_374] : memref<2x128x128xf32, #tpu.memory_space<vmem>> -> memref<1x128x128xf32, #tpu.memory_space<vmem>>
        %dma_start3A_376 = tpu.memref_squeeze %dma_start3A_375 : memref<1x128x128xf32, #tpu.memory_space<vmem>> -> memref<128x128xf32, #tpu.memory_space<vmem>>
        %dma_start3A_377 = arith.constant 0 : i32
        %dma_start3A_378 = tpu.memref_slice %arg6[%dma_start3A_370, %dma_start3A_371, %dma_start3A_377] : memref<2x16x128xi32, #tpu.memory_space<vmem>> -> memref<1x1x128xi32, #tpu.memory_space<vmem>>
        %dma_start3A_379 = tpu.memref_squeeze %dma_start3A_378 : memref<1x1x128xi32, #tpu.memory_space<vmem>> -> memref<128xi32, #tpu.memory_space<vmem>>
        %dma_start3A_380 = arith.constant 0 : i32
        %dma_start3A_381 = arith.constant 0 : i32
        %dma_start3A_382 = tpu.memref_slice %arg2[%dma_start3A_380, %dma_start3A_381] : memref<10000x128xf32, #tpu.memory_space<hbm>> -> memref<10000x128xf32, #tpu.memory_space<hbm>>
        tpu.enqueue_indirect_dma source(%dma_start3A_382 : memref<10000x128xf32, #tpu.memory_space<hbm>>) target(%dma_start3A_376 : memref<128x128xf32, #tpu.memory_space<vmem>>) offsets(%dma_start3A_379 : memref<128xi32, #tpu.memory_space<vmem>>) semaphore(%arg10 : memref<!tpu.dma_semaphore, #tpu.memory_space<semaphore_mem>>)
      } else {
      }
      %mul3A_306 = arith.constant 2 : i32
      %mul3A_307 = arith.muli %mul3A_306, %scan3A_280 : i32
      %add3A_308 = arith.constant 1 : i32
      %add3A_309 = arith.addi %mul3A_307, %add3A_308 : i32
      %dma_wait3A_310 = arith.constant 1 : i32
      %dma_wait3A_311 = arith.constant 1 : i32
      %dma_wait3A_312 = arith.constant 0 : i32
      %dma_wait3A_313 = arith.constant 0 : i32
      %dma_wait3A_314 = tpu.memref_slice %arg8[%dma_wait3A_311, %dma_wait3A_312, %dma_wait3A_313] : memref<2x128x128xf32, #tpu.memory_space<vmem>> -> memref<1x128x128xf32, #tpu.memory_space<vmem>>
      %dma_wait3A_315 = tpu.memref_squeeze %dma_wait3A_314 : memref<1x128x128xf32, #tpu.memory_space<vmem>> -> memref<128x128xf32, #tpu.memory_space<vmem>>
      %dma_wait3A_316 = arith.constant 0 : i32
      %dma_wait3A_317 = tpu.memref_slice %arg6[%dma_wait3A_310, %add3A_309, %dma_wait3A_316] : memref<2x16x128xi32, #tpu.memory_space<vmem>> -> memref<1x1x128xi32, #tpu.memory_space<vmem>>
      %dma_wait3A_318 = tpu.memref_squeeze %dma_wait3A_317 : memref<1x1x128xi32, #tpu.memory_space<vmem>> -> memref<128xi32, #tpu.memory_space<vmem>>
      %dma_wait3A_319 = arith.constant 0 : i32
      %dma_wait3A_320 = arith.constant 0 : i32
      %dma_wait3A_321 = tpu.memref_slice %arg2[%dma_wait3A_319, %dma_wait3A_320] : memref<10000x128xf32, #tpu.memory_space<hbm>> -> memref<10000x128xf32, #tpu.memory_space<hbm>>
      tpu.wait_indirect_dma semaphore(%arg11 : memref<!tpu.dma_semaphore, #tpu.memory_space<semaphore_mem>>) src(%dma_wait3A_321 : memref<10000x128xf32, #tpu.memory_space<hbm>>) dst(%dma_wait3A_315 : memref<128x128xf32, #tpu.memory_space<vmem>>)
      %run_scoped3A_322 = arith.constant 1 : i32
      %run_scoped3A_323 = arith.constant 1 : i32
      "tpu.region"() ({
        %run_scoped3A_336 = tpu.sem_alloc : memref<!tpu.dma_semaphore, #tpu.memory_space<semaphore_mem>>
        %dma_start3A_337 = arith.constant 0 : i32
        %dma_start3A_338 = arith.constant 0 : i32
        %dma_start3A_339 = tpu.memref_slice %arg8[%run_scoped3A_322, %dma_start3A_337, %dma_start3A_338] : memref<2x128x128xf32, #tpu.memory_space<vmem>> -> memref<1x128x128xf32, #tpu.memory_space<vmem>>
        %dma_start3A_340 = tpu.memref_squeeze %dma_start3A_339 : memref<1x128x128xf32, #tpu.memory_space<vmem>> -> memref<128x128xf32, #tpu.memory_space<vmem>>
        %dma_start3A_341 = arith.constant 0 : i32
        %dma_start3A_342 = tpu.memref_slice %arg7[%run_scoped3A_323, %add3A_309, %dma_start3A_341] : memref<2x16x128xi32, #tpu.memory_space<vmem>> -> memref<1x1x128xi32, #tpu.memory_space<vmem>>
        %dma_start3A_343 = tpu.memref_squeeze %dma_start3A_342 : memref<1x1x128xi32, #tpu.memory_space<vmem>> -> memref<128xi32, #tpu.memory_space<vmem>>
        %dma_start3A_344 = arith.constant 0 : i32
        %dma_start3A_345 = arith.constant 0 : i32
        %dma_start3A_346 = tpu.memref_slice %arg9[%dma_start3A_344, %dma_start3A_345] : memref<10240x128xf32, #tpu.memory_space<vmem_shared>> -> memref<10240x128xf32, #tpu.memory_space<vmem_shared>>
        tpu.enqueue_indirect_dma source(%dma_start3A_340 : memref<128x128xf32, #tpu.memory_space<vmem>>) target(%dma_start3A_346 : memref<10240x128xf32, #tpu.memory_space<vmem_shared>>) offsets(%dma_start3A_343 : memref<128xi32, #tpu.memory_space<vmem>>) semaphore(%run_scoped3A_336 : memref<!tpu.dma_semaphore, #tpu.memory_space<semaphore_mem>>) {add = true}
        %dma_wait3A_347 = arith.constant 0 : i32
        %dma_wait3A_348 = arith.constant 0 : i32
        %dma_wait3A_349 = tpu.memref_slice %arg8[%run_scoped3A_322, %dma_wait3A_347, %dma_wait3A_348] : memref<2x128x128xf32, #tpu.memory_space<vmem>> -> memref<1x128x128xf32, #tpu.memory_space<vmem>>
        %dma_wait3A_350 = tpu.memref_squeeze %dma_wait3A_349 : memref<1x128x128xf32, #tpu.memory_space<vmem>> -> memref<128x128xf32, #tpu.memory_space<vmem>>
        %dma_wait3A_351 = arith.constant 0 : i32
        %dma_wait3A_352 = tpu.memref_slice %arg7[%run_scoped3A_323, %add3A_309, %dma_wait3A_351] : memref<2x16x128xi32, #tpu.memory_space<vmem>> -> memref<1x1x128xi32, #tpu.memory_space<vmem>>
        %dma_wait3A_353 = tpu.memref_squeeze %dma_wait3A_352 : memref<1x1x128xi32, #tpu.memory_space<vmem>> -> memref<128xi32, #tpu.memory_space<vmem>>
        %dma_wait3A_354 = arith.constant 0 : i32
        %dma_wait3A_355 = arith.constant 0 : i32
        %dma_wait3A_356 = tpu.memref_slice %arg9[%dma_wait3A_354, %dma_wait3A_355] : memref<10240x128xf32, #tpu.memory_space<vmem_shared>> -> memref<10240x128xf32, #tpu.memory_space<vmem_shared>>
        tpu.wait_indirect_dma semaphore(%run_scoped3A_336 : memref<!tpu.dma_semaphore, #tpu.memory_space<semaphore_mem>>) src(%dma_wait3A_350 : memref<128x128xf32, #tpu.memory_space<vmem>>) dst(%dma_wait3A_356 : memref<10240x128xf32, #tpu.memory_space<vmem_shared>>)
        tpu.yield
      }) : () -> ()
      %add3A_324 = arith.constant 2 : i32
      %add3A_325 = arith.addi %add3A_309, %add3A_324 : i32
      %lt3A_326 = arith.constant 16 : i32
      %lt3A_327 = arith.cmpi slt, %add3A_325, %lt3A_326 : i32
      %convert_element_type3A_328 = arith.extui %lt3A_327 : i1 to i32
      %cond3A_329 = arith.constant 0 : i32
      %cond3A_330 = arith.cmpi ne, %convert_element_type3A_328, %cond3A_329 : i32
      scf.if %cond3A_330 {
        %dma_start3A_336 = arith.constant 1 : i32
        %dma_start3A_337 = arith.constant 1 : i32
        %dma_start3A_338 = arith.constant 0 : i32
        %dma_start3A_339 = arith.constant 0 : i32
        %dma_start3A_340 = tpu.memref_slice %arg8[%dma_start3A_337, %dma_start3A_338, %dma_start3A_339] : memref<2x128x128xf32, #tpu.memory_space<vmem>> -> memref<1x128x128xf32, #tpu.memory_space<vmem>>
        %dma_start3A_341 = tpu.memref_squeeze %dma_start3A_340 : memref<1x128x128xf32, #tpu.memory_space<vmem>> -> memref<128x128xf32, #tpu.memory_space<vmem>>
        %dma_start3A_342 = arith.constant 0 : i32
        %dma_start3A_343 = tpu.memref_slice %arg6[%dma_start3A_336, %add3A_325, %dma_start3A_342] : memref<2x16x128xi32, #tpu.memory_space<vmem>> -> memref<1x1x128xi32, #tpu.memory_space<vmem>>
        %dma_start3A_344 = tpu.memref_squeeze %dma_start3A_343 : memref<1x1x128xi32, #tpu.memory_space<vmem>> -> memref<128xi32, #tpu.memory_space<vmem>>
        %dma_start3A_345 = arith.constant 0 : i32
        %dma_start3A_346 = arith.constant 0 : i32
        %dma_start3A_347 = tpu.memref_slice %arg2[%dma_start3A_345, %dma_start3A_346] : memref<10000x128xf32, #tpu.memory_space<hbm>> -> memref<10000x128xf32, #tpu.memory_space<hbm>>
        tpu.enqueue_indirect_dma source(%dma_start3A_347 : memref<10000x128xf32, #tpu.memory_space<hbm>>) target(%dma_start3A_341 : memref<128x128xf32, #tpu.memory_space<vmem>>) offsets(%dma_start3A_344 : memref<128xi32, #tpu.memory_space<vmem>>) semaphore(%arg11 : memref<!tpu.dma_semaphore, #tpu.memory_space<semaphore_mem>>)
      } else {
      }
      %ge3A_331 = arith.constant 16 : i32
      %ge3A_332 = arith.cmpi sge, %add3A_325, %ge3A_331 : i32
      %convert_element_type3A_333 = arith.extui %ge3A_332 : i1 to i32
      %cond3A_334 = arith.constant 0 : i32
      %cond3A_335 = arith.cmpi ne, %convert_element_type3A_333, %cond3A_334 : i32
      scf.if %cond3A_335 {
        %dma_start3A_336 = arith.constant 0 : i32
        %dma_start3A_337 = arith.constant 1 : i32
        %dma_start3A_338 = arith.constant 1 : i32
        %dma_start3A_339 = arith.constant 0 : i32
        %dma_start3A_340 = arith.constant 0 : i32
        %dma_start3A_341 = tpu.memref_slice %arg8[%dma_start3A_338, %dma_start3A_339, %dma_start3A_340] : memref<2x128x128xf32, #tpu.memory_space<vmem>> -> memref<1x128x128xf32, #tpu.memory_space<vmem>>
        %dma_start3A_342 = tpu.memref_squeeze %dma_start3A_341 : memref<1x128x128xf32, #tpu.memory_space<vmem>> -> memref<128x128xf32, #tpu.memory_space<vmem>>
        %dma_start3A_343 = arith.constant 0 : i32
        %dma_start3A_344 = tpu.memref_slice %arg6[%dma_start3A_336, %dma_start3A_337, %dma_start3A_343] : memref<2x16x128xi32, #tpu.memory_space<vmem>> -> memref<1x1x128xi32, #tpu.memory_space<vmem>>
        %dma_start3A_345 = tpu.memref_squeeze %dma_start3A_344 : memref<1x1x128xi32, #tpu.memory_space<vmem>> -> memref<128xi32, #tpu.memory_space<vmem>>
        %dma_start3A_346 = arith.constant 0 : i32
        %dma_start3A_347 = arith.constant 0 : i32
        %dma_start3A_348 = tpu.memref_slice %arg2[%dma_start3A_346, %dma_start3A_347] : memref<10000x128xf32, #tpu.memory_space<hbm>> -> memref<10000x128xf32, #tpu.memory_space<hbm>>
        tpu.enqueue_indirect_dma source(%dma_start3A_348 : memref<10000x128xf32, #tpu.memory_space<hbm>>) target(%dma_start3A_342 : memref<128x128xf32, #tpu.memory_space<vmem>>) offsets(%dma_start3A_345 : memref<128xi32, #tpu.memory_space<vmem>>) semaphore(%arg11 : memref<!tpu.dma_semaphore, #tpu.memory_space<semaphore_mem>>)
      } else {
      }
    }
    %scan3A_192 = arith.constant 8 : i32
    %dma_start3A_193 = arith.constant 1 : i32
    %dma_start3A_194 = arith.constant 0 : i32
    %dma_start3A_195 = arith.constant 0 : i32
    %dma_start3A_196 = tpu.memref_slice %arg6[%dma_start3A_193, %dma_start3A_194, %dma_start3A_195] : memref<2x16x128xi32, #tpu.memory_space<vmem>> -> memref<1x16x128xi32, #tpu.memory_space<vmem>>
    %dma_start3A_197 = tpu.memref_squeeze %dma_start3A_196 : memref<1x16x128xi32, #tpu.memory_space<vmem>> -> memref<16x128xi32, #tpu.memory_space<vmem>>
    %dma_start3A_198 = arith.constant 48 : i32
    %dma_start3A_199 = arith.constant 0 : i32
    %dma_start3A_200 = tpu.memref_slice %arg3[%add3A, %dma_start3A_198, %dma_start3A_199] : memref<32x80x128xi32, #tpu.memory_space<hbm>> -> memref<1x16x128xi32, #tpu.memory_space<hbm>>
    %dma_start3A_201 = tpu.memref_squeeze %dma_start3A_200 : memref<1x16x128xi32, #tpu.memory_space<hbm>> -> memref<16x128xi32, #tpu.memory_space<hbm>>
    %dma_start3A_202 = arith.constant 0 : i32
    %dma_start3A_203 = arith.constant 0 : i32
    %dma_start3A_204 = tpu.memref_slice %arg6[%dma_start3A_193, %dma_start3A_202, %dma_start3A_203] : memref<2x16x128xi32, #tpu.memory_space<vmem>> -> memref<1x16x128xi32, #tpu.memory_space<vmem>>
    %dma_start3A_205 = tpu.memref_squeeze %dma_start3A_204 : memref<1x16x128xi32, #tpu.memory_space<vmem>> -> memref<16x128xi32, #tpu.memory_space<vmem>>
    %dma_start3A_206 = arith.constant 48 : i32
    %dma_start3A_207 = arith.constant 0 : i32
    %dma_start3A_208 = tpu.memref_slice %arg3[%add3A, %dma_start3A_206, %dma_start3A_207] : memref<32x80x128xi32, #tpu.memory_space<hbm>> -> memref<1x16x128xi32, #tpu.memory_space<hbm>>
    %dma_start3A_209 = tpu.memref_squeeze %dma_start3A_208 : memref<1x16x128xi32, #tpu.memory_space<hbm>> -> memref<16x128xi32, #tpu.memory_space<hbm>>
    tpu.enqueue_dma source(%dma_start3A_209 : memref<16x128xi32, #tpu.memory_space<hbm>>) target(%dma_start3A_205 : memref<16x128xi32, #tpu.memory_space<vmem>>) target_semaphore(%arg13 : memref<!tpu.dma_semaphore, #tpu.memory_space<semaphore_mem>>)
    %dma_start3A_210 = arith.constant 1 : i32
    %dma_start3A_211 = arith.constant 0 : i32
    %dma_start3A_212 = arith.constant 0 : i32
    %dma_start3A_213 = tpu.memref_slice %arg7[%dma_start3A_210, %dma_start3A_211, %dma_start3A_212] : memref<2x16x128xi32, #tpu.memory_space<vmem>> -> memref<1x16x128xi32, #tpu.memory_space<vmem>>
    %dma_start3A_214 = tpu.memref_squeeze %dma_start3A_213 : memref<1x16x128xi32, #tpu.memory_space<vmem>> -> memref<16x128xi32, #tpu.memory_space<vmem>>
    %dma_start3A_215 = arith.constant 48 : i32
    %dma_start3A_216 = arith.constant 0 : i32
    %dma_start3A_217 = tpu.memref_slice %arg4[%add3A, %dma_start3A_215, %dma_start3A_216] : memref<32x80x128xi32, #tpu.memory_space<hbm>> -> memref<1x16x128xi32, #tpu.memory_space<hbm>>
    %dma_start3A_218 = tpu.memref_squeeze %dma_start3A_217 : memref<1x16x128xi32, #tpu.memory_space<hbm>> -> memref<16x128xi32, #tpu.memory_space<hbm>>
    %dma_start3A_219 = arith.constant 0 : i32
    %dma_start3A_220 = arith.constant 0 : i32
    %dma_start3A_221 = tpu.memref_slice %arg7[%dma_start3A_210, %dma_start3A_219, %dma_start3A_220] : memref<2x16x128xi32, #tpu.memory_space<vmem>> -> memref<1x16x128xi32, #tpu.memory_space<vmem>>
    %dma_start3A_222 = tpu.memref_squeeze %dma_start3A_221 : memref<1x16x128xi32, #tpu.memory_space<vmem>> -> memref<16x128xi32, #tpu.memory_space<vmem>>
    %dma_start3A_223 = arith.constant 48 : i32
    %dma_start3A_224 = arith.constant 0 : i32
    %dma_start3A_225 = tpu.memref_slice %arg4[%add3A, %dma_start3A_223, %dma_start3A_224] : memref<32x80x128xi32, #tpu.memory_space<hbm>> -> memref<1x16x128xi32, #tpu.memory_space<hbm>>
    %dma_start3A_226 = tpu.memref_squeeze %dma_start3A_225 : memref<1x16x128xi32, #tpu.memory_space<hbm>> -> memref<16x128xi32, #tpu.memory_space<hbm>>
    tpu.enqueue_dma source(%dma_start3A_226 : memref<16x128xi32, #tpu.memory_space<hbm>>) target(%dma_start3A_222 : memref<16x128xi32, #tpu.memory_space<vmem>>) target_semaphore(%arg13 : memref<!tpu.dma_semaphore, #tpu.memory_space<semaphore_mem>>)
    %scan3A_227 = arith.constant 0 : i32
    %scan3A_228 = arith.constant 0 : i32
    %scan3A_229 = arith.constant 8 : i32
    %scan3A_230 = arith.addi %scan3A_228, %scan3A_229 : i32
    %scan3A_231 = arith.constant 1 : i32
    scf.for %scan3A_280 = %scan3A_228 to %scan3A_230 step %scan3A_231  : i32 {
      %mul3A_281 = arith.constant 2 : i32
      %mul3A_282 = arith.muli %mul3A_281, %scan3A_280 : i32
      %add3A_283 = arith.constant 0 : i32
      %add3A_284 = arith.addi %mul3A_282, %add3A_283 : i32
      %dma_wait3A_285 = arith.constant 0 : i32
      %dma_wait3A_286 = arith.constant 0 : i32
      %dma_wait3A_287 = arith.constant 0 : i32
      %dma_wait3A_288 = arith.constant 0 : i32
      %dma_wait3A_289 = tpu.memref_slice %arg8[%dma_wait3A_286, %dma_wait3A_287, %dma_wait3A_288] : memref<2x128x128xf32, #tpu.memory_space<vmem>> -> memref<1x128x128xf32, #tpu.memory_space<vmem>>
      %dma_wait3A_290 = tpu.memref_squeeze %dma_wait3A_289 : memref<1x128x128xf32, #tpu.memory_space<vmem>> -> memref<128x128xf32, #tpu.memory_space<vmem>>
      %dma_wait3A_291 = arith.constant 0 : i32
      %dma_wait3A_292 = tpu.memref_slice %arg6[%dma_wait3A_285, %add3A_284, %dma_wait3A_291] : memref<2x16x128xi32, #tpu.memory_space<vmem>> -> memref<1x1x128xi32, #tpu.memory_space<vmem>>
      %dma_wait3A_293 = tpu.memref_squeeze %dma_wait3A_292 : memref<1x1x128xi32, #tpu.memory_space<vmem>> -> memref<128xi32, #tpu.memory_space<vmem>>
      %dma_wait3A_294 = arith.constant 0 : i32
      %dma_wait3A_295 = arith.constant 0 : i32
      %dma_wait3A_296 = tpu.memref_slice %arg2[%dma_wait3A_294, %dma_wait3A_295] : memref<10000x128xf32, #tpu.memory_space<hbm>> -> memref<10000x128xf32, #tpu.memory_space<hbm>>
      tpu.wait_indirect_dma semaphore(%arg10 : memref<!tpu.dma_semaphore, #tpu.memory_space<semaphore_mem>>) src(%dma_wait3A_296 : memref<10000x128xf32, #tpu.memory_space<hbm>>) dst(%dma_wait3A_290 : memref<128x128xf32, #tpu.memory_space<vmem>>)
      %run_scoped3A = arith.constant 0 : i32
      %run_scoped3A_297 = arith.constant 0 : i32
      "tpu.region"() ({
        %run_scoped3A_336 = tpu.sem_alloc : memref<!tpu.dma_semaphore, #tpu.memory_space<semaphore_mem>>
        %dma_start3A_337 = arith.constant 0 : i32
        %dma_start3A_338 = arith.constant 0 : i32
        %dma_start3A_339 = tpu.memref_slice %arg8[%run_scoped3A, %dma_start3A_337, %dma_start3A_338] : memref<2x128x128xf32, #tpu.memory_space<vmem>> -> memref<1x128x128xf32, #tpu.memory_space<vmem>>
        %dma_start3A_340 = tpu.memref_squeeze %dma_start3A_339 : memref<1x128x128xf32, #tpu.memory_space<vmem>> -> memref<128x128xf32, #tpu.memory_space<vmem>>
        %dma_start3A_341 = arith.constant 0 : i32
        %dma_start3A_342 = tpu.memref_slice %arg7[%run_scoped3A_297, %add3A_284, %dma_start3A_341] : memref<2x16x128xi32, #tpu.memory_space<vmem>> -> memref<1x1x128xi32, #tpu.memory_space<vmem>>
        %dma_start3A_343 = tpu.memref_squeeze %dma_start3A_342 : memref<1x1x128xi32, #tpu.memory_space<vmem>> -> memref<128xi32, #tpu.memory_space<vmem>>
        %dma_start3A_344 = arith.constant 0 : i32
        %dma_start3A_345 = arith.constant 0 : i32
        %dma_start3A_346 = tpu.memref_slice %arg9[%dma_start3A_344, %dma_start3A_345] : memref<10240x128xf32, #tpu.memory_space<vmem_shared>> -> memref<10240x128xf32, #tpu.memory_space<vmem_shared>>
        tpu.enqueue_indirect_dma source(%dma_start3A_340 : memref<128x128xf32, #tpu.memory_space<vmem>>) target(%dma_start3A_346 : memref<10240x128xf32, #tpu.memory_space<vmem_shared>>) offsets(%dma_start3A_343 : memref<128xi32, #tpu.memory_space<vmem>>) semaphore(%run_scoped3A_336 : memref<!tpu.dma_semaphore, #tpu.memory_space<semaphore_mem>>) {add = true}
        %dma_wait3A_347 = arith.constant 0 : i32
        %dma_wait3A_348 = arith.constant 0 : i32
        %dma_wait3A_349 = tpu.memref_slice %arg8[%run_scoped3A, %dma_wait3A_347, %dma_wait3A_348] : memref<2x128x128xf32, #tpu.memory_space<vmem>> -> memref<1x128x128xf32, #tpu.memory_space<vmem>>
        %dma_wait3A_350 = tpu.memref_squeeze %dma_wait3A_349 : memref<1x128x128xf32, #tpu.memory_space<vmem>> -> memref<128x128xf32, #tpu.memory_space<vmem>>
        %dma_wait3A_351 = arith.constant 0 : i32
        %dma_wait3A_352 = tpu.memref_slice %arg7[%run_scoped3A_297, %add3A_284, %dma_wait3A_351] : memref<2x16x128xi32, #tpu.memory_space<vmem>> -> memref<1x1x128xi32, #tpu.memory_space<vmem>>
        %dma_wait3A_353 = tpu.memref_squeeze %dma_wait3A_352 : memref<1x1x128xi32, #tpu.memory_space<vmem>> -> memref<128xi32, #tpu.memory_space<vmem>>
        %dma_wait3A_354 = arith.constant 0 : i32
        %dma_wait3A_355 = arith.constant 0 : i32
        %dma_wait3A_356 = tpu.memref_slice %arg9[%dma_wait3A_354, %dma_wait3A_355] : memref<10240x128xf32, #tpu.memory_space<vmem_shared>> -> memref<10240x128xf32, #tpu.memory_space<vmem_shared>>
        tpu.wait_indirect_dma semaphore(%run_scoped3A_336 : memref<!tpu.dma_semaphore, #tpu.memory_space<semaphore_mem>>) src(%dma_wait3A_350 : memref<128x128xf32, #tpu.memory_space<vmem>>) dst(%dma_wait3A_356 : memref<10240x128xf32, #tpu.memory_space<vmem_shared>>)
        tpu.yield
      }) : () -> ()
      %add3A_298 = arith.constant 2 : i32
      %add3A_299 = arith.addi %add3A_284, %add3A_298 : i32
      %lt3A = arith.constant 16 : i32
      %lt3A_300 = arith.cmpi slt, %add3A_299, %lt3A : i32
      %convert_element_type3A = arith.extui %lt3A_300 : i1 to i32
      %cond3A = arith.constant 0 : i32
      %cond3A_301 = arith.cmpi ne, %convert_element_type3A, %cond3A : i32
      scf.if %cond3A_301 {
        %dma_start3A_336 = arith.constant 0 : i32
        %dma_start3A_337 = arith.constant 0 : i32
        %dma_start3A_338 = arith.constant 0 : i32
        %dma_start3A_339 = arith.constant 0 : i32
        %dma_start3A_340 = tpu.memref_slice %arg8[%dma_start3A_337, %dma_start3A_338, %dma_start3A_339] : memref<2x128x128xf32, #tpu.memory_space<vmem>> -> memref<1x128x128xf32, #tpu.memory_space<vmem>>
        %dma_start3A_341 = tpu.memref_squeeze %dma_start3A_340 : memref<1x128x128xf32, #tpu.memory_space<vmem>> -> memref<128x128xf32, #tpu.memory_space<vmem>>
        %dma_start3A_342 = arith.constant 0 : i32
        %dma_start3A_343 = tpu.memref_slice %arg6[%dma_start3A_336, %add3A_299, %dma_start3A_342] : memref<2x16x128xi32, #tpu.memory_space<vmem>> -> memref<1x1x128xi32, #tpu.memory_space<vmem>>
        %dma_start3A_344 = tpu.memref_squeeze %dma_start3A_343 : memref<1x1x128xi32, #tpu.memory_space<vmem>> -> memref<128xi32, #tpu.memory_space<vmem>>
        %dma_start3A_345 = arith.constant 0 : i32
        %dma_start3A_346 = arith.constant 0 : i32
        %dma_start3A_347 = tpu.memref_slice %arg2[%dma_start3A_345, %dma_start3A_346] : memref<10000x128xf32, #tpu.memory_space<hbm>> -> memref<10000x128xf32, #tpu.memory_space<hbm>>
        tpu.enqueue_indirect_dma source(%dma_start3A_347 : memref<10000x128xf32, #tpu.memory_space<hbm>>) target(%dma_start3A_341 : memref<128x128xf32, #tpu.memory_space<vmem>>) offsets(%dma_start3A_344 : memref<128xi32, #tpu.memory_space<vmem>>) semaphore(%arg10 : memref<!tpu.dma_semaphore, #tpu.memory_space<semaphore_mem>>)
      } else {
      }
      %ge3A = arith.constant 16 : i32
      %ge3A_302 = arith.cmpi sge, %add3A_299, %ge3A : i32
      %convert_element_type3A_303 = arith.extui %ge3A_302 : i1 to i32
      %cond3A_304 = arith.constant 0 : i32
      %cond3A_305 = arith.cmpi ne, %convert_element_type3A_303, %cond3A_304 : i32
      scf.if %cond3A_305 {
        %dma_wait3A_336 = arith.constant 1 : i32
        %dma_wait3A_337 = arith.constant 0 : i32
        %dma_wait3A_338 = arith.constant 0 : i32
        %dma_wait3A_339 = tpu.memref_slice %arg6[%dma_wait3A_336, %dma_wait3A_337, %dma_wait3A_338] : memref<2x16x128xi32, #tpu.memory_space<vmem>> -> memref<1x16x128xi32, #tpu.memory_space<vmem>>
        %dma_wait3A_340 = tpu.memref_squeeze %dma_wait3A_339 : memref<1x16x128xi32, #tpu.memory_space<vmem>> -> memref<16x128xi32, #tpu.memory_space<vmem>>
        %dma_wait3A_341 = arith.constant 48 : i32
        %dma_wait3A_342 = arith.constant 0 : i32
        %dma_wait3A_343 = tpu.memref_slice %arg3[%add3A, %dma_wait3A_341, %dma_wait3A_342] : memref<32x80x128xi32, #tpu.memory_space<hbm>> -> memref<1x16x128xi32, #tpu.memory_space<hbm>>
        %dma_wait3A_344 = tpu.memref_squeeze %dma_wait3A_343 : memref<1x16x128xi32, #tpu.memory_space<hbm>> -> memref<16x128xi32, #tpu.memory_space<hbm>>
        %dma_wait3A_345 = arith.constant 0 : i32
        %dma_wait3A_346 = arith.constant 0 : i32
        %dma_wait3A_347 = tpu.memref_slice %arg6[%dma_wait3A_336, %dma_wait3A_345, %dma_wait3A_346] : memref<2x16x128xi32, #tpu.memory_space<vmem>> -> memref<1x16x128xi32, #tpu.memory_space<vmem>>
        %dma_wait3A_348 = tpu.memref_squeeze %dma_wait3A_347 : memref<1x16x128xi32, #tpu.memory_space<vmem>> -> memref<16x128xi32, #tpu.memory_space<vmem>>
        %dma_wait3A_349 = arith.constant 48 : i32
        %dma_wait3A_350 = arith.constant 0 : i32
        %dma_wait3A_351 = tpu.memref_slice %arg3[%add3A, %dma_wait3A_349, %dma_wait3A_350] : memref<32x80x128xi32, #tpu.memory_space<hbm>> -> memref<1x16x128xi32, #tpu.memory_space<hbm>>
        %dma_wait3A_352 = tpu.memref_squeeze %dma_wait3A_351 : memref<1x16x128xi32, #tpu.memory_space<hbm>> -> memref<16x128xi32, #tpu.memory_space<hbm>>
        tpu.wait_dma2 semaphore(%arg13 : memref<!tpu.dma_semaphore, #tpu.memory_space<semaphore_mem>>) src(%dma_wait3A_352 : memref<16x128xi32, #tpu.memory_space<hbm>>) dst(%dma_wait3A_348 : memref<16x128xi32, #tpu.memory_space<vmem>>)
        %dma_wait3A_353 = arith.constant 1 : i32
        %dma_wait3A_354 = arith.constant 0 : i32
        %dma_wait3A_355 = arith.constant 0 : i32
        %dma_wait3A_356 = tpu.memref_slice %arg7[%dma_wait3A_353, %dma_wait3A_354, %dma_wait3A_355] : memref<2x16x128xi32, #tpu.memory_space<vmem>> -> memref<1x16x128xi32, #tpu.memory_space<vmem>>
        %dma_wait3A_357 = tpu.memref_squeeze %dma_wait3A_356 : memref<1x16x128xi32, #tpu.memory_space<vmem>> -> memref<16x128xi32, #tpu.memory_space<vmem>>
        %dma_wait3A_358 = arith.constant 48 : i32
        %dma_wait3A_359 = arith.constant 0 : i32
        %dma_wait3A_360 = tpu.memref_slice %arg4[%add3A, %dma_wait3A_358, %dma_wait3A_359] : memref<32x80x128xi32, #tpu.memory_space<hbm>> -> memref<1x16x128xi32, #tpu.memory_space<hbm>>
        %dma_wait3A_361 = tpu.memref_squeeze %dma_wait3A_360 : memref<1x16x128xi32, #tpu.memory_space<hbm>> -> memref<16x128xi32, #tpu.memory_space<hbm>>
        %dma_wait3A_362 = arith.constant 0 : i32
        %dma_wait3A_363 = arith.constant 0 : i32
        %dma_wait3A_364 = tpu.memref_slice %arg7[%dma_wait3A_353, %dma_wait3A_362, %dma_wait3A_363] : memref<2x16x128xi32, #tpu.memory_space<vmem>> -> memref<1x16x128xi32, #tpu.memory_space<vmem>>
        %dma_wait3A_365 = tpu.memref_squeeze %dma_wait3A_364 : memref<1x16x128xi32, #tpu.memory_space<vmem>> -> memref<16x128xi32, #tpu.memory_space<vmem>>
        %dma_wait3A_366 = arith.constant 48 : i32
        %dma_wait3A_367 = arith.constant 0 : i32
        %dma_wait3A_368 = tpu.memref_slice %arg4[%add3A, %dma_wait3A_366, %dma_wait3A_367] : memref<32x80x128xi32, #tpu.memory_space<hbm>> -> memref<1x16x128xi32, #tpu.memory_space<hbm>>
        %dma_wait3A_369 = tpu.memref_squeeze %dma_wait3A_368 : memref<1x16x128xi32, #tpu.memory_space<hbm>> -> memref<16x128xi32, #tpu.memory_space<hbm>>
        tpu.wait_dma2 semaphore(%arg13 : memref<!tpu.dma_semaphore, #tpu.memory_space<semaphore_mem>>) src(%dma_wait3A_369 : memref<16x128xi32, #tpu.memory_space<hbm>>) dst(%dma_wait3A_365 : memref<16x128xi32, #tpu.memory_space<vmem>>)
        %dma_start3A_370 = arith.constant 1 : i32
        %dma_start3A_371 = arith.constant 0 : i32
        %dma_start3A_372 = arith.constant 0 : i32
        %dma_start3A_373 = arith.constant 0 : i32
        %dma_start3A_374 = arith.constant 0 : i32
        %dma_start3A_375 = tpu.memref_slice %arg8[%dma_start3A_372, %dma_start3A_373, %dma_start3A_374] : memref<2x128x128xf32, #tpu.memory_space<vmem>> -> memref<1x128x128xf32, #tpu.memory_space<vmem>>
        %dma_start3A_376 = tpu.memref_squeeze %dma_start3A_375 : memref<1x128x128xf32, #tpu.memory_space<vmem>> -> memref<128x128xf32, #tpu.memory_space<vmem>>
        %dma_start3A_377 = arith.constant 0 : i32
        %dma_start3A_378 = tpu.memref_slice %arg6[%dma_start3A_370, %dma_start3A_371, %dma_start3A_377] : memref<2x16x128xi32, #tpu.memory_space<vmem>> -> memref<1x1x128xi32, #tpu.memory_space<vmem>>
        %dma_start3A_379 = tpu.memref_squeeze %dma_start3A_378 : memref<1x1x128xi32, #tpu.memory_space<vmem>> -> memref<128xi32, #tpu.memory_space<vmem>>
        %dma_start3A_380 = arith.constant 0 : i32
        %dma_start3A_381 = arith.constant 0 : i32
        %dma_start3A_382 = tpu.memref_slice %arg2[%dma_start3A_380, %dma_start3A_381] : memref<10000x128xf32, #tpu.memory_space<hbm>> -> memref<10000x128xf32, #tpu.memory_space<hbm>>
        tpu.enqueue_indirect_dma source(%dma_start3A_382 : memref<10000x128xf32, #tpu.memory_space<hbm>>) target(%dma_start3A_376 : memref<128x128xf32, #tpu.memory_space<vmem>>) offsets(%dma_start3A_379 : memref<128xi32, #tpu.memory_space<vmem>>) semaphore(%arg10 : memref<!tpu.dma_semaphore, #tpu.memory_space<semaphore_mem>>)
      } else {
      }
      %mul3A_306 = arith.constant 2 : i32
      %mul3A_307 = arith.muli %mul3A_306, %scan3A_280 : i32
      %add3A_308 = arith.constant 1 : i32
      %add3A_309 = arith.addi %mul3A_307, %add3A_308 : i32
      %dma_wait3A_310 = arith.constant 0 : i32
      %dma_wait3A_311 = arith.constant 1 : i32
      %dma_wait3A_312 = arith.constant 0 : i32
      %dma_wait3A_313 = arith.constant 0 : i32
      %dma_wait3A_314 = tpu.memref_slice %arg8[%dma_wait3A_311, %dma_wait3A_312, %dma_wait3A_313] : memref<2x128x128xf32, #tpu.memory_space<vmem>> -> memref<1x128x128xf32, #tpu.memory_space<vmem>>
      %dma_wait3A_315 = tpu.memref_squeeze %dma_wait3A_314 : memref<1x128x128xf32, #tpu.memory_space<vmem>> -> memref<128x128xf32, #tpu.memory_space<vmem>>
      %dma_wait3A_316 = arith.constant 0 : i32
      %dma_wait3A_317 = tpu.memref_slice %arg6[%dma_wait3A_310, %add3A_309, %dma_wait3A_316] : memref<2x16x128xi32, #tpu.memory_space<vmem>> -> memref<1x1x128xi32, #tpu.memory_space<vmem>>
      %dma_wait3A_318 = tpu.memref_squeeze %dma_wait3A_317 : memref<1x1x128xi32, #tpu.memory_space<vmem>> -> memref<128xi32, #tpu.memory_space<vmem>>
      %dma_wait3A_319 = arith.constant 0 : i32
      %dma_wait3A_320 = arith.constant 0 : i32
      %dma_wait3A_321 = tpu.memref_slice %arg2[%dma_wait3A_319, %dma_wait3A_320] : memref<10000x128xf32, #tpu.memory_space<hbm>> -> memref<10000x128xf32, #tpu.memory_space<hbm>>
      tpu.wait_indirect_dma semaphore(%arg11 : memref<!tpu.dma_semaphore, #tpu.memory_space<semaphore_mem>>) src(%dma_wait3A_321 : memref<10000x128xf32, #tpu.memory_space<hbm>>) dst(%dma_wait3A_315 : memref<128x128xf32, #tpu.memory_space<vmem>>)
      %run_scoped3A_322 = arith.constant 1 : i32
      %run_scoped3A_323 = arith.constant 0 : i32
      "tpu.region"() ({
        %run_scoped3A_336 = tpu.sem_alloc : memref<!tpu.dma_semaphore, #tpu.memory_space<semaphore_mem>>
        %dma_start3A_337 = arith.constant 0 : i32
        %dma_start3A_338 = arith.constant 0 : i32
        %dma_start3A_339 = tpu.memref_slice %arg8[%run_scoped3A_322, %dma_start3A_337, %dma_start3A_338] : memref<2x128x128xf32, #tpu.memory_space<vmem>> -> memref<1x128x128xf32, #tpu.memory_space<vmem>>
        %dma_start3A_340 = tpu.memref_squeeze %dma_start3A_339 : memref<1x128x128xf32, #tpu.memory_space<vmem>> -> memref<128x128xf32, #tpu.memory_space<vmem>>
        %dma_start3A_341 = arith.constant 0 : i32
        %dma_start3A_342 = tpu.memref_slice %arg7[%run_scoped3A_323, %add3A_309, %dma_start3A_341] : memref<2x16x128xi32, #tpu.memory_space<vmem>> -> memref<1x1x128xi32, #tpu.memory_space<vmem>>
        %dma_start3A_343 = tpu.memref_squeeze %dma_start3A_342 : memref<1x1x128xi32, #tpu.memory_space<vmem>> -> memref<128xi32, #tpu.memory_space<vmem>>
        %dma_start3A_344 = arith.constant 0 : i32
        %dma_start3A_345 = arith.constant 0 : i32
        %dma_start3A_346 = tpu.memref_slice %arg9[%dma_start3A_344, %dma_start3A_345] : memref<10240x128xf32, #tpu.memory_space<vmem_shared>> -> memref<10240x128xf32, #tpu.memory_space<vmem_shared>>
        tpu.enqueue_indirect_dma source(%dma_start3A_340 : memref<128x128xf32, #tpu.memory_space<vmem>>) target(%dma_start3A_346 : memref<10240x128xf32, #tpu.memory_space<vmem_shared>>) offsets(%dma_start3A_343 : memref<128xi32, #tpu.memory_space<vmem>>) semaphore(%run_scoped3A_336 : memref<!tpu.dma_semaphore, #tpu.memory_space<semaphore_mem>>) {add = true}
        %dma_wait3A_347 = arith.constant 0 : i32
        %dma_wait3A_348 = arith.constant 0 : i32
        %dma_wait3A_349 = tpu.memref_slice %arg8[%run_scoped3A_322, %dma_wait3A_347, %dma_wait3A_348] : memref<2x128x128xf32, #tpu.memory_space<vmem>> -> memref<1x128x128xf32, #tpu.memory_space<vmem>>
        %dma_wait3A_350 = tpu.memref_squeeze %dma_wait3A_349 : memref<1x128x128xf32, #tpu.memory_space<vmem>> -> memref<128x128xf32, #tpu.memory_space<vmem>>
        %dma_wait3A_351 = arith.constant 0 : i32
        %dma_wait3A_352 = tpu.memref_slice %arg7[%run_scoped3A_323, %add3A_309, %dma_wait3A_351] : memref<2x16x128xi32, #tpu.memory_space<vmem>> -> memref<1x1x128xi32, #tpu.memory_space<vmem>>
        %dma_wait3A_353 = tpu.memref_squeeze %dma_wait3A_352 : memref<1x1x128xi32, #tpu.memory_space<vmem>> -> memref<128xi32, #tpu.memory_space<vmem>>
        %dma_wait3A_354 = arith.constant 0 : i32
        %dma_wait3A_355 = arith.constant 0 : i32
        %dma_wait3A_356 = tpu.memref_slice %arg9[%dma_wait3A_354, %dma_wait3A_355] : memref<10240x128xf32, #tpu.memory_space<vmem_shared>> -> memref<10240x128xf32, #tpu.memory_space<vmem_shared>>
        tpu.wait_indirect_dma semaphore(%run_scoped3A_336 : memref<!tpu.dma_semaphore, #tpu.memory_space<semaphore_mem>>) src(%dma_wait3A_350 : memref<128x128xf32, #tpu.memory_space<vmem>>) dst(%dma_wait3A_356 : memref<10240x128xf32, #tpu.memory_space<vmem_shared>>)
        tpu.yield
      }) : () -> ()
      %add3A_324 = arith.constant 2 : i32
      %add3A_325 = arith.addi %add3A_309, %add3A_324 : i32
      %lt3A_326 = arith.constant 16 : i32
      %lt3A_327 = arith.cmpi slt, %add3A_325, %lt3A_326 : i32
      %convert_element_type3A_328 = arith.extui %lt3A_327 : i1 to i32
      %cond3A_329 = arith.constant 0 : i32
      %cond3A_330 = arith.cmpi ne, %convert_element_type3A_328, %cond3A_329 : i32
      scf.if %cond3A_330 {
        %dma_start3A_336 = arith.constant 0 : i32
        %dma_start3A_337 = arith.constant 1 : i32
        %dma_start3A_338 = arith.constant 0 : i32
        %dma_start3A_339 = arith.constant 0 : i32
        %dma_start3A_340 = tpu.memref_slice %arg8[%dma_start3A_337, %dma_start3A_338, %dma_start3A_339] : memref<2x128x128xf32, #tpu.memory_space<vmem>> -> memref<1x128x128xf32, #tpu.memory_space<vmem>>
        %dma_start3A_341 = tpu.memref_squeeze %dma_start3A_340 : memref<1x128x128xf32, #tpu.memory_space<vmem>> -> memref<128x128xf32, #tpu.memory_space<vmem>>
        %dma_start3A_342 = arith.constant 0 : i32
        %dma_start3A_343 = tpu.memref_slice %arg6[%dma_start3A_336, %add3A_325, %dma_start3A_342] : memref<2x16x128xi32, #tpu.memory_space<vmem>> -> memref<1x1x128xi32, #tpu.memory_space<vmem>>
        %dma_start3A_344 = tpu.memref_squeeze %dma_start3A_343 : memref<1x1x128xi32, #tpu.memory_space<vmem>> -> memref<128xi32, #tpu.memory_space<vmem>>
        %dma_start3A_345 = arith.constant 0 : i32
        %dma_start3A_346 = arith.constant 0 : i32
        %dma_start3A_347 = tpu.memref_slice %arg2[%dma_start3A_345, %dma_start3A_346] : memref<10000x128xf32, #tpu.memory_space<hbm>> -> memref<10000x128xf32, #tpu.memory_space<hbm>>
        tpu.enqueue_indirect_dma source(%dma_start3A_347 : memref<10000x128xf32, #tpu.memory_space<hbm>>) target(%dma_start3A_341 : memref<128x128xf32, #tpu.memory_space<vmem>>) offsets(%dma_start3A_344 : memref<128xi32, #tpu.memory_space<vmem>>) semaphore(%arg11 : memref<!tpu.dma_semaphore, #tpu.memory_space<semaphore_mem>>)
      } else {
      }
      %ge3A_331 = arith.constant 16 : i32
      %ge3A_332 = arith.cmpi sge, %add3A_325, %ge3A_331 : i32
      %convert_element_type3A_333 = arith.extui %ge3A_332 : i1 to i32
      %cond3A_334 = arith.constant 0 : i32
      %cond3A_335 = arith.cmpi ne, %convert_element_type3A_333, %cond3A_334 : i32
      scf.if %cond3A_335 {
        %dma_start3A_336 = arith.constant 1 : i32
        %dma_start3A_337 = arith.constant 1 : i32
        %dma_start3A_338 = arith.constant 1 : i32
        %dma_start3A_339 = arith.constant 0 : i32
        %dma_start3A_340 = arith.constant 0 : i32
        %dma_start3A_341 = tpu.memref_slice %arg8[%dma_start3A_338, %dma_start3A_339, %dma_start3A_340] : memref<2x128x128xf32, #tpu.memory_space<vmem>> -> memref<1x128x128xf32, #tpu.memory_space<vmem>>
        %dma_start3A_342 = tpu.memref_squeeze %dma_start3A_341 : memref<1x128x128xf32, #tpu.memory_space<vmem>> -> memref<128x128xf32, #tpu.memory_space<vmem>>
        %dma_start3A_343 = arith.constant 0 : i32
        %dma_start3A_344 = tpu.memref_slice %arg6[%dma_start3A_336, %dma_start3A_337, %dma_start3A_343] : memref<2x16x128xi32, #tpu.memory_space<vmem>> -> memref<1x1x128xi32, #tpu.memory_space<vmem>>
        %dma_start3A_345 = tpu.memref_squeeze %dma_start3A_344 : memref<1x1x128xi32, #tpu.memory_space<vmem>> -> memref<128xi32, #tpu.memory_space<vmem>>
        %dma_start3A_346 = arith.constant 0 : i32
        %dma_start3A_347 = arith.constant 0 : i32
        %dma_start3A_348 = tpu.memref_slice %arg2[%dma_start3A_346, %dma_start3A_347] : memref<10000x128xf32, #tpu.memory_space<hbm>> -> memref<10000x128xf32, #tpu.memory_space<hbm>>
        tpu.enqueue_indirect_dma source(%dma_start3A_348 : memref<10000x128xf32, #tpu.memory_space<hbm>>) target(%dma_start3A_342 : memref<128x128xf32, #tpu.memory_space<vmem>>) offsets(%dma_start3A_345 : memref<128xi32, #tpu.memory_space<vmem>>) semaphore(%arg11 : memref<!tpu.dma_semaphore, #tpu.memory_space<semaphore_mem>>)
      } else {
      }
    }
    %scan3A_232 = arith.constant 8 : i32
    %dma_start3A_233 = arith.constant 0 : i32
    %dma_start3A_234 = arith.constant 0 : i32
    %dma_start3A_235 = arith.constant 0 : i32
    %dma_start3A_236 = tpu.memref_slice %arg6[%dma_start3A_233, %dma_start3A_234, %dma_start3A_235] : memref<2x16x128xi32, #tpu.memory_space<vmem>> -> memref<1x16x128xi32, #tpu.memory_space<vmem>>
    %dma_start3A_237 = tpu.memref_squeeze %dma_start3A_236 : memref<1x16x128xi32, #tpu.memory_space<vmem>> -> memref<16x128xi32, #tpu.memory_space<vmem>>
    %dma_start3A_238 = arith.constant 64 : i32
    %dma_start3A_239 = arith.constant 0 : i32
    %dma_start3A_240 = tpu.memref_slice %arg3[%add3A, %dma_start3A_238, %dma_start3A_239] : memref<32x80x128xi32, #tpu.memory_space<hbm>> -> memref<1x16x128xi32, #tpu.memory_space<hbm>>
    %dma_start3A_241 = tpu.memref_squeeze %dma_start3A_240 : memref<1x16x128xi32, #tpu.memory_space<hbm>> -> memref<16x128xi32, #tpu.memory_space<hbm>>
    %dma_start3A_242 = arith.constant 0 : i32
    %dma_start3A_243 = arith.constant 0 : i32
    %dma_start3A_244 = tpu.memref_slice %arg6[%dma_start3A_233, %dma_start3A_242, %dma_start3A_243] : memref<2x16x128xi32, #tpu.memory_space<vmem>> -> memref<1x16x128xi32, #tpu.memory_space<vmem>>
    %dma_start3A_245 = tpu.memref_squeeze %dma_start3A_244 : memref<1x16x128xi32, #tpu.memory_space<vmem>> -> memref<16x128xi32, #tpu.memory_space<vmem>>
    %dma_start3A_246 = arith.constant 64 : i32
    %dma_start3A_247 = arith.constant 0 : i32
    %dma_start3A_248 = tpu.memref_slice %arg3[%add3A, %dma_start3A_246, %dma_start3A_247] : memref<32x80x128xi32, #tpu.memory_space<hbm>> -> memref<1x16x128xi32, #tpu.memory_space<hbm>>
    %dma_start3A_249 = tpu.memref_squeeze %dma_start3A_248 : memref<1x16x128xi32, #tpu.memory_space<hbm>> -> memref<16x128xi32, #tpu.memory_space<hbm>>
    tpu.enqueue_dma source(%dma_start3A_249 : memref<16x128xi32, #tpu.memory_space<hbm>>) target(%dma_start3A_245 : memref<16x128xi32, #tpu.memory_space<vmem>>) target_semaphore(%arg12 : memref<!tpu.dma_semaphore, #tpu.memory_space<semaphore_mem>>)
    %dma_start3A_250 = arith.constant 0 : i32
    %dma_start3A_251 = arith.constant 0 : i32
    %dma_start3A_252 = arith.constant 0 : i32
    %dma_start3A_253 = tpu.memref_slice %arg7[%dma_start3A_250, %dma_start3A_251, %dma_start3A_252] : memref<2x16x128xi32, #tpu.memory_space<vmem>> -> memref<1x16x128xi32, #tpu.memory_space<vmem>>
    %dma_start3A_254 = tpu.memref_squeeze %dma_start3A_253 : memref<1x16x128xi32, #tpu.memory_space<vmem>> -> memref<16x128xi32, #tpu.memory_space<vmem>>
    %dma_start3A_255 = arith.constant 64 : i32
    %dma_start3A_256 = arith.constant 0 : i32
    %dma_start3A_257 = tpu.memref_slice %arg4[%add3A, %dma_start3A_255, %dma_start3A_256] : memref<32x80x128xi32, #tpu.memory_space<hbm>> -> memref<1x16x128xi32, #tpu.memory_space<hbm>>
    %dma_start3A_258 = tpu.memref_squeeze %dma_start3A_257 : memref<1x16x128xi32, #tpu.memory_space<hbm>> -> memref<16x128xi32, #tpu.memory_space<hbm>>
    %dma_start3A_259 = arith.constant 0 : i32
    %dma_start3A_260 = arith.constant 0 : i32
    %dma_start3A_261 = tpu.memref_slice %arg7[%dma_start3A_250, %dma_start3A_259, %dma_start3A_260] : memref<2x16x128xi32, #tpu.memory_space<vmem>> -> memref<1x16x128xi32, #tpu.memory_space<vmem>>
    %dma_start3A_262 = tpu.memref_squeeze %dma_start3A_261 : memref<1x16x128xi32, #tpu.memory_space<vmem>> -> memref<16x128xi32, #tpu.memory_space<vmem>>
    %dma_start3A_263 = arith.constant 64 : i32
    %dma_start3A_264 = arith.constant 0 : i32
    %dma_start3A_265 = tpu.memref_slice %arg4[%add3A, %dma_start3A_263, %dma_start3A_264] : memref<32x80x128xi32, #tpu.memory_space<hbm>> -> memref<1x16x128xi32, #tpu.memory_space<hbm>>
    %dma_start3A_266 = tpu.memref_squeeze %dma_start3A_265 : memref<1x16x128xi32, #tpu.memory_space<hbm>> -> memref<16x128xi32, #tpu.memory_space<hbm>>
    tpu.enqueue_dma source(%dma_start3A_266 : memref<16x128xi32, #tpu.memory_space<hbm>>) target(%dma_start3A_262 : memref<16x128xi32, #tpu.memory_space<vmem>>) target_semaphore(%arg12 : memref<!tpu.dma_semaphore, #tpu.memory_space<semaphore_mem>>)
    %scan3A_267 = arith.constant 0 : i32
    %scan3A_268 = arith.constant 0 : i32
    %scan3A_269 = arith.constant 8 : i32
    %scan3A_270 = arith.addi %scan3A_268, %scan3A_269 : i32
    %scan3A_271 = arith.constant 1 : i32
    scf.for %scan3A_280 = %scan3A_268 to %scan3A_270 step %scan3A_271  : i32 {
      %mul3A_281 = arith.constant 2 : i32
      %mul3A_282 = arith.muli %mul3A_281, %scan3A_280 : i32
      %add3A_283 = arith.constant 0 : i32
      %add3A_284 = arith.addi %mul3A_282, %add3A_283 : i32
      %dma_wait3A_285 = arith.constant 1 : i32
      %dma_wait3A_286 = arith.constant 0 : i32
      %dma_wait3A_287 = arith.constant 0 : i32
      %dma_wait3A_288 = arith.constant 0 : i32
      %dma_wait3A_289 = tpu.memref_slice %arg8[%dma_wait3A_286, %dma_wait3A_287, %dma_wait3A_288] : memref<2x128x128xf32, #tpu.memory_space<vmem>> -> memref<1x128x128xf32, #tpu.memory_space<vmem>>
      %dma_wait3A_290 = tpu.memref_squeeze %dma_wait3A_289 : memref<1x128x128xf32, #tpu.memory_space<vmem>> -> memref<128x128xf32, #tpu.memory_space<vmem>>
      %dma_wait3A_291 = arith.constant 0 : i32
      %dma_wait3A_292 = tpu.memref_slice %arg6[%dma_wait3A_285, %add3A_284, %dma_wait3A_291] : memref<2x16x128xi32, #tpu.memory_space<vmem>> -> memref<1x1x128xi32, #tpu.memory_space<vmem>>
      %dma_wait3A_293 = tpu.memref_squeeze %dma_wait3A_292 : memref<1x1x128xi32, #tpu.memory_space<vmem>> -> memref<128xi32, #tpu.memory_space<vmem>>
      %dma_wait3A_294 = arith.constant 0 : i32
      %dma_wait3A_295 = arith.constant 0 : i32
      %dma_wait3A_296 = tpu.memref_slice %arg2[%dma_wait3A_294, %dma_wait3A_295] : memref<10000x128xf32, #tpu.memory_space<hbm>> -> memref<10000x128xf32, #tpu.memory_space<hbm>>
      tpu.wait_indirect_dma semaphore(%arg10 : memref<!tpu.dma_semaphore, #tpu.memory_space<semaphore_mem>>) src(%dma_wait3A_296 : memref<10000x128xf32, #tpu.memory_space<hbm>>) dst(%dma_wait3A_290 : memref<128x128xf32, #tpu.memory_space<vmem>>)
      %run_scoped3A = arith.constant 0 : i32
      %run_scoped3A_297 = arith.constant 1 : i32
      "tpu.region"() ({
        %run_scoped3A_336 = tpu.sem_alloc : memref<!tpu.dma_semaphore, #tpu.memory_space<semaphore_mem>>
        %dma_start3A_337 = arith.constant 0 : i32
        %dma_start3A_338 = arith.constant 0 : i32
        %dma_start3A_339 = tpu.memref_slice %arg8[%run_scoped3A, %dma_start3A_337, %dma_start3A_338] : memref<2x128x128xf32, #tpu.memory_space<vmem>> -> memref<1x128x128xf32, #tpu.memory_space<vmem>>
        %dma_start3A_340 = tpu.memref_squeeze %dma_start3A_339 : memref<1x128x128xf32, #tpu.memory_space<vmem>> -> memref<128x128xf32, #tpu.memory_space<vmem>>
        %dma_start3A_341 = arith.constant 0 : i32
        %dma_start3A_342 = tpu.memref_slice %arg7[%run_scoped3A_297, %add3A_284, %dma_start3A_341] : memref<2x16x128xi32, #tpu.memory_space<vmem>> -> memref<1x1x128xi32, #tpu.memory_space<vmem>>
        %dma_start3A_343 = tpu.memref_squeeze %dma_start3A_342 : memref<1x1x128xi32, #tpu.memory_space<vmem>> -> memref<128xi32, #tpu.memory_space<vmem>>
        %dma_start3A_344 = arith.constant 0 : i32
        %dma_start3A_345 = arith.constant 0 : i32
        %dma_start3A_346 = tpu.memref_slice %arg9[%dma_start3A_344, %dma_start3A_345] : memref<10240x128xf32, #tpu.memory_space<vmem_shared>> -> memref<10240x128xf32, #tpu.memory_space<vmem_shared>>
        tpu.enqueue_indirect_dma source(%dma_start3A_340 : memref<128x128xf32, #tpu.memory_space<vmem>>) target(%dma_start3A_346 : memref<10240x128xf32, #tpu.memory_space<vmem_shared>>) offsets(%dma_start3A_343 : memref<128xi32, #tpu.memory_space<vmem>>) semaphore(%run_scoped3A_336 : memref<!tpu.dma_semaphore, #tpu.memory_space<semaphore_mem>>) {add = true}
        %dma_wait3A_347 = arith.constant 0 : i32
        %dma_wait3A_348 = arith.constant 0 : i32
        %dma_wait3A_349 = tpu.memref_slice %arg8[%run_scoped3A, %dma_wait3A_347, %dma_wait3A_348] : memref<2x128x128xf32, #tpu.memory_space<vmem>> -> memref<1x128x128xf32, #tpu.memory_space<vmem>>
        %dma_wait3A_350 = tpu.memref_squeeze %dma_wait3A_349 : memref<1x128x128xf32, #tpu.memory_space<vmem>> -> memref<128x128xf32, #tpu.memory_space<vmem>>
        %dma_wait3A_351 = arith.constant 0 : i32
        %dma_wait3A_352 = tpu.memref_slice %arg7[%run_scoped3A_297, %add3A_284, %dma_wait3A_351] : memref<2x16x128xi32, #tpu.memory_space<vmem>> -> memref<1x1x128xi32, #tpu.memory_space<vmem>>
        %dma_wait3A_353 = tpu.memref_squeeze %dma_wait3A_352 : memref<1x1x128xi32, #tpu.memory_space<vmem>> -> memref<128xi32, #tpu.memory_space<vmem>>
        %dma_wait3A_354 = arith.constant 0 : i32
        %dma_wait3A_355 = arith.constant 0 : i32
        %dma_wait3A_356 = tpu.memref_slice %arg9[%dma_wait3A_354, %dma_wait3A_355] : memref<10240x128xf32, #tpu.memory_space<vmem_shared>> -> memref<10240x128xf32, #tpu.memory_space<vmem_shared>>
        tpu.wait_indirect_dma semaphore(%run_scoped3A_336 : memref<!tpu.dma_semaphore, #tpu.memory_space<semaphore_mem>>) src(%dma_wait3A_350 : memref<128x128xf32, #tpu.memory_space<vmem>>) dst(%dma_wait3A_356 : memref<10240x128xf32, #tpu.memory_space<vmem_shared>>)
        tpu.yield
      }) : () -> ()
      %add3A_298 = arith.constant 2 : i32
      %add3A_299 = arith.addi %add3A_284, %add3A_298 : i32
      %lt3A = arith.constant 16 : i32
      %lt3A_300 = arith.cmpi slt, %add3A_299, %lt3A : i32
      %convert_element_type3A = arith.extui %lt3A_300 : i1 to i32
      %cond3A = arith.constant 0 : i32
      %cond3A_301 = arith.cmpi ne, %convert_element_type3A, %cond3A : i32
      scf.if %cond3A_301 {
        %dma_start3A_336 = arith.constant 1 : i32
        %dma_start3A_337 = arith.constant 0 : i32
        %dma_start3A_338 = arith.constant 0 : i32
        %dma_start3A_339 = arith.constant 0 : i32
        %dma_start3A_340 = tpu.memref_slice %arg8[%dma_start3A_337, %dma_start3A_338, %dma_start3A_339] : memref<2x128x128xf32, #tpu.memory_space<vmem>> -> memref<1x128x128xf32, #tpu.memory_space<vmem>>
        %dma_start3A_341 = tpu.memref_squeeze %dma_start3A_340 : memref<1x128x128xf32, #tpu.memory_space<vmem>> -> memref<128x128xf32, #tpu.memory_space<vmem>>
        %dma_start3A_342 = arith.constant 0 : i32
        %dma_start3A_343 = tpu.memref_slice %arg6[%dma_start3A_336, %add3A_299, %dma_start3A_342] : memref<2x16x128xi32, #tpu.memory_space<vmem>> -> memref<1x1x128xi32, #tpu.memory_space<vmem>>
        %dma_start3A_344 = tpu.memref_squeeze %dma_start3A_343 : memref<1x1x128xi32, #tpu.memory_space<vmem>> -> memref<128xi32, #tpu.memory_space<vmem>>
        %dma_start3A_345 = arith.constant 0 : i32
        %dma_start3A_346 = arith.constant 0 : i32
        %dma_start3A_347 = tpu.memref_slice %arg2[%dma_start3A_345, %dma_start3A_346] : memref<10000x128xf32, #tpu.memory_space<hbm>> -> memref<10000x128xf32, #tpu.memory_space<hbm>>
        tpu.enqueue_indirect_dma source(%dma_start3A_347 : memref<10000x128xf32, #tpu.memory_space<hbm>>) target(%dma_start3A_341 : memref<128x128xf32, #tpu.memory_space<vmem>>) offsets(%dma_start3A_344 : memref<128xi32, #tpu.memory_space<vmem>>) semaphore(%arg10 : memref<!tpu.dma_semaphore, #tpu.memory_space<semaphore_mem>>)
      } else {
      }
      %ge3A = arith.constant 16 : i32
      %ge3A_302 = arith.cmpi sge, %add3A_299, %ge3A : i32
      %convert_element_type3A_303 = arith.extui %ge3A_302 : i1 to i32
      %cond3A_304 = arith.constant 0 : i32
      %cond3A_305 = arith.cmpi ne, %convert_element_type3A_303, %cond3A_304 : i32
      scf.if %cond3A_305 {
        %dma_wait3A_336 = arith.constant 0 : i32
        %dma_wait3A_337 = arith.constant 0 : i32
        %dma_wait3A_338 = arith.constant 0 : i32
        %dma_wait3A_339 = tpu.memref_slice %arg6[%dma_wait3A_336, %dma_wait3A_337, %dma_wait3A_338] : memref<2x16x128xi32, #tpu.memory_space<vmem>> -> memref<1x16x128xi32, #tpu.memory_space<vmem>>
        %dma_wait3A_340 = tpu.memref_squeeze %dma_wait3A_339 : memref<1x16x128xi32, #tpu.memory_space<vmem>> -> memref<16x128xi32, #tpu.memory_space<vmem>>
        %dma_wait3A_341 = arith.constant 64 : i32
        %dma_wait3A_342 = arith.constant 0 : i32
        %dma_wait3A_343 = tpu.memref_slice %arg3[%add3A, %dma_wait3A_341, %dma_wait3A_342] : memref<32x80x128xi32, #tpu.memory_space<hbm>> -> memref<1x16x128xi32, #tpu.memory_space<hbm>>
        %dma_wait3A_344 = tpu.memref_squeeze %dma_wait3A_343 : memref<1x16x128xi32, #tpu.memory_space<hbm>> -> memref<16x128xi32, #tpu.memory_space<hbm>>
        %dma_wait3A_345 = arith.constant 0 : i32
        %dma_wait3A_346 = arith.constant 0 : i32
        %dma_wait3A_347 = tpu.memref_slice %arg6[%dma_wait3A_336, %dma_wait3A_345, %dma_wait3A_346] : memref<2x16x128xi32, #tpu.memory_space<vmem>> -> memref<1x16x128xi32, #tpu.memory_space<vmem>>
        %dma_wait3A_348 = tpu.memref_squeeze %dma_wait3A_347 : memref<1x16x128xi32, #tpu.memory_space<vmem>> -> memref<16x128xi32, #tpu.memory_space<vmem>>
        %dma_wait3A_349 = arith.constant 64 : i32
        %dma_wait3A_350 = arith.constant 0 : i32
        %dma_wait3A_351 = tpu.memref_slice %arg3[%add3A, %dma_wait3A_349, %dma_wait3A_350] : memref<32x80x128xi32, #tpu.memory_space<hbm>> -> memref<1x16x128xi32, #tpu.memory_space<hbm>>
        %dma_wait3A_352 = tpu.memref_squeeze %dma_wait3A_351 : memref<1x16x128xi32, #tpu.memory_space<hbm>> -> memref<16x128xi32, #tpu.memory_space<hbm>>
        tpu.wait_dma2 semaphore(%arg12 : memref<!tpu.dma_semaphore, #tpu.memory_space<semaphore_mem>>) src(%dma_wait3A_352 : memref<16x128xi32, #tpu.memory_space<hbm>>) dst(%dma_wait3A_348 : memref<16x128xi32, #tpu.memory_space<vmem>>)
        %dma_wait3A_353 = arith.constant 0 : i32
        %dma_wait3A_354 = arith.constant 0 : i32
        %dma_wait3A_355 = arith.constant 0 : i32
        %dma_wait3A_356 = tpu.memref_slice %arg7[%dma_wait3A_353, %dma_wait3A_354, %dma_wait3A_355] : memref<2x16x128xi32, #tpu.memory_space<vmem>> -> memref<1x16x128xi32, #tpu.memory_space<vmem>>
        %dma_wait3A_357 = tpu.memref_squeeze %dma_wait3A_356 : memref<1x16x128xi32, #tpu.memory_space<vmem>> -> memref<16x128xi32, #tpu.memory_space<vmem>>
        %dma_wait3A_358 = arith.constant 64 : i32
        %dma_wait3A_359 = arith.constant 0 : i32
        %dma_wait3A_360 = tpu.memref_slice %arg4[%add3A, %dma_wait3A_358, %dma_wait3A_359] : memref<32x80x128xi32, #tpu.memory_space<hbm>> -> memref<1x16x128xi32, #tpu.memory_space<hbm>>
        %dma_wait3A_361 = tpu.memref_squeeze %dma_wait3A_360 : memref<1x16x128xi32, #tpu.memory_space<hbm>> -> memref<16x128xi32, #tpu.memory_space<hbm>>
        %dma_wait3A_362 = arith.constant 0 : i32
        %dma_wait3A_363 = arith.constant 0 : i32
        %dma_wait3A_364 = tpu.memref_slice %arg7[%dma_wait3A_353, %dma_wait3A_362, %dma_wait3A_363] : memref<2x16x128xi32, #tpu.memory_space<vmem>> -> memref<1x16x128xi32, #tpu.memory_space<vmem>>
        %dma_wait3A_365 = tpu.memref_squeeze %dma_wait3A_364 : memref<1x16x128xi32, #tpu.memory_space<vmem>> -> memref<16x128xi32, #tpu.memory_space<vmem>>
        %dma_wait3A_366 = arith.constant 64 : i32
        %dma_wait3A_367 = arith.constant 0 : i32
        %dma_wait3A_368 = tpu.memref_slice %arg4[%add3A, %dma_wait3A_366, %dma_wait3A_367] : memref<32x80x128xi32, #tpu.memory_space<hbm>> -> memref<1x16x128xi32, #tpu.memory_space<hbm>>
        %dma_wait3A_369 = tpu.memref_squeeze %dma_wait3A_368 : memref<1x16x128xi32, #tpu.memory_space<hbm>> -> memref<16x128xi32, #tpu.memory_space<hbm>>
        tpu.wait_dma2 semaphore(%arg12 : memref<!tpu.dma_semaphore, #tpu.memory_space<semaphore_mem>>) src(%dma_wait3A_369 : memref<16x128xi32, #tpu.memory_space<hbm>>) dst(%dma_wait3A_365 : memref<16x128xi32, #tpu.memory_space<vmem>>)
        %dma_start3A_370 = arith.constant 0 : i32
        %dma_start3A_371 = arith.constant 0 : i32
        %dma_start3A_372 = arith.constant 0 : i32
        %dma_start3A_373 = arith.constant 0 : i32
        %dma_start3A_374 = arith.constant 0 : i32
        %dma_start3A_375 = tpu.memref_slice %arg8[%dma_start3A_372, %dma_start3A_373, %dma_start3A_374] : memref<2x128x128xf32, #tpu.memory_space<vmem>> -> memref<1x128x128xf32, #tpu.memory_space<vmem>>
        %dma_start3A_376 = tpu.memref_squeeze %dma_start3A_375 : memref<1x128x128xf32, #tpu.memory_space<vmem>> -> memref<128x128xf32, #tpu.memory_space<vmem>>
        %dma_start3A_377 = arith.constant 0 : i32
        %dma_start3A_378 = tpu.memref_slice %arg6[%dma_start3A_370, %dma_start3A_371, %dma_start3A_377] : memref<2x16x128xi32, #tpu.memory_space<vmem>> -> memref<1x1x128xi32, #tpu.memory_space<vmem>>
        %dma_start3A_379 = tpu.memref_squeeze %dma_start3A_378 : memref<1x1x128xi32, #tpu.memory_space<vmem>> -> memref<128xi32, #tpu.memory_space<vmem>>
        %dma_start3A_380 = arith.constant 0 : i32
        %dma_start3A_381 = arith.constant 0 : i32
        %dma_start3A_382 = tpu.memref_slice %arg2[%dma_start3A_380, %dma_start3A_381] : memref<10000x128xf32, #tpu.memory_space<hbm>> -> memref<10000x128xf32, #tpu.memory_space<hbm>>
        tpu.enqueue_indirect_dma source(%dma_start3A_382 : memref<10000x128xf32, #tpu.memory_space<hbm>>) target(%dma_start3A_376 : memref<128x128xf32, #tpu.memory_space<vmem>>) offsets(%dma_start3A_379 : memref<128xi32, #tpu.memory_space<vmem>>) semaphore(%arg10 : memref<!tpu.dma_semaphore, #tpu.memory_space<semaphore_mem>>)
      } else {
      }
      %mul3A_306 = arith.constant 2 : i32
      %mul3A_307 = arith.muli %mul3A_306, %scan3A_280 : i32
      %add3A_308 = arith.constant 1 : i32
      %add3A_309 = arith.addi %mul3A_307, %add3A_308 : i32
      %dma_wait3A_310 = arith.constant 1 : i32
      %dma_wait3A_311 = arith.constant 1 : i32
      %dma_wait3A_312 = arith.constant 0 : i32
      %dma_wait3A_313 = arith.constant 0 : i32
      %dma_wait3A_314 = tpu.memref_slice %arg8[%dma_wait3A_311, %dma_wait3A_312, %dma_wait3A_313] : memref<2x128x128xf32, #tpu.memory_space<vmem>> -> memref<1x128x128xf32, #tpu.memory_space<vmem>>
      %dma_wait3A_315 = tpu.memref_squeeze %dma_wait3A_314 : memref<1x128x128xf32, #tpu.memory_space<vmem>> -> memref<128x128xf32, #tpu.memory_space<vmem>>
      %dma_wait3A_316 = arith.constant 0 : i32
      %dma_wait3A_317 = tpu.memref_slice %arg6[%dma_wait3A_310, %add3A_309, %dma_wait3A_316] : memref<2x16x128xi32, #tpu.memory_space<vmem>> -> memref<1x1x128xi32, #tpu.memory_space<vmem>>
      %dma_wait3A_318 = tpu.memref_squeeze %dma_wait3A_317 : memref<1x1x128xi32, #tpu.memory_space<vmem>> -> memref<128xi32, #tpu.memory_space<vmem>>
      %dma_wait3A_319 = arith.constant 0 : i32
      %dma_wait3A_320 = arith.constant 0 : i32
      %dma_wait3A_321 = tpu.memref_slice %arg2[%dma_wait3A_319, %dma_wait3A_320] : memref<10000x128xf32, #tpu.memory_space<hbm>> -> memref<10000x128xf32, #tpu.memory_space<hbm>>
      tpu.wait_indirect_dma semaphore(%arg11 : memref<!tpu.dma_semaphore, #tpu.memory_space<semaphore_mem>>) src(%dma_wait3A_321 : memref<10000x128xf32, #tpu.memory_space<hbm>>) dst(%dma_wait3A_315 : memref<128x128xf32, #tpu.memory_space<vmem>>)
      %run_scoped3A_322 = arith.constant 1 : i32
      %run_scoped3A_323 = arith.constant 1 : i32
      "tpu.region"() ({
        %run_scoped3A_336 = tpu.sem_alloc : memref<!tpu.dma_semaphore, #tpu.memory_space<semaphore_mem>>
        %dma_start3A_337 = arith.constant 0 : i32
        %dma_start3A_338 = arith.constant 0 : i32
        %dma_start3A_339 = tpu.memref_slice %arg8[%run_scoped3A_322, %dma_start3A_337, %dma_start3A_338] : memref<2x128x128xf32, #tpu.memory_space<vmem>> -> memref<1x128x128xf32, #tpu.memory_space<vmem>>
        %dma_start3A_340 = tpu.memref_squeeze %dma_start3A_339 : memref<1x128x128xf32, #tpu.memory_space<vmem>> -> memref<128x128xf32, #tpu.memory_space<vmem>>
        %dma_start3A_341 = arith.constant 0 : i32
        %dma_start3A_342 = tpu.memref_slice %arg7[%run_scoped3A_323, %add3A_309, %dma_start3A_341] : memref<2x16x128xi32, #tpu.memory_space<vmem>> -> memref<1x1x128xi32, #tpu.memory_space<vmem>>
        %dma_start3A_343 = tpu.memref_squeeze %dma_start3A_342 : memref<1x1x128xi32, #tpu.memory_space<vmem>> -> memref<128xi32, #tpu.memory_space<vmem>>
        %dma_start3A_344 = arith.constant 0 : i32
        %dma_start3A_345 = arith.constant 0 : i32
        %dma_start3A_346 = tpu.memref_slice %arg9[%dma_start3A_344, %dma_start3A_345] : memref<10240x128xf32, #tpu.memory_space<vmem_shared>> -> memref<10240x128xf32, #tpu.memory_space<vmem_shared>>
        tpu.enqueue_indirect_dma source(%dma_start3A_340 : memref<128x128xf32, #tpu.memory_space<vmem>>) target(%dma_start3A_346 : memref<10240x128xf32, #tpu.memory_space<vmem_shared>>) offsets(%dma_start3A_343 : memref<128xi32, #tpu.memory_space<vmem>>) semaphore(%run_scoped3A_336 : memref<!tpu.dma_semaphore, #tpu.memory_space<semaphore_mem>>) {add = true}
        %dma_wait3A_347 = arith.constant 0 : i32
        %dma_wait3A_348 = arith.constant 0 : i32
        %dma_wait3A_349 = tpu.memref_slice %arg8[%run_scoped3A_322, %dma_wait3A_347, %dma_wait3A_348] : memref<2x128x128xf32, #tpu.memory_space<vmem>> -> memref<1x128x128xf32, #tpu.memory_space<vmem>>
        %dma_wait3A_350 = tpu.memref_squeeze %dma_wait3A_349 : memref<1x128x128xf32, #tpu.memory_space<vmem>> -> memref<128x128xf32, #tpu.memory_space<vmem>>
        %dma_wait3A_351 = arith.constant 0 : i32
        %dma_wait3A_352 = tpu.memref_slice %arg7[%run_scoped3A_323, %add3A_309, %dma_wait3A_351] : memref<2x16x128xi32, #tpu.memory_space<vmem>> -> memref<1x1x128xi32, #tpu.memory_space<vmem>>
        %dma_wait3A_353 = tpu.memref_squeeze %dma_wait3A_352 : memref<1x1x128xi32, #tpu.memory_space<vmem>> -> memref<128xi32, #tpu.memory_space<vmem>>
        %dma_wait3A_354 = arith.constant 0 : i32
        %dma_wait3A_355 = arith.constant 0 : i32
        %dma_wait3A_356 = tpu.memref_slice %arg9[%dma_wait3A_354, %dma_wait3A_355] : memref<10240x128xf32, #tpu.memory_space<vmem_shared>> -> memref<10240x128xf32, #tpu.memory_space<vmem_shared>>
        tpu.wait_indirect_dma semaphore(%run_scoped3A_336 : memref<!tpu.dma_semaphore, #tpu.memory_space<semaphore_mem>>) src(%dma_wait3A_350 : memref<128x128xf32, #tpu.memory_space<vmem>>) dst(%dma_wait3A_356 : memref<10240x128xf32, #tpu.memory_space<vmem_shared>>)
        tpu.yield
      }) : () -> ()
      %add3A_324 = arith.constant 2 : i32
      %add3A_325 = arith.addi %add3A_309, %add3A_324 : i32
      %lt3A_326 = arith.constant 16 : i32
      %lt3A_327 = arith.cmpi slt, %add3A_325, %lt3A_326 : i32
      %convert_element_type3A_328 = arith.extui %lt3A_327 : i1 to i32
      %cond3A_329 = arith.constant 0 : i32
      %cond3A_330 = arith.cmpi ne, %convert_element_type3A_328, %cond3A_329 : i32
      scf.if %cond3A_330 {
        %dma_start3A_336 = arith.constant 1 : i32
        %dma_start3A_337 = arith.constant 1 : i32
        %dma_start3A_338 = arith.constant 0 : i32
        %dma_start3A_339 = arith.constant 0 : i32
        %dma_start3A_340 = tpu.memref_slice %arg8[%dma_start3A_337, %dma_start3A_338, %dma_start3A_339] : memref<2x128x128xf32, #tpu.memory_space<vmem>> -> memref<1x128x128xf32, #tpu.memory_space<vmem>>
        %dma_start3A_341 = tpu.memref_squeeze %dma_start3A_340 : memref<1x128x128xf32, #tpu.memory_space<vmem>> -> memref<128x128xf32, #tpu.memory_space<vmem>>
        %dma_start3A_342 = arith.constant 0 : i32
        %dma_start3A_343 = tpu.memref_slice %arg6[%dma_start3A_336, %add3A_325, %dma_start3A_342] : memref<2x16x128xi32, #tpu.memory_space<vmem>> -> memref<1x1x128xi32, #tpu.memory_space<vmem>>
        %dma_start3A_344 = tpu.memref_squeeze %dma_start3A_343 : memref<1x1x128xi32, #tpu.memory_space<vmem>> -> memref<128xi32, #tpu.memory_space<vmem>>
        %dma_start3A_345 = arith.constant 0 : i32
        %dma_start3A_346 = arith.constant 0 : i32
        %dma_start3A_347 = tpu.memref_slice %arg2[%dma_start3A_345, %dma_start3A_346] : memref<10000x128xf32, #tpu.memory_space<hbm>> -> memref<10000x128xf32, #tpu.memory_space<hbm>>
        tpu.enqueue_indirect_dma source(%dma_start3A_347 : memref<10000x128xf32, #tpu.memory_space<hbm>>) target(%dma_start3A_341 : memref<128x128xf32, #tpu.memory_space<vmem>>) offsets(%dma_start3A_344 : memref<128xi32, #tpu.memory_space<vmem>>) semaphore(%arg11 : memref<!tpu.dma_semaphore, #tpu.memory_space<semaphore_mem>>)
      } else {
      }
      %ge3A_331 = arith.constant 16 : i32
      %ge3A_332 = arith.cmpi sge, %add3A_325, %ge3A_331 : i32
      %convert_element_type3A_333 = arith.extui %ge3A_332 : i1 to i32
      %cond3A_334 = arith.constant 0 : i32
      %cond3A_335 = arith.cmpi ne, %convert_element_type3A_333, %cond3A_334 : i32
      scf.if %cond3A_335 {
        %dma_start3A_336 = arith.constant 0 : i32
        %dma_start3A_337 = arith.constant 1 : i32
        %dma_start3A_338 = arith.constant 1 : i32
        %dma_start3A_339 = arith.constant 0 : i32
        %dma_start3A_340 = arith.constant 0 : i32
        %dma_start3A_341 = tpu.memref_slice %arg8[%dma_start3A_338, %dma_start3A_339, %dma_start3A_340] : memref<2x128x128xf32, #tpu.memory_space<vmem>> -> memref<1x128x128xf32, #tpu.memory_space<vmem>>
        %dma_start3A_342 = tpu.memref_squeeze %dma_start3A_341 : memref<1x128x128xf32, #tpu.memory_space<vmem>> -> memref<128x128xf32, #tpu.memory_space<vmem>>
        %dma_start3A_343 = arith.constant 0 : i32
        %dma_start3A_344 = tpu.memref_slice %arg6[%dma_start3A_336, %dma_start3A_337, %dma_start3A_343] : memref<2x16x128xi32, #tpu.memory_space<vmem>> -> memref<1x1x128xi32, #tpu.memory_space<vmem>>
        %dma_start3A_345 = tpu.memref_squeeze %dma_start3A_344 : memref<1x1x128xi32, #tpu.memory_space<vmem>> -> memref<128xi32, #tpu.memory_space<vmem>>
        %dma_start3A_346 = arith.constant 0 : i32
        %dma_start3A_347 = arith.constant 0 : i32
        %dma_start3A_348 = tpu.memref_slice %arg2[%dma_start3A_346, %dma_start3A_347] : memref<10000x128xf32, #tpu.memory_space<hbm>> -> memref<10000x128xf32, #tpu.memory_space<hbm>>
        tpu.enqueue_indirect_dma source(%dma_start3A_348 : memref<10000x128xf32, #tpu.memory_space<hbm>>) target(%dma_start3A_342 : memref<128x128xf32, #tpu.memory_space<vmem>>) offsets(%dma_start3A_345 : memref<128xi32, #tpu.memory_space<vmem>>) semaphore(%arg11 : memref<!tpu.dma_semaphore, #tpu.memory_space<semaphore_mem>>)
      } else {
      }
    }
    %scan3A_272 = arith.constant 8 : i32
    %scan3A_273 = arith.constant 0 : i32
    %scan3A_274 = arith.constant 0 : i32
    %scan3A_275 = arith.constant 8 : i32
    %scan3A_276 = arith.addi %scan3A_274, %scan3A_275 : i32
    %scan3A_277 = arith.constant 1 : i32
    scf.for %scan3A_280 = %scan3A_274 to %scan3A_276 step %scan3A_277  : i32 {
      %mul3A_281 = arith.constant 2 : i32
      %mul3A_282 = arith.muli %mul3A_281, %scan3A_280 : i32
      %add3A_283 = arith.constant 0 : i32
      %add3A_284 = arith.addi %mul3A_282, %add3A_283 : i32
      %dma_wait3A_285 = arith.constant 0 : i32
      %dma_wait3A_286 = arith.constant 0 : i32
      %dma_wait3A_287 = arith.constant 0 : i32
      %dma_wait3A_288 = arith.constant 0 : i32
      %dma_wait3A_289 = tpu.memref_slice %arg8[%dma_wait3A_286, %dma_wait3A_287, %dma_wait3A_288] : memref<2x128x128xf32, #tpu.memory_space<vmem>> -> memref<1x128x128xf32, #tpu.memory_space<vmem>>
      %dma_wait3A_290 = tpu.memref_squeeze %dma_wait3A_289 : memref<1x128x128xf32, #tpu.memory_space<vmem>> -> memref<128x128xf32, #tpu.memory_space<vmem>>
      %dma_wait3A_291 = arith.constant 0 : i32
      %dma_wait3A_292 = tpu.memref_slice %arg6[%dma_wait3A_285, %add3A_284, %dma_wait3A_291] : memref<2x16x128xi32, #tpu.memory_space<vmem>> -> memref<1x1x128xi32, #tpu.memory_space<vmem>>
      %dma_wait3A_293 = tpu.memref_squeeze %dma_wait3A_292 : memref<1x1x128xi32, #tpu.memory_space<vmem>> -> memref<128xi32, #tpu.memory_space<vmem>>
      %dma_wait3A_294 = arith.constant 0 : i32
      %dma_wait3A_295 = arith.constant 0 : i32
      %dma_wait3A_296 = tpu.memref_slice %arg2[%dma_wait3A_294, %dma_wait3A_295] : memref<10000x128xf32, #tpu.memory_space<hbm>> -> memref<10000x128xf32, #tpu.memory_space<hbm>>
      tpu.wait_indirect_dma semaphore(%arg10 : memref<!tpu.dma_semaphore, #tpu.memory_space<semaphore_mem>>) src(%dma_wait3A_296 : memref<10000x128xf32, #tpu.memory_space<hbm>>) dst(%dma_wait3A_290 : memref<128x128xf32, #tpu.memory_space<vmem>>)
      %run_scoped3A = arith.constant 0 : i32
      %run_scoped3A_297 = arith.constant 0 : i32
      "tpu.region"() ({
        %run_scoped3A_327 = tpu.sem_alloc : memref<!tpu.dma_semaphore, #tpu.memory_space<semaphore_mem>>
        %dma_start3A_328 = arith.constant 0 : i32
        %dma_start3A_329 = arith.constant 0 : i32
        %dma_start3A_330 = tpu.memref_slice %arg8[%run_scoped3A, %dma_start3A_328, %dma_start3A_329] : memref<2x128x128xf32, #tpu.memory_space<vmem>> -> memref<1x128x128xf32, #tpu.memory_space<vmem>>
        %dma_start3A_331 = tpu.memref_squeeze %dma_start3A_330 : memref<1x128x128xf32, #tpu.memory_space<vmem>> -> memref<128x128xf32, #tpu.memory_space<vmem>>
        %dma_start3A_332 = arith.constant 0 : i32
        %dma_start3A_333 = tpu.memref_slice %arg7[%run_scoped3A_297, %add3A_284, %dma_start3A_332] : memref<2x16x128xi32, #tpu.memory_space<vmem>> -> memref<1x1x128xi32, #tpu.memory_space<vmem>>
        %dma_start3A_334 = tpu.memref_squeeze %dma_start3A_333 : memref<1x1x128xi32, #tpu.memory_space<vmem>> -> memref<128xi32, #tpu.memory_space<vmem>>
        %dma_start3A_335 = arith.constant 0 : i32
        %dma_start3A_336 = arith.constant 0 : i32
        %dma_start3A_337 = tpu.memref_slice %arg9[%dma_start3A_335, %dma_start3A_336] : memref<10240x128xf32, #tpu.memory_space<vmem_shared>> -> memref<10240x128xf32, #tpu.memory_space<vmem_shared>>
        tpu.enqueue_indirect_dma source(%dma_start3A_331 : memref<128x128xf32, #tpu.memory_space<vmem>>) target(%dma_start3A_337 : memref<10240x128xf32, #tpu.memory_space<vmem_shared>>) offsets(%dma_start3A_334 : memref<128xi32, #tpu.memory_space<vmem>>) semaphore(%run_scoped3A_327 : memref<!tpu.dma_semaphore, #tpu.memory_space<semaphore_mem>>) {add = true}
        %dma_wait3A_338 = arith.constant 0 : i32
        %dma_wait3A_339 = arith.constant 0 : i32
        %dma_wait3A_340 = tpu.memref_slice %arg8[%run_scoped3A, %dma_wait3A_338, %dma_wait3A_339] : memref<2x128x128xf32, #tpu.memory_space<vmem>> -> memref<1x128x128xf32, #tpu.memory_space<vmem>>
        %dma_wait3A_341 = tpu.memref_squeeze %dma_wait3A_340 : memref<1x128x128xf32, #tpu.memory_space<vmem>> -> memref<128x128xf32, #tpu.memory_space<vmem>>
        %dma_wait3A_342 = arith.constant 0 : i32
        %dma_wait3A_343 = tpu.memref_slice %arg7[%run_scoped3A_297, %add3A_284, %dma_wait3A_342] : memref<2x16x128xi32, #tpu.memory_space<vmem>> -> memref<1x1x128xi32, #tpu.memory_space<vmem>>
        %dma_wait3A_344 = tpu.memref_squeeze %dma_wait3A_343 : memref<1x1x128xi32, #tpu.memory_space<vmem>> -> memref<128xi32, #tpu.memory_space<vmem>>
        %dma_wait3A_345 = arith.constant 0 : i32
        %dma_wait3A_346 = arith.constant 0 : i32
        %dma_wait3A_347 = tpu.memref_slice %arg9[%dma_wait3A_345, %dma_wait3A_346] : memref<10240x128xf32, #tpu.memory_space<vmem_shared>> -> memref<10240x128xf32, #tpu.memory_space<vmem_shared>>
        tpu.wait_indirect_dma semaphore(%run_scoped3A_327 : memref<!tpu.dma_semaphore, #tpu.memory_space<semaphore_mem>>) src(%dma_wait3A_341 : memref<128x128xf32, #tpu.memory_space<vmem>>) dst(%dma_wait3A_347 : memref<10240x128xf32, #tpu.memory_space<vmem_shared>>)
        tpu.yield
      }) : () -> ()
      %add3A_298 = arith.constant 2 : i32
      %add3A_299 = arith.addi %add3A_284, %add3A_298 : i32
      %lt3A = arith.constant 16 : i32
      %lt3A_300 = arith.cmpi slt, %add3A_299, %lt3A : i32
      %convert_element_type3A = arith.extui %lt3A_300 : i1 to i32
      %cond3A = arith.constant 0 : i32
      %cond3A_301 = arith.cmpi ne, %convert_element_type3A, %cond3A : i32
      scf.if %cond3A_301 {
        %dma_start3A_327 = arith.constant 0 : i32
        %dma_start3A_328 = arith.constant 0 : i32
        %dma_start3A_329 = arith.constant 0 : i32
        %dma_start3A_330 = arith.constant 0 : i32
        %dma_start3A_331 = tpu.memref_slice %arg8[%dma_start3A_328, %dma_start3A_329, %dma_start3A_330] : memref<2x128x128xf32, #tpu.memory_space<vmem>> -> memref<1x128x128xf32, #tpu.memory_space<vmem>>
        %dma_start3A_332 = tpu.memref_squeeze %dma_start3A_331 : memref<1x128x128xf32, #tpu.memory_space<vmem>> -> memref<128x128xf32, #tpu.memory_space<vmem>>
        %dma_start3A_333 = arith.constant 0 : i32
        %dma_start3A_334 = tpu.memref_slice %arg6[%dma_start3A_327, %add3A_299, %dma_start3A_333] : memref<2x16x128xi32, #tpu.memory_space<vmem>> -> memref<1x1x128xi32, #tpu.memory_space<vmem>>
        %dma_start3A_335 = tpu.memref_squeeze %dma_start3A_334 : memref<1x1x128xi32, #tpu.memory_space<vmem>> -> memref<128xi32, #tpu.memory_space<vmem>>
        %dma_start3A_336 = arith.constant 0 : i32
        %dma_start3A_337 = arith.constant 0 : i32
        %dma_start3A_338 = tpu.memref_slice %arg2[%dma_start3A_336, %dma_start3A_337] : memref<10000x128xf32, #tpu.memory_space<hbm>> -> memref<10000x128xf32, #tpu.memory_space<hbm>>
        tpu.enqueue_indirect_dma source(%dma_start3A_338 : memref<10000x128xf32, #tpu.memory_space<hbm>>) target(%dma_start3A_332 : memref<128x128xf32, #tpu.memory_space<vmem>>) offsets(%dma_start3A_335 : memref<128xi32, #tpu.memory_space<vmem>>) semaphore(%arg10 : memref<!tpu.dma_semaphore, #tpu.memory_space<semaphore_mem>>)
      } else {
      }
      %mul3A_302 = arith.constant 2 : i32
      %mul3A_303 = arith.muli %mul3A_302, %scan3A_280 : i32
      %add3A_304 = arith.constant 1 : i32
      %add3A_305 = arith.addi %mul3A_303, %add3A_304 : i32
      %dma_wait3A_306 = arith.constant 0 : i32
      %dma_wait3A_307 = arith.constant 1 : i32
      %dma_wait3A_308 = arith.constant 0 : i32
      %dma_wait3A_309 = arith.constant 0 : i32
      %dma_wait3A_310 = tpu.memref_slice %arg8[%dma_wait3A_307, %dma_wait3A_308, %dma_wait3A_309] : memref<2x128x128xf32, #tpu.memory_space<vmem>> -> memref<1x128x128xf32, #tpu.memory_space<vmem>>
      %dma_wait3A_311 = tpu.memref_squeeze %dma_wait3A_310 : memref<1x128x128xf32, #tpu.memory_space<vmem>> -> memref<128x128xf32, #tpu.memory_space<vmem>>
      %dma_wait3A_312 = arith.constant 0 : i32
      %dma_wait3A_313 = tpu.memref_slice %arg6[%dma_wait3A_306, %add3A_305, %dma_wait3A_312] : memref<2x16x128xi32, #tpu.memory_space<vmem>> -> memref<1x1x128xi32, #tpu.memory_space<vmem>>
      %dma_wait3A_314 = tpu.memref_squeeze %dma_wait3A_313 : memref<1x1x128xi32, #tpu.memory_space<vmem>> -> memref<128xi32, #tpu.memory_space<vmem>>
      %dma_wait3A_315 = arith.constant 0 : i32
      %dma_wait3A_316 = arith.constant 0 : i32
      %dma_wait3A_317 = tpu.memref_slice %arg2[%dma_wait3A_315, %dma_wait3A_316] : memref<10000x128xf32, #tpu.memory_space<hbm>> -> memref<10000x128xf32, #tpu.memory_space<hbm>>
      tpu.wait_indirect_dma semaphore(%arg11 : memref<!tpu.dma_semaphore, #tpu.memory_space<semaphore_mem>>) src(%dma_wait3A_317 : memref<10000x128xf32, #tpu.memory_space<hbm>>) dst(%dma_wait3A_311 : memref<128x128xf32, #tpu.memory_space<vmem>>)
      %run_scoped3A_318 = arith.constant 1 : i32
      %run_scoped3A_319 = arith.constant 0 : i32
      "tpu.region"() ({
        %run_scoped3A_327 = tpu.sem_alloc : memref<!tpu.dma_semaphore, #tpu.memory_space<semaphore_mem>>
        %dma_start3A_328 = arith.constant 0 : i32
        %dma_start3A_329 = arith.constant 0 : i32
        %dma_start3A_330 = tpu.memref_slice %arg8[%run_scoped3A_318, %dma_start3A_328, %dma_start3A_329] : memref<2x128x128xf32, #tpu.memory_space<vmem>> -> memref<1x128x128xf32, #tpu.memory_space<vmem>>
        %dma_start3A_331 = tpu.memref_squeeze %dma_start3A_330 : memref<1x128x128xf32, #tpu.memory_space<vmem>> -> memref<128x128xf32, #tpu.memory_space<vmem>>
        %dma_start3A_332 = arith.constant 0 : i32
        %dma_start3A_333 = tpu.memref_slice %arg7[%run_scoped3A_319, %add3A_305, %dma_start3A_332] : memref<2x16x128xi32, #tpu.memory_space<vmem>> -> memref<1x1x128xi32, #tpu.memory_space<vmem>>
        %dma_start3A_334 = tpu.memref_squeeze %dma_start3A_333 : memref<1x1x128xi32, #tpu.memory_space<vmem>> -> memref<128xi32, #tpu.memory_space<vmem>>
        %dma_start3A_335 = arith.constant 0 : i32
        %dma_start3A_336 = arith.constant 0 : i32
        %dma_start3A_337 = tpu.memref_slice %arg9[%dma_start3A_335, %dma_start3A_336] : memref<10240x128xf32, #tpu.memory_space<vmem_shared>> -> memref<10240x128xf32, #tpu.memory_space<vmem_shared>>
        tpu.enqueue_indirect_dma source(%dma_start3A_331 : memref<128x128xf32, #tpu.memory_space<vmem>>) target(%dma_start3A_337 : memref<10240x128xf32, #tpu.memory_space<vmem_shared>>) offsets(%dma_start3A_334 : memref<128xi32, #tpu.memory_space<vmem>>) semaphore(%run_scoped3A_327 : memref<!tpu.dma_semaphore, #tpu.memory_space<semaphore_mem>>) {add = true}
        %dma_wait3A_338 = arith.constant 0 : i32
        %dma_wait3A_339 = arith.constant 0 : i32
        %dma_wait3A_340 = tpu.memref_slice %arg8[%run_scoped3A_318, %dma_wait3A_338, %dma_wait3A_339] : memref<2x128x128xf32, #tpu.memory_space<vmem>> -> memref<1x128x128xf32, #tpu.memory_space<vmem>>
        %dma_wait3A_341 = tpu.memref_squeeze %dma_wait3A_340 : memref<1x128x128xf32, #tpu.memory_space<vmem>> -> memref<128x128xf32, #tpu.memory_space<vmem>>
        %dma_wait3A_342 = arith.constant 0 : i32
        %dma_wait3A_343 = tpu.memref_slice %arg7[%run_scoped3A_319, %add3A_305, %dma_wait3A_342] : memref<2x16x128xi32, #tpu.memory_space<vmem>> -> memref<1x1x128xi32, #tpu.memory_space<vmem>>
        %dma_wait3A_344 = tpu.memref_squeeze %dma_wait3A_343 : memref<1x1x128xi32, #tpu.memory_space<vmem>> -> memref<128xi32, #tpu.memory_space<vmem>>
        %dma_wait3A_345 = arith.constant 0 : i32
        %dma_wait3A_346 = arith.constant 0 : i32
        %dma_wait3A_347 = tpu.memref_slice %arg9[%dma_wait3A_345, %dma_wait3A_346] : memref<10240x128xf32, #tpu.memory_space<vmem_shared>> -> memref<10240x128xf32, #tpu.memory_space<vmem_shared>>
        tpu.wait_indirect_dma semaphore(%run_scoped3A_327 : memref<!tpu.dma_semaphore, #tpu.memory_space<semaphore_mem>>) src(%dma_wait3A_341 : memref<128x128xf32, #tpu.memory_space<vmem>>) dst(%dma_wait3A_347 : memref<10240x128xf32, #tpu.memory_space<vmem_shared>>)
        tpu.yield
      }) : () -> ()
      %add3A_320 = arith.constant 2 : i32
      %add3A_321 = arith.addi %add3A_305, %add3A_320 : i32
      %lt3A_322 = arith.constant 16 : i32
      %lt3A_323 = arith.cmpi slt, %add3A_321, %lt3A_322 : i32
      %convert_element_type3A_324 = arith.extui %lt3A_323 : i1 to i32
      %cond3A_325 = arith.constant 0 : i32
      %cond3A_326 = arith.cmpi ne, %convert_element_type3A_324, %cond3A_325 : i32
      scf.if %cond3A_326 {
        %dma_start3A_327 = arith.constant 0 : i32
        %dma_start3A_328 = arith.constant 1 : i32
        %dma_start3A_329 = arith.constant 0 : i32
        %dma_start3A_330 = arith.constant 0 : i32
        %dma_start3A_331 = tpu.memref_slice %arg8[%dma_start3A_328, %dma_start3A_329, %dma_start3A_330] : memref<2x128x128xf32, #tpu.memory_space<vmem>> -> memref<1x128x128xf32, #tpu.memory_space<vmem>>
        %dma_start3A_332 = tpu.memref_squeeze %dma_start3A_331 : memref<1x128x128xf32, #tpu.memory_space<vmem>> -> memref<128x128xf32, #tpu.memory_space<vmem>>
        %dma_start3A_333 = arith.constant 0 : i32
        %dma_start3A_334 = tpu.memref_slice %arg6[%dma_start3A_327, %add3A_321, %dma_start3A_333] : memref<2x16x128xi32, #tpu.memory_space<vmem>> -> memref<1x1x128xi32, #tpu.memory_space<vmem>>
        %dma_start3A_335 = tpu.memref_squeeze %dma_start3A_334 : memref<1x1x128xi32, #tpu.memory_space<vmem>> -> memref<128xi32, #tpu.memory_space<vmem>>
        %dma_start3A_336 = arith.constant 0 : i32
        %dma_start3A_337 = arith.constant 0 : i32
        %dma_start3A_338 = tpu.memref_slice %arg2[%dma_start3A_336, %dma_start3A_337] : memref<10000x128xf32, #tpu.memory_space<hbm>> -> memref<10000x128xf32, #tpu.memory_space<hbm>>
        tpu.enqueue_indirect_dma source(%dma_start3A_338 : memref<10000x128xf32, #tpu.memory_space<hbm>>) target(%dma_start3A_332 : memref<128x128xf32, #tpu.memory_space<vmem>>) offsets(%dma_start3A_335 : memref<128xi32, #tpu.memory_space<vmem>>) semaphore(%arg11 : memref<!tpu.dma_semaphore, #tpu.memory_space<semaphore_mem>>)
      } else {
      }
    }
    %scan3A_278 = arith.constant 8 : i32
    %barrier3A_279 = arith.constant 0 : index
    tpu.barrier barrier_id(%barrier3A_279)
    "tpu.region"() ({
      %run_scoped3A = tpu.sem_alloc : memref<!tpu.dma_semaphore, #tpu.memory_space<semaphore_mem>>
      %dma_start3A_280 = arith.constant 0 : i32
      %dma_start3A_281 = tpu.memref_slice %arg5[%arg0, %mul3A_8, %dma_start3A_280] : memref<2x10240x128xf32, #tpu.memory_space<hbm>> -> memref<1x640x128xf32, #tpu.memory_space<hbm>>
      %dma_start3A_282 = tpu.memref_squeeze %dma_start3A_281 : memref<1x640x128xf32, #tpu.memory_space<hbm>> -> memref<640x128xf32, #tpu.memory_space<hbm>>
      %dma_start3A_283 = arith.constant 0 : i32
      %dma_start3A_284 = tpu.memref_slice %arg9[%mul3A_8, %dma_start3A_283] : memref<10240x128xf32, #tpu.memory_space<vmem_shared>> -> memref<640x128xf32, #tpu.memory_space<vmem_shared>>
      tpu.enqueue_dma source(%dma_start3A_284 : memref<640x128xf32, #tpu.memory_space<vmem_shared>>) target(%dma_start3A_282 : memref<640x128xf32, #tpu.memory_space<hbm>>) target_semaphore(%run_scoped3A : memref<!tpu.dma_semaphore, #tpu.memory_space<semaphore_mem>>)
      %dma_wait3A_285 = arith.constant 0 : i32
      %dma_wait3A_286 = tpu.memref_slice %arg5[%arg0, %mul3A_8, %dma_wait3A_285] : memref<2x10240x128xf32, #tpu.memory_space<hbm>> -> memref<1x640x128xf32, #tpu.memory_space<hbm>>
      %dma_wait3A_287 = tpu.memref_squeeze %dma_wait3A_286 : memref<1x640x128xf32, #tpu.memory_space<hbm>> -> memref<640x128xf32, #tpu.memory_space<hbm>>
      %dma_wait3A_288 = arith.constant 0 : i32
      %dma_wait3A_289 = tpu.memref_slice %arg9[%mul3A_8, %dma_wait3A_288] : memref<10240x128xf32, #tpu.memory_space<vmem_shared>> -> memref<640x128xf32, #tpu.memory_space<vmem_shared>>
      tpu.wait_dma2 semaphore(%run_scoped3A : memref<!tpu.dma_semaphore, #tpu.memory_space<semaphore_mem>>) src(%dma_wait3A_289 : memref<640x128xf32, #tpu.memory_space<vmem_shared>>) dst(%dma_wait3A_287 : memref<640x128xf32, #tpu.memory_space<hbm>>)
      tpu.yield
    }) : () -> ()
    return
  }
}

module attributes {stable_mosaic.version = 14 : i64} {
  func.func @body(%arg0: i32, %arg1: memref<2x2048x128xf32, #tpu.memory_space<vmem>>, %arg2: memref<2x10240xf32, #tpu.memory_space<vmem>>, %arg3: memref<2048x128xf32, #tpu.memory_space<vmem>>, %arg4: memref<128x128xf32, #tpu.memory_space<vmem>>, %arg5: memref<128x128xf32, #tpu.memory_space<vmem>>, %arg6: memref<1x128xf32, #tpu.memory_space<vmem>>, %arg7: memref<2048x128xf32, #tpu.memory_space<vmem>>) attributes {dimension_semantics = [#tpu.dimension_semantics<arbitrary>], iteration_bounds = array<i64: 5>, scalar_prefetch = 0 : i64, scratch_operands = 0 : i64, tpu.core_type = #tpu.core_type<tc>, window_params = [{transform_indices = @transform_0, window_bounds = array<i64: 2, 2048, 128>}, {pipeline_mode = #tpu.pipeline_mode<synchronous>, transform_indices = @transform_1, window_bounds = array<i64: 2, 10240>}, {transform_indices = @transform_2, window_bounds = array<i64: 2048, 128>}, {pipeline_mode = #tpu.pipeline_mode<synchronous>, transform_indices = @transform_3, window_bounds = array<i64: 128, 128>}, {pipeline_mode = #tpu.pipeline_mode<synchronous>, transform_indices = @transform_4, window_bounds = array<i64: 128, 128>}, {pipeline_mode = #tpu.pipeline_mode<synchronous>, transform_indices = @transform_5, window_bounds = array<i64: 1, 128>}, {transform_indices = @transform_6, window_bounds = array<i64: 2048, 128>}]} {
    %get3A = arith.constant 0 : index
    %get3A_0 = arith.constant 0 : index
    %get3A_1 = arith.constant 0 : index
    %get3A_2 = vector.load %arg1[%get3A, %get3A_0, %get3A_1] : memref<2x2048x128xf32, #tpu.memory_space<vmem>>, vector<1x2048x128xf32>
    %get3A_3 = vector.shape_cast %get3A_2 : vector<1x2048x128xf32> to vector<2048x128xf32>
    %get3A_4 = arith.constant 1 : index
    %get3A_5 = arith.constant 0 : index
    %get3A_6 = arith.constant 0 : index
    %get3A_7 = vector.load %arg1[%get3A_4, %get3A_5, %get3A_6] : memref<2x2048x128xf32, #tpu.memory_space<vmem>>, vector<1x2048x128xf32>
    %get3A_8 = vector.shape_cast %get3A_7 : vector<1x2048x128xf32> to vector<2048x128xf32>
    %add3A = arith.addf %get3A_3, %get3A_8 : vector<2048x128xf32>
    %mul3A = arith.constant 2048 : i32
    %mul3A_9 = arith.muli %arg0, %mul3A : i32
    %get3A_10 = arith.constant 0 : index
    %get3A_11 = arith.index_cast %mul3A_9 : i32 to index
    %get3A_12 = vector.load %arg2[%get3A_10, %get3A_11] : memref<2x10240xf32, #tpu.memory_space<vmem>>, vector<1x2048xf32>
    %get3A_13 = vector.shape_cast %get3A_12 : vector<1x2048xf32> to vector<2048xf32>
    %mul3A_14 = arith.constant 2048 : i32
    %mul3A_15 = arith.muli %arg0, %mul3A_14 : i32
    %get3A_16 = arith.constant 1 : index
    %get3A_17 = arith.index_cast %mul3A_15 : i32 to index
    %get3A_18 = vector.load %arg2[%get3A_16, %get3A_17] : memref<2x10240xf32, #tpu.memory_space<vmem>>, vector<1x2048xf32>
    %get3A_19 = vector.shape_cast %get3A_18 : vector<1x2048xf32> to vector<2048xf32>
    %add3A_20 = arith.addf %get3A_13, %get3A_19 : vector<2048xf32>
    %max3A = arith.constant 1.000000e+00 : f32
    %max3A_21 = vector.broadcast %max3A : f32 to vector<2048xf32>
    %max3A_22 = arith.maximumf %add3A_20, %max3A_21 : vector<2048xf32>
    %div3A = arith.constant 1.000000e+00 : f32
    %div3A_23 = vector.broadcast %div3A : f32 to vector<2048xf32>
    %div3A_24 = arith.divf %div3A_23, %max3A_22 : vector<2048xf32>
    %broadcast_in_dim3A = vector.shape_cast %div3A_24 : vector<2048xf32> to vector<2048x1xf32>
    %mul3A_25 = vector.broadcast %broadcast_in_dim3A : vector<2048x1xf32> to vector<2048x128xf32>
    %mul3A_26 = arith.mulf %add3A, %mul3A_25 : vector<2048x128xf32>
    %get3A_27 = arith.constant 0 : index
    %get3A_28 = arith.constant 0 : index
    %get3A_29 = vector.load %arg4[%get3A_27, %get3A_28] : memref<128x128xf32, #tpu.memory_space<vmem>>, vector<128x128xf32>
    %dot_general3A = arith.constant dense<0.000000e+00> : vector<2048x128xf32>
    %dot_general3A_30 = tpu.matmul %mul3A_26, %get3A_29, %dot_general3A {dimension_numbers = #tpu.dot_dimension_numbers<[1], [0], [0], [1], [0, 0, 1, 1], [], []>, transpose_lhs_hint = false} : vector<2048x128xf32>, vector<128x128xf32>, vector<2048x128xf32> -> vector<2048x128xf32>
    %get3A_31 = arith.constant 0 : index
    %get3A_32 = arith.constant 0 : index
    %get3A_33 = vector.load %arg3[%get3A_31, %get3A_32] : memref<2048x128xf32, #tpu.memory_space<vmem>>, vector<2048x128xf32>
    %get3A_34 = arith.constant 0 : index
    %get3A_35 = arith.constant 0 : index
    %get3A_36 = vector.load %arg5[%get3A_34, %get3A_35] : memref<128x128xf32, #tpu.memory_space<vmem>>, vector<128x128xf32>
    %dot_general3A_37 = arith.constant dense<0.000000e+00> : vector<2048x128xf32>
    %dot_general3A_38 = tpu.matmul %get3A_33, %get3A_36, %dot_general3A_37 {dimension_numbers = #tpu.dot_dimension_numbers<[1], [0], [0], [1], [0, 0, 1, 1], [], []>, transpose_lhs_hint = false} : vector<2048x128xf32>, vector<128x128xf32>, vector<2048x128xf32> -> vector<2048x128xf32>
    %add3A_39 = arith.addf %dot_general3A_30, %dot_general3A_38 : vector<2048x128xf32>
    %get3A_40 = arith.constant 0 : index
    %get3A_41 = arith.constant 0 : index
    %get3A_42 = vector.load %arg6[%get3A_40, %get3A_41] : memref<1x128xf32, #tpu.memory_space<vmem>>, vector<1x128xf32>
    %add3A_43 = vector.broadcast %get3A_42 : vector<1x128xf32> to vector<2048x128xf32>
    %add3A_44 = arith.addf %add3A_39, %add3A_43 : vector<2048x128xf32>
    %max3A_45 = arith.constant 0.000000e+00 : f32
    %max3A_46 = vector.broadcast %max3A_45 : f32 to vector<2048x128xf32>
    %max3A_47 = arith.maximumf %add3A_44, %max3A_46 : vector<2048x128xf32>
    %swap3A = arith.constant 0 : index
    %swap3A_48 = arith.constant 0 : index
    %swap3A_49 = vector.load %arg7[%swap3A, %swap3A_48] : memref<2048x128xf32, #tpu.memory_space<vmem>>, vector<2048x128xf32>
    tpu.vector_store %arg7[%swap3A, %swap3A_48], %max3A_47 {strides = array<i32>} : memref<2048x128xf32, #tpu.memory_space<vmem>>, vector<2048x128xf32>,
    return
  }
  func.func @transform_0(%arg0: i32) -> (i32, i32, i32) {
    %c0_i32 = arith.constant 0 : i32
    %c0_i32_0 = arith.constant 0 : i32
    %c0_i32_1 = arith.constant 0 : i32
    return %c0_i32, %arg0, %c0_i32_0 : i32, i32, i32
  }
  func.func @transform_1(%arg0: i32) -> (i32, i32) {
    %c0_i32 = arith.constant 0 : i32
    %c0_i32_0 = arith.constant 0 : i32
    %c0_i32_1 = arith.constant 0 : i32
    return %c0_i32, %c0_i32_0 : i32, i32
  }
  func.func @transform_2(%arg0: i32) -> (i32, i32) {
    %c0_i32 = arith.constant 0 : i32
    %c0_i32_0 = arith.constant 0 : i32
    return %arg0, %c0_i32 : i32, i32
  }
  func.func @transform_3(%arg0: i32) -> (i32, i32) {
    %c0_i32 = arith.constant 0 : i32
    %c0_i32_0 = arith.constant 0 : i32
    %c0_i32_1 = arith.constant 0 : i32
    return %c0_i32, %c0_i32_0 : i32, i32
  }
  func.func @transform_4(%arg0: i32) -> (i32, i32) {
    %c0_i32 = arith.constant 0 : i32
    %c0_i32_0 = arith.constant 0 : i32
    %c0_i32_1 = arith.constant 0 : i32
    return %c0_i32, %c0_i32_0 : i32, i32
  }
  func.func @transform_5(%arg0: i32) -> (i32, i32) {
    %c0_i32 = arith.constant 0 : i32
    %c0_i32_0 = arith.constant 0 : i32
    %c0_i32_1 = arith.constant 0 : i32
    return %c0_i32, %c0_i32_0 : i32, i32
  }
  func.func @transform_6(%arg0: i32) -> (i32, i32) {
    %c0_i32 = arith.constant 0 : i32
    %c0_i32_0 = arith.constant 0 : i32
    return %arg0, %c0_i32 : i32, i32
  }
}

module attributes {stable_mosaic.version = 14 : i64} {
  func.func @body(%arg0: i32, %arg1: memref<2x2048x128xf32, #tpu.memory_space<vmem>>, %arg2: memref<2x10240xf32, #tpu.memory_space<vmem>>, %arg3: memref<2048x128xf32, #tpu.memory_space<vmem>>, %arg4: memref<128x128xf32, #tpu.memory_space<vmem>>, %arg5: memref<128x128xf32, #tpu.memory_space<vmem>>, %arg6: memref<1x128xf32, #tpu.memory_space<vmem>>, %arg7: memref<2048x128xf32, #tpu.memory_space<vmem>>) attributes {dimension_semantics = [#tpu.dimension_semantics<arbitrary>], iteration_bounds = array<i64: 5>, scalar_prefetch = 0 : i64, scratch_operands = 0 : i64, tpu.core_type = #tpu.core_type<tc>, window_params = [{transform_indices = @transform_0, window_bounds = array<i64: 2, 2048, 128>}, {pipeline_mode = #tpu.pipeline_mode<synchronous>, transform_indices = @transform_1, window_bounds = array<i64: 2, 10240>}, {transform_indices = @transform_2, window_bounds = array<i64: 2048, 128>}, {pipeline_mode = #tpu.pipeline_mode<synchronous>, transform_indices = @transform_3, window_bounds = array<i64: 128, 128>}, {pipeline_mode = #tpu.pipeline_mode<synchronous>, transform_indices = @transform_4, window_bounds = array<i64: 128, 128>}, {pipeline_mode = #tpu.pipeline_mode<synchronous>, transform_indices = @transform_5, window_bounds = array<i64: 1, 128>}, {transform_indices = @transform_6, window_bounds = array<i64: 2048, 128>}]} {
    %get3A = arith.constant 0 : index
    %get3A_0 = arith.constant 0 : index
    %get3A_1 = arith.constant 0 : index
    %get3A_2 = vector.load %arg1[%get3A, %get3A_0, %get3A_1] : memref<2x2048x128xf32, #tpu.memory_space<vmem>>, vector<1x2048x128xf32>
    %get3A_3 = vector.shape_cast %get3A_2 : vector<1x2048x128xf32> to vector<2048x128xf32>
    %get3A_4 = arith.constant 1 : index
    %get3A_5 = arith.constant 0 : index
    %get3A_6 = arith.constant 0 : index
    %get3A_7 = vector.load %arg1[%get3A_4, %get3A_5, %get3A_6] : memref<2x2048x128xf32, #tpu.memory_space<vmem>>, vector<1x2048x128xf32>
    %get3A_8 = vector.shape_cast %get3A_7 : vector<1x2048x128xf32> to vector<2048x128xf32>
    %add3A = arith.addf %get3A_3, %get3A_8 : vector<2048x128xf32>
    %mul3A = arith.constant 2048 : i32
    %mul3A_9 = arith.muli %arg0, %mul3A : i32
    %get3A_10 = arith.constant 0 : index
    %get3A_11 = arith.index_cast %mul3A_9 : i32 to index
    %get3A_12 = vector.load %arg2[%get3A_10, %get3A_11] : memref<2x10240xf32, #tpu.memory_space<vmem>>, vector<1x2048xf32>
    %get3A_13 = vector.shape_cast %get3A_12 : vector<1x2048xf32> to vector<2048xf32>
    %mul3A_14 = arith.constant 2048 : i32
    %mul3A_15 = arith.muli %arg0, %mul3A_14 : i32
    %get3A_16 = arith.constant 1 : index
    %get3A_17 = arith.index_cast %mul3A_15 : i32 to index
    %get3A_18 = vector.load %arg2[%get3A_16, %get3A_17] : memref<2x10240xf32, #tpu.memory_space<vmem>>, vector<1x2048xf32>
    %get3A_19 = vector.shape_cast %get3A_18 : vector<1x2048xf32> to vector<2048xf32>
    %add3A_20 = arith.addf %get3A_13, %get3A_19 : vector<2048xf32>
    %max3A = arith.constant 1.000000e+00 : f32
    %max3A_21 = vector.broadcast %max3A : f32 to vector<2048xf32>
    %max3A_22 = arith.maximumf %add3A_20, %max3A_21 : vector<2048xf32>
    %div3A = arith.constant 1.000000e+00 : f32
    %div3A_23 = vector.broadcast %div3A : f32 to vector<2048xf32>
    %div3A_24 = arith.divf %div3A_23, %max3A_22 : vector<2048xf32>
    %broadcast_in_dim3A = vector.shape_cast %div3A_24 : vector<2048xf32> to vector<2048x1xf32>
    %mul3A_25 = vector.broadcast %broadcast_in_dim3A : vector<2048x1xf32> to vector<2048x128xf32>
    %mul3A_26 = arith.mulf %add3A, %mul3A_25 : vector<2048x128xf32>
    %get3A_27 = arith.constant 0 : index
    %get3A_28 = arith.constant 0 : index
    %get3A_29 = vector.load %arg4[%get3A_27, %get3A_28] : memref<128x128xf32, #tpu.memory_space<vmem>>, vector<128x128xf32>
    %dot_general3A = arith.constant dense<0.000000e+00> : vector<2048x128xf32>
    %dot_general3A_30 = tpu.matmul %mul3A_26, %get3A_29, %dot_general3A {dimension_numbers = #tpu.dot_dimension_numbers<[1], [0], [0], [1], [0, 0, 1, 1], [], []>, transpose_lhs_hint = false} : vector<2048x128xf32>, vector<128x128xf32>, vector<2048x128xf32> -> vector<2048x128xf32>
    %get3A_31 = arith.constant 0 : index
    %get3A_32 = arith.constant 0 : index
    %get3A_33 = vector.load %arg3[%get3A_31, %get3A_32] : memref<2048x128xf32, #tpu.memory_space<vmem>>, vector<2048x128xf32>
    %get3A_34 = arith.constant 0 : index
    %get3A_35 = arith.constant 0 : index
    %get3A_36 = vector.load %arg5[%get3A_34, %get3A_35] : memref<128x128xf32, #tpu.memory_space<vmem>>, vector<128x128xf32>
    %dot_general3A_37 = arith.constant dense<0.000000e+00> : vector<2048x128xf32>
    %dot_general3A_38 = tpu.matmul %get3A_33, %get3A_36, %dot_general3A_37 {dimension_numbers = #tpu.dot_dimension_numbers<[1], [0], [0], [1], [0, 0, 1, 1], [], []>, transpose_lhs_hint = false} : vector<2048x128xf32>, vector<128x128xf32>, vector<2048x128xf32> -> vector<2048x128xf32>
    %add3A_39 = arith.addf %dot_general3A_30, %dot_general3A_38 : vector<2048x128xf32>
    %get3A_40 = arith.constant 0 : index
    %get3A_41 = arith.constant 0 : index
    %get3A_42 = vector.load %arg6[%get3A_40, %get3A_41] : memref<1x128xf32, #tpu.memory_space<vmem>>, vector<1x128xf32>
    %add3A_43 = vector.broadcast %get3A_42 : vector<1x128xf32> to vector<2048x128xf32>
    %add3A_44 = arith.addf %add3A_39, %add3A_43 : vector<2048x128xf32>
    %swap3A = arith.constant 0 : index
    %swap3A_45 = arith.constant 0 : index
    %swap3A_46 = vector.load %arg7[%swap3A, %swap3A_45] : memref<2048x128xf32, #tpu.memory_space<vmem>>, vector<2048x128xf32>
    tpu.vector_store %arg7[%swap3A, %swap3A_45], %add3A_44 {strides = array<i32>} : memref<2048x128xf32, #tpu.memory_space<vmem>>, vector<2048x128xf32>,
    return
  }
  func.func @transform_0(%arg0: i32) -> (i32, i32, i32) {
    %c0_i32 = arith.constant 0 : i32
    %c0_i32_0 = arith.constant 0 : i32
    %c0_i32_1 = arith.constant 0 : i32
    return %c0_i32, %arg0, %c0_i32_0 : i32, i32, i32
  }
  func.func @transform_1(%arg0: i32) -> (i32, i32) {
    %c0_i32 = arith.constant 0 : i32
    %c0_i32_0 = arith.constant 0 : i32
    %c0_i32_1 = arith.constant 0 : i32
    return %c0_i32, %c0_i32_0 : i32, i32
  }
  func.func @transform_2(%arg0: i32) -> (i32, i32) {
    %c0_i32 = arith.constant 0 : i32
    %c0_i32_0 = arith.constant 0 : i32
    return %arg0, %c0_i32 : i32, i32
  }
  func.func @transform_3(%arg0: i32) -> (i32, i32) {
    %c0_i32 = arith.constant 0 : i32
    %c0_i32_0 = arith.constant 0 : i32
    %c0_i32_1 = arith.constant 0 : i32
    return %c0_i32, %c0_i32_0 : i32, i32
  }
  func.func @transform_4(%arg0: i32) -> (i32, i32) {
    %c0_i32 = arith.constant 0 : i32
    %c0_i32_0 = arith.constant 0 : i32
    %c0_i32_1 = arith.constant 0 : i32
    return %c0_i32, %c0_i32_0 : i32, i32
  }
  func.func @transform_5(%arg0: i32) -> (i32, i32) {
    %c0_i32 = arith.constant 0 : i32
    %c0_i32_0 = arith.constant 0 : i32
    %c0_i32_1 = arith.constant 0 : i32
    return %c0_i32, %c0_i32_0 : i32, i32
  }
  func.func @transform_6(%arg0: i32) -> (i32, i32) {
    %c0_i32 = arith.constant 0 : i32
    %c0_i32_0 = arith.constant 0 : i32
    return %arg0, %c0_i32 : i32, i32
  }
}

</mosaic_0001>

<sc_bundles>
// kernel: kernel.6.cloned.1.call-start
scs
__scs_entry_jumppad:
0x0: {  	(pc) =	sbr.rel $0x88, $3  }
0x1: {  	(tag) =	ssettag $0x0;
	lr =	simm.s32 $0x1  }
0x2: {  	[smem:$0x3F99] =	sst lr;
	_ =	strace $0xD0000000  }
0x3: {  	_ = 	snop  }
0x4: {  	_ = 	snop  }
0x5: {  	_ = 	snop  }
0x6: {  	_ = 	snop  }
0x7: {  	_ = 	snop  }
__scs_overlays_trampoline_lowered:
0x8: {  	[smem:$0x3FA8] =	sst s0  }
0x9: {  	[smem:$0x3FA9] =	sst s1  }
0xa: {  	[smem:$0x3FAA] =	sst s2  }
0xb: {  	[smem:$0x3FAB] =	sst s3  }
0xc: {  	[smem:$0x3FAC] =	sst s4  }
0xd: {  	[smem:$0x3FAD] =	sst s5  }
0xe: {  	[smem:$0x3FAE] =	sst s6  }
0xf: {  	[smem:$0x3FAF] =	sst s7  }
0x10: {  	[smem:$0x3FB0] =	sst s8  }
0x11: {  	[smem:$0x3FB1] =	sst s9;
	s0 =	simm.s32 @!p0 $0x0  }
0x12: {  	s1 =	sld [smem:$0x3F97];
	s0 =	simm.s32 @p0 $0x1  }
0x13: {  	[smem:$0x3FB2] =	sst s0;
	s0 =	simm.s32 @!p1 $0x0  }
0x14: {  	s2 =	sld [smem:$0x3F96];
	s0 =	simm.s32 @p1 $0x1  }
0x15: {  	[smem:$0x3FB3] =	sst s0;
	s0 =	simm.s32 @!p2 $0x0  }
0x16: {  	s3 =	sld [smem:$0x3FDB];
	s0 =	simm.s32 @p2 $0x1  }
0x17: {  	s4 =	simm.s32 $0x1BF5;
	[smem:$0x3FB5] =	sst s0  }
0x18: {  	s0 =	sld [smem:$0x3F98];
	_ =	swait.ge [sflag:s4], $0x0  }
0x19: {  	s7 =	sld [smem:$0x3F99]  }
0x1a: {  	s8 =	sadd.s32 $0xFFFFE003, lr  }
0x1b: {  	s9 =	sadd.s32 $0xFFFFFEF7, lr;
	s5 =	simm.s32 $0xFFFFFFFF;
	p2 =	slt.u32 s8, $0xFFFFF086  }
0x1c: {  	p1 =	slt.u32 s9, $0xF7A;
	s5 =	simm.s32 @!p2 $0x0  }
0x1d: {  	s5 =	simm.s32 @p1 $0x1;
	p0 =	seq.s32 s7, s2  }
0x1e: {  	s7 =	smul.u32 @!p0 $0xF7A, s2;
	p2 =	seq.s32 @!p0 s5, $0x0  }
0x1f: {  	s9 =	smul.u32 $0xF7A, s1;
	s8 =	simm.s32 @!p0 $0x1BF5;
	p2 =	por !p2, p0  }
0x20: {  	[sflag:s8] =	ssyncset.s32 @!p0 $0xFFFFF086;
	s6 =	sadd.s32 @!p0 s3, s7;
	s7 =	simm.s32 @!p0 $0x108  }
0x21: {  	s3 =	sadd.s32 s3, s9;
	s6 =	sadd.s32 @!p0 $0x88, s6;
	s7 =	simm.s32 @p2 $0x1082  }
0x22: {  	[simem:s7], [sflag:s8] =	dma.local @!p0 [hbm:s6], $0xF7A  }
0x23: {  	s9 =	sor.u32 $0xD0000000, s2;
	s6 =	simm.s32 $0x108;
	_ =	swait.ge @!p0 [sflag:s8], $0x0  }
0x24: {  	s3 =	sadd.s32 $0x88, s3;
	s6 =	simm.s32 @!p1 $0x1082;
	[sflag:s4] =	ssyncset.s32 $0xFFFFF086  }
0x25: {  	[simem:s6], [sflag:s4] =	dma.local [hbm:s3], $0xF7A  }
0x26: {  	[smem:$0x3F99] =	sst s1;
	(tag) =	ssettag s2;
	_ =	strace s9  }
0x27: {  	s1 =	sld [smem:$0x3FA9]  }
0x28: {  	s2 =	sld [smem:$0x3FAA]  }
0x29: {  	s4 =	sld [smem:$0x3FAC]  }
0x2a: {  	p0 =	seq.s32 s5, $0x0;
	s5 =	sld [smem:$0x3FAD]  }
0x2b: {  	s6 =	sld [smem:$0x3FAE]  }
0x2c: {  	s7 =	sld [smem:$0x3FAF]  }
0x2d: {  	s3 =	simm.s32 $0x108;
	s8 =	sld [smem:$0x3FB0]  }
0x2e: {  	s3 =	simm.s32 @!p0 $0x1082;
	s9 =	sld [smem:$0x3FB1]  }
0x2f: {  	lr =	sadd.s32 s0, s3;
	s0 =	sld [smem:$0x3FA8]  }
0x30: {  	s3 =	sld [smem:$0x3FAB]  }
0x31: {  	[smem:$0x3FB4] =	sst s10  }
0x32: {  	s10 =	sld [smem:$0x3FB2];
	_ =	sdelay $0x3  }
0x33: {  	p0 =	seq.s32 s10, $0x1;
	s10 =	sld [smem:$0x3FB4];
	_ =	sdelay $0x3  }
0x34: {  	[smem:$0x3FB4] =	sst s10  }
0x35: {  	s10 =	sld [smem:$0x3FB3];
	_ =	sdelay $0x3  }
0x36: {  	p1 =	seq.s32 s10, $0x1;
	s10 =	sld [smem:$0x3FB4];
	_ =	sdelay $0x3  }
0x37: {  	[smem:$0x3FB4] =	sst s10  }
0x38: {  	s10 =	sld [smem:$0x3FB5]  }
0x39: {  	_ = 	snop;
	(pc) =	sbr.ind lr, $3  }
0x3a: {  	_ = 	snop  }
0x3b: {  	_ = 	snop  }
0x3c: {  	p2 =	seq.s32 s10, $0x1;
	s10 =	sld [smem:$0x3FB4]  }
0x3d: {  	_ =	shalt  }
0x3e: {  	_ =	shalt  }
0x3f: {  	_ =	shalt  }
0x40: {  	_ =	shalt  }
0x41: {  	_ =	shalt  }
0x42: {  	_ =	shalt  }
0x43: {  	_ =	shalt  }
0x44: {  	_ =	shalt  }
0x45: {  	_ =	shalt  }
0x46: {  	_ =	shalt  }
0x47: {  	_ =	shalt  }
0x48: {  	_ =	shalt  }
0x49: {  	_ =	shalt  }
0x4a: {  	_ =	shalt  }
0x4b: {  	_ =	shalt  }
0x4c: {  	_ =	shalt  }
0x4d: {  	_ =	shalt  }
0x4e: {  	_ =	shalt  }
0x4f: {  	_ =	shalt  }
0x50: {  	_ =	shalt  }
0x51: {  	_ =	shalt  }
0x52: {  	_ =	shalt  }
0x53: {  	_ =	shalt  }
0x54: {  	_ =	shalt  }
0x55: {  	_ =	shalt  }
0x56: {  	_ =	shalt  }
0x57: {  	_ =	shalt  }
0x58: {  	_ =	shalt  }
0x59: {  	_ =	shalt  }
0x5a: {  	_ =	shalt  }
0x5b: {  	_ =	shalt  }
0x5c: {  	_ =	shalt  }
0x5d: {  	_ =	shalt  }
0x5e: {  	_ =	shalt  }
0x5f: {  	_ =	shalt  }
0x60: {  	_ =	shalt  }
0x61: {  	_ =	shalt  }
0x62: {  	_ =	shalt  }
0x63: {  	_ =	shalt  }
0x64: {  	_ =	shalt  }
0x65: {  	_ =	shalt  }
0x66: {  	_ =	shalt  }
0x67: {  	_ =	shalt  }
0x68: {  	_ =	shalt  }
0x69: {  	_ =	shalt  }
0x6a: {  	_ =	shalt  }
0x6b: {  	_ =	shalt  }
0x6c: {  	_ =	shalt  }
0x6d: {  	_ =	shalt  }
0x6e: {  	_ =	shalt  }
0x6f: {  	_ =	shalt  }
0x70: {  	_ =	shalt  }
0x71: {  	_ =	shalt  }
0x72: {  	_ =	shalt  }
0x73: {  	_ =	shalt  }
0x74: {  	_ =	shalt  }
0x75: {  	_ =	shalt  }
0x76: {  	_ =	shalt  }
0x77: {  	_ =	shalt  }
0x78: {  	_ =	shalt  }
0x79: {  	_ =	shalt  }
0x7a: {  	_ =	shalt  }
0x7b: {  	_ =	shalt  }
0x7c: {  	_ =	shalt  }
0x7d: {  	_ =	shalt  }
0x7e: {  	_ =	shalt  }
0x7f: {  	_ =	shalt  }
0x80: {  	_ =	shalt  }
0x81: {  	_ =	shalt  }
0x82: {  	_ =	shalt  }
0x83: {  	_ =	shalt  }
0x84: {  	_ =	shalt  }
0x85: {  	_ =	shalt  }
0x86: {  	_ =	shalt  }
0x87: {  	_ =	shalt  }
.Lfunc_end0:
.L_simem_size_0:
called_computation_lowered:
.L_overlay_start_0:
0x88: {  	s2 =	sld [smem:$0x3FD9]  }
0x89: {  	s3 =	sld [smem:$0x3FFE];
	_ =	sdelay $0x1  }
0x8a: {  	s1 =	srdreg.scid  }
0x8b: {  	s0 =	sand.u32 $0x1, s1  }
0x8c: {  	s17 =	sshll.u32 s0, $0xA;
	s2 =	sadd.s32 s3, s2  }
0x8d: {  	s2 =	sadd.s32 s2, s17  }
0x8e: {  	[smem:$0x3FC0] =	sst s2  }
0x8f: {  	_ = 	snop  }
0x90: {  	s2 =	sld [smem:$0x3FC9]  }
0x91: {  	s18 =	sld [smem:$0x3FD0];
	(tm) =	ssettm $0x1  }
0x92: {  	s4 =	sld [smem:$0x3FFB];
	_ =	sdelay $0x3  }
0x93: {  	_ =	strace s4  }
0x94: {  	s4 =	sld [smem:$0x3FFC];
	_ =	sdelay $0x3  }
0x95: {  	_ =	strace s4  }
0x96: {  	s4 =	sld [smem:$0x3FFD];
	_ =	sdelay $0x3  }
0x97: {  	_ =	strace s4  }
0x98: {  	_ =	strace $0x8FFFFFFF  }
0x99: {  	s19 =	sld [smem:$0x3FDB];
	_ =	sdelay $0x1  }
0x9a: {  	s5 =	simm.s32 $_scs_section_size  }
0x9b: {  	s6 =	simm.s32 $_size__tile_overlayer_lowered;
	s7 =	simm.s32 $_tile_overlayer_lowered  }
0x9c: {  	s22 =	simm.s32 $0x1BFF;
	s21 =	sshll.u32 s7, $0x1;
	s4 =	sadd.s32 s5, s19  }
0x9d: {  	s8 =	simm.s32 $0x0;
	s20 =	sshll.u32 s6, $0x1;
	s6 =	sadd.s32 s21, s4  }
0x9e: {  	[timem:s8], [sflag:s22] =	dma.local [hbm:s6], s20  }
0x9f: {  	_ =	swait.ge [sflag:s22], s20  }
0xa0: {  	s5 =	ssub.s32 $0x0, s20;
	[sflag:s22] =	ssyncset.done $0x0  }
0xa1: {  	[sflag:s22] =	ssyncadd.s32 s5;
	_ =	sdelay $0x1  }
0xa2: {  	s23 =	simm.s32 $0x1B8B  }
0xa3: {  	_ =	swait.ge [sflag:s23], $0x1  }
0xa4: {  	[sflag:s23] =	ssyncset.done $0x0  }
0xa5: {  	s25 =	simm.s32 $0x1B8E;
	s24 =	sld [smem:$0x3FFE];
	[sflag:s23] =	ssyncadd.s32 $0xFFFFFFFF  }
0xa6: {  	s26 =	simm.s32 $execute0_lowered;
	[smem:$0x3FD2] =	sst s25  }
0xa7: {  	s6 =	sshll.u32 s26, $0x1;
	_ =	strace $0x80000046;
	[dreg:$0x1] =	wrdreg $0xFFFFFFFF  }
0xa8: {  	s28 =	simm.s32 $_size_execute0_lowered;
	s4 =	sadd.s32 s4, s6;
	[dreg:$0x0] =	wrdreg $0x0  }
0xa9: {  	s6 =	sshll.u32 s28, $0x1;
	[dreg:$0x2] =	wrdreg s4  }
0xaa: {  	[dreg:$0x3] =	wrdreg s6  }
0xab: {  	[dreg:$0x4] =	wrdreg $0xC0  }
0xac: {  	_ =	task [dreg:s8], $0x5FFFF  }
0xad: {  	[dreg:$0x1] =	wrdreg $0xFFFFFFFF  }
0xae: {  	[dreg:$0x0] =	wrdreg $0x60  }
0xaf: {  	[dreg:$0x2] =	wrdreg s2  }
0xb0: {  	[dreg:$0x3] =	wrdreg s24  }
0xb1: {  	[dreg:$0x4] =	wrdreg s18  }
0xb2: {  	[dreg:$0x5] =	wrdreg $0xA0000  }
0xb3: {  	[dreg:$0x6] =	wrdreg $0x1E4800  }
0xb4: {  	[dreg:$0x7] =	wrdreg $0x9  }
0xb5: {  	_ =	task.clear_ibuf [dreg:s8], $0x8FFFF;
	_ =	strace $0x90000046  }
0xb6: {  	s29 =	simm.s32 $0x9;
	_ =	strace $0x80000048  }
0xb7: {  	_ =	swait.ge [sflag:s29], $0x1  }
0xb8: {  	[sflag:s29] =	ssyncadd.s32 $0xFFFFFFFF  }
0xb9: {  	_ =	strace $0x90000048  }
0xba: {  	_ =	sfence  }
0xbb: {  	s30 =	sld [smem:$0x0];
	_ =	sdelay $0x2  }
0xbc: {  	s31 =	sshll.u32 s1, $0xD;
	s1 =	sshrl.u32 s1, $0x2  }
0xbd: {  	s3 =	sand.u32 $0x4000, s31;
	s1 =	sadd.s32 s1, s30  }
0xbe: {  	s0 =	sor.u32 s3, s0;
	s1 =	sshll.u32 s1, $0x11  }
0xbf: {  	s0 =	sor.u32 s1, s0  }
0xc0: {  	s0 =	sadd.s32 $0x8F2B, s0  }
0xc1: {  	[sflag:s0] =	ssyncadd.remote.s32 $0x1  }
0xc2: {  	_ =	sfence.sel $0xFFFF  }
0xc3: {  	[dreg:$0x0] =	wrdreg $0xFFFFFFFF;
	(pc) =	sbr.abs _section_cstart, $3  }
0xc4: {  	[dreg:$0x1] =	wrdreg $0xFFFFFFFF  }
0xc5: {  	_ =	task.clear_ibuf [dreg:s8], $0x2FFFF;
	_ =	strace $0x9FFFFFFF  }
0xc6: {  	(tm) =	ssettm $0x7FFFFFFF  }
0xc7: {  	_ =	shalt  }
tec
execute0_lowered:
.L_overlay_start_1:
0x0: {  	(tag) =	ssettag $0x1  }
0x1: {  	s0 =	rddreg [dreg:$0x0]  }
0x2: {  	s1 =	rddreg [dreg:$0x1]  }
0x3: {  	s5 =	rddreg [dreg:$0x2]  }
0x4: {  	s2 =	rddreg [dreg:$0x3]  }
0x5: {  	s3 =	rddreg [dreg:$0x4];
	s13 =	stileid.u32  }
0x6: {  	s4 =	srdreg.scid;
	s8 =	smul.u32 $0x14000, s13  }
0x7: {  	s17 =	simm.s32 $0x0;
	s6 =	sand.u32 $0x1, s4;
	s19 =	smul.u32 $0x50000, s13  }
0x8: {  	[smem:$0x7FF] =	sst s17;
	s10 =	sshll.u32 s13, $0x1;
	s7 =	smul.u32 $0x140000, s6  }
0x9: {  	s18 =	sor.u32 s6, s10;
	s11 =	ssub.s32 $0x2, s6;
	s6 =	smul.u32 $0x500, s6  }
0xa: {  	s9 =	sadd.s32 $0x2200, s1;
	s12 =	sadd.s32 $0xC200, s1;
	_ =	strace $0x80000047  }
0xb: {  	s20 =	sshrl.u32 s11, $0x1;
	s10 =	sshrl.u32 s19, $0x2;
	s14 =	sadd.s32 s5, s6  }
0xc: {  	s7 =	sadd.s32 s8, s7;
	s31 =	sadd.s32 s10, s2;
	[dreg:$0x11] =	wrdreg s14  }
0xd: {  	s8 =	smul.u32 $0x2800, s18;
	s16 =	sadd.s32 $0x4000, s31;
	[smem:$0x7FD] =	sst s31  }
0xe: {  	s7 =	sshrl.u32 s7, $0x3;
	s17 =	sadd.s32 $0x8000, s31;
	[dreg:$0x13] =	wrdreg s16  }
0xf: {  	s18 =	sadd.s32 $0xC000, s31;
	s19 =	sadd.s32 $0x10000, s31;
	[dreg:$0x14] =	wrdreg s17  }
0x10: {  	s1 =	sadd.s32 s7, s1;
	s7 =	ssub.s32 s11, s20;
	[dreg:$0x15] =	wrdreg s18  }
0x11: {  	s8 =	sshrl.u32 s8, $0x3;
	[dreg:$0x16] =	wrdreg s19;
	s20 =	sadd.s32 $0x400, s3  }
0x12: {  	s21 =	sadd.s32 s9, s8;
	[dreg:$0x17] =	wrdreg s20  }
0x13: {  	s23 =	sadd.s32 s12, s8;
	[dreg:$0x6] =	wrdreg s21  }
0x14: {  	s1 =	sadd.s32 $0x16200, s1;
	[dreg:$0x7] =	wrdreg s23  }
0x15: {  	s22 =	sadd.s32 $0x100, s8;
	s15 =	smax.u32 s7, $0x1;
	[dreg:$0x10] =	wrdreg s1  }
0x16: {  	s24 =	sadd.s32 s9, s22;
	[dreg:$0x12] =	wrdreg s15  }
0x17: {  	s25 =	sadd.s32 $0x200, s8;
	s10 =	sadd.s32 s12, s22;
	[dreg:$0x8] =	wrdreg s24  }
0x18: {  	s29 =	simm.s32 $0x1580;
	s26 =	sadd.s32 s9, s25;
	[dreg:$0x9] =	wrdreg s10  }
0x19: {  	s30 =	sadd.s32 $0x300, s8;
	s28 =	sadd.s32 s12, s25;
	[dreg:$0xa] =	wrdreg s26  }
0x1a: {  	s8 =	sadd.s32 $0x400, s8;
	s4 =	sadd.s32 s9, s30;
	[dreg:$0xb] =	wrdreg s28  }
0x1b: {  	p0 =	sne.s32 s13, $0x0;
	s9 =	sadd.s32 s9, s8;
	[dreg:$0xc] =	wrdreg s4  }
0x1c: {  	s13 =	simm.s32 $0x80;
	s8 =	sadd.s32 s12, s8;
	[dreg:$0xe] =	wrdreg s9  }
0x1d: {  	s5 =	simm.s32 $0x1000;
	s21 =	sadd.s32 $0x800, s3;
	[dreg:$0xf] =	wrdreg s8  }
0x1e: {  	s6 =	simm.s32 $0x0;
	s22 =	sadd.s32 $0xC00, s3;
	[dreg:$0x18] =	wrdreg s21  }
0x1f: {  	s14 =	simm.s32 $0x6000;
	s23 =	sadd.s32 $0x1000, s3;
	[dreg:$0x19] =	wrdreg s22  }
0x20: {  	s18 =	simm.s32 $0x1800;
	s25 =	sadd.s32 $0x1800, s3;
	[dreg:$0x1a] =	wrdreg s23  }
0x21: {  	s16 =	simm.s32 $0x1E000;
	s10 =	sadd.s32 s12, s30;
	[dreg:$0x1c] =	wrdreg s25  }
0x22: {  	s17 =	simm.s32 $0x2;
	s24 =	sadd.s32 $0x1400, s3;
	[dreg:$0xd] =	wrdreg s10  }
0x23: {  	s7 =	simm.s32 $0x2000;
	s26 =	sadd.s32 $0x1C00, s3;
	[dreg:$0x1b] =	wrdreg s24  }
0x24: {  	s15 =	simm.s32 $0x5;
	s28 =	sadd.s32 $0x2000, s3;
	[dreg:$0x1d] =	wrdreg s26  }
0x25: {  	s30 =	sadd.s32 $0x2400, s3;
	s8 =	simm.s32 $0x1;
	[dreg:$0x1e] =	wrdreg s28  }
0x26: {  	v0 =	vimm.f32 $0.0e+00;
	v1 =	vimm.f32 $1.000000000e+00;
	s12 =	simm.s32 $0x3;
	[dreg:$0x1f] =	wrdreg s30;
	s24 =	simm.s32 $0x800  }
.LBB2_1:
0x27: {  	s28 =	simm.s32 $0x0;
	s30 =	simm.s32 $0x200  }
.LBB2_2:
0x28: {  	p1 =	sne.s32 s30, $0xFE00;
	[tilespmem:s28+$0x2070] =	vst v0  }
0x29: {  	[tilespmem:s28+$0x2000] =	vst v0  }
0x2a: {  	[tilespmem:s28+$0x2010] =	vst v0  }
.Ltmp0:
0x2b: {  	[tilespmem:s28+$0x2020] =	vst v0;
	(pc) =	sbr.rel @p1 .LBB2_2-.Ltmp0, $4  }
0x2c: {  	[tilespmem:s28+$0x2030] =	vst v0  }
0x2d: {  	[tilespmem:s28+$0x2040] =	vst v0  }
0x2e: {  	[tilespmem:s28+$0x2050] =	vst v0  }
0x2f: {  	[tilespmem:s28+$0x2060] =	vst v0;
	s28 =	sshra.s32 s30, $0x2;
	s30 =	sadd.s32 $0x200, s30  }
0x30: {  	[tilespmem:s28+$0x2070] =	vst v0  }
0x31: {  	[tilespmem:s28+$0x2000] =	vst v0  }
0x32: {  	[tilespmem:s28+$0x2010] =	vst v0  }
0x33: {  	[tilespmem:s28+$0x2020] =	vst v0  }
0x34: {  	[tilespmem:s28+$0x2030] =	vst v0  }
0x35: {  	[tilespmem:s28+$0x2040] =	vst v0  }
0x36: {  	[tilespmem:s28+$0x2050] =	vst v0  }
0x37: {  	[tilespmem:s28+$0x2060] =	vst v0  }
0x38: {  	[spmem:s31] =	stream.linear.scatter [tilespmem:s7], [sflag:$0x1], $0x4000, $0x38;
	[tilespmem:$0x1E700] =	vst v63  }
0x39: {  	s28 =	rddreg [dreg:$0x13]  }
0x3a: {  	[spmem:s28] =	stream.linear.scatter [tilespmem:s7], [sflag:$0x1], $0x4000, $0x38;
	[tilespmem:$0x1E700] =	vst v63  }
0x3b: {  	s28 =	rddreg [dreg:$0x14]  }
0x3c: {  	[spmem:s28] =	stream.linear.scatter [tilespmem:s7], [sflag:$0x1], $0x4000, $0x38;
	[tilespmem:$0x1E700] =	vst v63  }
0x3d: {  	s28 =	rddreg [dreg:$0x15]  }
0x3e: {  	[spmem:s28] =	stream.linear.scatter [tilespmem:s7], [sflag:$0x1], $0x4000, $0x38;
	[tilespmem:$0x1E700] =	vst v63  }
0x3f: {  	s28 =	rddreg [dreg:$0x16]  }
0x40: {  	[spmem:s28] =	stream.linear.scatter [tilespmem:s7], [sflag:$0x1], $0x4000, $0x38;
	[tilespmem:$0x1E700] =	vst v63  }
0x41: {  	_ =	swait.ge [sflag:s8], $0x4000  }
0x42: {  	[sflag:s8] =	ssyncset.done $0x0  }
0x43: {  	[sflag:s8] =	ssyncadd.s32 $0xFFFFC000  }
0x44: {  	_ =	swait.ge [sflag:s8], $0x4000  }
0x45: {  	[sflag:s8] =	ssyncset.done $0x0  }
0x46: {  	[sflag:s8] =	ssyncadd.s32 $0xFFFFC000  }
0x47: {  	_ =	swait.ge [sflag:s8], $0x4000  }
0x48: {  	[sflag:s8] =	ssyncset.done $0x0  }
0x49: {  	[sflag:s8] =	ssyncadd.s32 $0xFFFFC000  }
0x4a: {  	_ =	swait.ge [sflag:s8], $0x4000  }
0x4b: {  	[sflag:s8] =	ssyncset.done $0x0  }
0x4c: {  	[sflag:s8] =	ssyncadd.s32 $0xFFFFC000  }
0x4d: {  	_ =	swait.ge [sflag:s8], $0x4000  }
0x4e: {  	[sflag:s8] =	ssyncset.done $0x0  }
0x4f: {  	[sflag:s8] =	ssyncadd.s32 $0xFFFFC000  }
0x50: {  	[tilespmem:$0x1E000] =	vst v1  }
0x51: {  	[tilespmem:$0x1E010] =	vst v1  }
0x52: {  	[tilespmem:$0x1E020] =	vst v1  }
0x53: {  	[tilespmem:$0x1E030] =	vst v1  }
0x54: {  	[tilespmem:$0x1E040] =	vst v1  }
0x55: {  	[tilespmem:$0x1E050] =	vst v1  }
0x56: {  	[tilespmem:$0x1E060] =	vst v1  }
0x57: {  	s30 =	simm.s32 $0x0;
	s28 =	simm.s32 $0x40;
	[tilespmem:$0x1E070] =	vst v1  }
.LBB2_4:
0x58: {  	p1 =	sne.s32 s28, $0xFC0;
	[tilespmem:s30+$0x1E080] =	vst v0;
	s30 =	smov.u32 s28;
	s28 =	sadd.s32 $0x40, s28  }
.Ltmp1:
0x59: {  	(pc) =	sbr.rel @p1 .LBB2_4-.Ltmp1, $2  }
0x5a: {  	_ =	sdelay $0x2  }
0x5b: {  	s30 =	sshra.s32 s30, $0x2  }
0x5c: {  	[tilespmem:s30+$0x1E080] =	vst v0;
	s28 =	simm.s32 @!p0 $0x1E080;
	s30 =	simm.s32 @!p0 $0x5  }
0x5d: {  	[spmem:s3] =	stream.linear.scatter @!p0 [tilespmem:s28], [sflag:$0x5], $0x400, $0x38;
	[tilespmem:$0x1E700] =	vst v63  }
0x5e: {  	_ =	swait.ge @!p0 [sflag:s30], $0x400  }
0x5f: {  	[sflag:s30] =	ssyncset.done @!p0 $0x0  }
0x60: {  	s31 =	rddreg [dreg:$0x17];
	[sflag:s30] =	ssyncadd.s32 @!p0 $0xFFFFFC00  }
0x61: {  	[spmem:s31] =	stream.linear.scatter @!p0 [tilespmem:s28], [sflag:$0x5], $0x400, $0x38;
	[tilespmem:$0x1E700] =	vst v63  }
0x62: {  	_ =	swait.ge @!p0 [sflag:s30], $0x400  }
0x63: {  	[sflag:s30] =	ssyncset.done @!p0 $0x0  }
0x64: {  	s31 =	rddreg [dreg:$0x18];
	[sflag:s30] =	ssyncadd.s32 @!p0 $0xFFFFFC00  }
0x65: {  	[spmem:s31] =	stream.linear.scatter @!p0 [tilespmem:s28], [sflag:$0x5], $0x400, $0x38;
	[tilespmem:$0x1E700] =	vst v63  }
0x66: {  	_ =	swait.ge @!p0 [sflag:s30], $0x400  }
0x67: {  	[sflag:s30] =	ssyncset.done @!p0 $0x0  }
0x68: {  	s31 =	rddreg [dreg:$0x19];
	[sflag:s30] =	ssyncadd.s32 @!p0 $0xFFFFFC00  }
0x69: {  	[spmem:s31] =	stream.linear.scatter @!p0 [tilespmem:s28], [sflag:$0x5], $0x400, $0x38;
	[tilespmem:$0x1E700] =	vst v63  }
0x6a: {  	_ =	swait.ge @!p0 [sflag:s30], $0x400  }
0x6b: {  	[sflag:s30] =	ssyncset.done @!p0 $0x0  }
0x6c: {  	s31 =	rddreg [dreg:$0x1a];
	[sflag:s30] =	ssyncadd.s32 @!p0 $0xFFFFFC00  }
0x6d: {  	[spmem:s31] =	stream.linear.scatter @!p0 [tilespmem:s28], [sflag:$0x5], $0x400, $0x38;
	[tilespmem:$0x1E700] =	vst v63  }
0x6e: {  	_ =	swait.ge @!p0 [sflag:s30], $0x400  }
0x6f: {  	[sflag:s30] =	ssyncset.done @!p0 $0x0  }
0x70: {  	s31 =	rddreg [dreg:$0x1b];
	[sflag:s30] =	ssyncadd.s32 @!p0 $0xFFFFFC00  }
0x71: {  	[spmem:s31] =	stream.linear.scatter @!p0 [tilespmem:s28], [sflag:$0x5], $0x400, $0x38;
	[tilespmem:$0x1E700] =	vst v63  }
0x72: {  	_ =	swait.ge @!p0 [sflag:s30], $0x400  }
0x73: {  	[sflag:s30] =	ssyncset.done @!p0 $0x0  }
0x74: {  	s31 =	rddreg [dreg:$0x1c];
	[sflag:s30] =	ssyncadd.s32 @!p0 $0xFFFFFC00  }
0x75: {  	[spmem:s31] =	stream.linear.scatter @!p0 [tilespmem:s28], [sflag:$0x5], $0x400, $0x38;
	[tilespmem:$0x1E700] =	vst v63  }
0x76: {  	_ =	swait.ge @!p0 [sflag:s30], $0x400  }
0x77: {  	[sflag:s30] =	ssyncset.done @!p0 $0x0  }
0x78: {  	s31 =	rddreg [dreg:$0x1d];
	[sflag:s30] =	ssyncadd.s32 @!p0 $0xFFFFFC00  }
0x79: {  	[spmem:s31] =	stream.linear.scatter @!p0 [tilespmem:s28], [sflag:$0x5], $0x400, $0x38;
	[tilespmem:$0x1E700] =	vst v63  }
0x7a: {  	_ =	swait.ge @!p0 [sflag:s30], $0x400  }
0x7b: {  	[sflag:s30] =	ssyncset.done @!p0 $0x0  }
0x7c: {  	s31 =	rddreg [dreg:$0x1e];
	[sflag:s30] =	ssyncadd.s32 @!p0 $0xFFFFFC00  }
0x7d: {  	[spmem:s31] =	stream.linear.scatter @!p0 [tilespmem:s28], [sflag:$0x5], $0x400, $0x38;
	[tilespmem:$0x1E700] =	vst v63  }
0x7e: {  	_ =	swait.ge @!p0 [sflag:s30], $0x400  }
0x7f: {  	[sflag:s30] =	ssyncset.done @!p0 $0x0  }
0x80: {  	s31 =	rddreg [dreg:$0x1f];
	[sflag:s30] =	ssyncadd.s32 @!p0 $0xFFFFFC00  }
0x81: {  	[spmem:s31] =	stream.linear.scatter @!p0 [tilespmem:s28], [sflag:$0x5], $0x400, $0x38;
	[tilespmem:$0x1E700] =	vst v63  }
0x82: {  	_ =	swait.ge @!p0 [sflag:s30], $0x400  }
0x83: {  	[sflag:s30] =	ssyncset.done @!p0 $0x0  }
0x84: {  	s28 =	simm.s32 $0x0;
	[sflag:s30] =	ssyncadd.s32 @!p0 $0xFFFFFC00;
	s30 =	rddreg [dreg:$0x6]  }
0x85: {  	[tilespmem:s28], [sflag:$0x3] =	stream.linear.gather [hbm4b:s30+s28], $0x800, $0x38;
	[tilespmem:$0x1E700] =	vst v63  }
0x86: {  	s30 =	rddreg [dreg:$0x7]  }
0x87: {  	[tilespmem:s5], [sflag:$0x3] =	stream.linear.gather [hbm4b:s30+s28], $0x800, $0x38;
	[tilespmem:$0x1E700] =	vst v63  }
0x88: {  	s30 =	rddreg [dreg:$0x8]  }
0x89: {  	[tilespmem:s24], [sflag:$0x4] =	stream.linear.gather [hbm4b:s30+s28], $0x800, $0x38;
	[tilespmem:$0x1E700] =	vst v63  }
0x8a: {  	s30 =	rddreg [dreg:$0x9]  }
0x8b: {  	[tilespmem:s18], [sflag:$0x4] =	stream.linear.gather [hbm4b:s30+s28], $0x800, $0x38;
	[tilespmem:$0x1E700] =	vst v63  }
0x8c: {  	[bflag:$0x0] =	sbarrier.arrive $0xFFFF  }
0x8d: {  	_ =	swait.ge [sflag:s12], $0x800  }
0x8e: {  	[sflag:s12] =	ssyncset.done $0x0  }
0x8f: {  	[sflag:s12] =	ssyncadd.s32 $0xFFFFF800  }
0x90: {  	_ =	swait.ge [sflag:s12], $0x800  }
0x91: {  	[sflag:s12] =	ssyncset.done $0x0  }
0x92: {  	[sflag:s12] =	ssyncadd.s32 $0xFFFFF800  }
0x93: {  	[tilespmem:s7], [sflag:$0x1] =	stream.indirect.gather [hbm4b:s0+s13], $0x80, s28, s13, $0xb8;
	[tilespmem:$0x1E700] =	vst v63  }
0x94: {  	_ = 	snop  }
0x95: {  	[tilespmem:s14], [sflag:$0x2] =	stream.indirect.gather [hbm4b:s0+s13], $0x80, s13, s13, $0xb8;
	[tilespmem:$0x1E700] =	vst v63  }
0x96: {  	_ =	swait.ge [sflag:s8], $0x4000  }
0x97: {  	[sflag:s8] =	ssyncset.done $0x0  }
0x98: {  	s28 =	simm.s32 $0x1000;
	[sflag:s8] =	ssyncadd.s32 $0xFFFFC000  }
0x99: {  	[spmem:s2] =	stream.indirect.scatter.add.f32 [tilespmem:s7], [sflag:$0x5], $0x80, s28, s13, $0xb8;
	[tilespmem:$0x1E700] =	vst v63  }
0x9a: {  	_ =	swait.ge [sflag:s15], $0x4000  }
0x9b: {  	[sflag:s15] =	ssyncset.done $0x0  }
0x9c: {  	[sflag:s15] =	ssyncadd.s32 $0xFFFFC000  }
0x9d: {  	[spmem:s3] =	stream.indirect.scatter.add.f32 [tilespmem:s16], [sflag:$0x5], $0x1, s28, s13, $0xb8;
	[tilespmem:$0x1E700] =	vst v63  }
0x9e: {  	_ =	swait.ge [sflag:s15], $0x80  }
0x9f: {  	[sflag:s15] =	ssyncset.done $0x0  }
0xa0: {  	s28 =	simm.s32 $0x100;
	[sflag:s15] =	ssyncadd.s32 $0xFFFFFF80  }
0xa1: {  	[tilespmem:s7], [sflag:$0x1] =	stream.indirect.gather [hbm4b:s0+s13], $0x80, s28, s13, $0xb8;
	[tilespmem:$0x1E700] =	vst v63  }
0xa2: {  	_ =	swait.ge [sflag:s17], $0x4000  }
0xa3: {  	[sflag:s17] =	ssyncset.done $0x0  }
0xa4: {  	s28 =	simm.s32 $0x1080;
	[sflag:s17] =	ssyncadd.s32 $0xFFFFC000  }
0xa5: {  	[spmem:s2] =	stream.indirect.scatter.add.f32 [tilespmem:s14], [sflag:$0x5], $0x80, s28, s13, $0xb8;
	[tilespmem:$0x1E700] =	vst v63  }
0xa6: {  	_ =	swait.ge [sflag:s15], $0x4000  }
0xa7: {  	[sflag:s15] =	ssyncset.done $0x0  }
0xa8: {  	[sflag:s15] =	ssyncadd.s32 $0xFFFFC000  }
0xa9: {  	[spmem:s3] =	stream.indirect.scatter.add.f32 [tilespmem:s16], [sflag:$0x5], $0x1, s28, s13, $0xb8;
	[tilespmem:$0x1E700] =	vst v63  }
0xaa: {  	_ =	swait.ge [sflag:s15], $0x80  }
0xab: {  	[sflag:s15] =	ssyncset.done $0x0  }
0xac: {  	s30 =	simm.s32 $0x180;
	s28 =	simm.s32 $0x400;
	[sflag:s15] =	ssyncadd.s32 $0xFFFFFF80  }
.LBB2_6:
0xad: {  	[tilespmem:s14], [sflag:$0x2] =	stream.indirect.gather [hbm4b:s0+s13], $0x80, s30, s13, $0xb8;
	[tilespmem:$0x1E700] =	vst v63  }
0xae: {  	s30 =	smov.u32 s28  }
0xaf: {  	p1 =	sne.s32 s28, $0x1800;
	s28 =	sadd.s32 $0x400, s28;
	_ =	swait.ge [sflag:s8], $0x4000  }
0xb0: {  	s30 =	sshra.s32 s30, $0x2;
	[sflag:s8] =	ssyncset.done $0x0  }
0xb1: {  	s31 =	sadd.s32 $0x1000, s30;
	[sflag:s8] =	ssyncadd.s32 $0xFFFFC000  }
0xb2: {  	[spmem:s2] =	stream.indirect.scatter.add.f32 [tilespmem:s7], [sflag:$0x5], $0x80, s31, s13, $0xb8;
	[tilespmem:$0x1E700] =	vst v63  }
0xb3: {  	_ =	swait.ge [sflag:s15], $0x4000  }
0xb4: {  	[sflag:s15] =	ssyncset.done $0x0  }
0xb5: {  	[sflag:s15] =	ssyncadd.s32 $0xFFFFC000  }
0xb6: {  	[spmem:s3] =	stream.indirect.scatter.add.f32 [tilespmem:s16], [sflag:$0x5], $0x1, s31, s13, $0xb8;
	[tilespmem:$0x1E700] =	vst v63  }
0xb7: {  	_ =	swait.ge [sflag:s15], $0x80  }
0xb8: {  	[sflag:s15] =	ssyncset.done $0x0  }
0xb9: {  	s31 =	sadd.s32 $0x100, s30;
	[sflag:s15] =	ssyncadd.s32 $0xFFFFFF80  }
0xba: {  	[tilespmem:s7], [sflag:$0x1] =	stream.indirect.gather [hbm4b:s0+s13], $0x80, s31, s13, $0xb8;
	[tilespmem:$0x1E700] =	vst v63  }
0xbb: {  	_ =	swait.ge [sflag:s17], $0x4000  }
0xbc: {  	[sflag:s17] =	ssyncset.done $0x0  }
0xbd: {  	s31 =	sadd.s32 $0x1080, s30;
	[sflag:s17] =	ssyncadd.s32 $0xFFFFC000  }
0xbe: {  	[spmem:s2] =	stream.indirect.scatter.add.f32 [tilespmem:s14], [sflag:$0x5], $0x80, s31, s13, $0xb8;
	[tilespmem:$0x1E700] =	vst v63  }
0xbf: {  	_ =	swait.ge [sflag:s15], $0x4000  }
0xc0: {  	[sflag:s15] =	ssyncset.done $0x0  }
.Ltmp2:
0xc1: {  	[sflag:s15] =	ssyncadd.s32 $0xFFFFC000;
	(pc) =	sbr.rel @p1 .LBB2_6-.Ltmp2, $4  }
0xc2: {  	[spmem:s3] =	stream.indirect.scatter.add.f32 [tilespmem:s16], [sflag:$0x5], $0x1, s31, s13, $0xb8;
	[tilespmem:$0x1E700] =	vst v63  }
0xc3: {  	_ =	swait.ge [sflag:s15], $0x80  }
0xc4: {  	[sflag:s15] =	ssyncset.done $0x0  }
0xc5: {  	s30 =	sadd.s32 $0x180, s30;
	[sflag:s15] =	ssyncadd.s32 $0xFFFFFF80  }
0xc6: {  	[tilespmem:s14], [sflag:$0x2] =	stream.indirect.gather [hbm4b:s0+s13], $0x80, s30, s13, $0xb8;
	[tilespmem:$0x1E700] =	vst v63  }
0xc7: {  	_ =	swait.ge [sflag:s8], $0x4000  }
0xc8: {  	[sflag:s8] =	ssyncset.done $0x0  }
0xc9: {  	s1 =	simm.s32 $0x1700;
	[sflag:s8] =	ssyncadd.s32 $0xFFFFC000  }
0xca: {  	[spmem:s2] =	stream.indirect.scatter.add.f32 [tilespmem:s7], [sflag:$0x5], $0x80, s1, s13, $0xb8;
	[tilespmem:$0x1E700] =	vst v63  }
0xcb: {  	_ =	swait.ge [sflag:s15], $0x4000  }
0xcc: {  	[sflag:s15] =	ssyncset.done $0x0  }
0xcd: {  	[sflag:s15] =	ssyncadd.s32 $0xFFFFC000  }
0xce: {  	[spmem:s3] =	stream.indirect.scatter.add.f32 [tilespmem:s16], [sflag:$0x5], $0x1, s1, s13, $0xb8;
	[tilespmem:$0x1E700] =	vst v63  }
0xcf: {  	_ =	swait.ge [sflag:s15], $0x80  }
0xd0: {  	[sflag:s15] =	ssyncset.done $0x0  }
0xd1: {  	s24 =	simm.s32 $0x4;
	[sflag:s15] =	ssyncadd.s32 $0xFFFFFF80  }
0xd2: {  	_ =	swait.ge [sflag:s24], $0x800  }
0xd3: {  	[sflag:s24] =	ssyncset.done $0x0  }
0xd4: {  	[sflag:s24] =	ssyncadd.s32 $0xFFFFF800  }
0xd5: {  	_ =	swait.ge [sflag:s24], $0x800  }
0xd6: {  	[sflag:s24] =	ssyncset.done $0x0  }
0xd7: {  	s22 =	simm.s32 $0x800;
	[sflag:s24] =	ssyncadd.s32 $0xFFFFF800  }
0xd8: {  	[tilespmem:s7], [sflag:$0x1] =	stream.indirect.gather [hbm4b:s0+s13], $0x80, s22, s13, $0xb8;
	[tilespmem:$0x1E700] =	vst v63  }
0xd9: {  	_ =	swait.ge [sflag:s17], $0x4000  }
0xda: {  	[sflag:s17] =	ssyncset.done $0x0  }
0xdb: {  	s23 =	simm.s32 $0x1780;
	[sflag:s17] =	ssyncadd.s32 $0xFFFFC000  }
0xdc: {  	[spmem:s2] =	stream.indirect.scatter.add.f32 [tilespmem:s14], [sflag:$0x5], $0x80, s23, s13, $0xb8;
	[tilespmem:$0x1E700] =	vst v63  }
0xdd: {  	_ =	swait.ge [sflag:s15], $0x4000  }
0xde: {  	[sflag:s15] =	ssyncset.done $0x0  }
0xdf: {  	[sflag:s15] =	ssyncadd.s32 $0xFFFFC000  }
0xe0: {  	[spmem:s3] =	stream.indirect.scatter.add.f32 [tilespmem:s16], [sflag:$0x5], $0x1, s23, s13, $0xb8;
	[tilespmem:$0x1E700] =	vst v63  }
0xe1: {  	_ =	swait.ge [sflag:s15], $0x80  }
0xe2: {  	[sflag:s15] =	ssyncset.done $0x0  }
0xe3: {  	s25 =	simm.s32 $0x880;
	[sflag:s15] =	ssyncadd.s32 $0xFFFFFF80  }
0xe4: {  	[tilespmem:s14], [sflag:$0x2] =	stream.indirect.gather [hbm4b:s0+s13], $0x80, s25, s13, $0xb8;
	[tilespmem:$0x1E700] =	vst v63  }
0xe5: {  	s1 =	simm.s32 $0x0;
	s28 =	rddreg [dreg:$0xa]  }
0xe6: {  	[tilespmem:s1], [sflag:$0x3] =	stream.linear.gather [hbm4b:s28+s1], $0x800, $0x38;
	[tilespmem:$0x1E700] =	vst v63  }
0xe7: {  	s26 =	rddreg [dreg:$0xb]  }
0xe8: {  	[tilespmem:s5], [sflag:$0x3] =	stream.linear.gather [hbm4b:s26+s1], $0x800, $0x38;
	[tilespmem:$0x1E700] =	vst v63  }
0xe9: {  	_ =	swait.ge [sflag:s8], $0x4000  }
0xea: {  	[sflag:s8] =	ssyncset.done $0x0  }
0xeb: {  	s20 =	simm.s32 $0x1800;
	[sflag:s8] =	ssyncadd.s32 $0xFFFFC000  }
0xec: {  	[spmem:s2] =	stream.indirect.scatter.add.f32 [tilespmem:s7], [sflag:$0x5], $0x80, s20, s13, $0xb8;
	[tilespmem:$0x1E700] =	vst v63  }
0xed: {  	_ =	swait.ge [sflag:s15], $0x4000  }
0xee: {  	[sflag:s15] =	ssyncset.done $0x0  }
0xef: {  	[sflag:s15] =	ssyncadd.s32 $0xFFFFC000  }
0xf0: {  	[spmem:s3] =	stream.indirect.scatter.add.f32 [tilespmem:s16], [sflag:$0x5], $0x1, s20, s13, $0xb8;
	[tilespmem:$0x1E700] =	vst v63  }
0xf1: {  	_ =	swait.ge [sflag:s15], $0x80  }
0xf2: {  	[sflag:s15] =	ssyncset.done $0x0  }
0xf3: {  	s4 =	simm.s32 $0x900;
	[sflag:s15] =	ssyncadd.s32 $0xFFFFFF80  }
0xf4: {  	[tilespmem:s7], [sflag:$0x1] =	stream.indirect.gather [hbm4b:s0+s13], $0x80, s4, s13, $0xb8;
	[tilespmem:$0x1E700] =	vst v63  }
0xf5: {  	_ =	swait.ge [sflag:s17], $0x4000  }
0xf6: {  	[sflag:s17] =	ssyncset.done $0x0  }
0xf7: {  	s30 =	simm.s32 $0x1880;
	[sflag:s17] =	ssyncadd.s32 $0xFFFFC000  }
0xf8: {  	[spmem:s2] =	stream.indirect.scatter.add.f32 [tilespmem:s14], [sflag:$0x5], $0x80, s30, s13, $0xb8;
	[tilespmem:$0x1E700] =	vst v63  }
0xf9: {  	_ =	swait.ge [sflag:s15], $0x4000  }
0xfa: {  	[sflag:s15] =	ssyncset.done $0x0  }
0xfb: {  	[sflag:s15] =	ssyncadd.s32 $0xFFFFC000  }
0xfc: {  	[spmem:s3] =	stream.indirect.scatter.add.f32 [tilespmem:s16], [sflag:$0x5], $0x1, s30, s13, $0xb8;
	[tilespmem:$0x1E700] =	vst v63  }
0xfd: {  	_ =	swait.ge [sflag:s15], $0x80  }
0xfe: {  	[sflag:s15] =	ssyncset.done $0x0  }
0xff: {  	s5 =	simm.s32 $0x980;
	[sflag:s15] =	ssyncadd.s32 $0xFFFFFF80  }
0x100: {  	[tilespmem:s14], [sflag:$0x2] =	stream.indirect.gather [hbm4b:s0+s13], $0x80, s5, s13, $0xb8;
	[tilespmem:$0x1E700] =	vst v63  }
0x101: {  	_ =	swait.ge [sflag:s8], $0x4000  }
0x102: {  	[sflag:s8] =	ssyncset.done $0x0  }
0x103: {  	s5 =	simm.s32 $0x1900;
	[sflag:s8] =	ssyncadd.s32 $0xFFFFC000  }
0x104: {  	[spmem:s2] =	stream.indirect.scatter.add.f32 [tilespmem:s7], [sflag:$0x5], $0x80, s5, s13, $0xb8;
	[tilespmem:$0x1E700] =	vst v63  }
0x105: {  	_ =	swait.ge [sflag:s15], $0x4000  }
0x106: {  	[sflag:s15] =	ssyncset.done $0x0  }
0x107: {  	[sflag:s15] =	ssyncadd.s32 $0xFFFFC000  }
0x108: {  	[spmem:s3] =	stream.indirect.scatter.add.f32 [tilespmem:s16], [sflag:$0x5], $0x1, s5, s13, $0xb8;
	[tilespmem:$0x1E700] =	vst v63  }
0x109: {  	_ =	swait.ge [sflag:s15], $0x80  }
0x10a: {  	[sflag:s15] =	ssyncset.done $0x0  }
0x10b: {  	s10 =	simm.s32 $0xA00;
	[sflag:s15] =	ssyncadd.s32 $0xFFFFFF80  }
0x10c: {  	[tilespmem:s7], [sflag:$0x1] =	stream.indirect.gather [hbm4b:s0+s13], $0x80, s10, s13, $0xb8;
	[tilespmem:$0x1E700] =	vst v63  }
0x10d: {  	_ =	swait.ge [sflag:s17], $0x4000  }
0x10e: {  	[sflag:s17] =	ssyncset.done $0x0  }
0x10f: {  	s11 =	simm.s32 $0x1980;
	[sflag:s17] =	ssyncadd.s32 $0xFFFFC000  }
0x110: {  	[spmem:s2] =	stream.indirect.scatter.add.f32 [tilespmem:s14], [sflag:$0x5], $0x80, s11, s13, $0xb8;
	[tilespmem:$0x1E700] =	vst v63  }
0x111: {  	_ =	swait.ge [sflag:s15], $0x4000  }
0x112: {  	[sflag:s15] =	ssyncset.done $0x0  }
0x113: {  	[sflag:s15] =	ssyncadd.s32 $0xFFFFC000  }
0x114: {  	[spmem:s3] =	stream.indirect.scatter.add.f32 [tilespmem:s16], [sflag:$0x5], $0x1, s11, s13, $0xb8;
	[tilespmem:$0x1E700] =	vst v63  }
0x115: {  	_ =	swait.ge [sflag:s15], $0x80  }
0x116: {  	[sflag:s15] =	ssyncset.done $0x0  }
0x117: {  	s19 =	simm.s32 $0xA80;
	[sflag:s15] =	ssyncadd.s32 $0xFFFFFF80  }
0x118: {  	[tilespmem:s14], [sflag:$0x2] =	stream.indirect.gather [hbm4b:s0+s13], $0x80, s19, s13, $0xb8;
	[tilespmem:$0x1E700] =	vst v63  }
0x119: {  	_ =	swait.ge [sflag:s8], $0x4000  }
0x11a: {  	[sflag:s8] =	ssyncset.done $0x0  }
0x11b: {  	s21 =	simm.s32 $0x1A00;
	[sflag:s8] =	ssyncadd.s32 $0xFFFFC000  }
0x11c: {  	[spmem:s2] =	stream.indirect.scatter.add.f32 [tilespmem:s7], [sflag:$0x5], $0x80, s21, s13, $0xb8;
	[tilespmem:$0x1E700] =	vst v63  }
0x11d: {  	_ =	swait.ge [sflag:s15], $0x4000  }
0x11e: {  	[sflag:s15] =	ssyncset.done $0x0  }
0x11f: {  	[sflag:s15] =	ssyncadd.s32 $0xFFFFC000  }
0x120: {  	[spmem:s3] =	stream.indirect.scatter.add.f32 [tilespmem:s16], [sflag:$0x5], $0x1, s21, s13, $0xb8;
	[tilespmem:$0x1E700] =	vst v63  }
0x121: {  	_ =	swait.ge [sflag:s15], $0x80  }
0x122: {  	[sflag:s15] =	ssyncset.done $0x0  }
0x123: {  	s22 =	simm.s32 $0xB00;
	[sflag:s15] =	ssyncadd.s32 $0xFFFFFF80  }
0x124: {  	[tilespmem:s7], [sflag:$0x1] =	stream.indirect.gather [hbm4b:s0+s13], $0x80, s22, s13, $0xb8;
	[tilespmem:$0x1E700] =	vst v63  }
0x125: {  	_ =	swait.ge [sflag:s17], $0x4000  }
0x126: {  	[sflag:s17] =	ssyncset.done $0x0  }
0x127: {  	s23 =	simm.s32 $0x1A80;
	[sflag:s17] =	ssyncadd.s32 $0xFFFFC000  }
0x128: {  	[spmem:s2] =	stream.indirect.scatter.add.f32 [tilespmem:s14], [sflag:$0x5], $0x80, s23, s13, $0xb8;
	[tilespmem:$0x1E700] =	vst v63  }
0x129: {  	_ =	swait.ge [sflag:s15], $0x4000  }
0x12a: {  	[sflag:s15] =	ssyncset.done $0x0  }
0x12b: {  	[sflag:s15] =	ssyncadd.s32 $0xFFFFC000  }
0x12c: {  	[spmem:s3] =	stream.indirect.scatter.add.f32 [tilespmem:s16], [sflag:$0x5], $0x1, s23, s13, $0xb8;
	[tilespmem:$0x1E700] =	vst v63  }
0x12d: {  	_ =	swait.ge [sflag:s15], $0x80  }
0x12e: {  	[sflag:s15] =	ssyncset.done $0x0  }
0x12f: {  	s25 =	simm.s32 $0xB80;
	[sflag:s15] =	ssyncadd.s32 $0xFFFFFF80  }
0x130: {  	[tilespmem:s14], [sflag:$0x2] =	stream.indirect.gather [hbm4b:s0+s13], $0x80, s25, s13, $0xb8;
	[tilespmem:$0x1E700] =	vst v63  }
0x131: {  	_ =	swait.ge [sflag:s8], $0x4000  }
0x132: {  	[sflag:s8] =	ssyncset.done $0x0  }
0x133: {  	s26 =	simm.s32 $0x1B00;
	[sflag:s8] =	ssyncadd.s32 $0xFFFFC000  }
0x134: {  	[spmem:s2] =	stream.indirect.scatter.add.f32 [tilespmem:s7], [sflag:$0x5], $0x80, s26, s13, $0xb8;
	[tilespmem:$0x1E700] =	vst v63  }
0x135: {  	_ =	swait.ge [sflag:s15], $0x4000  }
0x136: {  	[sflag:s15] =	ssyncset.done $0x0  }
0x137: {  	[sflag:s15] =	ssyncadd.s32 $0xFFFFC000  }
0x138: {  	[spmem:s3] =	stream.indirect.scatter.add.f32 [tilespmem:s16], [sflag:$0x5], $0x1, s26, s13, $0xb8;
	[tilespmem:$0x1E700] =	vst v63  }
0x139: {  	_ =	swait.ge [sflag:s15], $0x80  }
0x13a: {  	[sflag:s15] =	ssyncset.done $0x0  }
0x13b: {  	s28 =	simm.s32 $0xC00;
	[sflag:s15] =	ssyncadd.s32 $0xFFFFFF80  }
0x13c: {  	[tilespmem:s7], [sflag:$0x1] =	stream.indirect.gather [hbm4b:s0+s13], $0x80, s28, s13, $0xb8;
	[tilespmem:$0x1E700] =	vst v63  }
0x13d: {  	_ =	swait.ge [sflag:s17], $0x4000  }
0x13e: {  	[sflag:s17] =	ssyncset.done $0x0  }
0x13f: {  	s30 =	simm.s32 $0x1B80;
	[sflag:s17] =	ssyncadd.s32 $0xFFFFC000  }
0x140: {  	[spmem:s2] =	stream.indirect.scatter.add.f32 [tilespmem:s14], [sflag:$0x5], $0x80, s30, s13, $0xb8;
	[tilespmem:$0x1E700] =	vst v63  }
0x141: {  	_ =	swait.ge [sflag:s15], $0x4000  }
0x142: {  	[sflag:s15] =	ssyncset.done $0x0  }
0x143: {  	[sflag:s15] =	ssyncadd.s32 $0xFFFFC000  }
0x144: {  	[spmem:s3] =	stream.indirect.scatter.add.f32 [tilespmem:s16], [sflag:$0x5], $0x1, s30, s13, $0xb8;
	[tilespmem:$0x1E700] =	vst v63  }
0x145: {  	_ =	swait.ge [sflag:s15], $0x80  }
0x146: {  	[sflag:s15] =	ssyncset.done $0x0  }
0x147: {  	s10 =	simm.s32 $0xC80;
	[sflag:s15] =	ssyncadd.s32 $0xFFFFFF80  }
0x148: {  	[tilespmem:s14], [sflag:$0x2] =	stream.indirect.gather [hbm4b:s0+s13], $0x80, s10, s13, $0xb8;
	[tilespmem:$0x1E700] =	vst v63  }
0x149: {  	_ =	swait.ge [sflag:s8], $0x4000  }
0x14a: {  	[sflag:s8] =	ssyncset.done $0x0  }
0x14b: {  	s11 =	simm.s32 $0x1C00;
	[sflag:s8] =	ssyncadd.s32 $0xFFFFC000  }
0x14c: {  	[spmem:s2] =	stream.indirect.scatter.add.f32 [tilespmem:s7], [sflag:$0x5], $0x80, s11, s13, $0xb8;
	[tilespmem:$0x1E700] =	vst v63  }
0x14d: {  	_ =	swait.ge [sflag:s15], $0x4000  }
0x14e: {  	[sflag:s15] =	ssyncset.done $0x0  }
0x14f: {  	[sflag:s15] =	ssyncadd.s32 $0xFFFFC000  }
0x150: {  	[spmem:s3] =	stream.indirect.scatter.add.f32 [tilespmem:s16], [sflag:$0x5], $0x1, s11, s13, $0xb8;
	[tilespmem:$0x1E700] =	vst v63  }
0x151: {  	_ =	swait.ge [sflag:s15], $0x80  }
0x152: {  	[sflag:s15] =	ssyncset.done $0x0  }
0x153: {  	s19 =	simm.s32 $0xD00;
	[sflag:s15] =	ssyncadd.s32 $0xFFFFFF80  }
0x154: {  	[tilespmem:s7], [sflag:$0x1] =	stream.indirect.gather [hbm4b:s0+s13], $0x80, s19, s13, $0xb8;
	[tilespmem:$0x1E700] =	vst v63  }
0x155: {  	_ =	swait.ge [sflag:s17], $0x4000  }
0x156: {  	[sflag:s17] =	ssyncset.done $0x0  }
0x157: {  	s21 =	simm.s32 $0x1C80;
	[sflag:s17] =	ssyncadd.s32 $0xFFFFC000  }
0x158: {  	[spmem:s2] =	stream.indirect.scatter.add.f32 [tilespmem:s14], [sflag:$0x5], $0x80, s21, s13, $0xb8;
	[tilespmem:$0x1E700] =	vst v63  }
0x159: {  	_ =	swait.ge [sflag:s15], $0x4000  }
0x15a: {  	[sflag:s15] =	ssyncset.done $0x0  }
0x15b: {  	[sflag:s15] =	ssyncadd.s32 $0xFFFFC000  }
0x15c: {  	[spmem:s3] =	stream.indirect.scatter.add.f32 [tilespmem:s16], [sflag:$0x5], $0x1, s21, s13, $0xb8;
	[tilespmem:$0x1E700] =	vst v63  }
0x15d: {  	_ =	swait.ge [sflag:s15], $0x80  }
0x15e: {  	[sflag:s15] =	ssyncset.done $0x0  }
0x15f: {  	s22 =	simm.s32 $0xD80;
	[sflag:s15] =	ssyncadd.s32 $0xFFFFFF80  }
0x160: {  	[tilespmem:s14], [sflag:$0x2] =	stream.indirect.gather [hbm4b:s0+s13], $0x80, s22, s13, $0xb8;
	[tilespmem:$0x1E700] =	vst v63  }
0x161: {  	_ =	swait.ge [sflag:s8], $0x4000  }
0x162: {  	[sflag:s8] =	ssyncset.done $0x0  }
0x163: {  	s23 =	simm.s32 $0x1D00;
	[sflag:s8] =	ssyncadd.s32 $0xFFFFC000  }
0x164: {  	[spmem:s2] =	stream.indirect.scatter.add.f32 [tilespmem:s7], [sflag:$0x5], $0x80, s23, s13, $0xb8;
	[tilespmem:$0x1E700] =	vst v63  }
0x165: {  	_ =	swait.ge [sflag:s15], $0x4000  }
0x166: {  	[sflag:s15] =	ssyncset.done $0x0  }
0x167: {  	[sflag:s15] =	ssyncadd.s32 $0xFFFFC000  }
0x168: {  	[spmem:s3] =	stream.indirect.scatter.add.f32 [tilespmem:s16], [sflag:$0x5], $0x1, s23, s13, $0xb8;
	[tilespmem:$0x1E700] =	vst v63  }
0x169: {  	_ =	swait.ge [sflag:s15], $0x80  }
0x16a: {  	[sflag:s15] =	ssyncset.done $0x0  }
0x16b: {  	s25 =	simm.s32 $0xE00;
	[sflag:s15] =	ssyncadd.s32 $0xFFFFFF80  }
0x16c: {  	[tilespmem:s7], [sflag:$0x1] =	stream.indirect.gather [hbm4b:s0+s13], $0x80, s25, s13, $0xb8;
	[tilespmem:$0x1E700] =	vst v63  }
0x16d: {  	_ =	swait.ge [sflag:s17], $0x4000  }
0x16e: {  	[sflag:s17] =	ssyncset.done $0x0  }
0x16f: {  	s26 =	simm.s32 $0x1D80;
	[sflag:s17] =	ssyncadd.s32 $0xFFFFC000  }
0x170: {  	[spmem:s2] =	stream.indirect.scatter.add.f32 [tilespmem:s14], [sflag:$0x5], $0x80, s26, s13, $0xb8;
	[tilespmem:$0x1E700] =	vst v63  }
0x171: {  	_ =	swait.ge [sflag:s15], $0x4000  }
0x172: {  	[sflag:s15] =	ssyncset.done $0x0  }
0x173: {  	[sflag:s15] =	ssyncadd.s32 $0xFFFFC000  }
0x174: {  	[spmem:s3] =	stream.indirect.scatter.add.f32 [tilespmem:s16], [sflag:$0x5], $0x1, s26, s13, $0xb8;
	[tilespmem:$0x1E700] =	vst v63  }
0x175: {  	_ =	swait.ge [sflag:s15], $0x80  }
0x176: {  	[sflag:s15] =	ssyncset.done $0x0  }
0x177: {  	s28 =	simm.s32 $0xE80;
	[sflag:s15] =	ssyncadd.s32 $0xFFFFFF80  }
0x178: {  	[tilespmem:s14], [sflag:$0x2] =	stream.indirect.gather [hbm4b:s0+s13], $0x80, s28, s13, $0xb8;
	[tilespmem:$0x1E700] =	vst v63  }
0x179: {  	_ =	swait.ge [sflag:s8], $0x4000  }
0x17a: {  	[sflag:s8] =	ssyncset.done $0x0  }
0x17b: {  	s30 =	simm.s32 $0x1E00;
	[sflag:s8] =	ssyncadd.s32 $0xFFFFC000  }
0x17c: {  	[spmem:s2] =	stream.indirect.scatter.add.f32 [tilespmem:s7], [sflag:$0x5], $0x80, s30, s13, $0xb8;
	[tilespmem:$0x1E700] =	vst v63  }
0x17d: {  	_ =	swait.ge [sflag:s15], $0x4000  }
0x17e: {  	[sflag:s15] =	ssyncset.done $0x0  }
0x17f: {  	[sflag:s15] =	ssyncadd.s32 $0xFFFFC000  }
0x180: {  	[spmem:s3] =	stream.indirect.scatter.add.f32 [tilespmem:s16], [sflag:$0x5], $0x1, s30, s13, $0xb8;
	[tilespmem:$0x1E700] =	vst v63  }
0x181: {  	_ =	swait.ge [sflag:s15], $0x80  }
0x182: {  	[sflag:s15] =	ssyncset.done $0x0  }
0x183: {  	s10 =	simm.s32 $0xF00;
	[sflag:s15] =	ssyncadd.s32 $0xFFFFFF80  }
0x184: {  	[tilespmem:s7], [sflag:$0x1] =	stream.indirect.gather [hbm4b:s0+s13], $0x80, s10, s13, $0xb8;
	[tilespmem:$0x1E700] =	vst v63  }
0x185: {  	_ =	swait.ge [sflag:s17], $0x4000  }
0x186: {  	[sflag:s17] =	ssyncset.done $0x0  }
0x187: {  	s11 =	simm.s32 $0x1E80;
	[sflag:s17] =	ssyncadd.s32 $0xFFFFC000  }
0x188: {  	[spmem:s2] =	stream.indirect.scatter.add.f32 [tilespmem:s14], [sflag:$0x5], $0x80, s11, s13, $0xb8;
	[tilespmem:$0x1E700] =	vst v63  }
0x189: {  	_ =	swait.ge [sflag:s15], $0x4000  }
0x18a: {  	[sflag:s15] =	ssyncset.done $0x0  }
0x18b: {  	[sflag:s15] =	ssyncadd.s32 $0xFFFFC000  }
0x18c: {  	[spmem:s3] =	stream.indirect.scatter.add.f32 [tilespmem:s16], [sflag:$0x5], $0x1, s11, s13, $0xb8;
	[tilespmem:$0x1E700] =	vst v63  }
0x18d: {  	_ =	swait.ge [sflag:s15], $0x80  }
0x18e: {  	[sflag:s15] =	ssyncset.done $0x0  }
0x18f: {  	s19 =	simm.s32 $0xF80;
	[sflag:s15] =	ssyncadd.s32 $0xFFFFFF80  }
0x190: {  	[tilespmem:s14], [sflag:$0x2] =	stream.indirect.gather [hbm4b:s0+s13], $0x80, s19, s13, $0xb8;
	[tilespmem:$0x1E700] =	vst v63  }
0x191: {  	_ =	swait.ge [sflag:s8], $0x4000  }
0x192: {  	[sflag:s8] =	ssyncset.done $0x0  }
0x193: {  	s21 =	simm.s32 $0x1F00;
	[sflag:s8] =	ssyncadd.s32 $0xFFFFC000  }
0x194: {  	[spmem:s2] =	stream.indirect.scatter.add.f32 [tilespmem:s7], [sflag:$0x5], $0x80, s21, s13, $0xb8;
	[tilespmem:$0x1E700] =	vst v63  }
0x195: {  	_ =	swait.ge [sflag:s15], $0x4000  }
0x196: {  	[sflag:s15] =	ssyncset.done $0x0  }
0x197: {  	[sflag:s15] =	ssyncadd.s32 $0xFFFFC000  }
0x198: {  	[spmem:s3] =	stream.indirect.scatter.add.f32 [tilespmem:s16], [sflag:$0x5], $0x1, s21, s13, $0xb8;
	[tilespmem:$0x1E700] =	vst v63  }
0x199: {  	_ =	swait.ge [sflag:s15], $0x80  }
0x19a: {  	[sflag:s15] =	ssyncset.done $0x0  }
0x19b: {  	[sflag:s15] =	ssyncadd.s32 $0xFFFFFF80  }
0x19c: {  	_ =	swait.ge [sflag:s12], $0x800  }
0x19d: {  	[sflag:s12] =	ssyncset.done $0x0  }
0x19e: {  	[sflag:s12] =	ssyncadd.s32 $0xFFFFF800  }
0x19f: {  	_ =	swait.ge [sflag:s12], $0x800  }
0x1a0: {  	[sflag:s12] =	ssyncset.done $0x0  }
0x1a1: {  	[sflag:s12] =	ssyncadd.s32 $0xFFFFF800  }
0x1a2: {  	[tilespmem:s7], [sflag:$0x1] =	stream.indirect.gather [hbm4b:s0+s13], $0x80, s1, s13, $0xb8;
	[tilespmem:$0x1E700] =	vst v63  }
0x1a3: {  	_ =	swait.ge [sflag:s17], $0x4000  }
0x1a4: {  	[sflag:s17] =	ssyncset.done $0x0  }
0x1a5: {  	s22 =	simm.s32 $0x1F80;
	[sflag:s17] =	ssyncadd.s32 $0xFFFFC000  }
0x1a6: {  	[spmem:s2] =	stream.indirect.scatter.add.f32 [tilespmem:s14], [sflag:$0x5], $0x80, s22, s13, $0xb8;
	[tilespmem:$0x1E700] =	vst v63  }
0x1a7: {  	_ =	swait.ge [sflag:s15], $0x4000  }
0x1a8: {  	[sflag:s15] =	ssyncset.done $0x0  }
0x1a9: {  	[sflag:s15] =	ssyncadd.s32 $0xFFFFC000  }
0x1aa: {  	[spmem:s3] =	stream.indirect.scatter.add.f32 [tilespmem:s16], [sflag:$0x5], $0x1, s22, s13, $0xb8;
	[tilespmem:$0x1E700] =	vst v63  }
0x1ab: {  	_ =	swait.ge [sflag:s15], $0x80  }
0x1ac: {  	[sflag:s15] =	ssyncset.done $0x0  }
0x1ad: {  	[sflag:s15] =	ssyncadd.s32 $0xFFFFFF80  }
0x1ae: {  	[tilespmem:s14], [sflag:$0x2] =	stream.indirect.gather [hbm4b:s0+s13], $0x80, s13, s13, $0xb8;
	[tilespmem:$0x1E700] =	vst v63  }
0x1af: {  	s9 =	simm.s32 $0x800;
	s23 =	rddreg [dreg:$0xc]  }
0x1b0: {  	[tilespmem:s9], [sflag:$0x4] =	stream.linear.gather [hbm4b:s23+s1], $0x800, $0x38;
	[tilespmem:$0x1E700] =	vst v63  }
0x1b1: {  	s25 =	rddreg [dreg:$0xd]  }
0x1b2: {  	[tilespmem:s20], [sflag:$0x4] =	stream.linear.gather [hbm4b:s25+s1], $0x800, $0x38;
	[tilespmem:$0x1E700] =	vst v63  }
0x1b3: {  	_ =	swait.ge [sflag:s8], $0x4000  }
0x1b4: {  	[sflag:s8] =	ssyncset.done $0x0  }
0x1b5: {  	s18 =	simm.s32 $0x1000;
	[sflag:s8] =	ssyncadd.s32 $0xFFFFC000  }
0x1b6: {  	[spmem:s2] =	stream.indirect.scatter.add.f32 [tilespmem:s7], [sflag:$0x5], $0x80, s18, s13, $0xb8;
	[tilespmem:$0x1E700] =	vst v63  }
0x1b7: {  	_ =	swait.ge [sflag:s15], $0x4000  }
0x1b8: {  	[sflag:s15] =	ssyncset.done $0x0  }
0x1b9: {  	[sflag:s15] =	ssyncadd.s32 $0xFFFFC000  }
0x1ba: {  	[spmem:s3] =	stream.indirect.scatter.add.f32 [tilespmem:s16], [sflag:$0x5], $0x1, s18, s13, $0xb8;
	[tilespmem:$0x1E700] =	vst v63  }
0x1bb: {  	_ =	swait.ge [sflag:s15], $0x80  }
0x1bc: {  	[sflag:s15] =	ssyncset.done $0x0  }
0x1bd: {  	s26 =	simm.s32 $0x100;
	[sflag:s15] =	ssyncadd.s32 $0xFFFFFF80  }
0x1be: {  	[tilespmem:s7], [sflag:$0x1] =	stream.indirect.gather [hbm4b:s0+s13], $0x80, s26, s13, $0xb8;
	[tilespmem:$0x1E700] =	vst v63  }
0x1bf: {  	_ =	swait.ge [sflag:s17], $0x4000  }
0x1c0: {  	[sflag:s17] =	ssyncset.done $0x0  }
0x1c1: {  	s4 =	simm.s32 $0x1080;
	[sflag:s17] =	ssyncadd.s32 $0xFFFFC000  }
0x1c2: {  	[spmem:s2] =	stream.indirect.scatter.add.f32 [tilespmem:s14], [sflag:$0x5], $0x80, s4, s13, $0xb8;
	[tilespmem:$0x1E700] =	vst v63  }
0x1c3: {  	_ =	swait.ge [sflag:s15], $0x4000  }
0x1c4: {  	[sflag:s15] =	ssyncset.done $0x0  }
0x1c5: {  	[sflag:s15] =	ssyncadd.s32 $0xFFFFC000  }
0x1c6: {  	[spmem:s3] =	stream.indirect.scatter.add.f32 [tilespmem:s16], [sflag:$0x5], $0x1, s4, s13, $0xb8;
	[tilespmem:$0x1E700] =	vst v63  }
0x1c7: {  	_ =	swait.ge [sflag:s15], $0x80  }
0x1c8: {  	[sflag:s15] =	ssyncset.done $0x0  }
0x1c9: {  	s28 =	simm.s32 $0x180;
	[sflag:s15] =	ssyncadd.s32 $0xFFFFFF80  }
0x1ca: {  	[tilespmem:s14], [sflag:$0x2] =	stream.indirect.gather [hbm4b:s0+s13], $0x80, s28, s13, $0xb8;
	[tilespmem:$0x1E700] =	vst v63  }
0x1cb: {  	_ =	swait.ge [sflag:s8], $0x4000  }
0x1cc: {  	[sflag:s8] =	ssyncset.done $0x0  }
0x1cd: {  	s9 =	simm.s32 $0x1100;
	[sflag:s8] =	ssyncadd.s32 $0xFFFFC000  }
0x1ce: {  	[spmem:s2] =	stream.indirect.scatter.add.f32 [tilespmem:s7], [sflag:$0x5], $0x80, s9, s13, $0xb8;
	[tilespmem:$0x1E700] =	vst v63  }
0x1cf: {  	_ =	swait.ge [sflag:s15], $0x4000  }
0x1d0: {  	[sflag:s15] =	ssyncset.done $0x0  }
0x1d1: {  	[sflag:s15] =	ssyncadd.s32 $0xFFFFC000  }
0x1d2: {  	[spmem:s3] =	stream.indirect.scatter.add.f32 [tilespmem:s16], [sflag:$0x5], $0x1, s9, s13, $0xb8;
	[tilespmem:$0x1E700] =	vst v63  }
0x1d3: {  	_ =	swait.ge [sflag:s15], $0x80  }
0x1d4: {  	[sflag:s15] =	ssyncset.done $0x0  }
0x1d5: {  	s10 =	simm.s32 $0x200;
	[sflag:s15] =	ssyncadd.s32 $0xFFFFFF80  }
0x1d6: {  	[tilespmem:s7], [sflag:$0x1] =	stream.indirect.gather [hbm4b:s0+s13], $0x80, s10, s13, $0xb8;
	[tilespmem:$0x1E700] =	vst v63  }
0x1d7: {  	_ =	swait.ge [sflag:s17], $0x4000  }
0x1d8: {  	[sflag:s17] =	ssyncset.done $0x0  }
0x1d9: {  	s10 =	simm.s32 $0x1180;
	[sflag:s17] =	ssyncadd.s32 $0xFFFFC000  }
0x1da: {  	[spmem:s2] =	stream.indirect.scatter.add.f32 [tilespmem:s14], [sflag:$0x5], $0x80, s10, s13, $0xb8;
	[tilespmem:$0x1E700] =	vst v63  }
0x1db: {  	_ =	swait.ge [sflag:s15], $0x4000  }
0x1dc: {  	[sflag:s15] =	ssyncset.done $0x0  }
0x1dd: {  	[sflag:s15] =	ssyncadd.s32 $0xFFFFC000  }
0x1de: {  	[spmem:s3] =	stream.indirect.scatter.add.f32 [tilespmem:s16], [sflag:$0x5], $0x1, s10, s13, $0xb8;
	[tilespmem:$0x1E700] =	vst v63  }
0x1df: {  	_ =	swait.ge [sflag:s15], $0x80  }
0x1e0: {  	[sflag:s15] =	ssyncset.done $0x0  }
0x1e1: {  	s11 =	simm.s32 $0x280;
	[sflag:s15] =	ssyncadd.s32 $0xFFFFFF80  }
0x1e2: {  	[tilespmem:s14], [sflag:$0x2] =	stream.indirect.gather [hbm4b:s0+s13], $0x80, s11, s13, $0xb8;
	[tilespmem:$0x1E700] =	vst v63  }
0x1e3: {  	_ =	swait.ge [sflag:s8], $0x4000  }
0x1e4: {  	[sflag:s8] =	ssyncset.done $0x0  }
0x1e5: {  	s11 =	simm.s32 $0x1200;
	[sflag:s8] =	ssyncadd.s32 $0xFFFFC000  }
0x1e6: {  	[spmem:s2] =	stream.indirect.scatter.add.f32 [tilespmem:s7], [sflag:$0x5], $0x80, s11, s13, $0xb8;
	[tilespmem:$0x1E700] =	vst v63  }
0x1e7: {  	_ =	swait.ge [sflag:s15], $0x4000  }
0x1e8: {  	[sflag:s15] =	ssyncset.done $0x0  }
0x1e9: {  	[sflag:s15] =	ssyncadd.s32 $0xFFFFC000  }
0x1ea: {  	[spmem:s3] =	stream.indirect.scatter.add.f32 [tilespmem:s16], [sflag:$0x5], $0x1, s11, s13, $0xb8;
	[tilespmem:$0x1E700] =	vst v63  }
0x1eb: {  	_ =	swait.ge [sflag:s15], $0x80  }
0x1ec: {  	[sflag:s15] =	ssyncset.done $0x0  }
0x1ed: {  	s19 =	simm.s32 $0x300;
	[sflag:s15] =	ssyncadd.s32 $0xFFFFFF80  }
0x1ee: {  	[tilespmem:s7], [sflag:$0x1] =	stream.indirect.gather [hbm4b:s0+s13], $0x80, s19, s13, $0xb8;
	[tilespmem:$0x1E700] =	vst v63  }
0x1ef: {  	_ =	swait.ge [sflag:s17], $0x4000  }
0x1f0: {  	[sflag:s17] =	ssyncset.done $0x0  }
0x1f1: {  	s19 =	simm.s32 $0x1280;
	[sflag:s17] =	ssyncadd.s32 $0xFFFFC000  }
0x1f2: {  	[spmem:s2] =	stream.indirect.scatter.add.f32 [tilespmem:s14], [sflag:$0x5], $0x80, s19, s13, $0xb8;
	[tilespmem:$0x1E700] =	vst v63  }
0x1f3: {  	_ =	swait.ge [sflag:s15], $0x4000  }
0x1f4: {  	[sflag:s15] =	ssyncset.done $0x0  }
0x1f5: {  	[sflag:s15] =	ssyncadd.s32 $0xFFFFC000  }
0x1f6: {  	[spmem:s3] =	stream.indirect.scatter.add.f32 [tilespmem:s16], [sflag:$0x5], $0x1, s19, s13, $0xb8;
	[tilespmem:$0x1E700] =	vst v63  }
0x1f7: {  	_ =	swait.ge [sflag:s15], $0x80  }
0x1f8: {  	[sflag:s15] =	ssyncset.done $0x0  }
0x1f9: {  	s21 =	simm.s32 $0x380;
	[sflag:s15] =	ssyncadd.s32 $0xFFFFFF80  }
0x1fa: {  	[tilespmem:s14], [sflag:$0x2] =	stream.indirect.gather [hbm4b:s0+s13], $0x80, s21, s13, $0xb8;
	[tilespmem:$0x1E700] =	vst v63  }
0x1fb: {  	_ =	swait.ge [sflag:s8], $0x4000  }
0x1fc: {  	[sflag:s8] =	ssyncset.done $0x0  }
0x1fd: {  	s21 =	simm.s32 $0x1300;
	[sflag:s8] =	ssyncadd.s32 $0xFFFFC000  }
0x1fe: {  	[spmem:s2] =	stream.indirect.scatter.add.f32 [tilespmem:s7], [sflag:$0x5], $0x80, s21, s13, $0xb8;
	[tilespmem:$0x1E700] =	vst v63  }
0x1ff: {  	_ =	swait.ge [sflag:s15], $0x4000  }
0x200: {  	[sflag:s15] =	ssyncset.done $0x0  }
0x201: {  	[sflag:s15] =	ssyncadd.s32 $0xFFFFC000  }
0x202: {  	[spmem:s3] =	stream.indirect.scatter.add.f32 [tilespmem:s16], [sflag:$0x5], $0x1, s21, s13, $0xb8;
	[tilespmem:$0x1E700] =	vst v63  }
0x203: {  	_ =	swait.ge [sflag:s15], $0x80  }
0x204: {  	[sflag:s15] =	ssyncset.done $0x0  }
0x205: {  	s22 =	simm.s32 $0x400;
	[sflag:s15] =	ssyncadd.s32 $0xFFFFFF80  }
0x206: {  	[tilespmem:s7], [sflag:$0x1] =	stream.indirect.gather [hbm4b:s0+s13], $0x80, s22, s13, $0xb8;
	[tilespmem:$0x1E700] =	vst v63  }
0x207: {  	_ =	swait.ge [sflag:s17], $0x4000  }
0x208: {  	[sflag:s17] =	ssyncset.done $0x0  }
0x209: {  	s22 =	simm.s32 $0x1380;
	[sflag:s17] =	ssyncadd.s32 $0xFFFFC000  }
0x20a: {  	[spmem:s2] =	stream.indirect.scatter.add.f32 [tilespmem:s14], [sflag:$0x5], $0x80, s22, s13, $0xb8;
	[tilespmem:$0x1E700] =	vst v63  }
0x20b: {  	_ =	swait.ge [sflag:s15], $0x4000  }
0x20c: {  	[sflag:s15] =	ssyncset.done $0x0  }
0x20d: {  	[sflag:s15] =	ssyncadd.s32 $0xFFFFC000  }
0x20e: {  	[spmem:s3] =	stream.indirect.scatter.add.f32 [tilespmem:s16], [sflag:$0x5], $0x1, s22, s13, $0xb8;
	[tilespmem:$0x1E700] =	vst v63  }
0x20f: {  	_ =	swait.ge [sflag:s15], $0x80  }
0x210: {  	[sflag:s15] =	ssyncset.done $0x0  }
0x211: {  	s23 =	simm.s32 $0x480;
	[sflag:s15] =	ssyncadd.s32 $0xFFFFFF80  }
0x212: {  	[tilespmem:s14], [sflag:$0x2] =	stream.indirect.gather [hbm4b:s0+s13], $0x80, s23, s13, $0xb8;
	[tilespmem:$0x1E700] =	vst v63  }
0x213: {  	_ =	swait.ge [sflag:s8], $0x4000  }
0x214: {  	[sflag:s8] =	ssyncset.done $0x0  }
0x215: {  	s23 =	simm.s32 $0x1400;
	[sflag:s8] =	ssyncadd.s32 $0xFFFFC000  }
0x216: {  	[spmem:s2] =	stream.indirect.scatter.add.f32 [tilespmem:s7], [sflag:$0x5], $0x80, s23, s13, $0xb8;
	[tilespmem:$0x1E700] =	vst v63  }
0x217: {  	_ =	swait.ge [sflag:s15], $0x4000  }
0x218: {  	[sflag:s15] =	ssyncset.done $0x0  }
0x219: {  	[sflag:s15] =	ssyncadd.s32 $0xFFFFC000  }
0x21a: {  	[spmem:s3] =	stream.indirect.scatter.add.f32 [tilespmem:s16], [sflag:$0x5], $0x1, s23, s13, $0xb8;
	[tilespmem:$0x1E700] =	vst v63  }
0x21b: {  	_ =	swait.ge [sflag:s15], $0x80  }
0x21c: {  	[sflag:s15] =	ssyncset.done $0x0  }
0x21d: {  	s25 =	simm.s32 $0x500;
	[sflag:s15] =	ssyncadd.s32 $0xFFFFFF80  }
0x21e: {  	[tilespmem:s7], [sflag:$0x1] =	stream.indirect.gather [hbm4b:s0+s13], $0x80, s25, s13, $0xb8;
	[tilespmem:$0x1E700] =	vst v63  }
0x21f: {  	_ =	swait.ge [sflag:s17], $0x4000  }
0x220: {  	[sflag:s17] =	ssyncset.done $0x0  }
0x221: {  	s25 =	simm.s32 $0x1480;
	[sflag:s17] =	ssyncadd.s32 $0xFFFFC000  }
0x222: {  	[spmem:s2] =	stream.indirect.scatter.add.f32 [tilespmem:s14], [sflag:$0x5], $0x80, s25, s13, $0xb8;
	[tilespmem:$0x1E700] =	vst v63  }
0x223: {  	_ =	swait.ge [sflag:s15], $0x4000  }
0x224: {  	[sflag:s15] =	ssyncset.done $0x0  }
0x225: {  	[sflag:s15] =	ssyncadd.s32 $0xFFFFC000  }
0x226: {  	[spmem:s3] =	stream.indirect.scatter.add.f32 [tilespmem:s16], [sflag:$0x5], $0x1, s25, s13, $0xb8;
	[tilespmem:$0x1E700] =	vst v63  }
0x227: {  	_ =	swait.ge [sflag:s15], $0x80  }
0x228: {  	[sflag:s15] =	ssyncset.done $0x0  }
0x229: {  	s26 =	simm.s32 $0x580;
	[sflag:s15] =	ssyncadd.s32 $0xFFFFFF80  }
0x22a: {  	[tilespmem:s14], [sflag:$0x2] =	stream.indirect.gather [hbm4b:s0+s13], $0x80, s26, s13, $0xb8;
	[tilespmem:$0x1E700] =	vst v63  }
0x22b: {  	_ =	swait.ge [sflag:s8], $0x4000  }
0x22c: {  	[sflag:s8] =	ssyncset.done $0x0  }
0x22d: {  	s26 =	simm.s32 $0x1500;
	[sflag:s8] =	ssyncadd.s32 $0xFFFFC000  }
0x22e: {  	[spmem:s2] =	stream.indirect.scatter.add.f32 [tilespmem:s7], [sflag:$0x5], $0x80, s26, s13, $0xb8;
	[tilespmem:$0x1E700] =	vst v63  }
0x22f: {  	_ =	swait.ge [sflag:s15], $0x4000  }
0x230: {  	[sflag:s15] =	ssyncset.done $0x0  }
0x231: {  	[sflag:s15] =	ssyncadd.s32 $0xFFFFC000  }
0x232: {  	[spmem:s3] =	stream.indirect.scatter.add.f32 [tilespmem:s16], [sflag:$0x5], $0x1, s26, s13, $0xb8;
	[tilespmem:$0x1E700] =	vst v63  }
0x233: {  	_ =	swait.ge [sflag:s15], $0x80  }
0x234: {  	[sflag:s15] =	ssyncset.done $0x0  }
0x235: {  	s30 =	simm.s32 $0x600;
	[sflag:s15] =	ssyncadd.s32 $0xFFFFFF80  }
0x236: {  	[tilespmem:s7], [sflag:$0x1] =	stream.indirect.gather [hbm4b:s0+s13], $0x80, s30, s13, $0xb8;
	[tilespmem:$0x1E700] =	vst v63  }
0x237: {  	_ =	swait.ge [sflag:s17], $0x4000  }
0x238: {  	[sflag:s17] =	ssyncset.done $0x0  }
0x239: {  	[sflag:s17] =	ssyncadd.s32 $0xFFFFC000  }
0x23a: {  	[spmem:s2] =	stream.indirect.scatter.add.f32 [tilespmem:s14], [sflag:$0x5], $0x80, s29, s13, $0xb8;
	[tilespmem:$0x1E700] =	vst v63  }
0x23b: {  	_ =	swait.ge [sflag:s15], $0x4000  }
0x23c: {  	[sflag:s15] =	ssyncset.done $0x0  }
0x23d: {  	[sflag:s15] =	ssyncadd.s32 $0xFFFFC000  }
0x23e: {  	[spmem:s3] =	stream.indirect.scatter.add.f32 [tilespmem:s16], [sflag:$0x5], $0x1, s29, s13, $0xb8;
	[tilespmem:$0x1E700] =	vst v63  }
0x23f: {  	_ =	swait.ge [sflag:s15], $0x80  }
0x240: {  	[sflag:s15] =	ssyncset.done $0x0  }
0x241: {  	s30 =	simm.s32 $0x680;
	[sflag:s15] =	ssyncadd.s32 $0xFFFFFF80  }
0x242: {  	[tilespmem:s14], [sflag:$0x2] =	stream.indirect.gather [hbm4b:s0+s13], $0x80, s30, s13, $0xb8;
	[tilespmem:$0x1E700] =	vst v63  }
0x243: {  	_ =	swait.ge [sflag:s8], $0x4000  }
0x244: {  	[sflag:s8] =	ssyncset.done $0x0  }
0x245: {  	s30 =	simm.s32 $0x1600;
	[sflag:s8] =	ssyncadd.s32 $0xFFFFC000  }
0x246: {  	[spmem:s2] =	stream.indirect.scatter.add.f32 [tilespmem:s7], [sflag:$0x5], $0x80, s30, s13, $0xb8;
	[tilespmem:$0x1E700] =	vst v63  }
0x247: {  	_ =	swait.ge [sflag:s15], $0x4000  }
0x248: {  	[sflag:s15] =	ssyncset.done $0x0  }
0x249: {  	[sflag:s15] =	ssyncadd.s32 $0xFFFFC000  }
0x24a: {  	[spmem:s3] =	stream.indirect.scatter.add.f32 [tilespmem:s16], [sflag:$0x5], $0x1, s30, s13, $0xb8;
	[tilespmem:$0x1E700] =	vst v63  }
0x24b: {  	_ =	swait.ge [sflag:s15], $0x80  }
0x24c: {  	[sflag:s15] =	ssyncset.done $0x0  }
0x24d: {  	s28 =	simm.s32 $0x700;
	[sflag:s15] =	ssyncadd.s32 $0xFFFFFF80  }
0x24e: {  	[tilespmem:s7], [sflag:$0x1] =	stream.indirect.gather [hbm4b:s0+s13], $0x80, s28, s13, $0xb8;
	[tilespmem:$0x1E700] =	vst v63  }
0x24f: {  	_ =	swait.ge [sflag:s17], $0x4000  }
0x250: {  	[sflag:s17] =	ssyncset.done $0x0  }
0x251: {  	s31 =	simm.s32 $0x1680;
	[sflag:s17] =	ssyncadd.s32 $0xFFFFC000  }
0x252: {  	[spmem:s2] =	stream.indirect.scatter.add.f32 [tilespmem:s14], [sflag:$0x5], $0x80, s31, s13, $0xb8;
	[tilespmem:$0x1E700] =	vst v63  }
0x253: {  	_ =	swait.ge [sflag:s15], $0x4000  }
0x254: {  	[sflag:s15] =	ssyncset.done $0x0  }
0x255: {  	[sflag:s15] =	ssyncadd.s32 $0xFFFFC000  }
0x256: {  	[spmem:s3] =	stream.indirect.scatter.add.f32 [tilespmem:s16], [sflag:$0x5], $0x1, s31, s13, $0xb8;
	[tilespmem:$0x1E700] =	vst v63  }
0x257: {  	_ =	swait.ge [sflag:s15], $0x80  }
0x258: {  	[sflag:s15] =	ssyncset.done $0x0  }
0x259: {  	s28 =	simm.s32 $0x780;
	[sflag:s15] =	ssyncadd.s32 $0xFFFFFF80  }
0x25a: {  	[tilespmem:s14], [sflag:$0x2] =	stream.indirect.gather [hbm4b:s0+s13], $0x80, s28, s13, $0xb8;
	[tilespmem:$0x1E700] =	vst v63  }
0x25b: {  	_ =	swait.ge [sflag:s8], $0x4000  }
0x25c: {  	[sflag:s8] =	ssyncset.done $0x0  }
0x25d: {  	s28 =	simm.s32 $0x1700;
	[sflag:s8] =	ssyncadd.s32 $0xFFFFC000  }
0x25e: {  	[spmem:s2] =	stream.indirect.scatter.add.f32 [tilespmem:s7], [sflag:$0x5], $0x80, s28, s13, $0xb8;
	[tilespmem:$0x1E700] =	vst v63  }
0x25f: {  	_ =	swait.ge [sflag:s15], $0x4000  }
0x260: {  	[sflag:s15] =	ssyncset.done $0x0  }
0x261: {  	[sflag:s15] =	ssyncadd.s32 $0xFFFFC000  }
0x262: {  	[spmem:s3] =	stream.indirect.scatter.add.f32 [tilespmem:s16], [sflag:$0x5], $0x1, s28, s13, $0xb8;
	[tilespmem:$0x1E700] =	vst v63  }
0x263: {  	_ =	swait.ge [sflag:s15], $0x80  }
0x264: {  	[sflag:s15] =	ssyncset.done $0x0  }
0x265: {  	[sflag:s15] =	ssyncadd.s32 $0xFFFFFF80  }
0x266: {  	_ =	swait.ge [sflag:s24], $0x800  }
0x267: {  	[sflag:s24] =	ssyncset.done $0x0  }
0x268: {  	[sflag:s24] =	ssyncadd.s32 $0xFFFFF800  }
0x269: {  	_ =	swait.ge [sflag:s24], $0x800  }
0x26a: {  	[sflag:s24] =	ssyncset.done $0x0  }
0x26b: {  	s28 =	simm.s32 $0x800;
	[sflag:s24] =	ssyncadd.s32 $0xFFFFF800  }
0x26c: {  	[tilespmem:s7], [sflag:$0x1] =	stream.indirect.gather [hbm4b:s0+s13], $0x80, s28, s13, $0xb8;
	[tilespmem:$0x1E700] =	vst v63  }
0x26d: {  	_ =	swait.ge [sflag:s17], $0x4000  }
0x26e: {  	[sflag:s17] =	ssyncset.done $0x0  }
0x26f: {  	s28 =	simm.s32 $0x1780;
	[sflag:s17] =	ssyncadd.s32 $0xFFFFC000  }
0x270: {  	[spmem:s2] =	stream.indirect.scatter.add.f32 [tilespmem:s14], [sflag:$0x5], $0x80, s28, s13, $0xb8;
	[tilespmem:$0x1E700] =	vst v63  }
0x271: {  	_ =	swait.ge [sflag:s15], $0x4000  }
0x272: {  	[sflag:s15] =	ssyncset.done $0x0  }
0x273: {  	[sflag:s15] =	ssyncadd.s32 $0xFFFFC000  }
0x274: {  	[spmem:s3] =	stream.indirect.scatter.add.f32 [tilespmem:s16], [sflag:$0x5], $0x1, s28, s13, $0xb8;
	[tilespmem:$0x1E700] =	vst v63  }
0x275: {  	_ =	swait.ge [sflag:s15], $0x80  }
0x276: {  	[sflag:s15] =	ssyncset.done $0x0  }
0x277: {  	s28 =	simm.s32 $0x880;
	[sflag:s15] =	ssyncadd.s32 $0xFFFFFF80  }
0x278: {  	[tilespmem:s14], [sflag:$0x2] =	stream.indirect.gather [hbm4b:s0+s13], $0x80, s28, s13, $0xb8;
	[tilespmem:$0x1E700] =	vst v63  }
0x279: {  	s28 =	rddreg [dreg:$0xe]  }
0x27a: {  	[tilespmem:s1], [sflag:$0x3] =	stream.linear.gather [hbm4b:s28+s1], $0x800, $0x38;
	[tilespmem:$0x1E700] =	vst v63  }
0x27b: {  	s28 =	rddreg [dreg:$0xf]  }
0x27c: {  	[tilespmem:s18], [sflag:$0x3] =	stream.linear.gather [hbm4b:s28+s1], $0x800, $0x38;
	[tilespmem:$0x1E700] =	vst v63  }
0x27d: {  	_ =	swait.ge [sflag:s8], $0x4000  }
0x27e: {  	[sflag:s8] =	ssyncset.done $0x0  }
0x27f: {  	[sflag:s8] =	ssyncadd.s32 $0xFFFFC000  }
0x280: {  	[spmem:s2] =	stream.indirect.scatter.add.f32 [tilespmem:s7], [sflag:$0x5], $0x80, s20, s13, $0xb8;
	[tilespmem:$0x1E700] =	vst v63  }
0x281: {  	_ =	swait.ge [sflag:s15], $0x4000  }
0x282: {  	[sflag:s15] =	ssyncset.done $0x0  }
0x283: {  	[sflag:s15] =	ssyncadd.s32 $0xFFFFC000  }
0x284: {  	[spmem:s3] =	stream.indirect.scatter.add.f32 [tilespmem:s16], [sflag:$0x5], $0x1, s20, s13, $0xb8;
	[tilespmem:$0x1E700] =	vst v63  }
0x285: {  	_ =	swait.ge [sflag:s15], $0x80  }
0x286: {  	[sflag:s15] =	ssyncset.done $0x0  }
0x287: {  	s28 =	simm.s32 $0x900;
	[sflag:s15] =	ssyncadd.s32 $0xFFFFFF80  }
0x288: {  	[tilespmem:s7], [sflag:$0x1] =	stream.indirect.gather [hbm4b:s0+s13], $0x80, s28, s13, $0xb8;
	[tilespmem:$0x1E700] =	vst v63  }
0x289: {  	_ =	swait.ge [sflag:s17], $0x4000  }
0x28a: {  	[sflag:s17] =	ssyncset.done $0x0  }
0x28b: {  	s28 =	simm.s32 $0x1880;
	[sflag:s17] =	ssyncadd.s32 $0xFFFFC000  }
0x28c: {  	[spmem:s2] =	stream.indirect.scatter.add.f32 [tilespmem:s14], [sflag:$0x5], $0x80, s28, s13, $0xb8;
	[tilespmem:$0x1E700] =	vst v63  }
0x28d: {  	_ =	swait.ge [sflag:s15], $0x4000  }
0x28e: {  	[sflag:s15] =	ssyncset.done $0x0  }
0x28f: {  	[sflag:s15] =	ssyncadd.s32 $0xFFFFC000  }
0x290: {  	[spmem:s3] =	stream.indirect.scatter.add.f32 [tilespmem:s16], [sflag:$0x5], $0x1, s28, s13, $0xb8;
	[tilespmem:$0x1E700] =	vst v63  }
0x291: {  	_ =	swait.ge [sflag:s15], $0x80  }
0x292: {  	[sflag:s15] =	ssyncset.done $0x0  }
0x293: {  	s28 =	simm.s32 $0x980;
	[sflag:s15] =	ssyncadd.s32 $0xFFFFFF80  }
0x294: {  	[tilespmem:s14], [sflag:$0x2] =	stream.indirect.gather [hbm4b:s0+s13], $0x80, s28, s13, $0xb8;
	[tilespmem:$0x1E700] =	vst v63  }
0x295: {  	_ =	swait.ge [sflag:s8], $0x4000  }
0x296: {  	[sflag:s8] =	ssyncset.done $0x0  }
0x297: {  	[sflag:s8] =	ssyncadd.s32 $0xFFFFC000  }
0x298: {  	[spmem:s2] =	stream.indirect.scatter.add.f32 [tilespmem:s7], [sflag:$0x5], $0x80, s5, s13, $0xb8;
	[tilespmem:$0x1E700] =	vst v63  }
0x299: {  	_ =	swait.ge [sflag:s15], $0x4000  }
0x29a: {  	[sflag:s15] =	ssyncset.done $0x0  }
0x29b: {  	[sflag:s15] =	ssyncadd.s32 $0xFFFFC000  }
0x29c: {  	[spmem:s3] =	stream.indirect.scatter.add.f32 [tilespmem:s16], [sflag:$0x5], $0x1, s5, s13, $0xb8;
	[tilespmem:$0x1E700] =	vst v63  }
0x29d: {  	_ =	swait.ge [sflag:s15], $0x80  }
0x29e: {  	[sflag:s15] =	ssyncset.done $0x0  }
0x29f: {  	s28 =	simm.s32 $0xA00;
	[sflag:s15] =	ssyncadd.s32 $0xFFFFFF80  }
0x2a0: {  	[tilespmem:s7], [sflag:$0x1] =	stream.indirect.gather [hbm4b:s0+s13], $0x80, s28, s13, $0xb8;
	[tilespmem:$0x1E700] =	vst v63  }
0x2a1: {  	_ =	swait.ge [sflag:s17], $0x4000  }
0x2a2: {  	[sflag:s17] =	ssyncset.done $0x0  }
0x2a3: {  	s28 =	simm.s32 $0x1980;
	[sflag:s17] =	ssyncadd.s32 $0xFFFFC000  }
0x2a4: {  	[spmem:s2] =	stream.indirect.scatter.add.f32 [tilespmem:s14], [sflag:$0x5], $0x80, s28, s13, $0xb8;
	[tilespmem:$0x1E700] =	vst v63  }
0x2a5: {  	_ =	swait.ge [sflag:s15], $0x4000  }
0x2a6: {  	[sflag:s15] =	ssyncset.done $0x0  }
0x2a7: {  	[sflag:s15] =	ssyncadd.s32 $0xFFFFC000  }
0x2a8: {  	[spmem:s3] =	stream.indirect.scatter.add.f32 [tilespmem:s16], [sflag:$0x5], $0x1, s28, s13, $0xb8;
	[tilespmem:$0x1E700] =	vst v63  }
0x2a9: {  	_ =	swait.ge [sflag:s15], $0x80  }
0x2aa: {  	[sflag:s15] =	ssyncset.done $0x0  }
0x2ab: {  	s28 =	simm.s32 $0xA80;
	[sflag:s15] =	ssyncadd.s32 $0xFFFFFF80  }
0x2ac: {  	[tilespmem:s14], [sflag:$0x2] =	stream.indirect.gather [hbm4b:s0+s13], $0x80, s28, s13, $0xb8;
	[tilespmem:$0x1E700] =	vst v63  }
0x2ad: {  	_ =	swait.ge [sflag:s8], $0x4000  }
0x2ae: {  	[sflag:s8] =	ssyncset.done $0x0  }
0x2af: {  	s28 =	simm.s32 $0x1A00;
	[sflag:s8] =	ssyncadd.s32 $0xFFFFC000  }
0x2b0: {  	[spmem:s2] =	stream.indirect.scatter.add.f32 [tilespmem:s7], [sflag:$0x5], $0x80, s28, s13, $0xb8;
	[tilespmem:$0x1E700] =	vst v63  }
0x2b1: {  	_ =	swait.ge [sflag:s15], $0x4000  }
0x2b2: {  	[sflag:s15] =	ssyncset.done $0x0  }
0x2b3: {  	[sflag:s15] =	ssyncadd.s32 $0xFFFFC000  }
0x2b4: {  	[spmem:s3] =	stream.indirect.scatter.add.f32 [tilespmem:s16], [sflag:$0x5], $0x1, s28, s13, $0xb8;
	[tilespmem:$0x1E700] =	vst v63  }
0x2b5: {  	_ =	swait.ge [sflag:s15], $0x80  }
0x2b6: {  	[sflag:s15] =	ssyncset.done $0x0  }
0x2b7: {  	s28 =	simm.s32 $0xB00;
	[sflag:s15] =	ssyncadd.s32 $0xFFFFFF80  }
0x2b8: {  	[tilespmem:s7], [sflag:$0x1] =	stream.indirect.gather [hbm4b:s0+s13], $0x80, s28, s13, $0xb8;
	[tilespmem:$0x1E700] =	vst v63  }
0x2b9: {  	_ =	swait.ge [sflag:s17], $0x4000  }
0x2ba: {  	[sflag:s17] =	ssyncset.done $0x0  }
0x2bb: {  	s28 =	simm.s32 $0x1A80;
	[sflag:s17] =	ssyncadd.s32 $0xFFFFC000  }
0x2bc: {  	[spmem:s2] =	stream.indirect.scatter.add.f32 [tilespmem:s14], [sflag:$0x5], $0x80, s28, s13, $0xb8;
	[tilespmem:$0x1E700] =	vst v63  }
0x2bd: {  	_ =	swait.ge [sflag:s15], $0x4000  }
0x2be: {  	[sflag:s15] =	ssyncset.done $0x0  }
0x2bf: {  	[sflag:s15] =	ssyncadd.s32 $0xFFFFC000  }
0x2c0: {  	[spmem:s3] =	stream.indirect.scatter.add.f32 [tilespmem:s16], [sflag:$0x5], $0x1, s28, s13, $0xb8;
	[tilespmem:$0x1E700] =	vst v63  }
0x2c1: {  	_ =	swait.ge [sflag:s15], $0x80  }
0x2c2: {  	[sflag:s15] =	ssyncset.done $0x0  }
0x2c3: {  	s28 =	simm.s32 $0xB80;
	[sflag:s15] =	ssyncadd.s32 $0xFFFFFF80  }
0x2c4: {  	[tilespmem:s14], [sflag:$0x2] =	stream.indirect.gather [hbm4b:s0+s13], $0x80, s28, s13, $0xb8;
	[tilespmem:$0x1E700] =	vst v63  }
0x2c5: {  	_ =	swait.ge [sflag:s8], $0x4000  }
0x2c6: {  	[sflag:s8] =	ssyncset.done $0x0  }
0x2c7: {  	s28 =	simm.s32 $0x1B00;
	[sflag:s8] =	ssyncadd.s32 $0xFFFFC000  }
0x2c8: {  	[spmem:s2] =	stream.indirect.scatter.add.f32 [tilespmem:s7], [sflag:$0x5], $0x80, s28, s13, $0xb8;
	[tilespmem:$0x1E700] =	vst v63  }
0x2c9: {  	_ =	swait.ge [sflag:s15], $0x4000  }
0x2ca: {  	[sflag:s15] =	ssyncset.done $0x0  }
0x2cb: {  	[sflag:s15] =	ssyncadd.s32 $0xFFFFC000  }
0x2cc: {  	[spmem:s3] =	stream.indirect.scatter.add.f32 [tilespmem:s16], [sflag:$0x5], $0x1, s28, s13, $0xb8;
	[tilespmem:$0x1E700] =	vst v63  }
0x2cd: {  	_ =	swait.ge [sflag:s15], $0x80  }
0x2ce: {  	[sflag:s15] =	ssyncset.done $0x0  }
0x2cf: {  	s28 =	simm.s32 $0xC00;
	[sflag:s15] =	ssyncadd.s32 $0xFFFFFF80  }
0x2d0: {  	[tilespmem:s7], [sflag:$0x1] =	stream.indirect.gather [hbm4b:s0+s13], $0x80, s28, s13, $0xb8;
	[tilespmem:$0x1E700] =	vst v63  }
0x2d1: {  	_ =	swait.ge [sflag:s17], $0x4000  }
0x2d2: {  	[sflag:s17] =	ssyncset.done $0x0  }
0x2d3: {  	s28 =	simm.s32 $0x1B80;
	[sflag:s17] =	ssyncadd.s32 $0xFFFFC000  }
0x2d4: {  	[spmem:s2] =	stream.indirect.scatter.add.f32 [tilespmem:s14], [sflag:$0x5], $0x80, s28, s13, $0xb8;
	[tilespmem:$0x1E700] =	vst v63  }
0x2d5: {  	_ =	swait.ge [sflag:s15], $0x4000  }
0x2d6: {  	[sflag:s15] =	ssyncset.done $0x0  }
0x2d7: {  	[sflag:s15] =	ssyncadd.s32 $0xFFFFC000  }
0x2d8: {  	[spmem:s3] =	stream.indirect.scatter.add.f32 [tilespmem:s16], [sflag:$0x5], $0x1, s28, s13, $0xb8;
	[tilespmem:$0x1E700] =	vst v63  }
0x2d9: {  	_ =	swait.ge [sflag:s15], $0x80  }
0x2da: {  	[sflag:s15] =	ssyncset.done $0x0  }
0x2db: {  	s28 =	simm.s32 $0xC80;
	[sflag:s15] =	ssyncadd.s32 $0xFFFFFF80  }
0x2dc: {  	[tilespmem:s14], [sflag:$0x2] =	stream.indirect.gather [hbm4b:s0+s13], $0x80, s28, s13, $0xb8;
	[tilespmem:$0x1E700] =	vst v63  }
0x2dd: {  	_ =	swait.ge [sflag:s8], $0x4000  }
0x2de: {  	[sflag:s8] =	ssyncset.done $0x0  }
0x2df: {  	s28 =	simm.s32 $0x1C00;
	[sflag:s8] =	ssyncadd.s32 $0xFFFFC000  }
0x2e0: {  	[spmem:s2] =	stream.indirect.scatter.add.f32 [tilespmem:s7], [sflag:$0x5], $0x80, s28, s13, $0xb8;
	[tilespmem:$0x1E700] =	vst v63  }
0x2e1: {  	_ =	swait.ge [sflag:s15], $0x4000  }
0x2e2: {  	[sflag:s15] =	ssyncset.done $0x0  }
0x2e3: {  	[sflag:s15] =	ssyncadd.s32 $0xFFFFC000  }
0x2e4: {  	[spmem:s3] =	stream.indirect.scatter.add.f32 [tilespmem:s16], [sflag:$0x5], $0x1, s28, s13, $0xb8;
	[tilespmem:$0x1E700] =	vst v63  }
0x2e5: {  	_ =	swait.ge [sflag:s15], $0x80  }
0x2e6: {  	[sflag:s15] =	ssyncset.done $0x0  }
0x2e7: {  	s28 =	simm.s32 $0xD00;
	[sflag:s15] =	ssyncadd.s32 $0xFFFFFF80  }
0x2e8: {  	[tilespmem:s7], [sflag:$0x1] =	stream.indirect.gather [hbm4b:s0+s13], $0x80, s28, s13, $0xb8;
	[tilespmem:$0x1E700] =	vst v63  }
0x2e9: {  	_ =	swait.ge [sflag:s17], $0x4000  }
0x2ea: {  	[sflag:s17] =	ssyncset.done $0x0  }
0x2eb: {  	s28 =	simm.s32 $0x1C80;
	[sflag:s17] =	ssyncadd.s32 $0xFFFFC000  }
0x2ec: {  	[spmem:s2] =	stream.indirect.scatter.add.f32 [tilespmem:s14], [sflag:$0x5], $0x80, s28, s13, $0xb8;
	[tilespmem:$0x1E700] =	vst v63  }
0x2ed: {  	_ =	swait.ge [sflag:s15], $0x4000  }
0x2ee: {  	[sflag:s15] =	ssyncset.done $0x0  }
0x2ef: {  	[sflag:s15] =	ssyncadd.s32 $0xFFFFC000  }
0x2f0: {  	[spmem:s3] =	stream.indirect.scatter.add.f32 [tilespmem:s16], [sflag:$0x5], $0x1, s28, s13, $0xb8;
	[tilespmem:$0x1E700] =	vst v63  }
0x2f1: {  	_ =	swait.ge [sflag:s15], $0x80  }
0x2f2: {  	[sflag:s15] =	ssyncset.done $0x0  }
0x2f3: {  	s28 =	simm.s32 $0xD80;
	[sflag:s15] =	ssyncadd.s32 $0xFFFFFF80  }
0x2f4: {  	[tilespmem:s14], [sflag:$0x2] =	stream.indirect.gather [hbm4b:s0+s13], $0x80, s28, s13, $0xb8;
	[tilespmem:$0x1E700] =	vst v63  }
0x2f5: {  	_ =	swait.ge [sflag:s8], $0x4000  }
0x2f6: {  	[sflag:s8] =	ssyncset.done $0x0  }
0x2f7: {  	s28 =	simm.s32 $0x1D00;
	[sflag:s8] =	ssyncadd.s32 $0xFFFFC000  }
0x2f8: {  	[spmem:s2] =	stream.indirect.scatter.add.f32 [tilespmem:s7], [sflag:$0x5], $0x80, s28, s13, $0xb8;
	[tilespmem:$0x1E700] =	vst v63  }
0x2f9: {  	_ =	swait.ge [sflag:s15], $0x4000  }
0x2fa: {  	[sflag:s15] =	ssyncset.done $0x0  }
0x2fb: {  	[sflag:s15] =	ssyncadd.s32 $0xFFFFC000  }
0x2fc: {  	[spmem:s3] =	stream.indirect.scatter.add.f32 [tilespmem:s16], [sflag:$0x5], $0x1, s28, s13, $0xb8;
	[tilespmem:$0x1E700] =	vst v63  }
0x2fd: {  	_ =	swait.ge [sflag:s15], $0x80  }
0x2fe: {  	[sflag:s15] =	ssyncset.done $0x0  }
0x2ff: {  	s28 =	simm.s32 $0xE00;
	[sflag:s15] =	ssyncadd.s32 $0xFFFFFF80  }
0x300: {  	[tilespmem:s7], [sflag:$0x1] =	stream.indirect.gather [hbm4b:s0+s13], $0x80, s28, s13, $0xb8;
	[tilespmem:$0x1E700] =	vst v63  }
0x301: {  	_ =	swait.ge [sflag:s17], $0x4000  }
0x302: {  	[sflag:s17] =	ssyncset.done $0x0  }
0x303: {  	s28 =	simm.s32 $0x1D80;
	[sflag:s17] =	ssyncadd.s32 $0xFFFFC000  }
0x304: {  	[spmem:s2] =	stream.indirect.scatter.add.f32 [tilespmem:s14], [sflag:$0x5], $0x80, s28, s13, $0xb8;
	[tilespmem:$0x1E700] =	vst v63  }
0x305: {  	_ =	swait.ge [sflag:s15], $0x4000  }
0x306: {  	[sflag:s15] =	ssyncset.done $0x0  }
0x307: {  	[sflag:s15] =	ssyncadd.s32 $0xFFFFC000  }
0x308: {  	[spmem:s3] =	stream.indirect.scatter.add.f32 [tilespmem:s16], [sflag:$0x5], $0x1, s28, s13, $0xb8;
	[tilespmem:$0x1E700] =	vst v63  }
0x309: {  	_ =	swait.ge [sflag:s15], $0x80  }
0x30a: {  	[sflag:s15] =	ssyncset.done $0x0  }
0x30b: {  	s28 =	simm.s32 $0xE80;
	[sflag:s15] =	ssyncadd.s32 $0xFFFFFF80  }
0x30c: {  	[tilespmem:s14], [sflag:$0x2] =	stream.indirect.gather [hbm4b:s0+s13], $0x80, s28, s13, $0xb8;
	[tilespmem:$0x1E700] =	vst v63  }
0x30d: {  	_ =	swait.ge [sflag:s8], $0x4000  }
0x30e: {  	[sflag:s8] =	ssyncset.done $0x0  }
0x30f: {  	s28 =	simm.s32 $0x1E00;
	[sflag:s8] =	ssyncadd.s32 $0xFFFFC000  }
0x310: {  	[spmem:s2] =	stream.indirect.scatter.add.f32 [tilespmem:s7], [sflag:$0x5], $0x80, s28, s13, $0xb8;
	[tilespmem:$0x1E700] =	vst v63  }
0x311: {  	_ =	swait.ge [sflag:s15], $0x4000  }
0x312: {  	[sflag:s15] =	ssyncset.done $0x0  }
0x313: {  	[sflag:s15] =	ssyncadd.s32 $0xFFFFC000  }
0x314: {  	[spmem:s3] =	stream.indirect.scatter.add.f32 [tilespmem:s16], [sflag:$0x5], $0x1, s28, s13, $0xb8;
	[tilespmem:$0x1E700] =	vst v63  }
0x315: {  	_ =	swait.ge [sflag:s15], $0x80  }
0x316: {  	[sflag:s15] =	ssyncset.done $0x0  }
0x317: {  	s28 =	simm.s32 $0xF00;
	[sflag:s15] =	ssyncadd.s32 $0xFFFFFF80  }
0x318: {  	[tilespmem:s7], [sflag:$0x1] =	stream.indirect.gather [hbm4b:s0+s13], $0x80, s28, s13, $0xb8;
	[tilespmem:$0x1E700] =	vst v63  }
0x319: {  	_ =	swait.ge [sflag:s17], $0x4000  }
0x31a: {  	[sflag:s17] =	ssyncset.done $0x0  }
0x31b: {  	s28 =	simm.s32 $0x1E80;
	[sflag:s17] =	ssyncadd.s32 $0xFFFFC000  }
0x31c: {  	[spmem:s2] =	stream.indirect.scatter.add.f32 [tilespmem:s14], [sflag:$0x5], $0x80, s28, s13, $0xb8;
	[tilespmem:$0x1E700] =	vst v63  }
0x31d: {  	_ =	swait.ge [sflag:s15], $0x4000  }
0x31e: {  	[sflag:s15] =	ssyncset.done $0x0  }
0x31f: {  	[sflag:s15] =	ssyncadd.s32 $0xFFFFC000  }
0x320: {  	[spmem:s3] =	stream.indirect.scatter.add.f32 [tilespmem:s16], [sflag:$0x5], $0x1, s28, s13, $0xb8;
	[tilespmem:$0x1E700] =	vst v63  }
0x321: {  	_ =	swait.ge [sflag:s15], $0x80  }
0x322: {  	[sflag:s15] =	ssyncset.done $0x0  }
0x323: {  	s28 =	simm.s32 $0xF80;
	[sflag:s15] =	ssyncadd.s32 $0xFFFFFF80  }
0x324: {  	[tilespmem:s14], [sflag:$0x2] =	stream.indirect.gather [hbm4b:s0+s13], $0x80, s28, s13, $0xb8;
	[tilespmem:$0x1E700] =	vst v63  }
0x325: {  	_ =	swait.ge [sflag:s8], $0x4000  }
0x326: {  	[sflag:s8] =	ssyncset.done $0x0  }
0x327: {  	s28 =	simm.s32 $0x1F00;
	[sflag:s8] =	ssyncadd.s32 $0xFFFFC000  }
0x328: {  	[spmem:s2] =	stream.indirect.scatter.add.f32 [tilespmem:s7], [sflag:$0x5], $0x80, s28, s13, $0xb8;
	[tilespmem:$0x1E700] =	vst v63  }
0x329: {  	_ =	swait.ge [sflag:s15], $0x4000  }
0x32a: {  	[sflag:s15] =	ssyncset.done $0x0  }
0x32b: {  	[sflag:s15] =	ssyncadd.s32 $0xFFFFC000  }
0x32c: {  	[spmem:s3] =	stream.indirect.scatter.add.f32 [tilespmem:s16], [sflag:$0x5], $0x1, s28, s13, $0xb8;
	[tilespmem:$0x1E700] =	vst v63  }
0x32d: {  	_ =	swait.ge [sflag:s15], $0x80  }
0x32e: {  	[sflag:s15] =	ssyncset.done $0x0  }
0x32f: {  	[sflag:s15] =	ssyncadd.s32 $0xFFFFFF80  }
0x330: {  	_ =	swait.ge [sflag:s12], $0x800  }
0x331: {  	[sflag:s12] =	ssyncset.done $0x0  }
0x332: {  	[sflag:s12] =	ssyncadd.s32 $0xFFFFF800  }
0x333: {  	_ =	swait.ge [sflag:s12], $0x800  }
0x334: {  	[sflag:s12] =	ssyncset.done $0x0  }
0x335: {  	[sflag:s12] =	ssyncadd.s32 $0xFFFFF800  }
0x336: {  	[tilespmem:s7], [sflag:$0x1] =	stream.indirect.gather [hbm4b:s0+s13], $0x80, s1, s13, $0xb8;
	[tilespmem:$0x1E700] =	vst v63  }
0x337: {  	_ =	swait.ge [sflag:s17], $0x4000  }
0x338: {  	[sflag:s17] =	ssyncset.done $0x0  }
0x339: {  	s20 =	simm.s32 $0x1F80;
	[sflag:s17] =	ssyncadd.s32 $0xFFFFC000  }
0x33a: {  	[spmem:s2] =	stream.indirect.scatter.add.f32 [tilespmem:s14], [sflag:$0x5], $0x80, s20, s13, $0xb8;
	[tilespmem:$0x1E700] =	vst v63  }
0x33b: {  	_ =	swait.ge [sflag:s15], $0x4000  }
0x33c: {  	[sflag:s15] =	ssyncset.done $0x0  }
0x33d: {  	[sflag:s15] =	ssyncadd.s32 $0xFFFFC000  }
0x33e: {  	[spmem:s3] =	stream.indirect.scatter.add.f32 [tilespmem:s16], [sflag:$0x5], $0x1, s20, s13, $0xb8;
	[tilespmem:$0x1E700] =	vst v63  }
0x33f: {  	_ =	swait.ge [sflag:s15], $0x80  }
0x340: {  	[sflag:s15] =	ssyncset.done $0x0  }
0x341: {  	[sflag:s15] =	ssyncadd.s32 $0xFFFFFF80  }
0x342: {  	[tilespmem:s14], [sflag:$0x2] =	stream.indirect.gather [hbm4b:s0+s13], $0x80, s13, s13, $0xb8;
	[tilespmem:$0x1E700] =	vst v63  }
0x343: {  	_ =	swait.ge [sflag:s8], $0x4000  }
0x344: {  	[sflag:s8] =	ssyncset.done $0x0  }
0x345: {  	s5 =	simm.s32 $0x1000;
	[sflag:s8] =	ssyncadd.s32 $0xFFFFC000  }
0x346: {  	[spmem:s2] =	stream.indirect.scatter.add.f32 [tilespmem:s7], [sflag:$0x5], $0x80, s5, s13, $0xb8;
	[tilespmem:$0x1E700] =	vst v63  }
0x347: {  	_ =	swait.ge [sflag:s15], $0x4000  }
0x348: {  	[sflag:s15] =	ssyncset.done $0x0  }
0x349: {  	[sflag:s15] =	ssyncadd.s32 $0xFFFFC000  }
0x34a: {  	[spmem:s3] =	stream.indirect.scatter.add.f32 [tilespmem:s16], [sflag:$0x5], $0x1, s5, s13, $0xb8;
	[tilespmem:$0x1E700] =	vst v63  }
0x34b: {  	_ =	swait.ge [sflag:s15], $0x80  }
0x34c: {  	[sflag:s15] =	ssyncset.done $0x0  }
0x34d: {  	s28 =	simm.s32 $0x100;
	[sflag:s15] =	ssyncadd.s32 $0xFFFFFF80  }
0x34e: {  	[tilespmem:s7], [sflag:$0x1] =	stream.indirect.gather [hbm4b:s0+s13], $0x80, s28, s13, $0xb8;
	[tilespmem:$0x1E700] =	vst v63  }
0x34f: {  	_ =	swait.ge [sflag:s17], $0x4000  }
0x350: {  	[sflag:s17] =	ssyncset.done $0x0  }
0x351: {  	[sflag:s17] =	ssyncadd.s32 $0xFFFFC000  }
0x352: {  	[spmem:s2] =	stream.indirect.scatter.add.f32 [tilespmem:s14], [sflag:$0x5], $0x80, s4, s13, $0xb8;
	[tilespmem:$0x1E700] =	vst v63  }
0x353: {  	_ =	swait.ge [sflag:s15], $0x4000  }
0x354: {  	[sflag:s15] =	ssyncset.done $0x0  }
0x355: {  	[sflag:s15] =	ssyncadd.s32 $0xFFFFC000  }
0x356: {  	[spmem:s3] =	stream.indirect.scatter.add.f32 [tilespmem:s16], [sflag:$0x5], $0x1, s4, s13, $0xb8;
	[tilespmem:$0x1E700] =	vst v63  }
0x357: {  	_ =	swait.ge [sflag:s15], $0x80  }
0x358: {  	[sflag:s15] =	ssyncset.done $0x0  }
0x359: {  	s4 =	simm.s32 $0x180;
	[sflag:s15] =	ssyncadd.s32 $0xFFFFFF80  }
0x35a: {  	[tilespmem:s14], [sflag:$0x2] =	stream.indirect.gather [hbm4b:s0+s13], $0x80, s4, s13, $0xb8;
	[tilespmem:$0x1E700] =	vst v63  }
0x35b: {  	_ =	swait.ge [sflag:s8], $0x4000  }
0x35c: {  	[sflag:s8] =	ssyncset.done $0x0  }
0x35d: {  	[sflag:s8] =	ssyncadd.s32 $0xFFFFC000  }
0x35e: {  	[spmem:s2] =	stream.indirect.scatter.add.f32 [tilespmem:s7], [sflag:$0x5], $0x80, s9, s13, $0xb8;
	[tilespmem:$0x1E700] =	vst v63  }
0x35f: {  	_ =	swait.ge [sflag:s15], $0x4000  }
0x360: {  	[sflag:s15] =	ssyncset.done $0x0  }
0x361: {  	[sflag:s15] =	ssyncadd.s32 $0xFFFFC000  }
0x362: {  	[spmem:s3] =	stream.indirect.scatter.add.f32 [tilespmem:s16], [sflag:$0x5], $0x1, s9, s13, $0xb8;
	[tilespmem:$0x1E700] =	vst v63  }
0x363: {  	_ =	swait.ge [sflag:s15], $0x80  }
0x364: {  	[sflag:s15] =	ssyncset.done $0x0  }
0x365: {  	s9 =	simm.s32 $0x200;
	[sflag:s15] =	ssyncadd.s32 $0xFFFFFF80  }
0x366: {  	[tilespmem:s7], [sflag:$0x1] =	stream.indirect.gather [hbm4b:s0+s13], $0x80, s9, s13, $0xb8;
	[tilespmem:$0x1E700] =	vst v63  }
0x367: {  	_ =	swait.ge [sflag:s17], $0x4000  }
0x368: {  	[sflag:s17] =	ssyncset.done $0x0  }
0x369: {  	[sflag:s17] =	ssyncadd.s32 $0xFFFFC000  }
0x36a: {  	[spmem:s2] =	stream.indirect.scatter.add.f32 [tilespmem:s14], [sflag:$0x5], $0x80, s10, s13, $0xb8;
	[tilespmem:$0x1E700] =	vst v63  }
0x36b: {  	_ =	swait.ge [sflag:s15], $0x4000  }
0x36c: {  	[sflag:s15] =	ssyncset.done $0x0  }
0x36d: {  	[sflag:s15] =	ssyncadd.s32 $0xFFFFC000  }
0x36e: {  	[spmem:s3] =	stream.indirect.scatter.add.f32 [tilespmem:s16], [sflag:$0x5], $0x1, s10, s13, $0xb8;
	[tilespmem:$0x1E700] =	vst v63  }
0x36f: {  	_ =	swait.ge [sflag:s15], $0x80  }
0x370: {  	[sflag:s15] =	ssyncset.done $0x0  }
0x371: {  	s10 =	simm.s32 $0x280;
	[sflag:s15] =	ssyncadd.s32 $0xFFFFFF80  }
0x372: {  	[tilespmem:s14], [sflag:$0x2] =	stream.indirect.gather [hbm4b:s0+s13], $0x80, s10, s13, $0xb8;
	[tilespmem:$0x1E700] =	vst v63  }
0x373: {  	_ =	swait.ge [sflag:s8], $0x4000  }
0x374: {  	[sflag:s8] =	ssyncset.done $0x0  }
0x375: {  	[sflag:s8] =	ssyncadd.s32 $0xFFFFC000  }
0x376: {  	[spmem:s2] =	stream.indirect.scatter.add.f32 [tilespmem:s7], [sflag:$0x5], $0x80, s11, s13, $0xb8;
	[tilespmem:$0x1E700] =	vst v63  }
0x377: {  	_ =	swait.ge [sflag:s15], $0x4000  }
0x378: {  	[sflag:s15] =	ssyncset.done $0x0  }
0x379: {  	[sflag:s15] =	ssyncadd.s32 $0xFFFFC000  }
0x37a: {  	[spmem:s3] =	stream.indirect.scatter.add.f32 [tilespmem:s16], [sflag:$0x5], $0x1, s11, s13, $0xb8;
	[tilespmem:$0x1E700] =	vst v63  }
0x37b: {  	_ =	swait.ge [sflag:s15], $0x80  }
0x37c: {  	[sflag:s15] =	ssyncset.done $0x0  }
0x37d: {  	s11 =	simm.s32 $0x300;
	[sflag:s15] =	ssyncadd.s32 $0xFFFFFF80  }
0x37e: {  	[tilespmem:s7], [sflag:$0x1] =	stream.indirect.gather [hbm4b:s0+s13], $0x80, s11, s13, $0xb8;
	[tilespmem:$0x1E700] =	vst v63  }
0x37f: {  	_ =	swait.ge [sflag:s17], $0x4000  }
0x380: {  	[sflag:s17] =	ssyncset.done $0x0  }
0x381: {  	[sflag:s17] =	ssyncadd.s32 $0xFFFFC000  }
0x382: {  	[spmem:s2] =	stream.indirect.scatter.add.f32 [tilespmem:s14], [sflag:$0x5], $0x80, s19, s13, $0xb8;
	[tilespmem:$0x1E700] =	vst v63  }
0x383: {  	_ =	swait.ge [sflag:s15], $0x4000  }
0x384: {  	[sflag:s15] =	ssyncset.done $0x0  }
0x385: {  	[sflag:s15] =	ssyncadd.s32 $0xFFFFC000  }
0x386: {  	[spmem:s3] =	stream.indirect.scatter.add.f32 [tilespmem:s16], [sflag:$0x5], $0x1, s19, s13, $0xb8;
	[tilespmem:$0x1E700] =	vst v63  }
0x387: {  	_ =	swait.ge [sflag:s15], $0x80  }
0x388: {  	[sflag:s15] =	ssyncset.done $0x0  }
0x389: {  	s20 =	simm.s32 $0x380;
	[sflag:s15] =	ssyncadd.s32 $0xFFFFFF80  }
0x38a: {  	[tilespmem:s14], [sflag:$0x2] =	stream.indirect.gather [hbm4b:s0+s13], $0x80, s20, s13, $0xb8;
	[tilespmem:$0x1E700] =	vst v63  }
0x38b: {  	_ =	swait.ge [sflag:s8], $0x4000  }
0x38c: {  	[sflag:s8] =	ssyncset.done $0x0  }
0x38d: {  	[sflag:s8] =	ssyncadd.s32 $0xFFFFC000  }
0x38e: {  	[spmem:s2] =	stream.indirect.scatter.add.f32 [tilespmem:s7], [sflag:$0x5], $0x80, s21, s13, $0xb8;
	[tilespmem:$0x1E700] =	vst v63  }
0x38f: {  	_ =	swait.ge [sflag:s15], $0x4000  }
0x390: {  	[sflag:s15] =	ssyncset.done $0x0  }
0x391: {  	[sflag:s15] =	ssyncadd.s32 $0xFFFFC000  }
0x392: {  	[spmem:s3] =	stream.indirect.scatter.add.f32 [tilespmem:s16], [sflag:$0x5], $0x1, s21, s13, $0xb8;
	[tilespmem:$0x1E700] =	vst v63  }
0x393: {  	_ =	swait.ge [sflag:s15], $0x80  }
0x394: {  	[sflag:s15] =	ssyncset.done $0x0  }
0x395: {  	s21 =	simm.s32 $0x400;
	[sflag:s15] =	ssyncadd.s32 $0xFFFFFF80  }
0x396: {  	[tilespmem:s7], [sflag:$0x1] =	stream.indirect.gather [hbm4b:s0+s13], $0x80, s21, s13, $0xb8;
	[tilespmem:$0x1E700] =	vst v63  }
0x397: {  	_ =	swait.ge [sflag:s17], $0x4000  }
0x398: {  	[sflag:s17] =	ssyncset.done $0x0  }
0x399: {  	[sflag:s17] =	ssyncadd.s32 $0xFFFFC000  }
0x39a: {  	[spmem:s2] =	stream.indirect.scatter.add.f32 [tilespmem:s14], [sflag:$0x5], $0x80, s22, s13, $0xb8;
	[tilespmem:$0x1E700] =	vst v63  }
0x39b: {  	_ =	swait.ge [sflag:s15], $0x4000  }
0x39c: {  	[sflag:s15] =	ssyncset.done $0x0  }
0x39d: {  	[sflag:s15] =	ssyncadd.s32 $0xFFFFC000  }
0x39e: {  	[spmem:s3] =	stream.indirect.scatter.add.f32 [tilespmem:s16], [sflag:$0x5], $0x1, s22, s13, $0xb8;
	[tilespmem:$0x1E700] =	vst v63  }
0x39f: {  	_ =	swait.ge [sflag:s15], $0x80  }
0x3a0: {  	[sflag:s15] =	ssyncset.done $0x0  }
0x3a1: {  	s28 =	simm.s32 $0x480;
	[sflag:s15] =	ssyncadd.s32 $0xFFFFFF80  }
0x3a2: {  	[tilespmem:s14], [sflag:$0x2] =	stream.indirect.gather [hbm4b:s0+s13], $0x80, s28, s13, $0xb8;
	[tilespmem:$0x1E700] =	vst v63  }
0x3a3: {  	_ =	swait.ge [sflag:s8], $0x4000  }
0x3a4: {  	[sflag:s8] =	ssyncset.done $0x0  }
0x3a5: {  	[sflag:s8] =	ssyncadd.s32 $0xFFFFC000  }
0x3a6: {  	[spmem:s2] =	stream.indirect.scatter.add.f32 [tilespmem:s7], [sflag:$0x5], $0x80, s23, s13, $0xb8;
	[tilespmem:$0x1E700] =	vst v63  }
0x3a7: {  	_ =	swait.ge [sflag:s15], $0x4000  }
0x3a8: {  	[sflag:s15] =	ssyncset.done $0x0  }
0x3a9: {  	[sflag:s15] =	ssyncadd.s32 $0xFFFFC000  }
0x3aa: {  	[spmem:s3] =	stream.indirect.scatter.add.f32 [tilespmem:s16], [sflag:$0x5], $0x1, s23, s13, $0xb8;
	[tilespmem:$0x1E700] =	vst v63  }
0x3ab: {  	_ =	swait.ge [sflag:s15], $0x80  }
0x3ac: {  	[sflag:s15] =	ssyncset.done $0x0  }
0x3ad: {  	s4 =	simm.s32 $0x500;
	[sflag:s15] =	ssyncadd.s32 $0xFFFFFF80  }
0x3ae: {  	[tilespmem:s7], [sflag:$0x1] =	stream.indirect.gather [hbm4b:s0+s13], $0x80, s4, s13, $0xb8;
	[tilespmem:$0x1E700] =	vst v63  }
0x3af: {  	_ =	swait.ge [sflag:s17], $0x4000  }
0x3b0: {  	[sflag:s17] =	ssyncset.done $0x0  }
0x3b1: {  	[sflag:s17] =	ssyncadd.s32 $0xFFFFC000  }
0x3b2: {  	[spmem:s2] =	stream.indirect.scatter.add.f32 [tilespmem:s14], [sflag:$0x5], $0x80, s25, s13, $0xb8;
	[tilespmem:$0x1E700] =	vst v63  }
0x3b3: {  	_ =	swait.ge [sflag:s15], $0x4000  }
0x3b4: {  	[sflag:s15] =	ssyncset.done $0x0  }
0x3b5: {  	[sflag:s15] =	ssyncadd.s32 $0xFFFFC000  }
0x3b6: {  	[spmem:s3] =	stream.indirect.scatter.add.f32 [tilespmem:s16], [sflag:$0x5], $0x1, s25, s13, $0xb8;
	[tilespmem:$0x1E700] =	vst v63  }
0x3b7: {  	_ =	swait.ge [sflag:s15], $0x80  }
0x3b8: {  	[sflag:s15] =	ssyncset.done $0x0  }
0x3b9: {  	s9 =	simm.s32 $0x580;
	[sflag:s15] =	ssyncadd.s32 $0xFFFFFF80  }
0x3ba: {  	[tilespmem:s14], [sflag:$0x2] =	stream.indirect.gather [hbm4b:s0+s13], $0x80, s9, s13, $0xb8;
	[tilespmem:$0x1E700] =	vst v63  }
0x3bb: {  	_ =	swait.ge [sflag:s8], $0x4000  }
0x3bc: {  	[sflag:s8] =	ssyncset.done $0x0  }
0x3bd: {  	[sflag:s8] =	ssyncadd.s32 $0xFFFFC000  }
0x3be: {  	[spmem:s2] =	stream.indirect.scatter.add.f32 [tilespmem:s7], [sflag:$0x5], $0x80, s26, s13, $0xb8;
	[tilespmem:$0x1E700] =	vst v63  }
0x3bf: {  	_ =	swait.ge [sflag:s15], $0x4000  }
0x3c0: {  	[sflag:s15] =	ssyncset.done $0x0  }
0x3c1: {  	[sflag:s15] =	ssyncadd.s32 $0xFFFFC000  }
0x3c2: {  	[spmem:s3] =	stream.indirect.scatter.add.f32 [tilespmem:s16], [sflag:$0x5], $0x1, s26, s13, $0xb8;
	[tilespmem:$0x1E700] =	vst v63  }
0x3c3: {  	_ =	swait.ge [sflag:s15], $0x80  }
0x3c4: {  	[sflag:s15] =	ssyncset.done $0x0  }
0x3c5: {  	s10 =	simm.s32 $0x600;
	[sflag:s15] =	ssyncadd.s32 $0xFFFFFF80  }
0x3c6: {  	[tilespmem:s7], [sflag:$0x1] =	stream.indirect.gather [hbm4b:s0+s13], $0x80, s10, s13, $0xb8;
	[tilespmem:$0x1E700] =	vst v63  }
0x3c7: {  	_ =	swait.ge [sflag:s17], $0x4000  }
0x3c8: {  	[sflag:s17] =	ssyncset.done $0x0  }
0x3c9: {  	[sflag:s17] =	ssyncadd.s32 $0xFFFFC000  }
0x3ca: {  	[spmem:s2] =	stream.indirect.scatter.add.f32 [tilespmem:s14], [sflag:$0x5], $0x80, s29, s13, $0xb8;
	[tilespmem:$0x1E700] =	vst v63  }
0x3cb: {  	_ =	swait.ge [sflag:s15], $0x4000  }
0x3cc: {  	[sflag:s15] =	ssyncset.done $0x0  }
0x3cd: {  	[sflag:s15] =	ssyncadd.s32 $0xFFFFC000  }
0x3ce: {  	[spmem:s3] =	stream.indirect.scatter.add.f32 [tilespmem:s16], [sflag:$0x5], $0x1, s29, s13, $0xb8;
	[tilespmem:$0x1E700] =	vst v63  }
0x3cf: {  	_ =	swait.ge [sflag:s15], $0x80  }
0x3d0: {  	[sflag:s15] =	ssyncset.done $0x0  }
0x3d1: {  	s11 =	simm.s32 $0x680;
	[sflag:s15] =	ssyncadd.s32 $0xFFFFFF80  }
0x3d2: {  	[tilespmem:s14], [sflag:$0x2] =	stream.indirect.gather [hbm4b:s0+s13], $0x80, s11, s13, $0xb8;
	[tilespmem:$0x1E700] =	vst v63  }
0x3d3: {  	_ =	swait.ge [sflag:s8], $0x4000  }
0x3d4: {  	[sflag:s8] =	ssyncset.done $0x0  }
0x3d5: {  	[sflag:s8] =	ssyncadd.s32 $0xFFFFC000  }
0x3d6: {  	[spmem:s2] =	stream.indirect.scatter.add.f32 [tilespmem:s7], [sflag:$0x5], $0x80, s30, s13, $0xb8;
	[tilespmem:$0x1E700] =	vst v63  }
0x3d7: {  	_ =	swait.ge [sflag:s15], $0x4000  }
0x3d8: {  	[sflag:s15] =	ssyncset.done $0x0  }
0x3d9: {  	[sflag:s15] =	ssyncadd.s32 $0xFFFFC000  }
0x3da: {  	[spmem:s3] =	stream.indirect.scatter.add.f32 [tilespmem:s16], [sflag:$0x5], $0x1, s30, s13, $0xb8;
	[tilespmem:$0x1E700] =	vst v63  }
0x3db: {  	_ =	swait.ge [sflag:s15], $0x80  }
0x3dc: {  	[sflag:s15] =	ssyncset.done $0x0  }
0x3dd: {  	s19 =	simm.s32 $0x700;
	[sflag:s15] =	ssyncadd.s32 $0xFFFFFF80  }
0x3de: {  	[tilespmem:s7], [sflag:$0x1] =	stream.indirect.gather [hbm4b:s0+s13], $0x80, s19, s13, $0xb8;
	[tilespmem:$0x1E700] =	vst v63  }
0x3df: {  	_ =	swait.ge [sflag:s17], $0x4000  }
0x3e0: {  	[sflag:s17] =	ssyncset.done $0x0  }
0x3e1: {  	[sflag:s17] =	ssyncadd.s32 $0xFFFFC000  }
0x3e2: {  	[spmem:s2] =	stream.indirect.scatter.add.f32 [tilespmem:s14], [sflag:$0x5], $0x80, s31, s13, $0xb8;
	[tilespmem:$0x1E700] =	vst v63  }
0x3e3: {  	_ =	swait.ge [sflag:s15], $0x4000  }
0x3e4: {  	[sflag:s15] =	ssyncset.done $0x0  }
0x3e5: {  	[sflag:s15] =	ssyncadd.s32 $0xFFFFC000  }
0x3e6: {  	[spmem:s3] =	stream.indirect.scatter.add.f32 [tilespmem:s16], [sflag:$0x5], $0x1, s31, s13, $0xb8;
	[tilespmem:$0x1E700] =	vst v63  }
0x3e7: {  	_ =	swait.ge [sflag:s15], $0x80  }
0x3e8: {  	[sflag:s15] =	ssyncset.done $0x0  }
0x3e9: {  	s20 =	simm.s32 $0x780;
	[sflag:s15] =	ssyncadd.s32 $0xFFFFFF80  }
0x3ea: {  	[tilespmem:s14], [sflag:$0x2] =	stream.indirect.gather [hbm4b:s0+s13], $0x80, s20, s13, $0xb8;
	[tilespmem:$0x1E700] =	vst v63  }
0x3eb: {  	_ =	swait.ge [sflag:s8], $0x4000  }
0x3ec: {  	[sflag:s8] =	ssyncset.done $0x0  }
0x3ed: {  	s21 =	simm.s32 $0x1700;
	[sflag:s8] =	ssyncadd.s32 $0xFFFFC000  }
0x3ee: {  	[spmem:s2] =	stream.indirect.scatter.add.f32 [tilespmem:s7], [sflag:$0x5], $0x80, s21, s13, $0xb8;
	[tilespmem:$0x1E700] =	vst v63  }
0x3ef: {  	_ =	swait.ge [sflag:s15], $0x4000  }
0x3f0: {  	[sflag:s15] =	ssyncset.done $0x0  }
0x3f1: {  	[sflag:s15] =	ssyncadd.s32 $0xFFFFC000  }
0x3f2: {  	[spmem:s3] =	stream.indirect.scatter.add.f32 [tilespmem:s16], [sflag:$0x5], $0x1, s21, s13, $0xb8;
	[tilespmem:$0x1E700] =	vst v63  }
0x3f3: {  	_ =	swait.ge [sflag:s15], $0x80  }
0x3f4: {  	[sflag:s15] =	ssyncset.done $0x0  }
0x3f5: {  	[sflag:s15] =	ssyncadd.s32 $0xFFFFFF80  }
0x3f6: {  	_ =	swait.ge [sflag:s17], $0x4000  }
0x3f7: {  	[sflag:s17] =	ssyncset.done $0x0  }
0x3f8: {  	s22 =	simm.s32 $0x1780;
	[sflag:s17] =	ssyncadd.s32 $0xFFFFC000  }
0x3f9: {  	[spmem:s2] =	stream.indirect.scatter.add.f32 [tilespmem:s14], [sflag:$0x5], $0x80, s22, s13, $0xb8;
	[tilespmem:$0x1E700] =	vst v63  }
0x3fa: {  	_ =	swait.ge [sflag:s15], $0x4000  }
0x3fb: {  	[sflag:s15] =	ssyncset.done $0x0  }
0x3fc: {  	[sflag:s15] =	ssyncadd.s32 $0xFFFFC000  }
0x3fd: {  	[spmem:s3] =	stream.indirect.scatter.add.f32 [tilespmem:s16], [sflag:$0x5], $0x1, s22, s13, $0xb8;
	[tilespmem:$0x1E700] =	vst v63  }
0x3fe: {  	_ =	swait.ge [sflag:s15], $0x80  }
0x3ff: {  	[sflag:s15] =	ssyncset.done $0x0  }
0x400: {  	[sflag:s15] =	ssyncadd.s32 $0xFFFFFF80  }
0x401: {  	[bflag:$0x0] =	sbarrier.arrive $0xFFFF  }
0x402: {  	s31 =	sld [smem:$0x7FD]  }
0x403: {  	s23 =	stileid.u32  }
0x404: {  	s28 =	sshll.u32 s23, $0x6  }
0x405: {  	s28 =	sor.u32 $0x1C05, s28;
	s26 =	rddreg [dreg:$0x10];
	s25 =	sshrl.u32 s31, $0x3  }
0x406: {  	[hbm:s26], [sflag:s28] =	dma.local [spmem:s25], $0x2800  }
0x407: {  	_ =	swait.ge [sflag:s15], $0x2800  }
0x408: {  	[sflag:s15] =	ssyncset.done $0x0  }
0x409: {  	s30 =	sshrl.u32 @!p0 s3, $0x3;
	s1 =	rddreg [dreg:$0x11];
	[sflag:s15] =	ssyncadd.s32 $0xFFFFD800  }
0x40a: {  	[hbm:s1], [sflag:s28] =	dma.local @!p0 [spmem:s30], $0x500  }
0x40b: {  	s28 =	simm.s32 @!p0 $0x5  }
0x40c: {  	_ =	swait.ge @!p0 [sflag:s28], $0x500  }
0x40d: {  	s6 =	sadd.s32 $0x1, s6;
	s30 =	rddreg [dreg:$0x12]  }
0x40e: {  	p1 =	sne.s32 s6, s30  }
.Ltmp3:
0x40f: {  	_ = 	snop;
	(pc) =	sbr.rel @p1 .LBB2_1-.Ltmp3, $3  }
0x410: {  	_ =	sdelay $0x1  }
0x411: {  	[sflag:s28] =	ssyncset.done @!p0 $0x0  }
0x412: {  	s24 =	simm.s32 $0x800;
	s18 =	simm.s32 $0x1800;
	[sflag:s28] =	ssyncadd.s32 @!p0 $0xFFFFFB00  }
0x413: {  	_ =	sfence.sel $0x180000  }
0x414: {  	[bflag:$0x0] =	sbarrier.arrive $0xFFFF  }
0x415: {  	_ =	strace $0x90000047  }
0x416: {  	[bflag:$0x2] =	sbarrier.arrive $0xFFFF  }
0x417: {  	s0 =	rddreg [dreg:$0x5]  }
0x418: {  	s0 =	sadd.s32 @!p0 $0x100000, s0  }
0x419: {  	[sflag:s0] =	ssyncadd.tile.s32 @!p0 $0x1;
	_ =	shalt  }
.Lfunc_end2:
_tile_overlayer_lowered:
.L_overlay_start_2:
0x41a: {  	(tag) =	ssettag $0x2  }
0x41b: {  	s0 =	rddreg [dreg:$0x0];
	s2 =	stileid.u32  }
0x41c: {  	s1 =	rddreg [dreg:$0x1];
	p0 =	sne.s32 s2, $0x0  }
0x41d: {  	s3 =	rddreg [dreg:$0x2];
	[bflag:$0x3] =	sbarrier.arrive $0xFFFF;
	s2 =	simm.s32 @!p0 $0x1C05  }
0x41e: {  	[timem:s3], [sflag:s2] =	dma.local @!p0 [hbm:s0], s1  }
0x41f: {  	s0 =	simm.s32 @!p0 $0x5  }
0x420: {  	_ =	swait.ge @!p0 [sflag:s0], s1  }
0x421: {  	s1 =	ssub.s32 @!p0 $0x0, s1;
	[sflag:s0] =	ssyncset.done @!p0 $0x0  }
0x422: {  	[sflag:s0] =	ssyncadd.s32 @!p0 s1  }
0x423: {  	[bflag:$0x3] =	sbarrier.arrive $0xFFFF  }
0x424: {  	_ =	shalt  }

// kernel: kernel.9.cloned.1.call-start
scs
__scs_entry_jumppad:
0x0: {  	(pc) =	sbr.rel $0x88, $3  }
0x1: {  	(tag) =	ssettag $0x0;
	lr =	simm.s32 $0x1  }
0x2: {  	[smem:$0x3F99] =	sst lr;
	_ =	strace $0xD0000000  }
0x3: {  	_ = 	snop  }
0x4: {  	_ = 	snop  }
0x5: {  	_ = 	snop  }
0x6: {  	_ = 	snop  }
0x7: {  	_ = 	snop  }
__scs_overlays_trampoline_lowered:
0x8: {  	[smem:$0x3FA8] =	sst s0  }
0x9: {  	[smem:$0x3FA9] =	sst s1  }
0xa: {  	[smem:$0x3FAA] =	sst s2  }
0xb: {  	[smem:$0x3FAB] =	sst s3  }
0xc: {  	[smem:$0x3FAC] =	sst s4  }
0xd: {  	[smem:$0x3FAD] =	sst s5  }
0xe: {  	[smem:$0x3FAE] =	sst s6  }
0xf: {  	[smem:$0x3FAF] =	sst s7  }
0x10: {  	[smem:$0x3FB0] =	sst s8  }
0x11: {  	[smem:$0x3FB1] =	sst s9;
	s0 =	simm.s32 @!p0 $0x0  }
0x12: {  	s1 =	sld [smem:$0x3F97];
	s0 =	simm.s32 @p0 $0x1  }
0x13: {  	[smem:$0x3FB2] =	sst s0;
	s0 =	simm.s32 @!p1 $0x0  }
0x14: {  	s2 =	sld [smem:$0x3F96];
	s0 =	simm.s32 @p1 $0x1  }
0x15: {  	[smem:$0x3FB3] =	sst s0;
	s0 =	simm.s32 @!p2 $0x0  }
0x16: {  	s3 =	sld [smem:$0x3FDB];
	s0 =	simm.s32 @p2 $0x1  }
0x17: {  	s4 =	simm.s32 $0x1BF5;
	[smem:$0x3FB5] =	sst s0  }
0x18: {  	s0 =	sld [smem:$0x3F98];
	_ =	swait.ge [sflag:s4], $0x0  }
0x19: {  	s7 =	sld [smem:$0x3F99]  }
0x1a: {  	s8 =	sadd.s32 $0xFFFFE003, lr  }
0x1b: {  	s9 =	sadd.s32 $0xFFFFFEF7, lr;
	s5 =	simm.s32 $0xFFFFFFFF;
	p2 =	slt.u32 s8, $0xFFFFF086  }
0x1c: {  	p1 =	slt.u32 s9, $0xF7A;
	s5 =	simm.s32 @!p2 $0x0  }
0x1d: {  	s5 =	simm.s32 @p1 $0x1;
	p0 =	seq.s32 s7, s2  }
0x1e: {  	s7 =	smul.u32 @!p0 $0xF7A, s2;
	p2 =	seq.s32 @!p0 s5, $0x0  }
0x1f: {  	s9 =	smul.u32 $0xF7A, s1;
	s8 =	simm.s32 @!p0 $0x1BF5;
	p2 =	por !p2, p0  }
0x20: {  	[sflag:s8] =	ssyncset.s32 @!p0 $0xFFFFF086;
	s6 =	sadd.s32 @!p0 s3, s7;
	s7 =	simm.s32 @!p0 $0x108  }
0x21: {  	s3 =	sadd.s32 s3, s9;
	s6 =	sadd.s32 @!p0 $0x88, s6;
	s7 =	simm.s32 @p2 $0x1082  }
0x22: {  	[simem:s7], [sflag:s8] =	dma.local @!p0 [hbm:s6], $0xF7A  }
0x23: {  	s9 =	sor.u32 $0xD0000000, s2;
	s6 =	simm.s32 $0x108;
	_ =	swait.ge @!p0 [sflag:s8], $0x0  }
0x24: {  	s3 =	sadd.s32 $0x88, s3;
	s6 =	simm.s32 @!p1 $0x1082;
	[sflag:s4] =	ssyncset.s32 $0xFFFFF086  }
0x25: {  	[simem:s6], [sflag:s4] =	dma.local [hbm:s3], $0xF7A  }
0x26: {  	[smem:$0x3F99] =	sst s1;
	(tag) =	ssettag s2;
	_ =	strace s9  }
0x27: {  	s1 =	sld [smem:$0x3FA9]  }
0x28: {  	s2 =	sld [smem:$0x3FAA]  }
0x29: {  	s4 =	sld [smem:$0x3FAC]  }
0x2a: {  	p0 =	seq.s32 s5, $0x0;
	s5 =	sld [smem:$0x3FAD]  }
0x2b: {  	s6 =	sld [smem:$0x3FAE]  }
0x2c: {  	s7 =	sld [smem:$0x3FAF]  }
0x2d: {  	s3 =	simm.s32 $0x108;
	s8 =	sld [smem:$0x3FB0]  }
0x2e: {  	s3 =	simm.s32 @!p0 $0x1082;
	s9 =	sld [smem:$0x3FB1]  }
0x2f: {  	lr =	sadd.s32 s0, s3;
	s0 =	sld [smem:$0x3FA8]  }
0x30: {  	s3 =	sld [smem:$0x3FAB]  }
0x31: {  	[smem:$0x3FB4] =	sst s10  }
0x32: {  	s10 =	sld [smem:$0x3FB2];
	_ =	sdelay $0x3  }
0x33: {  	p0 =	seq.s32 s10, $0x1;
	s10 =	sld [smem:$0x3FB4];
	_ =	sdelay $0x3  }
0x34: {  	[smem:$0x3FB4] =	sst s10  }
0x35: {  	s10 =	sld [smem:$0x3FB3];
	_ =	sdelay $0x3  }
0x36: {  	p1 =	seq.s32 s10, $0x1;
	s10 =	sld [smem:$0x3FB4];
	_ =	sdelay $0x3  }
0x37: {  	[smem:$0x3FB4] =	sst s10  }
0x38: {  	s10 =	sld [smem:$0x3FB5]  }
0x39: {  	_ = 	snop;
	(pc) =	sbr.ind lr, $3  }
0x3a: {  	_ = 	snop  }
0x3b: {  	_ = 	snop  }
0x3c: {  	p2 =	seq.s32 s10, $0x1;
	s10 =	sld [smem:$0x3FB4]  }
0x3d: {  	_ =	shalt  }
0x3e: {  	_ =	shalt  }
0x3f: {  	_ =	shalt  }
0x40: {  	_ =	shalt  }
0x41: {  	_ =	shalt  }
0x42: {  	_ =	shalt  }
0x43: {  	_ =	shalt  }
0x44: {  	_ =	shalt  }
0x45: {  	_ =	shalt  }
0x46: {  	_ =	shalt  }
0x47: {  	_ =	shalt  }
0x48: {  	_ =	shalt  }
0x49: {  	_ =	shalt  }
0x4a: {  	_ =	shalt  }
0x4b: {  	_ =	shalt  }
0x4c: {  	_ =	shalt  }
0x4d: {  	_ =	shalt  }
0x4e: {  	_ =	shalt  }
0x4f: {  	_ =	shalt  }
0x50: {  	_ =	shalt  }
0x51: {  	_ =	shalt  }
0x52: {  	_ =	shalt  }
0x53: {  	_ =	shalt  }
0x54: {  	_ =	shalt  }
0x55: {  	_ =	shalt  }
0x56: {  	_ =	shalt  }
0x57: {  	_ =	shalt  }
0x58: {  	_ =	shalt  }
0x59: {  	_ =	shalt  }
0x5a: {  	_ =	shalt  }
0x5b: {  	_ =	shalt  }
0x5c: {  	_ =	shalt  }
0x5d: {  	_ =	shalt  }
0x5e: {  	_ =	shalt  }
0x5f: {  	_ =	shalt  }
0x60: {  	_ =	shalt  }
0x61: {  	_ =	shalt  }
0x62: {  	_ =	shalt  }
0x63: {  	_ =	shalt  }
0x64: {  	_ =	shalt  }
0x65: {  	_ =	shalt  }
0x66: {  	_ =	shalt  }
0x67: {  	_ =	shalt  }
0x68: {  	_ =	shalt  }
0x69: {  	_ =	shalt  }
0x6a: {  	_ =	shalt  }
0x6b: {  	_ =	shalt  }
0x6c: {  	_ =	shalt  }
0x6d: {  	_ =	shalt  }
0x6e: {  	_ =	shalt  }
0x6f: {  	_ =	shalt  }
0x70: {  	_ =	shalt  }
0x71: {  	_ =	shalt  }
0x72: {  	_ =	shalt  }
0x73: {  	_ =	shalt  }
0x74: {  	_ =	shalt  }
0x75: {  	_ =	shalt  }
0x76: {  	_ =	shalt  }
0x77: {  	_ =	shalt  }
0x78: {  	_ =	shalt  }
0x79: {  	_ =	shalt  }
0x7a: {  	_ =	shalt  }
0x7b: {  	_ =	shalt  }
0x7c: {  	_ =	shalt  }
0x7d: {  	_ =	shalt  }
0x7e: {  	_ =	shalt  }
0x7f: {  	_ =	shalt  }
0x80: {  	_ =	shalt  }
0x81: {  	_ =	shalt  }
0x82: {  	_ =	shalt  }
0x83: {  	_ =	shalt  }
0x84: {  	_ =	shalt  }
0x85: {  	_ =	shalt  }
0x86: {  	_ =	shalt  }
0x87: {  	_ =	shalt  }
.Lfunc_end0:
.L_simem_size_0:
called_computation.1_lowered:
.L_overlay_start_0:
0x88: {  	s2 =	sld [smem:$0x3FD9]  }
0x89: {  	s3 =	sld [smem:$0x3FFE];
	_ =	sdelay $0x1  }
0x8a: {  	s1 =	srdreg.scid  }
0x8b: {  	s0 =	sand.u32 $0x1, s1  }
0x8c: {  	s17 =	sshll.u32 s0, $0xA;
	s2 =	sadd.s32 s3, s2  }
0x8d: {  	s2 =	sadd.s32 s2, s17  }
0x8e: {  	[smem:$0x3FC0] =	sst s2  }
0x8f: {  	_ = 	snop  }
0x90: {  	s2 =	sld [smem:$0x3FD0];
	(tm) =	ssettm $0x1  }
0x91: {  	s18 =	sld [smem:$0x3FFB];
	_ =	sdelay $0x3  }
0x92: {  	_ =	strace s18  }
0x93: {  	s3 =	sld [smem:$0x3FFC];
	_ =	sdelay $0x3  }
0x94: {  	_ =	strace s3  }
0x95: {  	s3 =	sld [smem:$0x3FFD];
	_ =	sdelay $0x3  }
0x96: {  	_ =	strace s3  }
0x97: {  	_ =	strace $0x8FFFFFFF  }
0x98: {  	s19 =	sld [smem:$0x3FDB];
	_ =	sdelay $0x1  }
0x99: {  	s4 =	simm.s32 $_scs_section_size  }
0x9a: {  	s5 =	simm.s32 $_size__tile_overlayer_lowered;
	s6 =	simm.s32 $_tile_overlayer_lowered  }
0x9b: {  	s22 =	simm.s32 $0x1BFF;
	s21 =	sshll.u32 s6, $0x1;
	s3 =	sadd.s32 s4, s19  }
0x9c: {  	s7 =	simm.s32 $0x0;
	s20 =	sshll.u32 s5, $0x1;
	s5 =	sadd.s32 s21, s3  }
0x9d: {  	[timem:s7], [sflag:s22] =	dma.local [hbm:s5], s20  }
0x9e: {  	_ =	swait.ge [sflag:s22], s20  }
0x9f: {  	s4 =	ssub.s32 $0x0, s20;
	[sflag:s22] =	ssyncset.done $0x0  }
0xa0: {  	[sflag:s22] =	ssyncadd.s32 s4;
	_ =	sdelay $0x1  }
0xa1: {  	s23 =	simm.s32 $0x1B8B  }
0xa2: {  	_ =	swait.ge [sflag:s23], $0x1  }
0xa3: {  	[sflag:s23] =	ssyncset.done $0x0  }
0xa4: {  	s25 =	simm.s32 $0x1B8E;
	s24 =	sld [smem:$0x3FFE];
	[sflag:s23] =	ssyncadd.s32 $0xFFFFFFFF  }
0xa5: {  	s26 =	simm.s32 $execute0_lowered;
	[smem:$0x3FD2] =	sst s25  }
0xa6: {  	s5 =	sshll.u32 s26, $0x1;
	_ =	strace $0x80000049;
	[dreg:$0x1] =	wrdreg $0xFFFFFFFF  }
0xa7: {  	s28 =	simm.s32 $_size_execute0_lowered;
	s3 =	sadd.s32 s3, s5;
	[dreg:$0x0] =	wrdreg $0x0  }
0xa8: {  	s5 =	sshll.u32 s28, $0x1;
	[dreg:$0x2] =	wrdreg s3  }
0xa9: {  	[dreg:$0x3] =	wrdreg s5  }
0xaa: {  	[dreg:$0x4] =	wrdreg $0xC0  }
0xab: {  	_ =	task [dreg:s7], $0x5FFFF  }
0xac: {  	[dreg:$0x1] =	wrdreg $0xFFFFFFFF  }
0xad: {  	[dreg:$0x0] =	wrdreg $0x60  }
0xae: {  	[dreg:$0x2] =	wrdreg s2  }
0xaf: {  	[dreg:$0x3] =	wrdreg s24  }
0xb0: {  	[dreg:$0x4] =	wrdreg $0xA0000  }
0xb1: {  	[dreg:$0x5] =	wrdreg $0x9  }
0xb2: {  	_ =	task.clear_ibuf [dreg:s7], $0x6FFFF;
	_ =	strace $0x90000049  }
0xb3: {  	s29 =	simm.s32 $0x9;
	_ =	strace $0x8000004B  }
0xb4: {  	_ =	swait.ge [sflag:s29], $0x1  }
0xb5: {  	[sflag:s29] =	ssyncadd.s32 $0xFFFFFFFF  }
0xb6: {  	_ =	strace $0x9000004B  }
0xb7: {  	_ =	sfence  }
0xb8: {  	s30 =	sld [smem:$0x0];
	_ =	sdelay $0x2  }
0xb9: {  	s31 =	sshll.u32 s1, $0xD;
	s1 =	sshrl.u32 s1, $0x2  }
0xba: {  	s3 =	sand.u32 $0x4000, s31;
	s1 =	sadd.s32 s1, s30  }
0xbb: {  	s0 =	sor.u32 s3, s0;
	s1 =	sshll.u32 s1, $0x11  }
0xbc: {  	s0 =	sor.u32 s1, s0  }
0xbd: {  	s0 =	sadd.s32 $0x8F2B, s0  }
0xbe: {  	[sflag:s0] =	ssyncadd.remote.s32 $0x1  }
0xbf: {  	_ =	sfence.sel $0xFFFF  }
0xc0: {  	[dreg:$0x0] =	wrdreg $0xFFFFFFFF;
	(pc) =	sbr.abs _section_cstart, $3  }
0xc1: {  	[dreg:$0x1] =	wrdreg $0xFFFFFFFF  }
0xc2: {  	_ =	task.clear_ibuf [dreg:s7], $0x2FFFF;
	_ =	strace $0x9FFFFFFF  }
0xc3: {  	(tm) =	ssettm $0x7FFFFFFF  }
tec
execute0_lowered:
.L_overlay_start_1:
0x0: {  	(tag) =	ssettag $0x1  }
0x1: {  	s1 =	rddreg [dreg:$0x0]  }
0x2: {  	s0 =	rddreg [dreg:$0x1]  }
0x3: {  	s2 =	rddreg [dreg:$0x2]  }
0x4: {  	s3 =	srdreg.scid;
	s4 =	simm.s32 $0x0;
	s8 =	stileid.u32  }
0x5: {  	s28 =	simm.s32 $0x3;
	s29 =	simm.s32 $0x80;
	s30 =	simm.s32 $0x6000  }
0x6: {  	s31 =	simm.s32 $0x5;
	s3 =	sand.u32 $0x1, s3;
	s6 =	smul.u32 $0x14000, s8  }
0x7: {  	[smem:$0x7FF] =	sst s4;
	s7 =	sshll.u32 s8, $0x1;
	s25 =	smul.u32 $0x50000, s8  }
0x8: {  	s26 =	sadd.s32 $0x2200, s0;
	s9 =	sadd.s32 $0xC200, s0;
	s8 =	simm.s32 $0x1880  }
0x9: {  	s5 =	smul.u32 $0x140000, s3;
	s24 =	sor.u32 s3, s7;
	s3 =	ssub.s32 $0x2, s3  }
0xa: {  	_ =	strace $0x8000004A;
	s12 =	sshrl.u32 s3, $0x1;
	s7 =	sshrl.u32 s25, $0x2  }
0xb: {  	s5 =	sadd.s32 s6, s5;
	s3 =	ssub.s32 s3, s12;
	s13 =	sadd.s32 s7, s2  }
0xc: {  	s6 =	smul.u32 $0x2800, s24;
	s22 =	smax.u32 s3, $0x1;
	[dreg:$0x14] =	wrdreg s13  }
0xd: {  	s12 =	simm.s32 $0x1980;
	s23 =	sadd.s32 $0x4000, s13;
	[dreg:$0xf] =	wrdreg s22  }
0xe: {  	s5 =	sshrl.u32 s5, $0x3;
	s24 =	sadd.s32 $0x8000, s13;
	[dreg:$0x10] =	wrdreg s23  }
0xf: {  	s25 =	sadd.s32 $0xC000, s13;
	s3 =	simm.s32 $0x2;
	[dreg:$0x11] =	wrdreg s24  }
0x10: {  	s0 =	sadd.s32 s5, s0;
	s6 =	sshrl.u32 s6, $0x3;
	[dreg:$0x12] =	wrdreg s25  }
0x11: {  	s22 =	simm.s32 $0x2000;
	s23 =	simm.s32 $0x1;
	s14 =	sadd.s32 s26, s6  }
0x12: {  	s24 =	simm.s32 $0x880;
	s15 =	sadd.s32 s9, s6;
	[dreg:$0x4] =	wrdreg s14  }
0x13: {  	s16 =	sadd.s32 $0x100, s6;
	s0 =	sadd.s32 $0x16200, s0;
	[dreg:$0x5] =	wrdreg s15  }
0x14: {  	s25 =	simm.s32 $0xB80;
	s11 =	sadd.s32 s26, s16;
	[dreg:$0xe] =	wrdreg s0  }
0x15: {  	s10 =	sadd.s32 $0x200, s6;
	s7 =	sadd.s32 s9, s16;
	[dreg:$0x6] =	wrdreg s11  }
0x16: {  	s19 =	sadd.s32 $0x300, s6;
	s17 =	sadd.s32 s26, s10;
	[dreg:$0x7] =	wrdreg s7  }
0x17: {  	s6 =	sadd.s32 $0x400, s6;
	s18 =	sadd.s32 s9, s10;
	[dreg:$0x8] =	wrdreg s17  }
0x18: {  	s20 =	sadd.s32 s26, s19;
	s21 =	sadd.s32 s26, s6;
	[dreg:$0x9] =	wrdreg s18  }
0x19: {  	s6 =	sadd.s32 s9, s6;
	s26 =	sadd.s32 $0x10000, s13;
	[dreg:$0xa] =	wrdreg s20  }
0x1a: {  	s16 =	simm.s32 $0x4;
	s10 =	simm.s32 $0x1900;
	[dreg:$0xc] =	wrdreg s21  }
0x1b: {  	s13 =	simm.s32 $0xA80;
	s14 =	simm.s32 $0x1A00;
	[dreg:$0xd] =	wrdreg s6  }
0x1c: {  	s15 =	simm.s32 $0xB00;
	s7 =	sadd.s32 s9, s19;
	[dreg:$0x13] =	wrdreg s26  }
0x1d: {  	s18 =	simm.s32 $0x0;
	s9 =	simm.s32 $0x980;
	s11 =	simm.s32 $0xA00  }
0x1e: {  	v0 =	vimm.f32 $0.0e+00;
	s17 =	simm.s32 $0x1A80;
	[dreg:$0xb] =	wrdreg s7;
	s7 =	simm.s32 $0x900  }
.LBB2_1:
0x1f: {  	s19 =	simm.s32 $0x0;
	s20 =	simm.s32 $0x200  }
.LBB2_2:
0x20: {  	p0 =	sne.s32 s20, $0xFE00;
	[tilespmem:s19+$0x2070] =	vst v0  }
0x21: {  	[tilespmem:s19+$0x2000] =	vst v0  }
0x22: {  	[tilespmem:s19+$0x2010] =	vst v0  }
.Ltmp0:
0x23: {  	[tilespmem:s19+$0x2020] =	vst v0;
	(pc) =	sbr.rel @p0 .LBB2_2-.Ltmp0, $4  }
0x24: {  	[tilespmem:s19+$0x2030] =	vst v0  }
0x25: {  	[tilespmem:s19+$0x2040] =	vst v0  }
0x26: {  	[tilespmem:s19+$0x2050] =	vst v0  }
0x27: {  	[tilespmem:s19+$0x2060] =	vst v0;
	s19 =	sshra.s32 s20, $0x2;
	s20 =	sadd.s32 $0x200, s20  }
0x28: {  	[tilespmem:s19+$0x2070] =	vst v0  }
0x29: {  	[tilespmem:s19+$0x2000] =	vst v0  }
0x2a: {  	[tilespmem:s19+$0x2010] =	vst v0  }
0x2b: {  	[tilespmem:s19+$0x2020] =	vst v0  }
0x2c: {  	[tilespmem:s19+$0x2030] =	vst v0  }
0x2d: {  	[tilespmem:s19+$0x2040] =	vst v0  }
0x2e: {  	[tilespmem:s19+$0x2050] =	vst v0  }
0x2f: {  	[tilespmem:s19+$0x2060] =	vst v0;
	s0 =	rddreg [dreg:$0x14]  }
0x30: {  	[spmem:s0] =	stream.linear.scatter [tilespmem:s22], [sflag:$0x1], $0x4000, $0x38;
	[tilespmem:$0x1E000] =	vst v63  }
0x31: {  	s0 =	rddreg [dreg:$0x10]  }
0x32: {  	[spmem:s0] =	stream.linear.scatter [tilespmem:s22], [sflag:$0x1], $0x4000, $0x38;
	[tilespmem:$0x1E000] =	vst v63  }
0x33: {  	s5 =	rddreg [dreg:$0x11]  }
0x34: {  	[spmem:s5] =	stream.linear.scatter [tilespmem:s22], [sflag:$0x1], $0x4000, $0x38;
	[tilespmem:$0x1E000] =	vst v63  }
0x35: {  	s6 =	rddreg [dreg:$0x12]  }
0x36: {  	[spmem:s6] =	stream.linear.scatter [tilespmem:s22], [sflag:$0x1], $0x4000, $0x38;
	[tilespmem:$0x1E000] =	vst v63  }
0x37: {  	s20 =	rddreg [dreg:$0x13]  }
0x38: {  	[spmem:s20] =	stream.linear.scatter [tilespmem:s22], [sflag:$0x1], $0x4000, $0x38;
	[tilespmem:$0x1E000] =	vst v63  }
0x39: {  	_ =	swait.ge [sflag:s23], $0x4000  }
0x3a: {  	[sflag:s23] =	ssyncset.done $0x0  }
0x3b: {  	[sflag:s23] =	ssyncadd.s32 $0xFFFFC000  }
0x3c: {  	_ =	swait.ge [sflag:s23], $0x4000  }
0x3d: {  	[sflag:s23] =	ssyncset.done $0x0  }
0x3e: {  	[sflag:s23] =	ssyncadd.s32 $0xFFFFC000  }
0x3f: {  	_ =	swait.ge [sflag:s23], $0x4000  }
0x40: {  	[sflag:s23] =	ssyncset.done $0x0  }
0x41: {  	[sflag:s23] =	ssyncadd.s32 $0xFFFFC000  }
0x42: {  	_ =	swait.ge [sflag:s23], $0x4000  }
0x43: {  	[sflag:s23] =	ssyncset.done $0x0  }
0x44: {  	[sflag:s23] =	ssyncadd.s32 $0xFFFFC000  }
0x45: {  	_ =	swait.ge [sflag:s23], $0x4000  }
0x46: {  	[sflag:s23] =	ssyncset.done $0x0  }
0x47: {  	s21 =	rddreg [dreg:$0x4];
	[sflag:s23] =	ssyncadd.s32 $0xFFFFC000  }
0x48: {  	[tilespmem:s4], [sflag:$0x3] =	stream.linear.gather [hbm4b:s21+s4], $0x800, $0x38;
	[tilespmem:$0x1E000] =	vst v63  }
0x49: {  	s0 =	simm.s32 $0x1000;
	s26 =	rddreg [dreg:$0x5]  }
0x4a: {  	[tilespmem:s0], [sflag:$0x3] =	stream.linear.gather [hbm4b:s26+s4], $0x800, $0x38;
	[tilespmem:$0x1E000] =	vst v63  }
0x4b: {  	s5 =	rddreg [dreg:$0x6];
	s26 =	simm.s32 $0x800  }
0x4c: {  	[tilespmem:s26], [sflag:$0x4] =	stream.linear.gather [hbm4b:s5+s4], $0x800, $0x38;
	[tilespmem:$0x1E000] =	vst v63  }
0x4d: {  	s6 =	rddreg [dreg:$0x7];
	s5 =	simm.s32 $0x1800  }
0x4e: {  	[tilespmem:s5], [sflag:$0x4] =	stream.linear.gather [hbm4b:s6+s4], $0x800, $0x38;
	[tilespmem:$0x1E000] =	vst v63  }
0x4f: {  	[bflag:$0x0] =	sbarrier.arrive $0xFFFF  }
0x50: {  	_ =	swait.ge [sflag:s28], $0x800  }
0x51: {  	[sflag:s28] =	ssyncset.done $0x0  }
0x52: {  	[sflag:s28] =	ssyncadd.s32 $0xFFFFF800  }
0x53: {  	_ =	swait.ge [sflag:s28], $0x800  }
0x54: {  	[sflag:s28] =	ssyncset.done $0x0  }
0x55: {  	[sflag:s28] =	ssyncadd.s32 $0xFFFFF800  }
0x56: {  	[tilespmem:s22], [sflag:$0x1] =	stream.indirect.gather [hbm4b:s1+s29], $0x80, s4, s29, $0xb8;
	[tilespmem:$0x1E000] =	vst v63  }
0x57: {  	_ = 	snop  }
0x58: {  	[tilespmem:s30], [sflag:$0x2] =	stream.indirect.gather [hbm4b:s1+s29], $0x80, s29, s29, $0xb8;
	[tilespmem:$0x1E000] =	vst v63  }
0x59: {  	_ =	swait.ge [sflag:s23], $0x4000  }
0x5a: {  	[sflag:s23] =	ssyncset.done $0x0  }
0x5b: {  	[sflag:s23] =	ssyncadd.s32 $0xFFFFC000  }
0x5c: {  	[spmem:s2] =	stream.indirect.scatter.add.f32 [tilespmem:s22], [sflag:$0x5], $0x80, s0, s29, $0xb8;
	[tilespmem:$0x1E000] =	vst v63  }
0x5d: {  	_ =	swait.ge [sflag:s31], $0x4000  }
0x5e: {  	[sflag:s31] =	ssyncset.done $0x0  }
0x5f: {  	s6 =	simm.s32 $0x100;
	[sflag:s31] =	ssyncadd.s32 $0xFFFFC000  }
0x60: {  	[tilespmem:s22], [sflag:$0x1] =	stream.indirect.gather [hbm4b:s1+s29], $0x80, s6, s29, $0xb8;
	[tilespmem:$0x1E000] =	vst v63  }
0x61: {  	_ =	swait.ge [sflag:s3], $0x4000  }
0x62: {  	[sflag:s3] =	ssyncset.done $0x0  }
0x63: {  	s19 =	simm.s32 $0x1080;
	[sflag:s3] =	ssyncadd.s32 $0xFFFFC000  }
0x64: {  	[spmem:s2] =	stream.indirect.scatter.add.f32 [tilespmem:s30], [sflag:$0x5], $0x80, s19, s29, $0xb8;
	[tilespmem:$0x1E000] =	vst v63  }
0x65: {  	_ =	swait.ge [sflag:s31], $0x4000  }
0x66: {  	[sflag:s31] =	ssyncset.done $0x0  }
0x67: {  	s20 =	simm.s32 $0x180;
	[sflag:s31] =	ssyncadd.s32 $0xFFFFC000  }
0x68: {  	[tilespmem:s30], [sflag:$0x2] =	stream.indirect.gather [hbm4b:s1+s29], $0x80, s20, s29, $0xb8;
	[tilespmem:$0x1E000] =	vst v63  }
0x69: {  	_ =	swait.ge [sflag:s23], $0x4000  }
0x6a: {  	[sflag:s23] =	ssyncset.done $0x0  }
0x6b: {  	s21 =	simm.s32 $0x1100;
	[sflag:s23] =	ssyncadd.s32 $0xFFFFC000  }
0x6c: {  	[spmem:s2] =	stream.indirect.scatter.add.f32 [tilespmem:s22], [sflag:$0x5], $0x80, s21, s29, $0xb8;
	[tilespmem:$0x1E000] =	vst v63  }
0x6d: {  	_ =	swait.ge [sflag:s31], $0x4000  }
0x6e: {  	[sflag:s31] =	ssyncset.done $0x0  }
0x6f: {  	s19 =	simm.s32 $0x200;
	[sflag:s31] =	ssyncadd.s32 $0xFFFFC000  }
0x70: {  	[tilespmem:s22], [sflag:$0x1] =	stream.indirect.gather [hbm4b:s1+s29], $0x80, s19, s29, $0xb8;
	[tilespmem:$0x1E000] =	vst v63  }
0x71: {  	_ =	swait.ge [sflag:s3], $0x4000  }
0x72: {  	[sflag:s3] =	ssyncset.done $0x0  }
0x73: {  	s20 =	simm.s32 $0x1180;
	[sflag:s3] =	ssyncadd.s32 $0xFFFFC000  }
0x74: {  	[spmem:s2] =	stream.indirect.scatter.add.f32 [tilespmem:s30], [sflag:$0x5], $0x80, s20, s29, $0xb8;
	[tilespmem:$0x1E000] =	vst v63  }
0x75: {  	_ =	swait.ge [sflag:s31], $0x4000  }
0x76: {  	[sflag:s31] =	ssyncset.done $0x0  }
0x77: {  	s21 =	simm.s32 $0x280;
	[sflag:s31] =	ssyncadd.s32 $0xFFFFC000  }
0x78: {  	[tilespmem:s30], [sflag:$0x2] =	stream.indirect.gather [hbm4b:s1+s29], $0x80, s21, s29, $0xb8;
	[tilespmem:$0x1E000] =	vst v63  }
0x79: {  	_ =	swait.ge [sflag:s23], $0x4000  }
0x7a: {  	[sflag:s23] =	ssyncset.done $0x0  }
0x7b: {  	s19 =	simm.s32 $0x1200;
	[sflag:s23] =	ssyncadd.s32 $0xFFFFC000  }
0x7c: {  	[spmem:s2] =	stream.indirect.scatter.add.f32 [tilespmem:s22], [sflag:$0x5], $0x80, s19, s29, $0xb8;
	[tilespmem:$0x1E000] =	vst v63  }
0x7d: {  	_ =	swait.ge [sflag:s31], $0x4000  }
0x7e: {  	[sflag:s31] =	ssyncset.done $0x0  }
0x7f: {  	s20 =	simm.s32 $0x300;
	[sflag:s31] =	ssyncadd.s32 $0xFFFFC000  }
0x80: {  	[tilespmem:s22], [sflag:$0x1] =	stream.indirect.gather [hbm4b:s1+s29], $0x80, s20, s29, $0xb8;
	[tilespmem:$0x1E000] =	vst v63  }
0x81: {  	_ =	swait.ge [sflag:s3], $0x4000  }
0x82: {  	[sflag:s3] =	ssyncset.done $0x0  }
0x83: {  	s21 =	simm.s32 $0x1280;
	[sflag:s3] =	ssyncadd.s32 $0xFFFFC000  }
0x84: {  	[spmem:s2] =	stream.indirect.scatter.add.f32 [tilespmem:s30], [sflag:$0x5], $0x80, s21, s29, $0xb8;
	[tilespmem:$0x1E000] =	vst v63  }
0x85: {  	_ =	swait.ge [sflag:s31], $0x4000  }
0x86: {  	[sflag:s31] =	ssyncset.done $0x0  }
0x87: {  	s19 =	simm.s32 $0x380;
	[sflag:s31] =	ssyncadd.s32 $0xFFFFC000  }
0x88: {  	[tilespmem:s30], [sflag:$0x2] =	stream.indirect.gather [hbm4b:s1+s29], $0x80, s19, s29, $0xb8;
	[tilespmem:$0x1E000] =	vst v63  }
0x89: {  	_ =	swait.ge [sflag:s23], $0x4000  }
0x8a: {  	[sflag:s23] =	ssyncset.done $0x0  }
0x8b: {  	s20 =	simm.s32 $0x1300;
	[sflag:s23] =	ssyncadd.s32 $0xFFFFC000  }
0x8c: {  	[spmem:s2] =	stream.indirect.scatter.add.f32 [tilespmem:s22], [sflag:$0x5], $0x80, s20, s29, $0xb8;
	[tilespmem:$0x1E000] =	vst v63  }
0x8d: {  	_ =	swait.ge [sflag:s31], $0x4000  }
0x8e: {  	[sflag:s31] =	ssyncset.done $0x0  }
0x8f: {  	s21 =	simm.s32 $0x400;
	[sflag:s31] =	ssyncadd.s32 $0xFFFFC000  }
0x90: {  	[tilespmem:s22], [sflag:$0x1] =	stream.indirect.gather [hbm4b:s1+s29], $0x80, s21, s29, $0xb8;
	[tilespmem:$0x1E000] =	vst v63  }
0x91: {  	_ =	swait.ge [sflag:s3], $0x4000  }
0x92: {  	[sflag:s3] =	ssyncset.done $0x0  }
0x93: {  	s19 =	simm.s32 $0x1380;
	[sflag:s3] =	ssyncadd.s32 $0xFFFFC000  }
0x94: {  	[spmem:s2] =	stream.indirect.scatter.add.f32 [tilespmem:s30], [sflag:$0x5], $0x80, s19, s29, $0xb8;
	[tilespmem:$0x1E000] =	vst v63  }
0x95: {  	_ =	swait.ge [sflag:s31], $0x4000  }
0x96: {  	[sflag:s31] =	ssyncset.done $0x0  }
0x97: {  	s20 =	simm.s32 $0x480;
	[sflag:s31] =	ssyncadd.s32 $0xFFFFC000  }
0x98: {  	[tilespmem:s30], [sflag:$0x2] =	stream.indirect.gather [hbm4b:s1+s29], $0x80, s20, s29, $0xb8;
	[tilespmem:$0x1E000] =	vst v63  }
0x99: {  	_ =	swait.ge [sflag:s23], $0x4000  }
0x9a: {  	[sflag:s23] =	ssyncset.done $0x0  }
0x9b: {  	s21 =	simm.s32 $0x1400;
	[sflag:s23] =	ssyncadd.s32 $0xFFFFC000  }
0x9c: {  	[spmem:s2] =	stream.indirect.scatter.add.f32 [tilespmem:s22], [sflag:$0x5], $0x80, s21, s29, $0xb8;
	[tilespmem:$0x1E000] =	vst v63  }
0x9d: {  	_ =	swait.ge [sflag:s31], $0x4000  }
0x9e: {  	[sflag:s31] =	ssyncset.done $0x0  }
0x9f: {  	s19 =	simm.s32 $0x500;
	[sflag:s31] =	ssyncadd.s32 $0xFFFFC000  }
0xa0: {  	[tilespmem:s22], [sflag:$0x1] =	stream.indirect.gather [hbm4b:s1+s29], $0x80, s19, s29, $0xb8;
	[tilespmem:$0x1E000] =	vst v63  }
0xa1: {  	_ =	swait.ge [sflag:s3], $0x4000  }
0xa2: {  	[sflag:s3] =	ssyncset.done $0x0  }
0xa3: {  	s20 =	simm.s32 $0x1480;
	[sflag:s3] =	ssyncadd.s32 $0xFFFFC000  }
0xa4: {  	[spmem:s2] =	stream.indirect.scatter.add.f32 [tilespmem:s30], [sflag:$0x5], $0x80, s20, s29, $0xb8;
	[tilespmem:$0x1E000] =	vst v63  }
0xa5: {  	_ =	swait.ge [sflag:s31], $0x4000  }
0xa6: {  	[sflag:s31] =	ssyncset.done $0x0  }
0xa7: {  	s21 =	simm.s32 $0x580;
	[sflag:s31] =	ssyncadd.s32 $0xFFFFC000  }
0xa8: {  	[tilespmem:s30], [sflag:$0x2] =	stream.indirect.gather [hbm4b:s1+s29], $0x80, s21, s29, $0xb8;
	[tilespmem:$0x1E000] =	vst v63  }
0xa9: {  	_ =	swait.ge [sflag:s23], $0x4000  }
0xaa: {  	[sflag:s23] =	ssyncset.done $0x0  }
0xab: {  	s19 =	simm.s32 $0x1500;
	[sflag:s23] =	ssyncadd.s32 $0xFFFFC000  }
0xac: {  	[spmem:s2] =	stream.indirect.scatter.add.f32 [tilespmem:s22], [sflag:$0x5], $0x80, s19, s29, $0xb8;
	[tilespmem:$0x1E000] =	vst v63  }
0xad: {  	_ =	swait.ge [sflag:s31], $0x4000  }
0xae: {  	[sflag:s31] =	ssyncset.done $0x0  }
0xaf: {  	s20 =	simm.s32 $0x600;
	[sflag:s31] =	ssyncadd.s32 $0xFFFFC000  }
0xb0: {  	[tilespmem:s22], [sflag:$0x1] =	stream.indirect.gather [hbm4b:s1+s29], $0x80, s20, s29, $0xb8;
	[tilespmem:$0x1E000] =	vst v63  }
0xb1: {  	_ =	swait.ge [sflag:s3], $0x4000  }
0xb2: {  	[sflag:s3] =	ssyncset.done $0x0  }
0xb3: {  	s21 =	simm.s32 $0x1580;
	[sflag:s3] =	ssyncadd.s32 $0xFFFFC000  }
0xb4: {  	[spmem:s2] =	stream.indirect.scatter.add.f32 [tilespmem:s30], [sflag:$0x5], $0x80, s21, s29, $0xb8;
	[tilespmem:$0x1E000] =	vst v63  }
0xb5: {  	_ =	swait.ge [sflag:s31], $0x4000  }
0xb6: {  	[sflag:s31] =	ssyncset.done $0x0  }
0xb7: {  	s19 =	simm.s32 $0x680;
	[sflag:s31] =	ssyncadd.s32 $0xFFFFC000  }
0xb8: {  	[tilespmem:s30], [sflag:$0x2] =	stream.indirect.gather [hbm4b:s1+s29], $0x80, s19, s29, $0xb8;
	[tilespmem:$0x1E000] =	vst v63  }
0xb9: {  	_ =	swait.ge [sflag:s23], $0x4000  }
0xba: {  	[sflag:s23] =	ssyncset.done $0x0  }
0xbb: {  	s20 =	simm.s32 $0x1600;
	[sflag:s23] =	ssyncadd.s32 $0xFFFFC000  }
0xbc: {  	[spmem:s2] =	stream.indirect.scatter.add.f32 [tilespmem:s22], [sflag:$0x5], $0x80, s20, s29, $0xb8;
	[tilespmem:$0x1E000] =	vst v63  }
0xbd: {  	_ =	swait.ge [sflag:s31], $0x4000  }
0xbe: {  	[sflag:s31] =	ssyncset.done $0x0  }
0xbf: {  	s21 =	simm.s32 $0x700;
	[sflag:s31] =	ssyncadd.s32 $0xFFFFC000  }
0xc0: {  	[tilespmem:s22], [sflag:$0x1] =	stream.indirect.gather [hbm4b:s1+s29], $0x80, s21, s29, $0xb8;
	[tilespmem:$0x1E000] =	vst v63  }
0xc1: {  	_ =	swait.ge [sflag:s3], $0x4000  }
0xc2: {  	[sflag:s3] =	ssyncset.done $0x0  }
0xc3: {  	s19 =	simm.s32 $0x1680;
	[sflag:s3] =	ssyncadd.s32 $0xFFFFC000  }
0xc4: {  	[spmem:s2] =	stream.indirect.scatter.add.f32 [tilespmem:s30], [sflag:$0x5], $0x80, s19, s29, $0xb8;
	[tilespmem:$0x1E000] =	vst v63  }
0xc5: {  	_ =	swait.ge [sflag:s31], $0x4000  }
0xc6: {  	[sflag:s31] =	ssyncset.done $0x0  }
0xc7: {  	s20 =	simm.s32 $0x780;
	[sflag:s31] =	ssyncadd.s32 $0xFFFFC000  }
0xc8: {  	[tilespmem:s30], [sflag:$0x2] =	stream.indirect.gather [hbm4b:s1+s29], $0x80, s20, s29, $0xb8;
	[tilespmem:$0x1E000] =	vst v63  }
0xc9: {  	_ =	swait.ge [sflag:s23], $0x4000  }
0xca: {  	[sflag:s23] =	ssyncset.done $0x0  }
0xcb: {  	s21 =	simm.s32 $0x1700;
	[sflag:s23] =	ssyncadd.s32 $0xFFFFC000  }
0xcc: {  	[spmem:s2] =	stream.indirect.scatter.add.f32 [tilespmem:s22], [sflag:$0x5], $0x80, s21, s29, $0xb8;
	[tilespmem:$0x1E000] =	vst v63  }
0xcd: {  	_ =	swait.ge [sflag:s31], $0x4000  }
0xce: {  	[sflag:s31] =	ssyncset.done $0x0  }
0xcf: {  	[sflag:s31] =	ssyncadd.s32 $0xFFFFC000  }
0xd0: {  	_ =	swait.ge [sflag:s16], $0x800  }
0xd1: {  	[sflag:s16] =	ssyncset.done $0x0  }
0xd2: {  	[sflag:s16] =	ssyncadd.s32 $0xFFFFF800  }
0xd3: {  	_ =	swait.ge [sflag:s16], $0x800  }
0xd4: {  	[sflag:s16] =	ssyncset.done $0x0  }
0xd5: {  	[sflag:s16] =	ssyncadd.s32 $0xFFFFF800  }
0xd6: {  	[tilespmem:s22], [sflag:$0x1] =	stream.indirect.gather [hbm4b:s1+s29], $0x80, s26, s29, $0xb8;
	[tilespmem:$0x1E000] =	vst v63  }
0xd7: {  	_ =	swait.ge [sflag:s3], $0x4000  }
0xd8: {  	[sflag:s3] =	ssyncset.done $0x0  }
0xd9: {  	s19 =	simm.s32 $0x1780;
	[sflag:s3] =	ssyncadd.s32 $0xFFFFC000  }
0xda: {  	[spmem:s2] =	stream.indirect.scatter.add.f32 [tilespmem:s30], [sflag:$0x5], $0x80, s19, s29, $0xb8;
	[tilespmem:$0x1E000] =	vst v63  }
0xdb: {  	_ =	swait.ge [sflag:s31], $0x4000  }
0xdc: {  	[sflag:s31] =	ssyncset.done $0x0  }
0xdd: {  	[sflag:s31] =	ssyncadd.s32 $0xFFFFC000  }
0xde: {  	[tilespmem:s30], [sflag:$0x2] =	stream.indirect.gather [hbm4b:s1+s29], $0x80, s24, s29, $0xb8;
	[tilespmem:$0x1E000] =	vst v63  }
0xdf: {  	s20 =	rddreg [dreg:$0x8]  }
0xe0: {  	[tilespmem:s4], [sflag:$0x3] =	stream.linear.gather [hbm4b:s20+s4], $0x800, $0x38;
	[tilespmem:$0x1E000] =	vst v63  }
0xe1: {  	s21 =	rddreg [dreg:$0x9]  }
0xe2: {  	[tilespmem:s0], [sflag:$0x3] =	stream.linear.gather [hbm4b:s21+s4], $0x800, $0x38;
	[tilespmem:$0x1E000] =	vst v63  }
0xe3: {  	_ =	swait.ge [sflag:s23], $0x4000  }
0xe4: {  	[sflag:s23] =	ssyncset.done $0x0  }
0xe5: {  	[sflag:s23] =	ssyncadd.s32 $0xFFFFC000  }
0xe6: {  	[spmem:s2] =	stream.indirect.scatter.add.f32 [tilespmem:s22], [sflag:$0x5], $0x80, s5, s29, $0xb8;
	[tilespmem:$0x1E000] =	vst v63  }
0xe7: {  	_ =	swait.ge [sflag:s31], $0x4000  }
0xe8: {  	[sflag:s31] =	ssyncset.done $0x0  }
0xe9: {  	[sflag:s31] =	ssyncadd.s32 $0xFFFFC000  }
0xea: {  	[tilespmem:s22], [sflag:$0x1] =	stream.indirect.gather [hbm4b:s1+s29], $0x80, s7, s29, $0xb8;
	[tilespmem:$0x1E000] =	vst v63  }
0xeb: {  	_ =	swait.ge [sflag:s3], $0x4000  }
0xec: {  	[sflag:s3] =	ssyncset.done $0x0  }
0xed: {  	[sflag:s3] =	ssyncadd.s32 $0xFFFFC000  }
0xee: {  	[spmem:s2] =	stream.indirect.scatter.add.f32 [tilespmem:s30], [sflag:$0x5], $0x80, s8, s29, $0xb8;
	[tilespmem:$0x1E000] =	vst v63  }
0xef: {  	_ =	swait.ge [sflag:s31], $0x4000  }
0xf0: {  	[sflag:s31] =	ssyncset.done $0x0  }
0xf1: {  	[sflag:s31] =	ssyncadd.s32 $0xFFFFC000  }
0xf2: {  	[tilespmem:s30], [sflag:$0x2] =	stream.indirect.gather [hbm4b:s1+s29], $0x80, s9, s29, $0xb8;
	[tilespmem:$0x1E000] =	vst v63  }
0xf3: {  	_ =	swait.ge [sflag:s23], $0x4000  }
0xf4: {  	[sflag:s23] =	ssyncset.done $0x0  }
0xf5: {  	[sflag:s23] =	ssyncadd.s32 $0xFFFFC000  }
0xf6: {  	[spmem:s2] =	stream.indirect.scatter.add.f32 [tilespmem:s22], [sflag:$0x5], $0x80, s10, s29, $0xb8;
	[tilespmem:$0x1E000] =	vst v63  }
0xf7: {  	_ =	swait.ge [sflag:s31], $0x4000  }
0xf8: {  	[sflag:s31] =	ssyncset.done $0x0  }
0xf9: {  	[sflag:s31] =	ssyncadd.s32 $0xFFFFC000  }
0xfa: {  	[tilespmem:s22], [sflag:$0x1] =	stream.indirect.gather [hbm4b:s1+s29], $0x80, s11, s29, $0xb8;
	[tilespmem:$0x1E000] =	vst v63  }
0xfb: {  	_ =	swait.ge [sflag:s3], $0x4000  }
0xfc: {  	[sflag:s3] =	ssyncset.done $0x0  }
0xfd: {  	[sflag:s3] =	ssyncadd.s32 $0xFFFFC000  }
0xfe: {  	[spmem:s2] =	stream.indirect.scatter.add.f32 [tilespmem:s30], [sflag:$0x5], $0x80, s12, s29, $0xb8;
	[tilespmem:$0x1E000] =	vst v63  }
0xff: {  	_ =	swait.ge [sflag:s31], $0x4000  }
0x100: {  	[sflag:s31] =	ssyncset.done $0x0  }
0x101: {  	[sflag:s31] =	ssyncadd.s32 $0xFFFFC000  }
0x102: {  	[tilespmem:s30], [sflag:$0x2] =	stream.indirect.gather [hbm4b:s1+s29], $0x80, s13, s29, $0xb8;
	[tilespmem:$0x1E000] =	vst v63  }
0x103: {  	_ =	swait.ge [sflag:s23], $0x4000  }
0x104: {  	[sflag:s23] =	ssyncset.done $0x0  }
0x105: {  	[sflag:s23] =	ssyncadd.s32 $0xFFFFC000  }
0x106: {  	[spmem:s2] =	stream.indirect.scatter.add.f32 [tilespmem:s22], [sflag:$0x5], $0x80, s14, s29, $0xb8;
	[tilespmem:$0x1E000] =	vst v63  }
0x107: {  	_ =	swait.ge [sflag:s31], $0x4000  }
0x108: {  	[sflag:s31] =	ssyncset.done $0x0  }
0x109: {  	[sflag:s31] =	ssyncadd.s32 $0xFFFFC000  }
0x10a: {  	[tilespmem:s22], [sflag:$0x1] =	stream.indirect.gather [hbm4b:s1+s29], $0x80, s15, s29, $0xb8;
	[tilespmem:$0x1E000] =	vst v63  }
0x10b: {  	_ =	swait.ge [sflag:s3], $0x4000  }
0x10c: {  	[sflag:s3] =	ssyncset.done $0x0  }
0x10d: {  	[sflag:s3] =	ssyncadd.s32 $0xFFFFC000  }
0x10e: {  	[spmem:s2] =	stream.indirect.scatter.add.f32 [tilespmem:s30], [sflag:$0x5], $0x80, s17, s29, $0xb8;
	[tilespmem:$0x1E000] =	vst v63  }
0x10f: {  	_ =	swait.ge [sflag:s31], $0x4000  }
0x110: {  	[sflag:s31] =	ssyncset.done $0x0  }
0x111: {  	[sflag:s31] =	ssyncadd.s32 $0xFFFFC000  }
0x112: {  	[tilespmem:s30], [sflag:$0x2] =	stream.indirect.gather [hbm4b:s1+s29], $0x80, s25, s29, $0xb8;
	[tilespmem:$0x1E000] =	vst v63  }
0x113: {  	_ =	swait.ge [sflag:s23], $0x4000  }
0x114: {  	[sflag:s23] =	ssyncset.done $0x0  }
0x115: {  	s6 =	simm.s32 $0x1B00;
	[sflag:s23] =	ssyncadd.s32 $0xFFFFC000  }
0x116: {  	[spmem:s2] =	stream.indirect.scatter.add.f32 [tilespmem:s22], [sflag:$0x5], $0x80, s6, s29, $0xb8;
	[tilespmem:$0x1E000] =	vst v63  }
0x117: {  	_ =	swait.ge [sflag:s31], $0x4000  }
0x118: {  	[sflag:s31] =	ssyncset.done $0x0  }
0x119: {  	s20 =	simm.s32 $0xC00;
	[sflag:s31] =	ssyncadd.s32 $0xFFFFC000  }
0x11a: {  	[tilespmem:s22], [sflag:$0x1] =	stream.indirect.gather [hbm4b:s1+s29], $0x80, s20, s29, $0xb8;
	[tilespmem:$0x1E000] =	vst v63  }
0x11b: {  	_ =	swait.ge [sflag:s3], $0x4000  }
0x11c: {  	[sflag:s3] =	ssyncset.done $0x0  }
0x11d: {  	s21 =	simm.s32 $0x1B80;
	[sflag:s3] =	ssyncadd.s32 $0xFFFFC000  }
0x11e: {  	[spmem:s2] =	stream.indirect.scatter.add.f32 [tilespmem:s30], [sflag:$0x5], $0x80, s21, s29, $0xb8;
	[tilespmem:$0x1E000] =	vst v63  }
0x11f: {  	_ =	swait.ge [sflag:s31], $0x4000  }
0x120: {  	[sflag:s31] =	ssyncset.done $0x0  }
0x121: {  	s19 =	simm.s32 $0xC80;
	[sflag:s31] =	ssyncadd.s32 $0xFFFFC000  }
0x122: {  	[tilespmem:s30], [sflag:$0x2] =	stream.indirect.gather [hbm4b:s1+s29], $0x80, s19, s29, $0xb8;
	[tilespmem:$0x1E000] =	vst v63  }
0x123: {  	_ =	swait.ge [sflag:s23], $0x4000  }
0x124: {  	[sflag:s23] =	ssyncset.done $0x0  }
0x125: {  	s19 =	simm.s32 $0x1C00;
	[sflag:s23] =	ssyncadd.s32 $0xFFFFC000  }
0x126: {  	[spmem:s2] =	stream.indirect.scatter.add.f32 [tilespmem:s22], [sflag:$0x5], $0x80, s19, s29, $0xb8;
	[tilespmem:$0x1E000] =	vst v63  }
0x127: {  	_ =	swait.ge [sflag:s31], $0x4000  }
0x128: {  	[sflag:s31] =	ssyncset.done $0x0  }
0x129: {  	s19 =	simm.s32 $0xD00;
	[sflag:s31] =	ssyncadd.s32 $0xFFFFC000  }
0x12a: {  	[tilespmem:s22], [sflag:$0x1] =	stream.indirect.gather [hbm4b:s1+s29], $0x80, s19, s29, $0xb8;
	[tilespmem:$0x1E000] =	vst v63  }
0x12b: {  	_ =	swait.ge [sflag:s3], $0x4000  }
0x12c: {  	[sflag:s3] =	ssyncset.done $0x0  }
0x12d: {  	s19 =	simm.s32 $0x1C80;
	[sflag:s3] =	ssyncadd.s32 $0xFFFFC000  }
0x12e: {  	[spmem:s2] =	stream.indirect.scatter.add.f32 [tilespmem:s30], [sflag:$0x5], $0x80, s19, s29, $0xb8;
	[tilespmem:$0x1E000] =	vst v63  }
0x12f: {  	_ =	swait.ge [sflag:s31], $0x4000  }
0x130: {  	[sflag:s31] =	ssyncset.done $0x0  }
0x131: {  	s19 =	simm.s32 $0xD80;
	[sflag:s31] =	ssyncadd.s32 $0xFFFFC000  }
0x132: {  	[tilespmem:s30], [sflag:$0x2] =	stream.indirect.gather [hbm4b:s1+s29], $0x80, s19, s29, $0xb8;
	[tilespmem:$0x1E000] =	vst v63  }
0x133: {  	_ =	swait.ge [sflag:s23], $0x4000  }
0x134: {  	[sflag:s23] =	ssyncset.done $0x0  }
0x135: {  	s19 =	simm.s32 $0x1D00;
	[sflag:s23] =	ssyncadd.s32 $0xFFFFC000  }
0x136: {  	[spmem:s2] =	stream.indirect.scatter.add.f32 [tilespmem:s22], [sflag:$0x5], $0x80, s19, s29, $0xb8;
	[tilespmem:$0x1E000] =	vst v63  }
0x137: {  	_ =	swait.ge [sflag:s31], $0x4000  }
0x138: {  	[sflag:s31] =	ssyncset.done $0x0  }
0x139: {  	s19 =	simm.s32 $0xE00;
	[sflag:s31] =	ssyncadd.s32 $0xFFFFC000  }
0x13a: {  	[tilespmem:s22], [sflag:$0x1] =	stream.indirect.gather [hbm4b:s1+s29], $0x80, s19, s29, $0xb8;
	[tilespmem:$0x1E000] =	vst v63  }
0x13b: {  	_ =	swait.ge [sflag:s3], $0x4000  }
0x13c: {  	[sflag:s3] =	ssyncset.done $0x0  }
0x13d: {  	s19 =	simm.s32 $0x1D80;
	[sflag:s3] =	ssyncadd.s32 $0xFFFFC000  }
0x13e: {  	[spmem:s2] =	stream.indirect.scatter.add.f32 [tilespmem:s30], [sflag:$0x5], $0x80, s19, s29, $0xb8;
	[tilespmem:$0x1E000] =	vst v63  }
0x13f: {  	_ =	swait.ge [sflag:s31], $0x4000  }
0x140: {  	[sflag:s31] =	ssyncset.done $0x0  }
0x141: {  	s19 =	simm.s32 $0xE80;
	[sflag:s31] =	ssyncadd.s32 $0xFFFFC000  }
0x142: {  	[tilespmem:s30], [sflag:$0x2] =	stream.indirect.gather [hbm4b:s1+s29], $0x80, s19, s29, $0xb8;
	[tilespmem:$0x1E000] =	vst v63  }
0x143: {  	_ =	swait.ge [sflag:s23], $0x4000  }
0x144: {  	[sflag:s23] =	ssyncset.done $0x0  }
0x145: {  	s19 =	simm.s32 $0x1E00;
	[sflag:s23] =	ssyncadd.s32 $0xFFFFC000  }
0x146: {  	[spmem:s2] =	stream.indirect.scatter.add.f32 [tilespmem:s22], [sflag:$0x5], $0x80, s19, s29, $0xb8;
	[tilespmem:$0x1E000] =	vst v63  }
0x147: {  	_ =	swait.ge [sflag:s31], $0x4000  }
0x148: {  	[sflag:s31] =	ssyncset.done $0x0  }
0x149: {  	s19 =	simm.s32 $0xF00;
	[sflag:s31] =	ssyncadd.s32 $0xFFFFC000  }
0x14a: {  	[tilespmem:s22], [sflag:$0x1] =	stream.indirect.gather [hbm4b:s1+s29], $0x80, s19, s29, $0xb8;
	[tilespmem:$0x1E000] =	vst v63  }
0x14b: {  	_ =	swait.ge [sflag:s3], $0x4000  }
0x14c: {  	[sflag:s3] =	ssyncset.done $0x0  }
0x14d: {  	s19 =	simm.s32 $0x1E80;
	[sflag:s3] =	ssyncadd.s32 $0xFFFFC000  }
0x14e: {  	[spmem:s2] =	stream.indirect.scatter.add.f32 [tilespmem:s30], [sflag:$0x5], $0x80, s19, s29, $0xb8;
	[tilespmem:$0x1E000] =	vst v63  }
0x14f: {  	_ =	swait.ge [sflag:s31], $0x4000  }
0x150: {  	[sflag:s31] =	ssyncset.done $0x0  }
0x151: {  	s19 =	simm.s32 $0xF80;
	[sflag:s31] =	ssyncadd.s32 $0xFFFFC000  }
0x152: {  	[tilespmem:s30], [sflag:$0x2] =	stream.indirect.gather [hbm4b:s1+s29], $0x80, s19, s29, $0xb8;
	[tilespmem:$0x1E000] =	vst v63  }
0x153: {  	_ =	swait.ge [sflag:s23], $0x4000  }
0x154: {  	[sflag:s23] =	ssyncset.done $0x0  }
0x155: {  	s19 =	simm.s32 $0x1F00;
	[sflag:s23] =	ssyncadd.s32 $0xFFFFC000  }
0x156: {  	[spmem:s2] =	stream.indirect.scatter.add.f32 [tilespmem:s22], [sflag:$0x5], $0x80, s19, s29, $0xb8;
	[tilespmem:$0x1E000] =	vst v63  }
0x157: {  	_ =	swait.ge [sflag:s31], $0x4000  }
0x158: {  	[sflag:s31] =	ssyncset.done $0x0  }
0x159: {  	[sflag:s31] =	ssyncadd.s32 $0xFFFFC000  }
0x15a: {  	_ =	swait.ge [sflag:s28], $0x800  }
0x15b: {  	[sflag:s28] =	ssyncset.done $0x0  }
0x15c: {  	[sflag:s28] =	ssyncadd.s32 $0xFFFFF800  }
0x15d: {  	_ =	swait.ge [sflag:s28], $0x800  }
0x15e: {  	[sflag:s28] =	ssyncset.done $0x0  }
0x15f: {  	[sflag:s28] =	ssyncadd.s32 $0xFFFFF800  }
0x160: {  	[tilespmem:s22], [sflag:$0x1] =	stream.indirect.gather [hbm4b:s1+s29], $0x80, s4, s29, $0xb8;
	[tilespmem:$0x1E000] =	vst v63  }
0x161: {  	_ =	swait.ge [sflag:s3], $0x4000  }
0x162: {  	[sflag:s3] =	ssyncset.done $0x0  }
0x163: {  	s19 =	simm.s32 $0x1F80;
	[sflag:s3] =	ssyncadd.s32 $0xFFFFC000  }
0x164: {  	[spmem:s2] =	stream.indirect.scatter.add.f32 [tilespmem:s30], [sflag:$0x5], $0x80, s19, s29, $0xb8;
	[tilespmem:$0x1E000] =	vst v63  }
0x165: {  	_ =	swait.ge [sflag:s31], $0x4000  }
0x166: {  	[sflag:s31] =	ssyncset.done $0x0  }
0x167: {  	[sflag:s31] =	ssyncadd.s32 $0xFFFFC000  }
0x168: {  	[tilespmem:s30], [sflag:$0x2] =	stream.indirect.gather [hbm4b:s1+s29], $0x80, s29, s29, $0xb8;
	[tilespmem:$0x1E000] =	vst v63  }
0x169: {  	s19 =	rddreg [dreg:$0xa]  }
0x16a: {  	[tilespmem:s26], [sflag:$0x4] =	stream.linear.gather [hbm4b:s19+s4], $0x800, $0x38;
	[tilespmem:$0x1E000] =	vst v63  }
0x16b: {  	s19 =	rddreg [dreg:$0xb]  }
0x16c: {  	[tilespmem:s5], [sflag:$0x4] =	stream.linear.gather [hbm4b:s19+s4], $0x800, $0x38;
	[tilespmem:$0x1E000] =	vst v63  }
0x16d: {  	_ =	swait.ge [sflag:s23], $0x4000  }
0x16e: {  	[sflag:s23] =	ssyncset.done $0x0  }
0x16f: {  	[sflag:s23] =	ssyncadd.s32 $0xFFFFC000  }
0x170: {  	[spmem:s2] =	stream.indirect.scatter.add.f32 [tilespmem:s22], [sflag:$0x5], $0x80, s0, s29, $0xb8;
	[tilespmem:$0x1E000] =	vst v63  }
0x171: {  	_ =	swait.ge [sflag:s31], $0x4000  }
0x172: {  	[sflag:s31] =	ssyncset.done $0x0  }
0x173: {  	s19 =	simm.s32 $0x100;
	[sflag:s31] =	ssyncadd.s32 $0xFFFFC000  }
0x174: {  	[tilespmem:s22], [sflag:$0x1] =	stream.indirect.gather [hbm4b:s1+s29], $0x80, s19, s29, $0xb8;
	[tilespmem:$0x1E000] =	vst v63  }
0x175: {  	_ =	swait.ge [sflag:s3], $0x4000  }
0x176: {  	[sflag:s3] =	ssyncset.done $0x0  }
0x177: {  	s19 =	simm.s32 $0x1080;
	[sflag:s3] =	ssyncadd.s32 $0xFFFFC000  }
0x178: {  	[spmem:s2] =	stream.indirect.scatter.add.f32 [tilespmem:s30], [sflag:$0x5], $0x80, s19, s29, $0xb8;
	[tilespmem:$0x1E000] =	vst v63  }
0x179: {  	_ =	swait.ge [sflag:s31], $0x4000  }
0x17a: {  	[sflag:s31] =	ssyncset.done $0x0  }
0x17b: {  	s19 =	simm.s32 $0x180;
	[sflag:s31] =	ssyncadd.s32 $0xFFFFC000  }
0x17c: {  	[tilespmem:s30], [sflag:$0x2] =	stream.indirect.gather [hbm4b:s1+s29], $0x80, s19, s29, $0xb8;
	[tilespmem:$0x1E000] =	vst v63  }
0x17d: {  	_ =	swait.ge [sflag:s23], $0x4000  }
0x17e: {  	[sflag:s23] =	ssyncset.done $0x0  }
0x17f: {  	s19 =	simm.s32 $0x1100;
	[sflag:s23] =	ssyncadd.s32 $0xFFFFC000  }
0x180: {  	[spmem:s2] =	stream.indirect.scatter.add.f32 [tilespmem:s22], [sflag:$0x5], $0x80, s19, s29, $0xb8;
	[tilespmem:$0x1E000] =	vst v63  }
0x181: {  	_ =	swait.ge [sflag:s31], $0x4000  }
0x182: {  	[sflag:s31] =	ssyncset.done $0x0  }
0x183: {  	s19 =	simm.s32 $0x200;
	[sflag:s31] =	ssyncadd.s32 $0xFFFFC000  }
0x184: {  	[tilespmem:s22], [sflag:$0x1] =	stream.indirect.gather [hbm4b:s1+s29], $0x80, s19, s29, $0xb8;
	[tilespmem:$0x1E000] =	vst v63  }
0x185: {  	_ =	swait.ge [sflag:s3], $0x4000  }
0x186: {  	[sflag:s3] =	ssyncset.done $0x0  }
0x187: {  	s19 =	simm.s32 $0x1180;
	[sflag:s3] =	ssyncadd.s32 $0xFFFFC000  }
0x188: {  	[spmem:s2] =	stream.indirect.scatter.add.f32 [tilespmem:s30], [sflag:$0x5], $0x80, s19, s29, $0xb8;
	[tilespmem:$0x1E000] =	vst v63  }
0x189: {  	_ =	swait.ge [sflag:s31], $0x4000  }
0x18a: {  	[sflag:s31] =	ssyncset.done $0x0  }
0x18b: {  	s19 =	simm.s32 $0x280;
	[sflag:s31] =	ssyncadd.s32 $0xFFFFC000  }
0x18c: {  	[tilespmem:s30], [sflag:$0x2] =	stream.indirect.gather [hbm4b:s1+s29], $0x80, s19, s29, $0xb8;
	[tilespmem:$0x1E000] =	vst v63  }
0x18d: {  	_ =	swait.ge [sflag:s23], $0x4000  }
0x18e: {  	[sflag:s23] =	ssyncset.done $0x0  }
0x18f: {  	s19 =	simm.s32 $0x1200;
	[sflag:s23] =	ssyncadd.s32 $0xFFFFC000  }
0x190: {  	[spmem:s2] =	stream.indirect.scatter.add.f32 [tilespmem:s22], [sflag:$0x5], $0x80, s19, s29, $0xb8;
	[tilespmem:$0x1E000] =	vst v63  }
0x191: {  	_ =	swait.ge [sflag:s31], $0x4000  }
0x192: {  	[sflag:s31] =	ssyncset.done $0x0  }
0x193: {  	s19 =	simm.s32 $0x300;
	[sflag:s31] =	ssyncadd.s32 $0xFFFFC000  }
0x194: {  	[tilespmem:s22], [sflag:$0x1] =	stream.indirect.gather [hbm4b:s1+s29], $0x80, s19, s29, $0xb8;
	[tilespmem:$0x1E000] =	vst v63  }
0x195: {  	_ =	swait.ge [sflag:s3], $0x4000  }
0x196: {  	[sflag:s3] =	ssyncset.done $0x0  }
0x197: {  	s19 =	simm.s32 $0x1280;
	[sflag:s3] =	ssyncadd.s32 $0xFFFFC000  }
0x198: {  	[spmem:s2] =	stream.indirect.scatter.add.f32 [tilespmem:s30], [sflag:$0x5], $0x80, s19, s29, $0xb8;
	[tilespmem:$0x1E000] =	vst v63  }
0x199: {  	_ =	swait.ge [sflag:s31], $0x4000  }
0x19a: {  	[sflag:s31] =	ssyncset.done $0x0  }
0x19b: {  	s19 =	simm.s32 $0x380;
	[sflag:s31] =	ssyncadd.s32 $0xFFFFC000  }
0x19c: {  	[tilespmem:s30], [sflag:$0x2] =	stream.indirect.gather [hbm4b:s1+s29], $0x80, s19, s29, $0xb8;
	[tilespmem:$0x1E000] =	vst v63  }
0x19d: {  	_ =	swait.ge [sflag:s23], $0x4000  }
0x19e: {  	[sflag:s23] =	ssyncset.done $0x0  }
0x19f: {  	s19 =	simm.s32 $0x1300;
	[sflag:s23] =	ssyncadd.s32 $0xFFFFC000  }
0x1a0: {  	[spmem:s2] =	stream.indirect.scatter.add.f32 [tilespmem:s22], [sflag:$0x5], $0x80, s19, s29, $0xb8;
	[tilespmem:$0x1E000] =	vst v63  }
0x1a1: {  	_ =	swait.ge [sflag:s31], $0x4000  }
0x1a2: {  	[sflag:s31] =	ssyncset.done $0x0  }
0x1a3: {  	s19 =	simm.s32 $0x400;
	[sflag:s31] =	ssyncadd.s32 $0xFFFFC000  }
0x1a4: {  	[tilespmem:s22], [sflag:$0x1] =	stream.indirect.gather [hbm4b:s1+s29], $0x80, s19, s29, $0xb8;
	[tilespmem:$0x1E000] =	vst v63  }
0x1a5: {  	_ =	swait.ge [sflag:s3], $0x4000  }
0x1a6: {  	[sflag:s3] =	ssyncset.done $0x0  }
0x1a7: {  	s19 =	simm.s32 $0x1380;
	[sflag:s3] =	ssyncadd.s32 $0xFFFFC000  }
0x1a8: {  	[spmem:s2] =	stream.indirect.scatter.add.f32 [tilespmem:s30], [sflag:$0x5], $0x80, s19, s29, $0xb8;
	[tilespmem:$0x1E000] =	vst v63  }
0x1a9: {  	_ =	swait.ge [sflag:s31], $0x4000  }
0x1aa: {  	[sflag:s31] =	ssyncset.done $0x0  }
0x1ab: {  	s19 =	simm.s32 $0x480;
	[sflag:s31] =	ssyncadd.s32 $0xFFFFC000  }
0x1ac: {  	[tilespmem:s30], [sflag:$0x2] =	stream.indirect.gather [hbm4b:s1+s29], $0x80, s19, s29, $0xb8;
	[tilespmem:$0x1E000] =	vst v63  }
0x1ad: {  	_ =	swait.ge [sflag:s23], $0x4000  }
0x1ae: {  	[sflag:s23] =	ssyncset.done $0x0  }
0x1af: {  	s19 =	simm.s32 $0x1400;
	[sflag:s23] =	ssyncadd.s32 $0xFFFFC000  }
0x1b0: {  	[spmem:s2] =	stream.indirect.scatter.add.f32 [tilespmem:s22], [sflag:$0x5], $0x80, s19, s29, $0xb8;
	[tilespmem:$0x1E000] =	vst v63  }
0x1b1: {  	_ =	swait.ge [sflag:s31], $0x4000  }
0x1b2: {  	[sflag:s31] =	ssyncset.done $0x0  }
0x1b3: {  	s19 =	simm.s32 $0x500;
	[sflag:s31] =	ssyncadd.s32 $0xFFFFC000  }
0x1b4: {  	[tilespmem:s22], [sflag:$0x1] =	stream.indirect.gather [hbm4b:s1+s29], $0x80, s19, s29, $0xb8;
	[tilespmem:$0x1E000] =	vst v63  }
0x1b5: {  	_ =	swait.ge [sflag:s3], $0x4000  }
0x1b6: {  	[sflag:s3] =	ssyncset.done $0x0  }
0x1b7: {  	s19 =	simm.s32 $0x1480;
	[sflag:s3] =	ssyncadd.s32 $0xFFFFC000  }
0x1b8: {  	[spmem:s2] =	stream.indirect.scatter.add.f32 [tilespmem:s30], [sflag:$0x5], $0x80, s19, s29, $0xb8;
	[tilespmem:$0x1E000] =	vst v63  }
0x1b9: {  	_ =	swait.ge [sflag:s31], $0x4000  }
0x1ba: {  	[sflag:s31] =	ssyncset.done $0x0  }
0x1bb: {  	s19 =	simm.s32 $0x580;
	[sflag:s31] =	ssyncadd.s32 $0xFFFFC000  }
0x1bc: {  	[tilespmem:s30], [sflag:$0x2] =	stream.indirect.gather [hbm4b:s1+s29], $0x80, s19, s29, $0xb8;
	[tilespmem:$0x1E000] =	vst v63  }
0x1bd: {  	_ =	swait.ge [sflag:s23], $0x4000  }
0x1be: {  	[sflag:s23] =	ssyncset.done $0x0  }
0x1bf: {  	s19 =	simm.s32 $0x1500;
	[sflag:s23] =	ssyncadd.s32 $0xFFFFC000  }
0x1c0: {  	[spmem:s2] =	stream.indirect.scatter.add.f32 [tilespmem:s22], [sflag:$0x5], $0x80, s19, s29, $0xb8;
	[tilespmem:$0x1E000] =	vst v63  }
0x1c1: {  	_ =	swait.ge [sflag:s31], $0x4000  }
0x1c2: {  	[sflag:s31] =	ssyncset.done $0x0  }
0x1c3: {  	s19 =	simm.s32 $0x600;
	[sflag:s31] =	ssyncadd.s32 $0xFFFFC000  }
0x1c4: {  	[tilespmem:s22], [sflag:$0x1] =	stream.indirect.gather [hbm4b:s1+s29], $0x80, s19, s29, $0xb8;
	[tilespmem:$0x1E000] =	vst v63  }
0x1c5: {  	_ =	swait.ge [sflag:s3], $0x4000  }
0x1c6: {  	[sflag:s3] =	ssyncset.done $0x0  }
0x1c7: {  	s19 =	simm.s32 $0x1580;
	[sflag:s3] =	ssyncadd.s32 $0xFFFFC000  }
0x1c8: {  	[spmem:s2] =	stream.indirect.scatter.add.f32 [tilespmem:s30], [sflag:$0x5], $0x80, s19, s29, $0xb8;
	[tilespmem:$0x1E000] =	vst v63  }
0x1c9: {  	_ =	swait.ge [sflag:s31], $0x4000  }
0x1ca: {  	[sflag:s31] =	ssyncset.done $0x0  }
0x1cb: {  	s19 =	simm.s32 $0x680;
	[sflag:s31] =	ssyncadd.s32 $0xFFFFC000  }
0x1cc: {  	[tilespmem:s30], [sflag:$0x2] =	stream.indirect.gather [hbm4b:s1+s29], $0x80, s19, s29, $0xb8;
	[tilespmem:$0x1E000] =	vst v63  }
0x1cd: {  	_ =	swait.ge [sflag:s23], $0x4000  }
0x1ce: {  	[sflag:s23] =	ssyncset.done $0x0  }
0x1cf: {  	s19 =	simm.s32 $0x1600;
	[sflag:s23] =	ssyncadd.s32 $0xFFFFC000  }
0x1d0: {  	[spmem:s2] =	stream.indirect.scatter.add.f32 [tilespmem:s22], [sflag:$0x5], $0x80, s19, s29, $0xb8;
	[tilespmem:$0x1E000] =	vst v63  }
0x1d1: {  	_ =	swait.ge [sflag:s31], $0x4000  }
0x1d2: {  	[sflag:s31] =	ssyncset.done $0x0  }
0x1d3: {  	s19 =	simm.s32 $0x700;
	[sflag:s31] =	ssyncadd.s32 $0xFFFFC000  }
0x1d4: {  	[tilespmem:s22], [sflag:$0x1] =	stream.indirect.gather [hbm4b:s1+s29], $0x80, s19, s29, $0xb8;
	[tilespmem:$0x1E000] =	vst v63  }
0x1d5: {  	_ =	swait.ge [sflag:s3], $0x4000  }
0x1d6: {  	[sflag:s3] =	ssyncset.done $0x0  }
0x1d7: {  	s19 =	simm.s32 $0x1680;
	[sflag:s3] =	ssyncadd.s32 $0xFFFFC000  }
0x1d8: {  	[spmem:s2] =	stream.indirect.scatter.add.f32 [tilespmem:s30], [sflag:$0x5], $0x80, s19, s29, $0xb8;
	[tilespmem:$0x1E000] =	vst v63  }
0x1d9: {  	_ =	swait.ge [sflag:s31], $0x4000  }
0x1da: {  	[sflag:s31] =	ssyncset.done $0x0  }
0x1db: {  	s19 =	simm.s32 $0x780;
	[sflag:s31] =	ssyncadd.s32 $0xFFFFC000  }
0x1dc: {  	[tilespmem:s30], [sflag:$0x2] =	stream.indirect.gather [hbm4b:s1+s29], $0x80, s19, s29, $0xb8;
	[tilespmem:$0x1E000] =	vst v63  }
0x1dd: {  	_ =	swait.ge [sflag:s23], $0x4000  }
0x1de: {  	[sflag:s23] =	ssyncset.done $0x0  }
0x1df: {  	s19 =	simm.s32 $0x1700;
	[sflag:s23] =	ssyncadd.s32 $0xFFFFC000  }
0x1e0: {  	[spmem:s2] =	stream.indirect.scatter.add.f32 [tilespmem:s22], [sflag:$0x5], $0x80, s19, s29, $0xb8;
	[tilespmem:$0x1E000] =	vst v63  }
0x1e1: {  	_ =	swait.ge [sflag:s31], $0x4000  }
0x1e2: {  	[sflag:s31] =	ssyncset.done $0x0  }
0x1e3: {  	[sflag:s31] =	ssyncadd.s32 $0xFFFFC000  }
0x1e4: {  	_ =	swait.ge [sflag:s16], $0x800  }
0x1e5: {  	[sflag:s16] =	ssyncset.done $0x0  }
0x1e6: {  	[sflag:s16] =	ssyncadd.s32 $0xFFFFF800  }
0x1e7: {  	_ =	swait.ge [sflag:s16], $0x800  }
0x1e8: {  	[sflag:s16] =	ssyncset.done $0x0  }
0x1e9: {  	[sflag:s16] =	ssyncadd.s32 $0xFFFFF800  }
0x1ea: {  	[tilespmem:s22], [sflag:$0x1] =	stream.indirect.gather [hbm4b:s1+s29], $0x80, s26, s29, $0xb8;
	[tilespmem:$0x1E000] =	vst v63  }
0x1eb: {  	_ =	swait.ge [sflag:s3], $0x4000  }
0x1ec: {  	[sflag:s3] =	ssyncset.done $0x0  }
0x1ed: {  	s26 =	simm.s32 $0x1780;
	[sflag:s3] =	ssyncadd.s32 $0xFFFFC000  }
0x1ee: {  	[spmem:s2] =	stream.indirect.scatter.add.f32 [tilespmem:s30], [sflag:$0x5], $0x80, s26, s29, $0xb8;
	[tilespmem:$0x1E000] =	vst v63  }
0x1ef: {  	_ =	swait.ge [sflag:s31], $0x4000  }
0x1f0: {  	[sflag:s31] =	ssyncset.done $0x0  }
0x1f1: {  	[sflag:s31] =	ssyncadd.s32 $0xFFFFC000  }
0x1f2: {  	[tilespmem:s30], [sflag:$0x2] =	stream.indirect.gather [hbm4b:s1+s29], $0x80, s24, s29, $0xb8;
	[tilespmem:$0x1E000] =	vst v63  }
0x1f3: {  	s19 =	rddreg [dreg:$0xc]  }
0x1f4: {  	[tilespmem:s4], [sflag:$0x3] =	stream.linear.gather [hbm4b:s19+s4], $0x800, $0x38;
	[tilespmem:$0x1E000] =	vst v63  }
0x1f5: {  	s19 =	rddreg [dreg:$0xd]  }
0x1f6: {  	[tilespmem:s0], [sflag:$0x3] =	stream.linear.gather [hbm4b:s19+s4], $0x800, $0x38;
	[tilespmem:$0x1E000] =	vst v63  }
0x1f7: {  	_ =	swait.ge [sflag:s23], $0x4000  }
0x1f8: {  	[sflag:s23] =	ssyncset.done $0x0  }
0x1f9: {  	[sflag:s23] =	ssyncadd.s32 $0xFFFFC000  }
0x1fa: {  	[spmem:s2] =	stream.indirect.scatter.add.f32 [tilespmem:s22], [sflag:$0x5], $0x80, s5, s29, $0xb8;
	[tilespmem:$0x1E000] =	vst v63  }
0x1fb: {  	_ =	swait.ge [sflag:s31], $0x4000  }
0x1fc: {  	[sflag:s31] =	ssyncset.done $0x0  }
0x1fd: {  	[sflag:s31] =	ssyncadd.s32 $0xFFFFC000  }
0x1fe: {  	[tilespmem:s22], [sflag:$0x1] =	stream.indirect.gather [hbm4b:s1+s29], $0x80, s7, s29, $0xb8;
	[tilespmem:$0x1E000] =	vst v63  }
0x1ff: {  	_ =	swait.ge [sflag:s3], $0x4000  }
0x200: {  	[sflag:s3] =	ssyncset.done $0x0  }
0x201: {  	[sflag:s3] =	ssyncadd.s32 $0xFFFFC000  }
0x202: {  	[spmem:s2] =	stream.indirect.scatter.add.f32 [tilespmem:s30], [sflag:$0x5], $0x80, s8, s29, $0xb8;
	[tilespmem:$0x1E000] =	vst v63  }
0x203: {  	_ =	swait.ge [sflag:s31], $0x4000  }
0x204: {  	[sflag:s31] =	ssyncset.done $0x0  }
0x205: {  	[sflag:s31] =	ssyncadd.s32 $0xFFFFC000  }
0x206: {  	[tilespmem:s30], [sflag:$0x2] =	stream.indirect.gather [hbm4b:s1+s29], $0x80, s9, s29, $0xb8;
	[tilespmem:$0x1E000] =	vst v63  }
0x207: {  	_ =	swait.ge [sflag:s23], $0x4000  }
0x208: {  	[sflag:s23] =	ssyncset.done $0x0  }
0x209: {  	[sflag:s23] =	ssyncadd.s32 $0xFFFFC000  }
0x20a: {  	[spmem:s2] =	stream.indirect.scatter.add.f32 [tilespmem:s22], [sflag:$0x5], $0x80, s10, s29, $0xb8;
	[tilespmem:$0x1E000] =	vst v63  }
0x20b: {  	_ =	swait.ge [sflag:s31], $0x4000  }
0x20c: {  	[sflag:s31] =	ssyncset.done $0x0  }
0x20d: {  	[sflag:s31] =	ssyncadd.s32 $0xFFFFC000  }
0x20e: {  	[tilespmem:s22], [sflag:$0x1] =	stream.indirect.gather [hbm4b:s1+s29], $0x80, s11, s29, $0xb8;
	[tilespmem:$0x1E000] =	vst v63  }
0x20f: {  	_ =	swait.ge [sflag:s3], $0x4000  }
0x210: {  	[sflag:s3] =	ssyncset.done $0x0  }
0x211: {  	[sflag:s3] =	ssyncadd.s32 $0xFFFFC000  }
0x212: {  	[spmem:s2] =	stream.indirect.scatter.add.f32 [tilespmem:s30], [sflag:$0x5], $0x80, s12, s29, $0xb8;
	[tilespmem:$0x1E000] =	vst v63  }
0x213: {  	_ =	swait.ge [sflag:s31], $0x4000  }
0x214: {  	[sflag:s31] =	ssyncset.done $0x0  }
0x215: {  	[sflag:s31] =	ssyncadd.s32 $0xFFFFC000  }
0x216: {  	[tilespmem:s30], [sflag:$0x2] =	stream.indirect.gather [hbm4b:s1+s29], $0x80, s13, s29, $0xb8;
	[tilespmem:$0x1E000] =	vst v63  }
0x217: {  	_ =	swait.ge [sflag:s23], $0x4000  }
0x218: {  	[sflag:s23] =	ssyncset.done $0x0  }
0x219: {  	[sflag:s23] =	ssyncadd.s32 $0xFFFFC000  }
0x21a: {  	[spmem:s2] =	stream.indirect.scatter.add.f32 [tilespmem:s22], [sflag:$0x5], $0x80, s14, s29, $0xb8;
	[tilespmem:$0x1E000] =	vst v63  }
0x21b: {  	_ =	swait.ge [sflag:s31], $0x4000  }
0x21c: {  	[sflag:s31] =	ssyncset.done $0x0  }
0x21d: {  	[sflag:s31] =	ssyncadd.s32 $0xFFFFC000  }
0x21e: {  	[tilespmem:s22], [sflag:$0x1] =	stream.indirect.gather [hbm4b:s1+s29], $0x80, s15, s29, $0xb8;
	[tilespmem:$0x1E000] =	vst v63  }
0x21f: {  	_ =	swait.ge [sflag:s3], $0x4000  }
0x220: {  	[sflag:s3] =	ssyncset.done $0x0  }
0x221: {  	[sflag:s3] =	ssyncadd.s32 $0xFFFFC000  }
0x222: {  	[spmem:s2] =	stream.indirect.scatter.add.f32 [tilespmem:s30], [sflag:$0x5], $0x80, s17, s29, $0xb8;
	[tilespmem:$0x1E000] =	vst v63  }
0x223: {  	_ =	swait.ge [sflag:s31], $0x4000  }
0x224: {  	[sflag:s31] =	ssyncset.done $0x0  }
0x225: {  	[sflag:s31] =	ssyncadd.s32 $0xFFFFC000  }
0x226: {  	[tilespmem:s30], [sflag:$0x2] =	stream.indirect.gather [hbm4b:s1+s29], $0x80, s25, s29, $0xb8;
	[tilespmem:$0x1E000] =	vst v63  }
0x227: {  	_ =	swait.ge [sflag:s23], $0x4000  }
0x228: {  	[sflag:s23] =	ssyncset.done $0x0  }
0x229: {  	[sflag:s23] =	ssyncadd.s32 $0xFFFFC000  }
0x22a: {  	[spmem:s2] =	stream.indirect.scatter.add.f32 [tilespmem:s22], [sflag:$0x5], $0x80, s6, s29, $0xb8;
	[tilespmem:$0x1E000] =	vst v63  }
0x22b: {  	_ =	swait.ge [sflag:s31], $0x4000  }
0x22c: {  	[sflag:s31] =	ssyncset.done $0x0  }
0x22d: {  	[sflag:s31] =	ssyncadd.s32 $0xFFFFC000  }
0x22e: {  	[tilespmem:s22], [sflag:$0x1] =	stream.indirect.gather [hbm4b:s1+s29], $0x80, s20, s29, $0xb8;
	[tilespmem:$0x1E000] =	vst v63  }
0x22f: {  	_ =	swait.ge [sflag:s3], $0x4000  }
0x230: {  	[sflag:s3] =	ssyncset.done $0x0  }
0x231: {  	[sflag:s3] =	ssyncadd.s32 $0xFFFFC000  }
0x232: {  	[spmem:s2] =	stream.indirect.scatter.add.f32 [tilespmem:s30], [sflag:$0x5], $0x80, s21, s29, $0xb8;
	[tilespmem:$0x1E000] =	vst v63  }
0x233: {  	_ =	swait.ge [sflag:s31], $0x4000  }
0x234: {  	[sflag:s31] =	ssyncset.done $0x0  }
0x235: {  	s19 =	simm.s32 $0xC80;
	[sflag:s31] =	ssyncadd.s32 $0xFFFFC000  }
0x236: {  	[tilespmem:s30], [sflag:$0x2] =	stream.indirect.gather [hbm4b:s1+s29], $0x80, s19, s29, $0xb8;
	[tilespmem:$0x1E000] =	vst v63  }
0x237: {  	_ =	swait.ge [sflag:s23], $0x4000  }
0x238: {  	[sflag:s23] =	ssyncset.done $0x0  }
0x239: {  	s20 =	simm.s32 $0x1C00;
	[sflag:s23] =	ssyncadd.s32 $0xFFFFC000  }
0x23a: {  	[spmem:s2] =	stream.indirect.scatter.add.f32 [tilespmem:s22], [sflag:$0x5], $0x80, s20, s29, $0xb8;
	[tilespmem:$0x1E000] =	vst v63  }
0x23b: {  	_ =	swait.ge [sflag:s31], $0x4000  }
0x23c: {  	[sflag:s31] =	ssyncset.done $0x0  }
0x23d: {  	s21 =	simm.s32 $0xD00;
	[sflag:s31] =	ssyncadd.s32 $0xFFFFC000  }
0x23e: {  	[tilespmem:s22], [sflag:$0x1] =	stream.indirect.gather [hbm4b:s1+s29], $0x80, s21, s29, $0xb8;
	[tilespmem:$0x1E000] =	vst v63  }
0x23f: {  	_ =	swait.ge [sflag:s3], $0x4000  }
0x240: {  	[sflag:s3] =	ssyncset.done $0x0  }
0x241: {  	s6 =	simm.s32 $0x1C80;
	[sflag:s3] =	ssyncadd.s32 $0xFFFFC000  }
0x242: {  	[spmem:s2] =	stream.indirect.scatter.add.f32 [tilespmem:s30], [sflag:$0x5], $0x80, s6, s29, $0xb8;
	[tilespmem:$0x1E000] =	vst v63  }
0x243: {  	_ =	swait.ge [sflag:s31], $0x4000  }
0x244: {  	[sflag:s31] =	ssyncset.done $0x0  }
0x245: {  	s19 =	simm.s32 $0xD80;
	[sflag:s31] =	ssyncadd.s32 $0xFFFFC000  }
0x246: {  	[tilespmem:s30], [sflag:$0x2] =	stream.indirect.gather [hbm4b:s1+s29], $0x80, s19, s29, $0xb8;
	[tilespmem:$0x1E000] =	vst v63  }
0x247: {  	_ =	swait.ge [sflag:s23], $0x4000  }
0x248: {  	[sflag:s23] =	ssyncset.done $0x0  }
0x249: {  	s20 =	simm.s32 $0x1D00;
	[sflag:s23] =	ssyncadd.s32 $0xFFFFC000  }
0x24a: {  	[spmem:s2] =	stream.indirect.scatter.add.f32 [tilespmem:s22], [sflag:$0x5], $0x80, s20, s29, $0xb8;
	[tilespmem:$0x1E000] =	vst v63  }
0x24b: {  	_ =	swait.ge [sflag:s31], $0x4000  }
0x24c: {  	[sflag:s31] =	ssyncset.done $0x0  }
0x24d: {  	s21 =	simm.s32 $0xE00;
	[sflag:s31] =	ssyncadd.s32 $0xFFFFC000  }
0x24e: {  	[tilespmem:s22], [sflag:$0x1] =	stream.indirect.gather [hbm4b:s1+s29], $0x80, s21, s29, $0xb8;
	[tilespmem:$0x1E000] =	vst v63  }
0x24f: {  	_ =	swait.ge [sflag:s3], $0x4000  }
0x250: {  	[sflag:s3] =	ssyncset.done $0x0  }
0x251: {  	s6 =	simm.s32 $0x1D80;
	[sflag:s3] =	ssyncadd.s32 $0xFFFFC000  }
0x252: {  	[spmem:s2] =	stream.indirect.scatter.add.f32 [tilespmem:s30], [sflag:$0x5], $0x80, s6, s29, $0xb8;
	[tilespmem:$0x1E000] =	vst v63  }
0x253: {  	_ =	swait.ge [sflag:s31], $0x4000  }
0x254: {  	[sflag:s31] =	ssyncset.done $0x0  }
0x255: {  	s19 =	simm.s32 $0xE80;
	[sflag:s31] =	ssyncadd.s32 $0xFFFFC000  }
0x256: {  	[tilespmem:s30], [sflag:$0x2] =	stream.indirect.gather [hbm4b:s1+s29], $0x80, s19, s29, $0xb8;
	[tilespmem:$0x1E000] =	vst v63  }
0x257: {  	_ =	swait.ge [sflag:s23], $0x4000  }
0x258: {  	[sflag:s23] =	ssyncset.done $0x0  }
0x259: {  	s20 =	simm.s32 $0x1E00;
	[sflag:s23] =	ssyncadd.s32 $0xFFFFC000  }
0x25a: {  	[spmem:s2] =	stream.indirect.scatter.add.f32 [tilespmem:s22], [sflag:$0x5], $0x80, s20, s29, $0xb8;
	[tilespmem:$0x1E000] =	vst v63  }
0x25b: {  	_ =	swait.ge [sflag:s31], $0x4000  }
0x25c: {  	[sflag:s31] =	ssyncset.done $0x0  }
0x25d: {  	s21 =	simm.s32 $0xF00;
	[sflag:s31] =	ssyncadd.s32 $0xFFFFC000  }
0x25e: {  	[tilespmem:s22], [sflag:$0x1] =	stream.indirect.gather [hbm4b:s1+s29], $0x80, s21, s29, $0xb8;
	[tilespmem:$0x1E000] =	vst v63  }
0x25f: {  	_ =	swait.ge [sflag:s3], $0x4000  }
0x260: {  	[sflag:s3] =	ssyncset.done $0x0  }
0x261: {  	s6 =	simm.s32 $0x1E80;
	[sflag:s3] =	ssyncadd.s32 $0xFFFFC000  }
0x262: {  	[spmem:s2] =	stream.indirect.scatter.add.f32 [tilespmem:s30], [sflag:$0x5], $0x80, s6, s29, $0xb8;
	[tilespmem:$0x1E000] =	vst v63  }
0x263: {  	_ =	swait.ge [sflag:s31], $0x4000  }
0x264: {  	[sflag:s31] =	ssyncset.done $0x0  }
0x265: {  	s19 =	simm.s32 $0xF80;
	[sflag:s31] =	ssyncadd.s32 $0xFFFFC000  }
0x266: {  	[tilespmem:s30], [sflag:$0x2] =	stream.indirect.gather [hbm4b:s1+s29], $0x80, s19, s29, $0xb8;
	[tilespmem:$0x1E000] =	vst v63  }
0x267: {  	_ =	swait.ge [sflag:s23], $0x4000  }
0x268: {  	[sflag:s23] =	ssyncset.done $0x0  }
0x269: {  	s20 =	simm.s32 $0x1F00;
	[sflag:s23] =	ssyncadd.s32 $0xFFFFC000  }
0x26a: {  	[spmem:s2] =	stream.indirect.scatter.add.f32 [tilespmem:s22], [sflag:$0x5], $0x80, s20, s29, $0xb8;
	[tilespmem:$0x1E000] =	vst v63  }
0x26b: {  	_ =	swait.ge [sflag:s31], $0x4000  }
0x26c: {  	[sflag:s31] =	ssyncset.done $0x0  }
0x26d: {  	[sflag:s31] =	ssyncadd.s32 $0xFFFFC000  }
0x26e: {  	_ =	swait.ge [sflag:s28], $0x800  }
0x26f: {  	[sflag:s28] =	ssyncset.done $0x0  }
0x270: {  	[sflag:s28] =	ssyncadd.s32 $0xFFFFF800  }
0x271: {  	_ =	swait.ge [sflag:s28], $0x800  }
0x272: {  	[sflag:s28] =	ssyncset.done $0x0  }
0x273: {  	[sflag:s28] =	ssyncadd.s32 $0xFFFFF800  }
0x274: {  	[tilespmem:s22], [sflag:$0x1] =	stream.indirect.gather [hbm4b:s1+s29], $0x80, s4, s29, $0xb8;
	[tilespmem:$0x1E000] =	vst v63  }
0x275: {  	_ =	swait.ge [sflag:s3], $0x4000  }
0x276: {  	[sflag:s3] =	ssyncset.done $0x0  }
0x277: {  	s21 =	simm.s32 $0x1F80;
	[sflag:s3] =	ssyncadd.s32 $0xFFFFC000  }
0x278: {  	[spmem:s2] =	stream.indirect.scatter.add.f32 [tilespmem:s30], [sflag:$0x5], $0x80, s21, s29, $0xb8;
	[tilespmem:$0x1E000] =	vst v63  }
0x279: {  	_ =	swait.ge [sflag:s31], $0x4000  }
0x27a: {  	[sflag:s31] =	ssyncset.done $0x0  }
0x27b: {  	[sflag:s31] =	ssyncadd.s32 $0xFFFFC000  }
0x27c: {  	[tilespmem:s30], [sflag:$0x2] =	stream.indirect.gather [hbm4b:s1+s29], $0x80, s29, s29, $0xb8;
	[tilespmem:$0x1E000] =	vst v63  }
0x27d: {  	_ =	swait.ge [sflag:s23], $0x4000  }
0x27e: {  	[sflag:s23] =	ssyncset.done $0x0  }
0x27f: {  	[sflag:s23] =	ssyncadd.s32 $0xFFFFC000  }
0x280: {  	[spmem:s2] =	stream.indirect.scatter.add.f32 [tilespmem:s22], [sflag:$0x5], $0x80, s0, s29, $0xb8;
	[tilespmem:$0x1E000] =	vst v63  }
0x281: {  	_ =	swait.ge [sflag:s31], $0x4000  }
0x282: {  	[sflag:s31] =	ssyncset.done $0x0  }
0x283: {  	s6 =	simm.s32 $0x100;
	[sflag:s31] =	ssyncadd.s32 $0xFFFFC000  }
0x284: {  	[tilespmem:s22], [sflag:$0x1] =	stream.indirect.gather [hbm4b:s1+s29], $0x80, s6, s29, $0xb8;
	[tilespmem:$0x1E000] =	vst v63  }
0x285: {  	_ =	swait.ge [sflag:s3], $0x4000  }
0x286: {  	[sflag:s3] =	ssyncset.done $0x0  }
0x287: {  	s19 =	simm.s32 $0x1080;
	[sflag:s3] =	ssyncadd.s32 $0xFFFFC000  }
0x288: {  	[spmem:s2] =	stream.indirect.scatter.add.f32 [tilespmem:s30], [sflag:$0x5], $0x80, s19, s29, $0xb8;
	[tilespmem:$0x1E000] =	vst v63  }
0x289: {  	_ =	swait.ge [sflag:s31], $0x4000  }
0x28a: {  	[sflag:s31] =	ssyncset.done $0x0  }
0x28b: {  	s20 =	simm.s32 $0x180;
	[sflag:s31] =	ssyncadd.s32 $0xFFFFC000  }
0x28c: {  	[tilespmem:s30], [sflag:$0x2] =	stream.indirect.gather [hbm4b:s1+s29], $0x80, s20, s29, $0xb8;
	[tilespmem:$0x1E000] =	vst v63  }
0x28d: {  	_ =	swait.ge [sflag:s23], $0x4000  }
0x28e: {  	[sflag:s23] =	ssyncset.done $0x0  }
0x28f: {  	s21 =	simm.s32 $0x1100;
	[sflag:s23] =	ssyncadd.s32 $0xFFFFC000  }
0x290: {  	[spmem:s2] =	stream.indirect.scatter.add.f32 [tilespmem:s22], [sflag:$0x5], $0x80, s21, s29, $0xb8;
	[tilespmem:$0x1E000] =	vst v63  }
0x291: {  	_ =	swait.ge [sflag:s31], $0x4000  }
0x292: {  	[sflag:s31] =	ssyncset.done $0x0  }
0x293: {  	s5 =	simm.s32 $0x200;
	[sflag:s31] =	ssyncadd.s32 $0xFFFFC000  }
0x294: {  	[tilespmem:s22], [sflag:$0x1] =	stream.indirect.gather [hbm4b:s1+s29], $0x80, s5, s29, $0xb8;
	[tilespmem:$0x1E000] =	vst v63  }
0x295: {  	_ =	swait.ge [sflag:s3], $0x4000  }
0x296: {  	[sflag:s3] =	ssyncset.done $0x0  }
0x297: {  	s6 =	simm.s32 $0x1180;
	[sflag:s3] =	ssyncadd.s32 $0xFFFFC000  }
0x298: {  	[spmem:s2] =	stream.indirect.scatter.add.f32 [tilespmem:s30], [sflag:$0x5], $0x80, s6, s29, $0xb8;
	[tilespmem:$0x1E000] =	vst v63  }
0x299: {  	_ =	swait.ge [sflag:s31], $0x4000  }
0x29a: {  	[sflag:s31] =	ssyncset.done $0x0  }
0x29b: {  	s19 =	simm.s32 $0x280;
	[sflag:s31] =	ssyncadd.s32 $0xFFFFC000  }
0x29c: {  	[tilespmem:s30], [sflag:$0x2] =	stream.indirect.gather [hbm4b:s1+s29], $0x80, s19, s29, $0xb8;
	[tilespmem:$0x1E000] =	vst v63  }
0x29d: {  	_ =	swait.ge [sflag:s23], $0x4000  }
0x29e: {  	[sflag:s23] =	ssyncset.done $0x0  }
0x29f: {  	s20 =	simm.s32 $0x1200;
	[sflag:s23] =	ssyncadd.s32 $0xFFFFC000  }
0x2a0: {  	[spmem:s2] =	stream.indirect.scatter.add.f32 [tilespmem:s22], [sflag:$0x5], $0x80, s20, s29, $0xb8;
	[tilespmem:$0x1E000] =	vst v63  }
0x2a1: {  	_ =	swait.ge [sflag:s31], $0x4000  }
0x2a2: {  	[sflag:s31] =	ssyncset.done $0x0  }
0x2a3: {  	s21 =	simm.s32 $0x300;
	[sflag:s31] =	ssyncadd.s32 $0xFFFFC000  }
0x2a4: {  	[tilespmem:s22], [sflag:$0x1] =	stream.indirect.gather [hbm4b:s1+s29], $0x80, s21, s29, $0xb8;
	[tilespmem:$0x1E000] =	vst v63  }
0x2a5: {  	_ =	swait.ge [sflag:s3], $0x4000  }
0x2a6: {  	[sflag:s3] =	ssyncset.done $0x0  }
0x2a7: {  	s5 =	simm.s32 $0x1280;
	[sflag:s3] =	ssyncadd.s32 $0xFFFFC000  }
0x2a8: {  	[spmem:s2] =	stream.indirect.scatter.add.f32 [tilespmem:s30], [sflag:$0x5], $0x80, s5, s29, $0xb8;
	[tilespmem:$0x1E000] =	vst v63  }
0x2a9: {  	_ =	swait.ge [sflag:s31], $0x4000  }
0x2aa: {  	[sflag:s31] =	ssyncset.done $0x0  }
0x2ab: {  	s6 =	simm.s32 $0x380;
	[sflag:s31] =	ssyncadd.s32 $0xFFFFC000  }
0x2ac: {  	[tilespmem:s30], [sflag:$0x2] =	stream.indirect.gather [hbm4b:s1+s29], $0x80, s6, s29, $0xb8;
	[tilespmem:$0x1E000] =	vst v63  }
0x2ad: {  	_ =	swait.ge [sflag:s23], $0x4000  }
0x2ae: {  	[sflag:s23] =	ssyncset.done $0x0  }
0x2af: {  	s19 =	simm.s32 $0x1300;
	[sflag:s23] =	ssyncadd.s32 $0xFFFFC000  }
0x2b0: {  	[spmem:s2] =	stream.indirect.scatter.add.f32 [tilespmem:s22], [sflag:$0x5], $0x80, s19, s29, $0xb8;
	[tilespmem:$0x1E000] =	vst v63  }
0x2b1: {  	_ =	swait.ge [sflag:s31], $0x4000  }
0x2b2: {  	[sflag:s31] =	ssyncset.done $0x0  }
0x2b3: {  	s20 =	simm.s32 $0x400;
	[sflag:s31] =	ssyncadd.s32 $0xFFFFC000  }
0x2b4: {  	[tilespmem:s22], [sflag:$0x1] =	stream.indirect.gather [hbm4b:s1+s29], $0x80, s20, s29, $0xb8;
	[tilespmem:$0x1E000] =	vst v63  }
0x2b5: {  	_ =	swait.ge [sflag:s3], $0x4000  }
0x2b6: {  	[sflag:s3] =	ssyncset.done $0x0  }
0x2b7: {  	s21 =	simm.s32 $0x1380;
	[sflag:s3] =	ssyncadd.s32 $0xFFFFC000  }
0x2b8: {  	[spmem:s2] =	stream.indirect.scatter.add.f32 [tilespmem:s30], [sflag:$0x5], $0x80, s21, s29, $0xb8;
	[tilespmem:$0x1E000] =	vst v63  }
0x2b9: {  	_ =	swait.ge [sflag:s31], $0x4000  }
0x2ba: {  	[sflag:s31] =	ssyncset.done $0x0  }
0x2bb: {  	s5 =	simm.s32 $0x480;
	[sflag:s31] =	ssyncadd.s32 $0xFFFFC000  }
0x2bc: {  	[tilespmem:s30], [sflag:$0x2] =	stream.indirect.gather [hbm4b:s1+s29], $0x80, s5, s29, $0xb8;
	[tilespmem:$0x1E000] =	vst v63  }
0x2bd: {  	_ =	swait.ge [sflag:s23], $0x4000  }
0x2be: {  	[sflag:s23] =	ssyncset.done $0x0  }
0x2bf: {  	s6 =	simm.s32 $0x1400;
	[sflag:s23] =	ssyncadd.s32 $0xFFFFC000  }
0x2c0: {  	[spmem:s2] =	stream.indirect.scatter.add.f32 [tilespmem:s22], [sflag:$0x5], $0x80, s6, s29, $0xb8;
	[tilespmem:$0x1E000] =	vst v63  }
0x2c1: {  	_ =	swait.ge [sflag:s31], $0x4000  }
0x2c2: {  	[sflag:s31] =	ssyncset.done $0x0  }
0x2c3: {  	s19 =	simm.s32 $0x500;
	[sflag:s31] =	ssyncadd.s32 $0xFFFFC000  }
0x2c4: {  	[tilespmem:s22], [sflag:$0x1] =	stream.indirect.gather [hbm4b:s1+s29], $0x80, s19, s29, $0xb8;
	[tilespmem:$0x1E000] =	vst v63  }
0x2c5: {  	_ =	swait.ge [sflag:s3], $0x4000  }
0x2c6: {  	[sflag:s3] =	ssyncset.done $0x0  }
0x2c7: {  	s20 =	simm.s32 $0x1480;
	[sflag:s3] =	ssyncadd.s32 $0xFFFFC000  }
0x2c8: {  	[spmem:s2] =	stream.indirect.scatter.add.f32 [tilespmem:s30], [sflag:$0x5], $0x80, s20, s29, $0xb8;
	[tilespmem:$0x1E000] =	vst v63  }
0x2c9: {  	_ =	swait.ge [sflag:s31], $0x4000  }
0x2ca: {  	[sflag:s31] =	ssyncset.done $0x0  }
0x2cb: {  	s21 =	simm.s32 $0x580;
	[sflag:s31] =	ssyncadd.s32 $0xFFFFC000  }
0x2cc: {  	[tilespmem:s30], [sflag:$0x2] =	stream.indirect.gather [hbm4b:s1+s29], $0x80, s21, s29, $0xb8;
	[tilespmem:$0x1E000] =	vst v63  }
0x2cd: {  	_ =	swait.ge [sflag:s23], $0x4000  }
0x2ce: {  	[sflag:s23] =	ssyncset.done $0x0  }
0x2cf: {  	s5 =	simm.s32 $0x1500;
	[sflag:s23] =	ssyncadd.s32 $0xFFFFC000  }
0x2d0: {  	[spmem:s2] =	stream.indirect.scatter.add.f32 [tilespmem:s22], [sflag:$0x5], $0x80, s5, s29, $0xb8;
	[tilespmem:$0x1E000] =	vst v63  }
0x2d1: {  	_ =	swait.ge [sflag:s31], $0x4000  }
0x2d2: {  	[sflag:s31] =	ssyncset.done $0x0  }
0x2d3: {  	s6 =	simm.s32 $0x600;
	[sflag:s31] =	ssyncadd.s32 $0xFFFFC000  }
0x2d4: {  	[tilespmem:s22], [sflag:$0x1] =	stream.indirect.gather [hbm4b:s1+s29], $0x80, s6, s29, $0xb8;
	[tilespmem:$0x1E000] =	vst v63  }
0x2d5: {  	_ =	swait.ge [sflag:s3], $0x4000  }
0x2d6: {  	[sflag:s3] =	ssyncset.done $0x0  }
0x2d7: {  	s19 =	simm.s32 $0x1580;
	[sflag:s3] =	ssyncadd.s32 $0xFFFFC000  }
0x2d8: {  	[spmem:s2] =	stream.indirect.scatter.add.f32 [tilespmem:s30], [sflag:$0x5], $0x80, s19, s29, $0xb8;
	[tilespmem:$0x1E000] =	vst v63  }
0x2d9: {  	_ =	swait.ge [sflag:s31], $0x4000  }
0x2da: {  	[sflag:s31] =	ssyncset.done $0x0  }
0x2db: {  	s20 =	simm.s32 $0x680;
	[sflag:s31] =	ssyncadd.s32 $0xFFFFC000  }
0x2dc: {  	[tilespmem:s30], [sflag:$0x2] =	stream.indirect.gather [hbm4b:s1+s29], $0x80, s20, s29, $0xb8;
	[tilespmem:$0x1E000] =	vst v63  }
0x2dd: {  	_ =	swait.ge [sflag:s23], $0x4000  }
0x2de: {  	[sflag:s23] =	ssyncset.done $0x0  }
0x2df: {  	s21 =	simm.s32 $0x1600;
	[sflag:s23] =	ssyncadd.s32 $0xFFFFC000  }
0x2e0: {  	[spmem:s2] =	stream.indirect.scatter.add.f32 [tilespmem:s22], [sflag:$0x5], $0x80, s21, s29, $0xb8;
	[tilespmem:$0x1E000] =	vst v63  }
0x2e1: {  	_ =	swait.ge [sflag:s31], $0x4000  }
0x2e2: {  	[sflag:s31] =	ssyncset.done $0x0  }
0x2e3: {  	s5 =	simm.s32 $0x700;
	[sflag:s31] =	ssyncadd.s32 $0xFFFFC000  }
0x2e4: {  	[tilespmem:s22], [sflag:$0x1] =	stream.indirect.gather [hbm4b:s1+s29], $0x80, s5, s29, $0xb8;
	[tilespmem:$0x1E000] =	vst v63  }
0x2e5: {  	_ =	swait.ge [sflag:s3], $0x4000  }
0x2e6: {  	[sflag:s3] =	ssyncset.done $0x0  }
0x2e7: {  	s6 =	simm.s32 $0x1680;
	[sflag:s3] =	ssyncadd.s32 $0xFFFFC000  }
0x2e8: {  	[spmem:s2] =	stream.indirect.scatter.add.f32 [tilespmem:s30], [sflag:$0x5], $0x80, s6, s29, $0xb8;
	[tilespmem:$0x1E000] =	vst v63  }
0x2e9: {  	_ =	swait.ge [sflag:s31], $0x4000  }
0x2ea: {  	[sflag:s31] =	ssyncset.done $0x0  }
0x2eb: {  	s19 =	simm.s32 $0x780;
	[sflag:s31] =	ssyncadd.s32 $0xFFFFC000  }
0x2ec: {  	[tilespmem:s30], [sflag:$0x2] =	stream.indirect.gather [hbm4b:s1+s29], $0x80, s19, s29, $0xb8;
	[tilespmem:$0x1E000] =	vst v63  }
0x2ed: {  	_ =	swait.ge [sflag:s23], $0x4000  }
0x2ee: {  	[sflag:s23] =	ssyncset.done $0x0  }
0x2ef: {  	s20 =	simm.s32 $0x1700;
	[sflag:s23] =	ssyncadd.s32 $0xFFFFC000  }
0x2f0: {  	[spmem:s2] =	stream.indirect.scatter.add.f32 [tilespmem:s22], [sflag:$0x5], $0x80, s20, s29, $0xb8;
	[tilespmem:$0x1E000] =	vst v63  }
0x2f1: {  	_ =	swait.ge [sflag:s31], $0x4000  }
0x2f2: {  	[sflag:s31] =	ssyncset.done $0x0  }
0x2f3: {  	[sflag:s31] =	ssyncadd.s32 $0xFFFFC000  }
0x2f4: {  	_ =	swait.ge [sflag:s3], $0x4000  }
0x2f5: {  	[sflag:s3] =	ssyncset.done $0x0  }
0x2f6: {  	s26 =	simm.s32 $0x1780;
	[sflag:s3] =	ssyncadd.s32 $0xFFFFC000  }
0x2f7: {  	[spmem:s2] =	stream.indirect.scatter.add.f32 [tilespmem:s30], [sflag:$0x5], $0x80, s26, s29, $0xb8;
	[tilespmem:$0x1E000] =	vst v63  }
0x2f8: {  	_ =	swait.ge [sflag:s31], $0x4000  }
0x2f9: {  	[sflag:s31] =	ssyncset.done $0x0  }
0x2fa: {  	[sflag:s31] =	ssyncadd.s32 $0xFFFFC000  }
0x2fb: {  	s21 =	stileid.u32;
	[bflag:$0x0] =	sbarrier.arrive $0xFFFF  }
0x2fc: {  	s19 =	sshll.u32 s21, $0x6;
	s26 =	rddreg [dreg:$0x14]  }
0x2fd: {  	s19 =	sor.u32 $0x1C05, s19;
	s6 =	rddreg [dreg:$0xe];
	s5 =	sshrl.u32 s26, $0x3  }
0x2fe: {  	[hbm:s6], [sflag:s19] =	dma.local [spmem:s5], $0x2800  }
0x2ff: {  	_ =	swait.ge [sflag:s31], $0x2800  }
0x300: {  	s18 =	sadd.s32 $0x1, s18;
	s26 =	rddreg [dreg:$0xf]  }
0x301: {  	p0 =	sne.s32 s18, s26  }
.Ltmp1:
0x302: {  	_ = 	snop;
	(pc) =	sbr.rel @p0 .LBB2_1-.Ltmp1, $3  }
0x303: {  	_ =	sdelay $0x1  }
0x304: {  	[sflag:s31] =	ssyncset.done $0x0  }
0x305: {  	[sflag:s31] =	ssyncadd.s32 $0xFFFFD800  }
0x306: {  	_ =	sfence.sel $0x180000  }
0x307: {  	[bflag:$0x0] =	sbarrier.arrive $0xFFFF  }
0x308: {  	_ =	strace $0x9000004A  }
0x309: {  	s0 =	stileid.u32;
	[bflag:$0x2] =	sbarrier.arrive $0xFFFF  }
0x30a: {  	p0 =	sne.s32 s0, $0x0;
	s0 =	rddreg [dreg:$0x3]  }
0x30b: {  	s0 =	sadd.s32 @!p0 $0x100000, s0  }
0x30c: {  	[sflag:s0] =	ssyncadd.tile.s32 @!p0 $0x1;
	_ =	shalt  }
.Lfunc_end2:
_tile_overlayer_lowered:
.L_overlay_start_2:
0x30d: {  	(tag) =	ssettag $0x2  }
0x30e: {  	s0 =	rddreg [dreg:$0x0];
	s2 =	stileid.u32  }
0x30f: {  	s1 =	rddreg [dreg:$0x1];
	p0 =	sne.s32 s2, $0x0  }
0x310: {  	s3 =	rddreg [dreg:$0x2];
	[bflag:$0x3] =	sbarrier.arrive $0xFFFF;
	s2 =	simm.s32 @!p0 $0x1C05  }
0x311: {  	[timem:s3], [sflag:s2] =	dma.local @!p0 [hbm:s0], s1  }
0x312: {  	s0 =	simm.s32 @!p0 $0x5  }
0x313: {  	_ =	swait.ge @!p0 [sflag:s0], s1  }
0x314: {  	s1 =	ssub.s32 @!p0 $0x0, s1;
	[sflag:s0] =	ssyncset.done @!p0 $0x0  }
0x315: {  	[sflag:s0] =	ssyncadd.s32 @!p0 s1  }
0x316: {  	[bflag:$0x3] =	sbarrier.arrive $0xFFFF  }
0x317: {  	_ =	shalt  }

</sc_bundles>
